<compile_context>
chip_gen: v7x
topology: tpu7x:2x2x1
jax: 0.10.2.dev20260603
libtpu: 0.0.44.dev20260713+nightly
codegen_flags: <defaults>
</compile_context>

<pallas_src>
import functools

import jax
import jax.numpy as jnp
import numpy as np
from jax import lax
from jax.experimental import pallas as pl
from jax.experimental.pallas import tpu as pltpu
from jax.experimental.pallas import tpu_sc as plsc

_NUM_LEVELS = 12
_LOG2_HASH = 19
_HASH_SIZE = 2 ** _LOG2_HASH
_BASE_RES = 16
_MAX_RES = 1024
_GROWTH = np.exp((np.log(_MAX_RES) - np.log(_BASE_RES)) / (_NUM_LEVELS - 1))
_RES = [int(_BASE_RES * _GROWTH ** i) for i in range(_NUM_LEVELS)]
_N = 1048576
_F = 2 * _NUM_LEVELS
_TBLK = _NUM_LEVELS * _HASH_SIZE // 4

_P1 = np.int32(2654435761 - (1 << 32))
_P2 = np.int32(805459861)
_MASK = np.int32(_HASH_SIZE - 1)

_NW = 32
_PTS_PER_W = _N // _NW
_C = 256
_S = _C * _NUM_LEVELS
_OW = _C * _F
_PLANE = (_N // 128) * 1024


_TWW = _NUM_LEVELS * _HASH_SIZE * 2
_RELW = _TWW // _NW
_RELC = 16384


def _sc_relayout(native):
    mesh = plsc.VectorSubcoreMesh(core_axis_name="c", subcore_axis_name="s")

    @functools.partial(
        pl.kernel,
        mesh=mesh,
        out_type=jax.ShapeDtypeStruct((_TBLK, 8), jnp.float32),
        scratch_types=[
            pltpu.VMEM((_RELC,), jnp.float32),
            pltpu.VMEM((_RELC // 8, 8), jnp.float32),
        ],
        compiler_params=pltpu.CompilerParams(
            needs_layout_passes=False, use_tc_tiling_on_sc=False),
    )
    def k(nat_hbm, rm_hbm, natv, intv):
        wid = lax.axis_index("s") * np.int32(2) + lax.axis_index("c")
        wb = wid * np.int32(_RELW)
        lanes2 = lax.iota(jnp.int32, 16) * np.int32(2)

        @pl.loop(wb, wb + np.int32(_RELW), step=np.int32(_RELC))
        def step(w):
            pltpu.sync_copy(nat_hbm.at[pl.ds(w, _RELC)], natv)

            @pl.loop(w - w, np.int32(_RELC // 2), step=np.int32(16))
            def g_body(g):
                s0 = ((g >> np.int32(7)) << np.int32(8)) | \
                    (g & np.int32(127))
                v0 = natv[pl.ds(s0, 16)]
                v1 = natv[pl.ds(s0 + np.int32(128), 16)]
                d0 = lanes2 + (((g >> np.int32(7)) << np.int32(8))
                               | ((g & np.int32(127)) << np.int32(1)))
                row = d0 >> np.int32(3)
                col = d0 & np.int32(7)
                plsc.store_scatter(intv, [row, col], v0)
                plsc.store_scatter(intv, [row, col | np.int32(1)], v1)

            pltpu.sync_copy(intv, rm_hbm.at[pl.ds(w >> np.int32(3),
                                                  _RELC // 8)])

    return k(native)


def _sc_lookup(x0, x1, x2, table):
    mesh = plsc.VectorSubcoreMesh(core_axis_name="c", subcore_axis_name="s")

    @functools.partial(
        pl.kernel,
        mesh=mesh,
        out_type=jax.ShapeDtypeStruct((_N * _F,), jnp.float32),
        scratch_types=[
            pltpu.VMEM((_C,), jnp.float32), pltpu.VMEM((_C,), jnp.float32),
            pltpu.VMEM((_C,), jnp.float32), pltpu.VMEM((_C,), jnp.float32),
            pltpu.VMEM((_C,), jnp.float32), pltpu.VMEM((_C,), jnp.float32),
            pltpu.VMEM((_S,), jnp.int32), pltpu.VMEM((_S,), jnp.int32),
            pltpu.VMEM((_S,), jnp.int32), pltpu.VMEM((_S,), jnp.int32),
            pltpu.VMEM((_S, 8), jnp.float32), pltpu.VMEM((_S, 8), jnp.float32),
            pltpu.VMEM((_OW,), jnp.float32), pltpu.VMEM((_OW,), jnp.float32),
            pltpu.SemaphoreType.DMA,
            pltpu.SemaphoreType.DMA,
            pltpu.SemaphoreType.DMA,
            pltpu.SemaphoreType.DMA,
        ],
        compiler_params=pltpu.CompilerParams(
            needs_layout_passes=False, use_tc_tiling_on_sc=False),
    )
    def k(x0_hbm, x1_hbm, x2_hbm, table_hbm, out_hbm,
          x0a, x1a, x2a, x0b, x1b, x2b,
          gidx_a, gidx_b, coff_a, coff_b, rows_a, rows_b, ost_a, ost_b,
          semga, semgb, semx, semw):
        wid = lax.axis_index("s") * np.int32(2) + lax.axis_index("c")
        tile_base = wid * np.int32(_PTS_PER_W)
        zero = wid * np.int32(0)
        tile_end = tile_base + np.int32(_PTS_PER_W)
        last_load = tile_end - np.int32(_C)
        lanes = lax.iota(jnp.int32, 16)

        def load_x(base, xv0, xv1, xv2):
            c0 = pltpu.async_copy(x0_hbm.at[pl.ds(base, _C)], xv0, semx)
            c1 = pltpu.async_copy(x1_hbm.at[pl.ds(base, _C)], xv1, semx)
            c2 = pltpu.async_copy(x2_hbm.at[pl.ds(base, _C)], xv2, semx)
            return (c0, c1, c2)

        def hash_chunk(loads, xv0, xv1, xv2, gidx, coff):
            for c in loads:
                c.wait()

            @pl.loop(zero, np.int32(_C), step=np.int32(16))
            def g_body(s):
                xs0 = xv0[pl.ds(s, 16)]
                xs1 = xv1[pl.ds(s, 16)]
                xs2 = xv2[pl.ds(s, 16)]
                pv = lanes + s
                for i in range(_NUM_LEVELS):
                    r = jnp.float32(_RES[i])
                    a0 = (xs0 * r).astype(jnp.int32)
                    a1 = (xs1 * r).astype(jnp.int32)
                    a2 = (xs2 * r).astype(jnp.int32)
                    h = (a0 ^ (a1 * _P1) ^ (a2 * _P2)) & _MASK
                    blk = (h >> np.int32(2)) | np.int32(i << 17)
                    off = (h & np.int32(3)) << np.int32(1)
                    pos = pv + np.int32(i * _C)
                    plsc.store_scatter(gidx, [pos], blk)
                    plsc.store_scatter(coff, [pos], off)

        def compact(rows_v, coff, ost):
            @pl.loop(zero, np.int32(_S), step=np.int32(16))
            def c_body(g):
                offv = coff[pl.ds(g, 16)]
                rowv = lanes + g
                v0 = plsc.load_gather(rows_v, [rowv, offv])
                v1 = plsc.load_gather(rows_v, [rowv, offv + np.int32(1)])
                p0 = ((g >> np.int32(10)) << np.int32(11)) \
                    | ((g >> np.int32(7)) & np.int32(1)) << np.int32(10) \
                    | ((g >> np.int32(8)) & np.int32(3)) << np.int32(8) \
                    | (g & np.int32(127))
                posv = lanes + p0
                plsc.store_scatter(ost, [posv], v0)
                plsc.store_scatter(ost, [posv + np.int32(128)], v1)

        def write_descs(base, ost):
            return [
                pltpu.make_async_copy(
                    ost.at[pl.ds(np.int32(tr * 2048), 2048)],
                    out_hbm.at[pl.ds(base * np.int32(8)
                                     + np.int32(tr * _PLANE), 2048)],
                    semw)
                for tr in range(3)]

        def issue_writes(base, ost):
            for d in write_descs(base, ost):
                d.start()

        def wait_writes(base, ost):
            for d in write_descs(base, ost):
                d.wait()

        def gather_a():
            return pltpu.make_async_copy(table_hbm.at[gidx_a], rows_a, semga)

        def gather_b():
            return pltpu.make_async_copy(table_hbm.at[gidx_b], rows_b, semgb)

        hash_chunk(load_x(tile_base, x0a, x1a, x2a), x0a, x1a, x2a,
                   gidx_a, coff_a)
        gather_a().start()

        @pl.loop(tile_base, tile_end, step=np.int32(2 * _C))
        def chunk_pair(base):
            not_first = base > tile_base

            @pl.when(not_first)
            def _():
                wait_writes(base - np.int32(2 * _C), ost_a)

            nb = base + np.int32(_C)
            lb = load_x(nb, x0b, x1b, x2b)
            hash_chunk(lb, x0b, x1b, x2b, gidx_b, coff_b)
            gather_a().wait()

            @pl.when(not_first)
            def _():
                wait_writes(base - np.int32(_C), ost_b)

            gather_b().start()
            compact(rows_a, coff_a, ost_a)
            issue_writes(base, ost_a)
            na = jnp.minimum(base + np.int32(2 * _C), last_load)
            la = load_x(na, x0a, x1a, x2a)
            hash_chunk(la, x0a, x1a, x2a, gidx_a, coff_a)
            gather_a().start()
            gather_b().wait()
            compact(rows_b, coff_b, ost_b)
            issue_writes(nb, ost_b)

        gather_a().wait()
        wait_writes(tile_end - np.int32(2 * _C), ost_a)
        wait_writes(tile_end - np.int32(_C), ost_b)

    return k(x0, x1, x2, table)


def kernel(x, embeddings):
    x = x.astype(jnp.float32)
    tw_native = (embeddings.astype(jnp.float32)
                 .reshape(_NUM_LEVELS, _HASH_SIZE // 128, 128, 2)
                 .transpose(0, 1, 3, 2)
                 .reshape(_TWW))
    tw = _sc_relayout(tw_native)
    out1d = _sc_lookup(x[:, 0], x[:, 1], x[:, 2], tw)
    return (out1d.reshape(_F // 8, _N // 128, 8, 128)
            .transpose(1, 3, 0, 2)
            .reshape(_N, _F))

# --- scband reference (transcript-rebuilt; emitter-appended) ---
"""Pipeline reference for scband-hash-embedder-8211977470231 (READ-ONLY COPY).

The authoritative reference and input builder live on the scoring server;
editing this copy changes nothing except your own understanding.
"""

import jax, jax.numpy as jnp
import numpy as np
jax.config.update("jax_enable_x64", True)

NUM_LEVELS = 12
BASE_RES = 16
MAX_RES = 1024
LOG2_HASHMAP_SIZE = 19
FEATURES_PER_LEVEL = 2
HASHMAP_SIZE = 2 ** LOG2_HASHMAP_SIZE
_b = np.exp((np.log(MAX_RES) - np.log(BASE_RES)) / (NUM_LEVELS - 1))
RESOLUTIONS = [int(BASE_RES * _b ** i) for i in range(NUM_LEVELS)]
N_POINTS = 1048576


def setup_inputs(seed: int = 0) -> dict:
    key = jax.random.key(seed)
    kx, ke = jax.random.split(key)
    x = jax.random.uniform(kx, (N_POINTS, 3), dtype=jnp.float32)
    embeddings = jax.random.uniform(
        ke, (NUM_LEVELS, HASHMAP_SIZE, FEATURES_PER_LEVEL),
        dtype=jnp.float32, minval=-0.0001, maxval=0.0001)
    return {"x": x, "embeddings": embeddings}


def reference(x, embeddings):
    primes = jnp.array([1, 2654435761, 805459861], dtype=jnp.int64)
    outputs = []
    for i, res in enumerate(RESOLUTIONS):
        scaled_x = x * res
        x0 = jnp.floor(scaled_x).astype(jnp.int64)
        p = x0 * primes
        h = (p[:, 0] ^ p[:, 1] ^ p[:, 2]) % HASHMAP_SIZE
        outputs.append(jnp.take(embeddings[i], h, axis=0))
    return jnp.concatenate(outputs, axis=-1)

if __name__ == "__main__":
    import jax
    _d = setup_inputs()
    print(jax.jit(kernel)(*tuple(_d.values())))

</pallas_src>

<mosaic_0001>
#map = affine_map<(d0, d1) -> (0)>
#map1 = affine_map<(d0, d1) -> (0, 0)>
module attributes {stable_mosaic.version = 14 : i64} {
  func.func @k(%arg0: i32, %arg1: i32, %arg2: memref<12582912xf32, #tpu.memory_space<hbm>>, %arg3: memref<1572864x8xf32, #tpu.memory_space<hbm>>, %arg4: memref<16384xf32, #tpu.memory_space<vmem>>, %arg5: memref<2048x8xf32, #tpu.memory_space<vmem>>) attributes {dimension_semantics = [#tpu.dimension_semantics<core_parallel>, #tpu.dimension_semantics<subcore_parallel>], iteration_bounds = array<i64: 2, 16>, scalar_prefetch = 0 : i64, scratch_operands = 2 : i64, tpu.core_type = #tpu.core_type<sc_vector_subcore>, window_params = [{transform_indices = #map}, {transform_indices = #map1}]} {
    %mul3A = arith.constant 2 : i32
    %mul3A_0 = arith.muli %arg1, %mul3A : i32
    %add3A = arith.addi %mul3A_0, %arg0 : i32
    %mul3A_1 = arith.constant 393216 : i32
    %mul3A_2 = arith.muli %add3A, %mul3A_1 : i32
    %iota3A = tpu.iota {dimensions = array<i32: 0>} : vector<16xi32>
    %mul3A_3 = arith.constant 2 : i32
    %mul3A_4 = vector.broadcast %mul3A_3 : i32 to vector<16xi32>
    %mul3A_5 = arith.muli %iota3A, %mul3A_4 : vector<16xi32>
    %add3A_6 = arith.constant 393216 : i32
    %add3A_7 = arith.addi %mul3A_2, %add3A_6 : i32
    %sub3A = arith.subi %add3A_7, %mul3A_2 : i32
    %sub3A_8 = arith.constant 16384 : i32
    %sub3A_9 = arith.constant 1 : i32
    %sub3A_10 = arith.subi %sub3A_8, %sub3A_9 : i32
    %add3A_11 = arith.addi %sub3A, %sub3A_10 : i32
    %div3A = arith.constant 16384 : i32
    %div3A_12 = arith.divsi %add3A_11, %div3A : i32
    %while3A = arith.constant 16384 : i32
    %while3A_13 = arith.constant 0 : i32
    %while3A_14 = arith.subi %div3A_12, %while3A_13 : i32
    %while3A_15 = arith.addi %while3A_13, %while3A_14 : i32
    %while3A_16 = arith.constant 1 : i32
    %while3A_17 = arith.divsi %while3A_14, %while3A_16 : i32
    %while3A_18 = arith.muli %while3A_17, %while3A_16 : i32
    %while3A_19 = arith.addi %while3A_13, %while3A_18 : i32
    %while3A_20 = arith.constant 1 : i32
    scf.for %while3A_22 = %while3A_13 to %while3A_19 step %while3A_20  : i32 {
      %mul3A_23 = arith.muli %while3A_22, %while3A : i32
      %add3A_24 = arith.addi %mul3A_2, %mul3A_23 : i32
      "tpu.region"() ({
        %run_scoped3A = tpu.sem_alloc : memref<!tpu.dma_semaphore, #tpu.memory_space<semaphore_mem>>
        %dma_start3A = tpu.memref_slice %arg2[%add3A_24] : memref<12582912xf32, #tpu.memory_space<hbm>> -> memref<16384xf32, #tpu.memory_space<hbm>>
        %dma_start3A_45 = tpu.memref_slice %arg2[%add3A_24] : memref<12582912xf32, #tpu.memory_space<hbm>> -> memref<16384xf32, #tpu.memory_space<hbm>>
        tpu.enqueue_dma source(%dma_start3A_45 : memref<16384xf32, #tpu.memory_space<hbm>>) target(%arg4 : memref<16384xf32, #tpu.memory_space<vmem>>) target_semaphore(%run_scoped3A : memref<!tpu.dma_semaphore, #tpu.memory_space<semaphore_mem>>)
        %dma_wait3A = tpu.memref_slice %arg2[%add3A_24] : memref<12582912xf32, #tpu.memory_space<hbm>> -> memref<16384xf32, #tpu.memory_space<hbm>>
        %dma_wait3A_46 = tpu.memref_slice %arg2[%add3A_24] : memref<12582912xf32, #tpu.memory_space<hbm>> -> memref<16384xf32, #tpu.memory_space<hbm>>
        tpu.wait_dma2 semaphore(%run_scoped3A : memref<!tpu.dma_semaphore, #tpu.memory_space<semaphore_mem>>) src(%dma_wait3A_46 : memref<16384xf32, #tpu.memory_space<hbm>>) dst(%arg4 : memref<16384xf32, #tpu.memory_space<vmem>>)
        tpu.yield
      }) : () -> ()
      %sub3A_25 = arith.subi %add3A_24, %add3A_24 : i32
      %sub3A_26 = arith.constant 8192 : i32
      %sub3A_27 = arith.subi %sub3A_26, %sub3A_25 : i32
      %sub3A_28 = arith.constant 16 : i32
      %sub3A_29 = arith.constant 1 : i32
      %sub3A_30 = arith.subi %sub3A_28, %sub3A_29 : i32
      %add3A_31 = arith.addi %sub3A_27, %sub3A_30 : i32
      %div3A_32 = arith.constant 16 : i32
      %div3A_33 = arith.divsi %add3A_31, %div3A_32 : i32
      %while3A_34 = arith.constant 16 : i32
      %while3A_35 = arith.constant 0 : i32
      %while3A_36 = arith.subi %div3A_33, %while3A_35 : i32
      %while3A_37 = arith.addi %while3A_35, %while3A_36 : i32
      %while3A_38 = arith.constant 1 : i32
      %while3A_39 = arith.divsi %while3A_36, %while3A_38 : i32
      %while3A_40 = arith.muli %while3A_39, %while3A_38 : i32
      %while3A_41 = arith.addi %while3A_35, %while3A_40 : i32
      %while3A_42 = arith.constant 1 : i32
      scf.for %while3A_45 = %while3A_35 to %while3A_41 step %while3A_42  : i32 {
        %mul3A_46 = arith.muli %while3A_45, %while3A_34 : i32
        %add3A_47 = arith.addi %sub3A_25, %mul3A_46 : i32
        %shift_right_arithmetic3A_48 = arith.constant 7 : i32
        %shift_right_arithmetic3A_49 = arith.shrsi %add3A_47, %shift_right_arithmetic3A_48 : i32
        %shift_left3A = arith.constant 8 : i32
        %shift_left3A_50 = arith.shli %shift_right_arithmetic3A_49, %shift_left3A : i32
        %and3A = arith.constant 127 : i32
        %and3A_51 = arith.andi %add3A_47, %and3A : i32
        %or3A = arith.ori %shift_left3A_50, %and3A_51 : i32
        %get3A = arith.index_cast %or3A : i32 to index
        %get3A_52 = tpu.vector_load %arg4[%get3A] {strides = array<i32>} : memref<16384xf32, #tpu.memory_space<vmem>>, vector<16xf32>,
        %add3A_53 = arith.constant 128 : i32
        %add3A_54 = arith.addi %or3A, %add3A_53 : i32
        %get3A_55 = arith.index_cast %add3A_54 : i32 to index
        %get3A_56 = tpu.vector_load %arg4[%get3A_55] {strides = array<i32>} : memref<16384xf32, #tpu.memory_space<vmem>>, vector<16xf32>,
        %shift_right_arithmetic3A_57 = arith.constant 7 : i32
        %shift_right_arithmetic3A_58 = arith.shrsi %add3A_47, %shift_right_arithmetic3A_57 : i32
        %shift_left3A_59 = arith.constant 8 : i32
        %shift_left3A_60 = arith.shli %shift_right_arithmetic3A_58, %shift_left3A_59 : i32
        %and3A_61 = arith.constant 127 : i32
        %and3A_62 = arith.andi %add3A_47, %and3A_61 : i32
        %shift_left3A_63 = arith.constant 1 : i32
        %shift_left3A_64 = arith.shli %and3A_62, %shift_left3A_63 : i32
        %or3A_65 = arith.ori %shift_left3A_60, %shift_left3A_64 : i32
        %add3A_66 = vector.broadcast %or3A_65 : i32 to vector<16xi32>
        %add3A_67 = arith.addi %mul3A_5, %add3A_66 : vector<16xi32>
        %shift_right_arithmetic3A_68 = arith.constant 3 : i32
        %shift_right_arithmetic3A_69 = vector.broadcast %shift_right_arithmetic3A_68 : i32 to vector<16xi32>
        %shift_right_arithmetic3A_70 = arith.shrsi %add3A_67, %shift_right_arithmetic3A_69 : vector<16xi32>
        %and3A_71 = arith.constant 7 : i32
        %and3A_72 = vector.broadcast %and3A_71 : i32 to vector<16xi32>
        %and3A_73 = arith.andi %add3A_67, %and3A_72 : vector<16xi32>
        tpu.vector_store_idx %arg5[%shift_right_arithmetic3A_70, %and3A_73], %get3A_52 : memref<2048x8xf32, #tpu.memory_space<vmem>>[vector<16xi32>, vector<16xi32>], vector<16xf32>,
        %or3A_74 = arith.constant 1 : i32
        %or3A_75 = vector.broadcast %or3A_74 : i32 to vector<16xi32>
        %or3A_76 = arith.ori %and3A_73, %or3A_75 : vector<16xi32>
        tpu.vector_store_idx %arg5[%shift_right_arithmetic3A_70, %or3A_76], %get3A_56 : memref<2048x8xf32, #tpu.memory_space<vmem>>[vector<16xi32>, vector<16xi32>], vector<16xf32>,
      }
      %while3A_43 = arith.constant 1 : i32
      scf.for %while3A_45 = %while3A_41 to %while3A_37 step %while3A_43  : i32 {
        %mul3A_46 = arith.muli %while3A_45, %while3A_34 : i32
        %add3A_47 = arith.addi %sub3A_25, %mul3A_46 : i32
        %shift_right_arithmetic3A_48 = arith.constant 7 : i32
        %shift_right_arithmetic3A_49 = arith.shrsi %add3A_47, %shift_right_arithmetic3A_48 : i32
        %shift_left3A = arith.constant 8 : i32
        %shift_left3A_50 = arith.shli %shift_right_arithmetic3A_49, %shift_left3A : i32
        %and3A = arith.constant 127 : i32
        %and3A_51 = arith.andi %add3A_47, %and3A : i32
        %or3A = arith.ori %shift_left3A_50, %and3A_51 : i32
        %get3A = arith.index_cast %or3A : i32 to index
        %get3A_52 = tpu.vector_load %arg4[%get3A] {strides = array<i32>} : memref<16384xf32, #tpu.memory_space<vmem>>, vector<16xf32>,
        %add3A_53 = arith.constant 128 : i32
        %add3A_54 = arith.addi %or3A, %add3A_53 : i32
        %get3A_55 = arith.index_cast %add3A_54 : i32 to index
        %get3A_56 = tpu.vector_load %arg4[%get3A_55] {strides = array<i32>} : memref<16384xf32, #tpu.memory_space<vmem>>, vector<16xf32>,
        %shift_right_arithmetic3A_57 = arith.constant 7 : i32
        %shift_right_arithmetic3A_58 = arith.shrsi %add3A_47, %shift_right_arithmetic3A_57 : i32
        %shift_left3A_59 = arith.constant 8 : i32
        %shift_left3A_60 = arith.shli %shift_right_arithmetic3A_58, %shift_left3A_59 : i32
        %and3A_61 = arith.constant 127 : i32
        %and3A_62 = arith.andi %add3A_47, %and3A_61 : i32
        %shift_left3A_63 = arith.constant 1 : i32
        %shift_left3A_64 = arith.shli %and3A_62, %shift_left3A_63 : i32
        %or3A_65 = arith.ori %shift_left3A_60, %shift_left3A_64 : i32
        %add3A_66 = vector.broadcast %or3A_65 : i32 to vector<16xi32>
        %add3A_67 = arith.addi %mul3A_5, %add3A_66 : vector<16xi32>
        %shift_right_arithmetic3A_68 = arith.constant 3 : i32
        %shift_right_arithmetic3A_69 = vector.broadcast %shift_right_arithmetic3A_68 : i32 to vector<16xi32>
        %shift_right_arithmetic3A_70 = arith.shrsi %add3A_67, %shift_right_arithmetic3A_69 : vector<16xi32>
        %and3A_71 = arith.constant 7 : i32
        %and3A_72 = vector.broadcast %and3A_71 : i32 to vector<16xi32>
        %and3A_73 = arith.andi %add3A_67, %and3A_72 : vector<16xi32>
        tpu.vector_store_idx %arg5[%shift_right_arithmetic3A_70, %and3A_73], %get3A_52 : memref<2048x8xf32, #tpu.memory_space<vmem>>[vector<16xi32>, vector<16xi32>], vector<16xf32>,
        %or3A_74 = arith.constant 1 : i32
        %or3A_75 = vector.broadcast %or3A_74 : i32 to vector<16xi32>
        %or3A_76 = arith.ori %and3A_73, %or3A_75 : vector<16xi32>
        tpu.vector_store_idx %arg5[%shift_right_arithmetic3A_70, %or3A_76], %get3A_56 : memref<2048x8xf32, #tpu.memory_space<vmem>>[vector<16xi32>, vector<16xi32>], vector<16xf32>,
      }
      %shift_right_arithmetic3A = arith.constant 3 : i32
      %shift_right_arithmetic3A_44 = arith.shrsi %add3A_24, %shift_right_arithmetic3A : i32
      "tpu.region"() ({
        %run_scoped3A = tpu.sem_alloc : memref<!tpu.dma_semaphore, #tpu.memory_space<semaphore_mem>>
        %dma_start3A = arith.constant 0 : i32
        %dma_start3A_45 = tpu.memref_slice %arg3[%shift_right_arithmetic3A_44, %dma_start3A] : memref<1572864x8xf32, #tpu.memory_space<hbm>> -> memref<2048x8xf32, #tpu.memory_space<hbm>>
        %dma_start3A_46 = arith.constant 0 : i32
        %dma_start3A_47 = tpu.memref_slice %arg3[%shift_right_arithmetic3A_44, %dma_start3A_46] : memref<1572864x8xf32, #tpu.memory_space<hbm>> -> memref<2048x8xf32, #tpu.memory_space<hbm>>
        tpu.enqueue_dma source(%arg5 : memref<2048x8xf32, #tpu.memory_space<vmem>>) target(%dma_start3A_47 : memref<2048x8xf32, #tpu.memory_space<hbm>>) target_semaphore(%run_scoped3A : memref<!tpu.dma_semaphore, #tpu.memory_space<semaphore_mem>>)
        %dma_wait3A = arith.constant 0 : i32
        %dma_wait3A_48 = tpu.memref_slice %arg3[%shift_right_arithmetic3A_44, %dma_wait3A] : memref<1572864x8xf32, #tpu.memory_space<hbm>> -> memref<2048x8xf32, #tpu.memory_space<hbm>>
        %dma_wait3A_49 = arith.constant 0 : i32
        %dma_wait3A_50 = tpu.memref_slice %arg3[%shift_right_arithmetic3A_44, %dma_wait3A_49] : memref<1572864x8xf32, #tpu.memory_space<hbm>> -> memref<2048x8xf32, #tpu.memory_space<hbm>>
        tpu.wait_dma2 semaphore(%run_scoped3A : memref<!tpu.dma_semaphore, #tpu.memory_space<semaphore_mem>>) src(%arg5 : memref<2048x8xf32, #tpu.memory_space<vmem>>) dst(%dma_wait3A_50 : memref<2048x8xf32, #tpu.memory_space<hbm>>)
        tpu.yield
      }) : () -> ()
    }
    %while3A_21 = arith.constant 1 : i32
    scf.for %while3A_22 = %while3A_19 to %while3A_15 step %while3A_21  : i32 {
      %mul3A_23 = arith.muli %while3A_22, %while3A : i32
      %add3A_24 = arith.addi %mul3A_2, %mul3A_23 : i32
      "tpu.region"() ({
        %run_scoped3A = tpu.sem_alloc : memref<!tpu.dma_semaphore, #tpu.memory_space<semaphore_mem>>
        %dma_start3A = tpu.memref_slice %arg2[%add3A_24] : memref<12582912xf32, #tpu.memory_space<hbm>> -> memref<16384xf32, #tpu.memory_space<hbm>>
        %dma_start3A_45 = tpu.memref_slice %arg2[%add3A_24] : memref<12582912xf32, #tpu.memory_space<hbm>> -> memref<16384xf32, #tpu.memory_space<hbm>>
        tpu.enqueue_dma source(%dma_start3A_45 : memref<16384xf32, #tpu.memory_space<hbm>>) target(%arg4 : memref<16384xf32, #tpu.memory_space<vmem>>) target_semaphore(%run_scoped3A : memref<!tpu.dma_semaphore, #tpu.memory_space<semaphore_mem>>)
        %dma_wait3A = tpu.memref_slice %arg2[%add3A_24] : memref<12582912xf32, #tpu.memory_space<hbm>> -> memref<16384xf32, #tpu.memory_space<hbm>>
        %dma_wait3A_46 = tpu.memref_slice %arg2[%add3A_24] : memref<12582912xf32, #tpu.memory_space<hbm>> -> memref<16384xf32, #tpu.memory_space<hbm>>
        tpu.wait_dma2 semaphore(%run_scoped3A : memref<!tpu.dma_semaphore, #tpu.memory_space<semaphore_mem>>) src(%dma_wait3A_46 : memref<16384xf32, #tpu.memory_space<hbm>>) dst(%arg4 : memref<16384xf32, #tpu.memory_space<vmem>>)
        tpu.yield
      }) : () -> ()
      %sub3A_25 = arith.subi %add3A_24, %add3A_24 : i32
      %sub3A_26 = arith.constant 8192 : i32
      %sub3A_27 = arith.subi %sub3A_26, %sub3A_25 : i32
      %sub3A_28 = arith.constant 16 : i32
      %sub3A_29 = arith.constant 1 : i32
      %sub3A_30 = arith.subi %sub3A_28, %sub3A_29 : i32
      %add3A_31 = arith.addi %sub3A_27, %sub3A_30 : i32
      %div3A_32 = arith.constant 16 : i32
      %div3A_33 = arith.divsi %add3A_31, %div3A_32 : i32
      %while3A_34 = arith.constant 16 : i32
      %while3A_35 = arith.constant 0 : i32
      %while3A_36 = arith.subi %div3A_33, %while3A_35 : i32
      %while3A_37 = arith.addi %while3A_35, %while3A_36 : i32
      %while3A_38 = arith.constant 1 : i32
      %while3A_39 = arith.divsi %while3A_36, %while3A_38 : i32
      %while3A_40 = arith.muli %while3A_39, %while3A_38 : i32
      %while3A_41 = arith.addi %while3A_35, %while3A_40 : i32
      %while3A_42 = arith.constant 1 : i32
      scf.for %while3A_45 = %while3A_35 to %while3A_41 step %while3A_42  : i32 {
        %mul3A_46 = arith.muli %while3A_45, %while3A_34 : i32
        %add3A_47 = arith.addi %sub3A_25, %mul3A_46 : i32
        %shift_right_arithmetic3A_48 = arith.constant 7 : i32
        %shift_right_arithmetic3A_49 = arith.shrsi %add3A_47, %shift_right_arithmetic3A_48 : i32
        %shift_left3A = arith.constant 8 : i32
        %shift_left3A_50 = arith.shli %shift_right_arithmetic3A_49, %shift_left3A : i32
        %and3A = arith.constant 127 : i32
        %and3A_51 = arith.andi %add3A_47, %and3A : i32
        %or3A = arith.ori %shift_left3A_50, %and3A_51 : i32
        %get3A = arith.index_cast %or3A : i32 to index
        %get3A_52 = tpu.vector_load %arg4[%get3A] {strides = array<i32>} : memref<16384xf32, #tpu.memory_space<vmem>>, vector<16xf32>,
        %add3A_53 = arith.constant 128 : i32
        %add3A_54 = arith.addi %or3A, %add3A_53 : i32
        %get3A_55 = arith.index_cast %add3A_54 : i32 to index
        %get3A_56 = tpu.vector_load %arg4[%get3A_55] {strides = array<i32>} : memref<16384xf32, #tpu.memory_space<vmem>>, vector<16xf32>,
        %shift_right_arithmetic3A_57 = arith.constant 7 : i32
        %shift_right_arithmetic3A_58 = arith.shrsi %add3A_47, %shift_right_arithmetic3A_57 : i32
        %shift_left3A_59 = arith.constant 8 : i32
        %shift_left3A_60 = arith.shli %shift_right_arithmetic3A_58, %shift_left3A_59 : i32
        %and3A_61 = arith.constant 127 : i32
        %and3A_62 = arith.andi %add3A_47, %and3A_61 : i32
        %shift_left3A_63 = arith.constant 1 : i32
        %shift_left3A_64 = arith.shli %and3A_62, %shift_left3A_63 : i32
        %or3A_65 = arith.ori %shift_left3A_60, %shift_left3A_64 : i32
        %add3A_66 = vector.broadcast %or3A_65 : i32 to vector<16xi32>
        %add3A_67 = arith.addi %mul3A_5, %add3A_66 : vector<16xi32>
        %shift_right_arithmetic3A_68 = arith.constant 3 : i32
        %shift_right_arithmetic3A_69 = vector.broadcast %shift_right_arithmetic3A_68 : i32 to vector<16xi32>
        %shift_right_arithmetic3A_70 = arith.shrsi %add3A_67, %shift_right_arithmetic3A_69 : vector<16xi32>
        %and3A_71 = arith.constant 7 : i32
        %and3A_72 = vector.broadcast %and3A_71 : i32 to vector<16xi32>
        %and3A_73 = arith.andi %add3A_67, %and3A_72 : vector<16xi32>
        tpu.vector_store_idx %arg5[%shift_right_arithmetic3A_70, %and3A_73], %get3A_52 : memref<2048x8xf32, #tpu.memory_space<vmem>>[vector<16xi32>, vector<16xi32>], vector<16xf32>,
        %or3A_74 = arith.constant 1 : i32
        %or3A_75 = vector.broadcast %or3A_74 : i32 to vector<16xi32>
        %or3A_76 = arith.ori %and3A_73, %or3A_75 : vector<16xi32>
        tpu.vector_store_idx %arg5[%shift_right_arithmetic3A_70, %or3A_76], %get3A_56 : memref<2048x8xf32, #tpu.memory_space<vmem>>[vector<16xi32>, vector<16xi32>], vector<16xf32>,
      }
      %while3A_43 = arith.constant 1 : i32
      scf.for %while3A_45 = %while3A_41 to %while3A_37 step %while3A_43  : i32 {
        %mul3A_46 = arith.muli %while3A_45, %while3A_34 : i32
        %add3A_47 = arith.addi %sub3A_25, %mul3A_46 : i32
        %shift_right_arithmetic3A_48 = arith.constant 7 : i32
        %shift_right_arithmetic3A_49 = arith.shrsi %add3A_47, %shift_right_arithmetic3A_48 : i32
        %shift_left3A = arith.constant 8 : i32
        %shift_left3A_50 = arith.shli %shift_right_arithmetic3A_49, %shift_left3A : i32
        %and3A = arith.constant 127 : i32
        %and3A_51 = arith.andi %add3A_47, %and3A : i32
        %or3A = arith.ori %shift_left3A_50, %and3A_51 : i32
        %get3A = arith.index_cast %or3A : i32 to index
        %get3A_52 = tpu.vector_load %arg4[%get3A] {strides = array<i32>} : memref<16384xf32, #tpu.memory_space<vmem>>, vector<16xf32>,
        %add3A_53 = arith.constant 128 : i32
        %add3A_54 = arith.addi %or3A, %add3A_53 : i32
        %get3A_55 = arith.index_cast %add3A_54 : i32 to index
        %get3A_56 = tpu.vector_load %arg4[%get3A_55] {strides = array<i32>} : memref<16384xf32, #tpu.memory_space<vmem>>, vector<16xf32>,
        %shift_right_arithmetic3A_57 = arith.constant 7 : i32
        %shift_right_arithmetic3A_58 = arith.shrsi %add3A_47, %shift_right_arithmetic3A_57 : i32
        %shift_left3A_59 = arith.constant 8 : i32
        %shift_left3A_60 = arith.shli %shift_right_arithmetic3A_58, %shift_left3A_59 : i32
        %and3A_61 = arith.constant 127 : i32
        %and3A_62 = arith.andi %add3A_47, %and3A_61 : i32
        %shift_left3A_63 = arith.constant 1 : i32
        %shift_left3A_64 = arith.shli %and3A_62, %shift_left3A_63 : i32
        %or3A_65 = arith.ori %shift_left3A_60, %shift_left3A_64 : i32
        %add3A_66 = vector.broadcast %or3A_65 : i32 to vector<16xi32>
        %add3A_67 = arith.addi %mul3A_5, %add3A_66 : vector<16xi32>
        %shift_right_arithmetic3A_68 = arith.constant 3 : i32
        %shift_right_arithmetic3A_69 = vector.broadcast %shift_right_arithmetic3A_68 : i32 to vector<16xi32>
        %shift_right_arithmetic3A_70 = arith.shrsi %add3A_67, %shift_right_arithmetic3A_69 : vector<16xi32>
        %and3A_71 = arith.constant 7 : i32
        %and3A_72 = vector.broadcast %and3A_71 : i32 to vector<16xi32>
        %and3A_73 = arith.andi %add3A_67, %and3A_72 : vector<16xi32>
        tpu.vector_store_idx %arg5[%shift_right_arithmetic3A_70, %and3A_73], %get3A_52 : memref<2048x8xf32, #tpu.memory_space<vmem>>[vector<16xi32>, vector<16xi32>], vector<16xf32>,
        %or3A_74 = arith.constant 1 : i32
        %or3A_75 = vector.broadcast %or3A_74 : i32 to vector<16xi32>
        %or3A_76 = arith.ori %and3A_73, %or3A_75 : vector<16xi32>
        tpu.vector_store_idx %arg5[%shift_right_arithmetic3A_70, %or3A_76], %get3A_56 : memref<2048x8xf32, #tpu.memory_space<vmem>>[vector<16xi32>, vector<16xi32>], vector<16xf32>,
      }
      %shift_right_arithmetic3A = arith.constant 3 : i32
      %shift_right_arithmetic3A_44 = arith.shrsi %add3A_24, %shift_right_arithmetic3A : i32
      "tpu.region"() ({
        %run_scoped3A = tpu.sem_alloc : memref<!tpu.dma_semaphore, #tpu.memory_space<semaphore_mem>>
        %dma_start3A = arith.constant 0 : i32
        %dma_start3A_45 = tpu.memref_slice %arg3[%shift_right_arithmetic3A_44, %dma_start3A] : memref<1572864x8xf32, #tpu.memory_space<hbm>> -> memref<2048x8xf32, #tpu.memory_space<hbm>>
        %dma_start3A_46 = arith.constant 0 : i32
        %dma_start3A_47 = tpu.memref_slice %arg3[%shift_right_arithmetic3A_44, %dma_start3A_46] : memref<1572864x8xf32, #tpu.memory_space<hbm>> -> memref<2048x8xf32, #tpu.memory_space<hbm>>
        tpu.enqueue_dma source(%arg5 : memref<2048x8xf32, #tpu.memory_space<vmem>>) target(%dma_start3A_47 : memref<2048x8xf32, #tpu.memory_space<hbm>>) target_semaphore(%run_scoped3A : memref<!tpu.dma_semaphore, #tpu.memory_space<semaphore_mem>>)
        %dma_wait3A = arith.constant 0 : i32
        %dma_wait3A_48 = tpu.memref_slice %arg3[%shift_right_arithmetic3A_44, %dma_wait3A] : memref<1572864x8xf32, #tpu.memory_space<hbm>> -> memref<2048x8xf32, #tpu.memory_space<hbm>>
        %dma_wait3A_49 = arith.constant 0 : i32
        %dma_wait3A_50 = tpu.memref_slice %arg3[%shift_right_arithmetic3A_44, %dma_wait3A_49] : memref<1572864x8xf32, #tpu.memory_space<hbm>> -> memref<2048x8xf32, #tpu.memory_space<hbm>>
        tpu.wait_dma2 semaphore(%run_scoped3A : memref<!tpu.dma_semaphore, #tpu.memory_space<semaphore_mem>>) src(%arg5 : memref<2048x8xf32, #tpu.memory_space<vmem>>) dst(%dma_wait3A_50 : memref<2048x8xf32, #tpu.memory_space<hbm>>)
        tpu.yield
      }) : () -> ()
    }
    return
  }
}

#map = affine_map<(d0, d1) -> (0)>
#map1 = affine_map<(d0, d1) -> (0, 0)>
module attributes {stable_mosaic.version = 14 : i64} {
  func.func @k(%arg0: i32, %arg1: i32, %arg2: memref<1048576xf32, #tpu.memory_space<hbm>>, %arg3: memref<1048576xf32, #tpu.memory_space<hbm>>, %arg4: memref<1048576xf32, #tpu.memory_space<hbm>>, %arg5: memref<1572864x8xf32, #tpu.memory_space<hbm>>, %arg6: memref<25165824xf32, #tpu.memory_space<hbm>>, %arg7: memref<256xf32, #tpu.memory_space<vmem>>, %arg8: memref<256xf32, #tpu.memory_space<vmem>>, %arg9: memref<256xf32, #tpu.memory_space<vmem>>, %arg10: memref<256xf32, #tpu.memory_space<vmem>>, %arg11: memref<256xf32, #tpu.memory_space<vmem>>, %arg12: memref<256xf32, #tpu.memory_space<vmem>>, %arg13: memref<3072xi32, #tpu.memory_space<vmem>>, %arg14: memref<3072xi32, #tpu.memory_space<vmem>>, %arg15: memref<3072xi32, #tpu.memory_space<vmem>>, %arg16: memref<3072xi32, #tpu.memory_space<vmem>>, %arg17: memref<3072x8xf32, #tpu.memory_space<vmem>>, %arg18: memref<3072x8xf32, #tpu.memory_space<vmem>>, %arg19: memref<6144xf32, #tpu.memory_space<vmem>>, %arg20: memref<6144xf32, #tpu.memory_space<vmem>>, %arg21: memref<!tpu.dma_semaphore, #tpu.memory_space<semaphore_mem>>, %arg22: memref<!tpu.dma_semaphore, #tpu.memory_space<semaphore_mem>>, %arg23: memref<!tpu.dma_semaphore, #tpu.memory_space<semaphore_mem>>, %arg24: memref<!tpu.dma_semaphore, #tpu.memory_space<semaphore_mem>>) attributes {dimension_semantics = [#tpu.dimension_semantics<core_parallel>, #tpu.dimension_semantics<subcore_parallel>], iteration_bounds = array<i64: 2, 16>, scalar_prefetch = 0 : i64, scratch_operands = 18 : i64, tpu.core_type = #tpu.core_type<sc_vector_subcore>, window_params = [{transform_indices = #map}, {transform_indices = #map}, {transform_indices = #map}, {transform_indices = #map1}, {transform_indices = #map}]} {
    %mul3A = arith.constant 2 : i32
    %mul3A_0 = arith.muli %arg1, %mul3A : i32
    %add3A = arith.addi %mul3A_0, %arg0 : i32
    %mul3A_1 = arith.constant 32768 : i32
    %mul3A_2 = arith.muli %add3A, %mul3A_1 : i32
    %mul3A_3 = arith.constant 0 : i32
    %mul3A_4 = arith.muli %add3A, %mul3A_3 : i32
    %add3A_5 = arith.constant 32768 : i32
    %add3A_6 = arith.addi %mul3A_2, %add3A_5 : i32
    %sub3A = arith.constant 256 : i32
    %sub3A_7 = arith.subi %add3A_6, %sub3A : i32
    %iota3A = tpu.iota {dimensions = array<i32: 0>} : vector<16xi32>
    %dma_start3A = tpu.memref_slice %arg2[%mul3A_2] : memref<1048576xf32, #tpu.memory_space<hbm>> -> memref<256xf32, #tpu.memory_space<hbm>>
    %dma_start3A_8 = tpu.memref_slice %arg2[%mul3A_2] : memref<1048576xf32, #tpu.memory_space<hbm>> -> memref<256xf32, #tpu.memory_space<hbm>>
    tpu.enqueue_dma source(%dma_start3A_8 : memref<256xf32, #tpu.memory_space<hbm>>) target(%arg7 : memref<256xf32, #tpu.memory_space<vmem>>) target_semaphore(%arg23 : memref<!tpu.dma_semaphore, #tpu.memory_space<semaphore_mem>>)
    %dma_start3A_9 = tpu.memref_slice %arg3[%mul3A_2] : memref<1048576xf32, #tpu.memory_space<hbm>> -> memref<256xf32, #tpu.memory_space<hbm>>
    %dma_start3A_10 = tpu.memref_slice %arg3[%mul3A_2] : memref<1048576xf32, #tpu.memory_space<hbm>> -> memref<256xf32, #tpu.memory_space<hbm>>
    tpu.enqueue_dma source(%dma_start3A_10 : memref<256xf32, #tpu.memory_space<hbm>>) target(%arg8 : memref<256xf32, #tpu.memory_space<vmem>>) target_semaphore(%arg23 : memref<!tpu.dma_semaphore, #tpu.memory_space<semaphore_mem>>)
    %dma_start3A_11 = tpu.memref_slice %arg4[%mul3A_2] : memref<1048576xf32, #tpu.memory_space<hbm>> -> memref<256xf32, #tpu.memory_space<hbm>>
    %dma_start3A_12 = tpu.memref_slice %arg4[%mul3A_2] : memref<1048576xf32, #tpu.memory_space<hbm>> -> memref<256xf32, #tpu.memory_space<hbm>>
    tpu.enqueue_dma source(%dma_start3A_12 : memref<256xf32, #tpu.memory_space<hbm>>) target(%arg9 : memref<256xf32, #tpu.memory_space<vmem>>) target_semaphore(%arg23 : memref<!tpu.dma_semaphore, #tpu.memory_space<semaphore_mem>>)
    %dma_wait3A = tpu.memref_slice %arg2[%mul3A_2] : memref<1048576xf32, #tpu.memory_space<hbm>> -> memref<256xf32, #tpu.memory_space<hbm>>
    %dma_wait3A_13 = tpu.memref_slice %arg2[%mul3A_2] : memref<1048576xf32, #tpu.memory_space<hbm>> -> memref<256xf32, #tpu.memory_space<hbm>>
    tpu.wait_dma2 semaphore(%arg23 : memref<!tpu.dma_semaphore, #tpu.memory_space<semaphore_mem>>) src(%dma_wait3A_13 : memref<256xf32, #tpu.memory_space<hbm>>) dst(%arg7 : memref<256xf32, #tpu.memory_space<vmem>>)
    %dma_wait3A_14 = tpu.memref_slice %arg3[%mul3A_2] : memref<1048576xf32, #tpu.memory_space<hbm>> -> memref<256xf32, #tpu.memory_space<hbm>>
    %dma_wait3A_15 = tpu.memref_slice %arg3[%mul3A_2] : memref<1048576xf32, #tpu.memory_space<hbm>> -> memref<256xf32, #tpu.memory_space<hbm>>
    tpu.wait_dma2 semaphore(%arg23 : memref<!tpu.dma_semaphore, #tpu.memory_space<semaphore_mem>>) src(%dma_wait3A_15 : memref<256xf32, #tpu.memory_space<hbm>>) dst(%arg8 : memref<256xf32, #tpu.memory_space<vmem>>)
    %dma_wait3A_16 = tpu.memref_slice %arg4[%mul3A_2] : memref<1048576xf32, #tpu.memory_space<hbm>> -> memref<256xf32, #tpu.memory_space<hbm>>
    %dma_wait3A_17 = tpu.memref_slice %arg4[%mul3A_2] : memref<1048576xf32, #tpu.memory_space<hbm>> -> memref<256xf32, #tpu.memory_space<hbm>>
    tpu.wait_dma2 semaphore(%arg23 : memref<!tpu.dma_semaphore, #tpu.memory_space<semaphore_mem>>) src(%dma_wait3A_17 : memref<256xf32, #tpu.memory_space<hbm>>) dst(%arg9 : memref<256xf32, #tpu.memory_space<vmem>>)
    %sub3A_18 = arith.constant 256 : i32
    %sub3A_19 = arith.subi %sub3A_18, %mul3A_4 : i32
    %sub3A_20 = arith.constant 16 : i32
    %sub3A_21 = arith.constant 1 : i32
    %sub3A_22 = arith.subi %sub3A_20, %sub3A_21 : i32
    %add3A_23 = arith.addi %sub3A_19, %sub3A_22 : i32
    %div3A = arith.constant 16 : i32
    %div3A_24 = arith.divsi %add3A_23, %div3A : i32
    %while3A = arith.constant 16 : i32
    %while3A_25 = arith.constant 0 : i32
    %while3A_26 = arith.subi %div3A_24, %while3A_25 : i32
    %while3A_27 = arith.addi %while3A_25, %while3A_26 : i32
    %while3A_28 = arith.constant 1 : i32
    %while3A_29 = arith.divsi %while3A_26, %while3A_28 : i32
    %while3A_30 = arith.muli %while3A_29, %while3A_28 : i32
    %while3A_31 = arith.addi %while3A_25, %while3A_30 : i32
    %while3A_32 = arith.constant 1 : i32
    scf.for %while3A_121 = %while3A_25 to %while3A_31 step %while3A_32  : i32 {
      %mul3A_122 = arith.muli %while3A_121, %while3A : i32
      %add3A_123 = arith.addi %mul3A_4, %mul3A_122 : i32
      %get3A = arith.index_cast %add3A_123 : i32 to index
      %get3A_124 = tpu.vector_load %arg7[%get3A] {strides = array<i32>} : memref<256xf32, #tpu.memory_space<vmem>>, vector<16xf32>,
      %get3A_125 = arith.index_cast %add3A_123 : i32 to index
      %get3A_126 = tpu.vector_load %arg8[%get3A_125] {strides = array<i32>} : memref<256xf32, #tpu.memory_space<vmem>>, vector<16xf32>,
      %get3A_127 = arith.index_cast %add3A_123 : i32 to index
      %get3A_128 = tpu.vector_load %arg9[%get3A_127] {strides = array<i32>} : memref<256xf32, #tpu.memory_space<vmem>>, vector<16xf32>,
      %add3A_129 = vector.broadcast %add3A_123 : i32 to vector<16xi32>
      %add3A_130 = arith.addi %iota3A, %add3A_129 : vector<16xi32>
      %mul3A_131 = arith.constant 1.600000e+01 : f32
      %mul3A_132 = vector.broadcast %mul3A_131 : f32 to vector<16xf32>
      %mul3A_133 = arith.mulf %get3A_124, %mul3A_132 : vector<16xf32>
      %convert_element_type3A = arith.fptosi %mul3A_133 : vector<16xf32> to vector<16xi32>
      %mul3A_134 = arith.constant 1.600000e+01 : f32
      %mul3A_135 = vector.broadcast %mul3A_134 : f32 to vector<16xf32>
      %mul3A_136 = arith.mulf %get3A_126, %mul3A_135 : vector<16xf32>
      %convert_element_type3A_137 = arith.fptosi %mul3A_136 : vector<16xf32> to vector<16xi32>
      %mul3A_138 = arith.constant 1.600000e+01 : f32
      %mul3A_139 = vector.broadcast %mul3A_138 : f32 to vector<16xf32>
      %mul3A_140 = arith.mulf %get3A_128, %mul3A_139 : vector<16xf32>
      %convert_element_type3A_141 = arith.fptosi %mul3A_140 : vector<16xf32> to vector<16xi32>
      %mul3A_142 = arith.constant -1640531535 : i32
      %mul3A_143 = vector.broadcast %mul3A_142 : i32 to vector<16xi32>
      %mul3A_144 = arith.muli %convert_element_type3A_137, %mul3A_143 : vector<16xi32>
      %xor3A = arith.xori %convert_element_type3A, %mul3A_144 : vector<16xi32>
      %mul3A_145 = arith.constant 805459861 : i32
      %mul3A_146 = vector.broadcast %mul3A_145 : i32 to vector<16xi32>
      %mul3A_147 = arith.muli %convert_element_type3A_141, %mul3A_146 : vector<16xi32>
      %xor3A_148 = arith.xori %xor3A, %mul3A_147 : vector<16xi32>
      %and3A = arith.constant 524287 : i32
      %and3A_149 = vector.broadcast %and3A : i32 to vector<16xi32>
      %and3A_150 = arith.andi %xor3A_148, %and3A_149 : vector<16xi32>
      %shift_right_arithmetic3A = arith.constant 2 : i32
      %shift_right_arithmetic3A_151 = vector.broadcast %shift_right_arithmetic3A : i32 to vector<16xi32>
      %shift_right_arithmetic3A_152 = arith.shrsi %and3A_150, %shift_right_arithmetic3A_151 : vector<16xi32>
      %or3A = arith.constant 0 : i32
      %or3A_153 = vector.broadcast %or3A : i32 to vector<16xi32>
      %or3A_154 = arith.ori %shift_right_arithmetic3A_152, %or3A_153 : vector<16xi32>
      %and3A_155 = arith.constant 3 : i32
      %and3A_156 = vector.broadcast %and3A_155 : i32 to vector<16xi32>
      %and3A_157 = arith.andi %and3A_150, %and3A_156 : vector<16xi32>
      %shift_left3A = arith.constant 1 : i32
      %shift_left3A_158 = vector.broadcast %shift_left3A : i32 to vector<16xi32>
      %shift_left3A_159 = arith.shli %and3A_157, %shift_left3A_158 : vector<16xi32>
      %add3A_160 = arith.constant 0 : i32
      %add3A_161 = vector.broadcast %add3A_160 : i32 to vector<16xi32>
      %add3A_162 = arith.addi %add3A_130, %add3A_161 : vector<16xi32>
      tpu.vector_store_idx %arg13[%add3A_162], %or3A_154 : memref<3072xi32, #tpu.memory_space<vmem>>[vector<16xi32>], vector<16xi32>,
      tpu.vector_store_idx %arg15[%add3A_162], %shift_left3A_159 : memref<3072xi32, #tpu.memory_space<vmem>>[vector<16xi32>], vector<16xi32>,
      %mul3A_163 = arith.constant 2.300000e+01 : f32
      %mul3A_164 = vector.broadcast %mul3A_163 : f32 to vector<16xf32>
      %mul3A_165 = arith.mulf %get3A_124, %mul3A_164 : vector<16xf32>
      %convert_element_type3A_166 = arith.fptosi %mul3A_165 : vector<16xf32> to vector<16xi32>
      %mul3A_167 = arith.constant 2.300000e+01 : f32
      %mul3A_168 = vector.broadcast %mul3A_167 : f32 to vector<16xf32>
      %mul3A_169 = arith.mulf %get3A_126, %mul3A_168 : vector<16xf32>
      %convert_element_type3A_170 = arith.fptosi %mul3A_169 : vector<16xf32> to vector<16xi32>
      %mul3A_171 = arith.constant 2.300000e+01 : f32
      %mul3A_172 = vector.broadcast %mul3A_171 : f32 to vector<16xf32>
      %mul3A_173 = arith.mulf %get3A_128, %mul3A_172 : vector<16xf32>
      %convert_element_type3A_174 = arith.fptosi %mul3A_173 : vector<16xf32> to vector<16xi32>
      %mul3A_175 = arith.constant -1640531535 : i32
      %mul3A_176 = vector.broadcast %mul3A_175 : i32 to vector<16xi32>
      %mul3A_177 = arith.muli %convert_element_type3A_170, %mul3A_176 : vector<16xi32>
      %xor3A_178 = arith.xori %convert_element_type3A_166, %mul3A_177 : vector<16xi32>
      %mul3A_179 = arith.constant 805459861 : i32
      %mul3A_180 = vector.broadcast %mul3A_179 : i32 to vector<16xi32>
      %mul3A_181 = arith.muli %convert_element_type3A_174, %mul3A_180 : vector<16xi32>
      %xor3A_182 = arith.xori %xor3A_178, %mul3A_181 : vector<16xi32>
      %and3A_183 = arith.constant 524287 : i32
      %and3A_184 = vector.broadcast %and3A_183 : i32 to vector<16xi32>
      %and3A_185 = arith.andi %xor3A_182, %and3A_184 : vector<16xi32>
      %shift_right_arithmetic3A_186 = arith.constant 2 : i32
      %shift_right_arithmetic3A_187 = vector.broadcast %shift_right_arithmetic3A_186 : i32 to vector<16xi32>
      %shift_right_arithmetic3A_188 = arith.shrsi %and3A_185, %shift_right_arithmetic3A_187 : vector<16xi32>
      %or3A_189 = arith.constant 131072 : i32
      %or3A_190 = vector.broadcast %or3A_189 : i32 to vector<16xi32>
      %or3A_191 = arith.ori %shift_right_arithmetic3A_188, %or3A_190 : vector<16xi32>
      %and3A_192 = arith.constant 3 : i32
      %and3A_193 = vector.broadcast %and3A_192 : i32 to vector<16xi32>
      %and3A_194 = arith.andi %and3A_185, %and3A_193 : vector<16xi32>
      %shift_left3A_195 = arith.constant 1 : i32
      %shift_left3A_196 = vector.broadcast %shift_left3A_195 : i32 to vector<16xi32>
      %shift_left3A_197 = arith.shli %and3A_194, %shift_left3A_196 : vector<16xi32>
      %add3A_198 = arith.constant 256 : i32
      %add3A_199 = vector.broadcast %add3A_198 : i32 to vector<16xi32>
      %add3A_200 = arith.addi %add3A_130, %add3A_199 : vector<16xi32>
      tpu.vector_store_idx %arg13[%add3A_200], %or3A_191 : memref<3072xi32, #tpu.memory_space<vmem>>[vector<16xi32>], vector<16xi32>,
      tpu.vector_store_idx %arg15[%add3A_200], %shift_left3A_197 : memref<3072xi32, #tpu.memory_space<vmem>>[vector<16xi32>], vector<16xi32>,
      %mul3A_201 = arith.constant 3.400000e+01 : f32
      %mul3A_202 = vector.broadcast %mul3A_201 : f32 to vector<16xf32>
      %mul3A_203 = arith.mulf %get3A_124, %mul3A_202 : vector<16xf32>
      %convert_element_type3A_204 = arith.fptosi %mul3A_203 : vector<16xf32> to vector<16xi32>
      %mul3A_205 = arith.constant 3.400000e+01 : f32
      %mul3A_206 = vector.broadcast %mul3A_205 : f32 to vector<16xf32>
      %mul3A_207 = arith.mulf %get3A_126, %mul3A_206 : vector<16xf32>
      %convert_element_type3A_208 = arith.fptosi %mul3A_207 : vector<16xf32> to vector<16xi32>
      %mul3A_209 = arith.constant 3.400000e+01 : f32
      %mul3A_210 = vector.broadcast %mul3A_209 : f32 to vector<16xf32>
      %mul3A_211 = arith.mulf %get3A_128, %mul3A_210 : vector<16xf32>
      %convert_element_type3A_212 = arith.fptosi %mul3A_211 : vector<16xf32> to vector<16xi32>
      %mul3A_213 = arith.constant -1640531535 : i32
      %mul3A_214 = vector.broadcast %mul3A_213 : i32 to vector<16xi32>
      %mul3A_215 = arith.muli %convert_element_type3A_208, %mul3A_214 : vector<16xi32>
      %xor3A_216 = arith.xori %convert_element_type3A_204, %mul3A_215 : vector<16xi32>
      %mul3A_217 = arith.constant 805459861 : i32
      %mul3A_218 = vector.broadcast %mul3A_217 : i32 to vector<16xi32>
      %mul3A_219 = arith.muli %convert_element_type3A_212, %mul3A_218 : vector<16xi32>
      %xor3A_220 = arith.xori %xor3A_216, %mul3A_219 : vector<16xi32>
      %and3A_221 = arith.constant 524287 : i32
      %and3A_222 = vector.broadcast %and3A_221 : i32 to vector<16xi32>
      %and3A_223 = arith.andi %xor3A_220, %and3A_222 : vector<16xi32>
      %shift_right_arithmetic3A_224 = arith.constant 2 : i32
      %shift_right_arithmetic3A_225 = vector.broadcast %shift_right_arithmetic3A_224 : i32 to vector<16xi32>
      %shift_right_arithmetic3A_226 = arith.shrsi %and3A_223, %shift_right_arithmetic3A_225 : vector<16xi32>
      %or3A_227 = arith.constant 262144 : i32
      %or3A_228 = vector.broadcast %or3A_227 : i32 to vector<16xi32>
      %or3A_229 = arith.ori %shift_right_arithmetic3A_226, %or3A_228 : vector<16xi32>
      %and3A_230 = arith.constant 3 : i32
      %and3A_231 = vector.broadcast %and3A_230 : i32 to vector<16xi32>
      %and3A_232 = arith.andi %and3A_223, %and3A_231 : vector<16xi32>
      %shift_left3A_233 = arith.constant 1 : i32
      %shift_left3A_234 = vector.broadcast %shift_left3A_233 : i32 to vector<16xi32>
      %shift_left3A_235 = arith.shli %and3A_232, %shift_left3A_234 : vector<16xi32>
      %add3A_236 = arith.constant 512 : i32
      %add3A_237 = vector.broadcast %add3A_236 : i32 to vector<16xi32>
      %add3A_238 = arith.addi %add3A_130, %add3A_237 : vector<16xi32>
      tpu.vector_store_idx %arg13[%add3A_238], %or3A_229 : memref<3072xi32, #tpu.memory_space<vmem>>[vector<16xi32>], vector<16xi32>,
      tpu.vector_store_idx %arg15[%add3A_238], %shift_left3A_235 : memref<3072xi32, #tpu.memory_space<vmem>>[vector<16xi32>], vector<16xi32>,
      %mul3A_239 = arith.constant 4.900000e+01 : f32
      %mul3A_240 = vector.broadcast %mul3A_239 : f32 to vector<16xf32>
      %mul3A_241 = arith.mulf %get3A_124, %mul3A_240 : vector<16xf32>
      %convert_element_type3A_242 = arith.fptosi %mul3A_241 : vector<16xf32> to vector<16xi32>
      %mul3A_243 = arith.constant 4.900000e+01 : f32
      %mul3A_244 = vector.broadcast %mul3A_243 : f32 to vector<16xf32>
      %mul3A_245 = arith.mulf %get3A_126, %mul3A_244 : vector<16xf32>
      %convert_element_type3A_246 = arith.fptosi %mul3A_245 : vector<16xf32> to vector<16xi32>
      %mul3A_247 = arith.constant 4.900000e+01 : f32
      %mul3A_248 = vector.broadcast %mul3A_247 : f32 to vector<16xf32>
      %mul3A_249 = arith.mulf %get3A_128, %mul3A_248 : vector<16xf32>
      %convert_element_type3A_250 = arith.fptosi %mul3A_249 : vector<16xf32> to vector<16xi32>
      %mul3A_251 = arith.constant -1640531535 : i32
      %mul3A_252 = vector.broadcast %mul3A_251 : i32 to vector<16xi32>
      %mul3A_253 = arith.muli %convert_element_type3A_246, %mul3A_252 : vector<16xi32>
      %xor3A_254 = arith.xori %convert_element_type3A_242, %mul3A_253 : vector<16xi32>
      %mul3A_255 = arith.constant 805459861 : i32
      %mul3A_256 = vector.broadcast %mul3A_255 : i32 to vector<16xi32>
      %mul3A_257 = arith.muli %convert_element_type3A_250, %mul3A_256 : vector<16xi32>
      %xor3A_258 = arith.xori %xor3A_254, %mul3A_257 : vector<16xi32>
      %and3A_259 = arith.constant 524287 : i32
      %and3A_260 = vector.broadcast %and3A_259 : i32 to vector<16xi32>
      %and3A_261 = arith.andi %xor3A_258, %and3A_260 : vector<16xi32>
      %shift_right_arithmetic3A_262 = arith.constant 2 : i32
      %shift_right_arithmetic3A_263 = vector.broadcast %shift_right_arithmetic3A_262 : i32 to vector<16xi32>
      %shift_right_arithmetic3A_264 = arith.shrsi %and3A_261, %shift_right_arithmetic3A_263 : vector<16xi32>
      %or3A_265 = arith.constant 393216 : i32
      %or3A_266 = vector.broadcast %or3A_265 : i32 to vector<16xi32>
      %or3A_267 = arith.ori %shift_right_arithmetic3A_264, %or3A_266 : vector<16xi32>
      %and3A_268 = arith.constant 3 : i32
      %and3A_269 = vector.broadcast %and3A_268 : i32 to vector<16xi32>
      %and3A_270 = arith.andi %and3A_261, %and3A_269 : vector<16xi32>
      %shift_left3A_271 = arith.constant 1 : i32
      %shift_left3A_272 = vector.broadcast %shift_left3A_271 : i32 to vector<16xi32>
      %shift_left3A_273 = arith.shli %and3A_270, %shift_left3A_272 : vector<16xi32>
      %add3A_274 = arith.constant 768 : i32
      %add3A_275 = vector.broadcast %add3A_274 : i32 to vector<16xi32>
      %add3A_276 = arith.addi %add3A_130, %add3A_275 : vector<16xi32>
      tpu.vector_store_idx %arg13[%add3A_276], %or3A_267 : memref<3072xi32, #tpu.memory_space<vmem>>[vector<16xi32>], vector<16xi32>,
      tpu.vector_store_idx %arg15[%add3A_276], %shift_left3A_273 : memref<3072xi32, #tpu.memory_space<vmem>>[vector<16xi32>], vector<16xi32>,
      %mul3A_277 = arith.constant 7.200000e+01 : f32
      %mul3A_278 = vector.broadcast %mul3A_277 : f32 to vector<16xf32>
      %mul3A_279 = arith.mulf %get3A_124, %mul3A_278 : vector<16xf32>
      %convert_element_type3A_280 = arith.fptosi %mul3A_279 : vector<16xf32> to vector<16xi32>
      %mul3A_281 = arith.constant 7.200000e+01 : f32
      %mul3A_282 = vector.broadcast %mul3A_281 : f32 to vector<16xf32>
      %mul3A_283 = arith.mulf %get3A_126, %mul3A_282 : vector<16xf32>
      %convert_element_type3A_284 = arith.fptosi %mul3A_283 : vector<16xf32> to vector<16xi32>
      %mul3A_285 = arith.constant 7.200000e+01 : f32
      %mul3A_286 = vector.broadcast %mul3A_285 : f32 to vector<16xf32>
      %mul3A_287 = arith.mulf %get3A_128, %mul3A_286 : vector<16xf32>
      %convert_element_type3A_288 = arith.fptosi %mul3A_287 : vector<16xf32> to vector<16xi32>
      %mul3A_289 = arith.constant -1640531535 : i32
      %mul3A_290 = vector.broadcast %mul3A_289 : i32 to vector<16xi32>
      %mul3A_291 = arith.muli %convert_element_type3A_284, %mul3A_290 : vector<16xi32>
      %xor3A_292 = arith.xori %convert_element_type3A_280, %mul3A_291 : vector<16xi32>
      %mul3A_293 = arith.constant 805459861 : i32
      %mul3A_294 = vector.broadcast %mul3A_293 : i32 to vector<16xi32>
      %mul3A_295 = arith.muli %convert_element_type3A_288, %mul3A_294 : vector<16xi32>
      %xor3A_296 = arith.xori %xor3A_292, %mul3A_295 : vector<16xi32>
      %and3A_297 = arith.constant 524287 : i32
      %and3A_298 = vector.broadcast %and3A_297 : i32 to vector<16xi32>
      %and3A_299 = arith.andi %xor3A_296, %and3A_298 : vector<16xi32>
      %shift_right_arithmetic3A_300 = arith.constant 2 : i32
      %shift_right_arithmetic3A_301 = vector.broadcast %shift_right_arithmetic3A_300 : i32 to vector<16xi32>
      %shift_right_arithmetic3A_302 = arith.shrsi %and3A_299, %shift_right_arithmetic3A_301 : vector<16xi32>
      %or3A_303 = arith.constant 524288 : i32
      %or3A_304 = vector.broadcast %or3A_303 : i32 to vector<16xi32>
      %or3A_305 = arith.ori %shift_right_arithmetic3A_302, %or3A_304 : vector<16xi32>
      %and3A_306 = arith.constant 3 : i32
      %and3A_307 = vector.broadcast %and3A_306 : i32 to vector<16xi32>
      %and3A_308 = arith.andi %and3A_299, %and3A_307 : vector<16xi32>
      %shift_left3A_309 = arith.constant 1 : i32
      %shift_left3A_310 = vector.broadcast %shift_left3A_309 : i32 to vector<16xi32>
      %shift_left3A_311 = arith.shli %and3A_308, %shift_left3A_310 : vector<16xi32>
      %add3A_312 = arith.constant 1024 : i32
      %add3A_313 = vector.broadcast %add3A_312 : i32 to vector<16xi32>
      %add3A_314 = arith.addi %add3A_130, %add3A_313 : vector<16xi32>
      tpu.vector_store_idx %arg13[%add3A_314], %or3A_305 : memref<3072xi32, #tpu.memory_space<vmem>>[vector<16xi32>], vector<16xi32>,
      tpu.vector_store_idx %arg15[%add3A_314], %shift_left3A_311 : memref<3072xi32, #tpu.memory_space<vmem>>[vector<16xi32>], vector<16xi32>,
      %mul3A_315 = arith.constant 1.050000e+02 : f32
      %mul3A_316 = vector.broadcast %mul3A_315 : f32 to vector<16xf32>
      %mul3A_317 = arith.mulf %get3A_124, %mul3A_316 : vector<16xf32>
      %convert_element_type3A_318 = arith.fptosi %mul3A_317 : vector<16xf32> to vector<16xi32>
      %mul3A_319 = arith.constant 1.050000e+02 : f32
      %mul3A_320 = vector.broadcast %mul3A_319 : f32 to vector<16xf32>
      %mul3A_321 = arith.mulf %get3A_126, %mul3A_320 : vector<16xf32>
      %convert_element_type3A_322 = arith.fptosi %mul3A_321 : vector<16xf32> to vector<16xi32>
      %mul3A_323 = arith.constant 1.050000e+02 : f32
      %mul3A_324 = vector.broadcast %mul3A_323 : f32 to vector<16xf32>
      %mul3A_325 = arith.mulf %get3A_128, %mul3A_324 : vector<16xf32>
      %convert_element_type3A_326 = arith.fptosi %mul3A_325 : vector<16xf32> to vector<16xi32>
      %mul3A_327 = arith.constant -1640531535 : i32
      %mul3A_328 = vector.broadcast %mul3A_327 : i32 to vector<16xi32>
      %mul3A_329 = arith.muli %convert_element_type3A_322, %mul3A_328 : vector<16xi32>
      %xor3A_330 = arith.xori %convert_element_type3A_318, %mul3A_329 : vector<16xi32>
      %mul3A_331 = arith.constant 805459861 : i32
      %mul3A_332 = vector.broadcast %mul3A_331 : i32 to vector<16xi32>
      %mul3A_333 = arith.muli %convert_element_type3A_326, %mul3A_332 : vector<16xi32>
      %xor3A_334 = arith.xori %xor3A_330, %mul3A_333 : vector<16xi32>
      %and3A_335 = arith.constant 524287 : i32
      %and3A_336 = vector.broadcast %and3A_335 : i32 to vector<16xi32>
      %and3A_337 = arith.andi %xor3A_334, %and3A_336 : vector<16xi32>
      %shift_right_arithmetic3A_338 = arith.constant 2 : i32
      %shift_right_arithmetic3A_339 = vector.broadcast %shift_right_arithmetic3A_338 : i32 to vector<16xi32>
      %shift_right_arithmetic3A_340 = arith.shrsi %and3A_337, %shift_right_arithmetic3A_339 : vector<16xi32>
      %or3A_341 = arith.constant 655360 : i32
      %or3A_342 = vector.broadcast %or3A_341 : i32 to vector<16xi32>
      %or3A_343 = arith.ori %shift_right_arithmetic3A_340, %or3A_342 : vector<16xi32>
      %and3A_344 = arith.constant 3 : i32
      %and3A_345 = vector.broadcast %and3A_344 : i32 to vector<16xi32>
      %and3A_346 = arith.andi %and3A_337, %and3A_345 : vector<16xi32>
      %shift_left3A_347 = arith.constant 1 : i32
      %shift_left3A_348 = vector.broadcast %shift_left3A_347 : i32 to vector<16xi32>
      %shift_left3A_349 = arith.shli %and3A_346, %shift_left3A_348 : vector<16xi32>
      %add3A_350 = arith.constant 1280 : i32
      %add3A_351 = vector.broadcast %add3A_350 : i32 to vector<16xi32>
      %add3A_352 = arith.addi %add3A_130, %add3A_351 : vector<16xi32>
      tpu.vector_store_idx %arg13[%add3A_352], %or3A_343 : memref<3072xi32, #tpu.memory_space<vmem>>[vector<16xi32>], vector<16xi32>,
      tpu.vector_store_idx %arg15[%add3A_352], %shift_left3A_349 : memref<3072xi32, #tpu.memory_space<vmem>>[vector<16xi32>], vector<16xi32>,
      %mul3A_353 = arith.constant 1.540000e+02 : f32
      %mul3A_354 = vector.broadcast %mul3A_353 : f32 to vector<16xf32>
      %mul3A_355 = arith.mulf %get3A_124, %mul3A_354 : vector<16xf32>
      %convert_element_type3A_356 = arith.fptosi %mul3A_355 : vector<16xf32> to vector<16xi32>
      %mul3A_357 = arith.constant 1.540000e+02 : f32
      %mul3A_358 = vector.broadcast %mul3A_357 : f32 to vector<16xf32>
      %mul3A_359 = arith.mulf %get3A_126, %mul3A_358 : vector<16xf32>
      %convert_element_type3A_360 = arith.fptosi %mul3A_359 : vector<16xf32> to vector<16xi32>
      %mul3A_361 = arith.constant 1.540000e+02 : f32
      %mul3A_362 = vector.broadcast %mul3A_361 : f32 to vector<16xf32>
      %mul3A_363 = arith.mulf %get3A_128, %mul3A_362 : vector<16xf32>
      %convert_element_type3A_364 = arith.fptosi %mul3A_363 : vector<16xf32> to vector<16xi32>
      %mul3A_365 = arith.constant -1640531535 : i32
      %mul3A_366 = vector.broadcast %mul3A_365 : i32 to vector<16xi32>
      %mul3A_367 = arith.muli %convert_element_type3A_360, %mul3A_366 : vector<16xi32>
      %xor3A_368 = arith.xori %convert_element_type3A_356, %mul3A_367 : vector<16xi32>
      %mul3A_369 = arith.constant 805459861 : i32
      %mul3A_370 = vector.broadcast %mul3A_369 : i32 to vector<16xi32>
      %mul3A_371 = arith.muli %convert_element_type3A_364, %mul3A_370 : vector<16xi32>
      %xor3A_372 = arith.xori %xor3A_368, %mul3A_371 : vector<16xi32>
      %and3A_373 = arith.constant 524287 : i32
      %and3A_374 = vector.broadcast %and3A_373 : i32 to vector<16xi32>
      %and3A_375 = arith.andi %xor3A_372, %and3A_374 : vector<16xi32>
      %shift_right_arithmetic3A_376 = arith.constant 2 : i32
      %shift_right_arithmetic3A_377 = vector.broadcast %shift_right_arithmetic3A_376 : i32 to vector<16xi32>
      %shift_right_arithmetic3A_378 = arith.shrsi %and3A_375, %shift_right_arithmetic3A_377 : vector<16xi32>
      %or3A_379 = arith.constant 786432 : i32
      %or3A_380 = vector.broadcast %or3A_379 : i32 to vector<16xi32>
      %or3A_381 = arith.ori %shift_right_arithmetic3A_378, %or3A_380 : vector<16xi32>
      %and3A_382 = arith.constant 3 : i32
      %and3A_383 = vector.broadcast %and3A_382 : i32 to vector<16xi32>
      %and3A_384 = arith.andi %and3A_375, %and3A_383 : vector<16xi32>
      %shift_left3A_385 = arith.constant 1 : i32
      %shift_left3A_386 = vector.broadcast %shift_left3A_385 : i32 to vector<16xi32>
      %shift_left3A_387 = arith.shli %and3A_384, %shift_left3A_386 : vector<16xi32>
      %add3A_388 = arith.constant 1536 : i32
      %add3A_389 = vector.broadcast %add3A_388 : i32 to vector<16xi32>
      %add3A_390 = arith.addi %add3A_130, %add3A_389 : vector<16xi32>
      tpu.vector_store_idx %arg13[%add3A_390], %or3A_381 : memref<3072xi32, #tpu.memory_space<vmem>>[vector<16xi32>], vector<16xi32>,
      tpu.vector_store_idx %arg15[%add3A_390], %shift_left3A_387 : memref<3072xi32, #tpu.memory_space<vmem>>[vector<16xi32>], vector<16xi32>,
      %mul3A_391 = arith.constant 2.250000e+02 : f32
      %mul3A_392 = vector.broadcast %mul3A_391 : f32 to vector<16xf32>
      %mul3A_393 = arith.mulf %get3A_124, %mul3A_392 : vector<16xf32>
      %convert_element_type3A_394 = arith.fptosi %mul3A_393 : vector<16xf32> to vector<16xi32>
      %mul3A_395 = arith.constant 2.250000e+02 : f32
      %mul3A_396 = vector.broadcast %mul3A_395 : f32 to vector<16xf32>
      %mul3A_397 = arith.mulf %get3A_126, %mul3A_396 : vector<16xf32>
      %convert_element_type3A_398 = arith.fptosi %mul3A_397 : vector<16xf32> to vector<16xi32>
      %mul3A_399 = arith.constant 2.250000e+02 : f32
      %mul3A_400 = vector.broadcast %mul3A_399 : f32 to vector<16xf32>
      %mul3A_401 = arith.mulf %get3A_128, %mul3A_400 : vector<16xf32>
      %convert_element_type3A_402 = arith.fptosi %mul3A_401 : vector<16xf32> to vector<16xi32>
      %mul3A_403 = arith.constant -1640531535 : i32
      %mul3A_404 = vector.broadcast %mul3A_403 : i32 to vector<16xi32>
      %mul3A_405 = arith.muli %convert_element_type3A_398, %mul3A_404 : vector<16xi32>
      %xor3A_406 = arith.xori %convert_element_type3A_394, %mul3A_405 : vector<16xi32>
      %mul3A_407 = arith.constant 805459861 : i32
      %mul3A_408 = vector.broadcast %mul3A_407 : i32 to vector<16xi32>
      %mul3A_409 = arith.muli %convert_element_type3A_402, %mul3A_408 : vector<16xi32>
      %xor3A_410 = arith.xori %xor3A_406, %mul3A_409 : vector<16xi32>
      %and3A_411 = arith.constant 524287 : i32
      %and3A_412 = vector.broadcast %and3A_411 : i32 to vector<16xi32>
      %and3A_413 = arith.andi %xor3A_410, %and3A_412 : vector<16xi32>
      %shift_right_arithmetic3A_414 = arith.constant 2 : i32
      %shift_right_arithmetic3A_415 = vector.broadcast %shift_right_arithmetic3A_414 : i32 to vector<16xi32>
      %shift_right_arithmetic3A_416 = arith.shrsi %and3A_413, %shift_right_arithmetic3A_415 : vector<16xi32>
      %or3A_417 = arith.constant 917504 : i32
      %or3A_418 = vector.broadcast %or3A_417 : i32 to vector<16xi32>
      %or3A_419 = arith.ori %shift_right_arithmetic3A_416, %or3A_418 : vector<16xi32>
      %and3A_420 = arith.constant 3 : i32
      %and3A_421 = vector.broadcast %and3A_420 : i32 to vector<16xi32>
      %and3A_422 = arith.andi %and3A_413, %and3A_421 : vector<16xi32>
      %shift_left3A_423 = arith.constant 1 : i32
      %shift_left3A_424 = vector.broadcast %shift_left3A_423 : i32 to vector<16xi32>
      %shift_left3A_425 = arith.shli %and3A_422, %shift_left3A_424 : vector<16xi32>
      %add3A_426 = arith.constant 1792 : i32
      %add3A_427 = vector.broadcast %add3A_426 : i32 to vector<16xi32>
      %add3A_428 = arith.addi %add3A_130, %add3A_427 : vector<16xi32>
      tpu.vector_store_idx %arg13[%add3A_428], %or3A_419 : memref<3072xi32, #tpu.memory_space<vmem>>[vector<16xi32>], vector<16xi32>,
      tpu.vector_store_idx %arg15[%add3A_428], %shift_left3A_425 : memref<3072xi32, #tpu.memory_space<vmem>>[vector<16xi32>], vector<16xi32>,
      %mul3A_429 = arith.constant 3.290000e+02 : f32
      %mul3A_430 = vector.broadcast %mul3A_429 : f32 to vector<16xf32>
      %mul3A_431 = arith.mulf %get3A_124, %mul3A_430 : vector<16xf32>
      %convert_element_type3A_432 = arith.fptosi %mul3A_431 : vector<16xf32> to vector<16xi32>
      %mul3A_433 = arith.constant 3.290000e+02 : f32
      %mul3A_434 = vector.broadcast %mul3A_433 : f32 to vector<16xf32>
      %mul3A_435 = arith.mulf %get3A_126, %mul3A_434 : vector<16xf32>
      %convert_element_type3A_436 = arith.fptosi %mul3A_435 : vector<16xf32> to vector<16xi32>
      %mul3A_437 = arith.constant 3.290000e+02 : f32
      %mul3A_438 = vector.broadcast %mul3A_437 : f32 to vector<16xf32>
      %mul3A_439 = arith.mulf %get3A_128, %mul3A_438 : vector<16xf32>
      %convert_element_type3A_440 = arith.fptosi %mul3A_439 : vector<16xf32> to vector<16xi32>
      %mul3A_441 = arith.constant -1640531535 : i32
      %mul3A_442 = vector.broadcast %mul3A_441 : i32 to vector<16xi32>
      %mul3A_443 = arith.muli %convert_element_type3A_436, %mul3A_442 : vector<16xi32>
      %xor3A_444 = arith.xori %convert_element_type3A_432, %mul3A_443 : vector<16xi32>
      %mul3A_445 = arith.constant 805459861 : i32
      %mul3A_446 = vector.broadcast %mul3A_445 : i32 to vector<16xi32>
      %mul3A_447 = arith.muli %convert_element_type3A_440, %mul3A_446 : vector<16xi32>
      %xor3A_448 = arith.xori %xor3A_444, %mul3A_447 : vector<16xi32>
      %and3A_449 = arith.constant 524287 : i32
      %and3A_450 = vector.broadcast %and3A_449 : i32 to vector<16xi32>
      %and3A_451 = arith.andi %xor3A_448, %and3A_450 : vector<16xi32>
      %shift_right_arithmetic3A_452 = arith.constant 2 : i32
      %shift_right_arithmetic3A_453 = vector.broadcast %shift_right_arithmetic3A_452 : i32 to vector<16xi32>
      %shift_right_arithmetic3A_454 = arith.shrsi %and3A_451, %shift_right_arithmetic3A_453 : vector<16xi32>
      %or3A_455 = arith.constant 1048576 : i32
      %or3A_456 = vector.broadcast %or3A_455 : i32 to vector<16xi32>
      %or3A_457 = arith.ori %shift_right_arithmetic3A_454, %or3A_456 : vector<16xi32>
      %and3A_458 = arith.constant 3 : i32
      %and3A_459 = vector.broadcast %and3A_458 : i32 to vector<16xi32>
      %and3A_460 = arith.andi %and3A_451, %and3A_459 : vector<16xi32>
      %shift_left3A_461 = arith.constant 1 : i32
      %shift_left3A_462 = vector.broadcast %shift_left3A_461 : i32 to vector<16xi32>
      %shift_left3A_463 = arith.shli %and3A_460, %shift_left3A_462 : vector<16xi32>
      %add3A_464 = arith.constant 2048 : i32
      %add3A_465 = vector.broadcast %add3A_464 : i32 to vector<16xi32>
      %add3A_466 = arith.addi %add3A_130, %add3A_465 : vector<16xi32>
      tpu.vector_store_idx %arg13[%add3A_466], %or3A_457 : memref<3072xi32, #tpu.memory_space<vmem>>[vector<16xi32>], vector<16xi32>,
      tpu.vector_store_idx %arg15[%add3A_466], %shift_left3A_463 : memref<3072xi32, #tpu.memory_space<vmem>>[vector<16xi32>], vector<16xi32>,
      %mul3A_467 = arith.constant 4.800000e+02 : f32
      %mul3A_468 = vector.broadcast %mul3A_467 : f32 to vector<16xf32>
      %mul3A_469 = arith.mulf %get3A_124, %mul3A_468 : vector<16xf32>
      %convert_element_type3A_470 = arith.fptosi %mul3A_469 : vector<16xf32> to vector<16xi32>
      %mul3A_471 = arith.constant 4.800000e+02 : f32
      %mul3A_472 = vector.broadcast %mul3A_471 : f32 to vector<16xf32>
      %mul3A_473 = arith.mulf %get3A_126, %mul3A_472 : vector<16xf32>
      %convert_element_type3A_474 = arith.fptosi %mul3A_473 : vector<16xf32> to vector<16xi32>
      %mul3A_475 = arith.constant 4.800000e+02 : f32
      %mul3A_476 = vector.broadcast %mul3A_475 : f32 to vector<16xf32>
      %mul3A_477 = arith.mulf %get3A_128, %mul3A_476 : vector<16xf32>
      %convert_element_type3A_478 = arith.fptosi %mul3A_477 : vector<16xf32> to vector<16xi32>
      %mul3A_479 = arith.constant -1640531535 : i32
      %mul3A_480 = vector.broadcast %mul3A_479 : i32 to vector<16xi32>
      %mul3A_481 = arith.muli %convert_element_type3A_474, %mul3A_480 : vector<16xi32>
      %xor3A_482 = arith.xori %convert_element_type3A_470, %mul3A_481 : vector<16xi32>
      %mul3A_483 = arith.constant 805459861 : i32
      %mul3A_484 = vector.broadcast %mul3A_483 : i32 to vector<16xi32>
      %mul3A_485 = arith.muli %convert_element_type3A_478, %mul3A_484 : vector<16xi32>
      %xor3A_486 = arith.xori %xor3A_482, %mul3A_485 : vector<16xi32>
      %and3A_487 = arith.constant 524287 : i32
      %and3A_488 = vector.broadcast %and3A_487 : i32 to vector<16xi32>
      %and3A_489 = arith.andi %xor3A_486, %and3A_488 : vector<16xi32>
      %shift_right_arithmetic3A_490 = arith.constant 2 : i32
      %shift_right_arithmetic3A_491 = vector.broadcast %shift_right_arithmetic3A_490 : i32 to vector<16xi32>
      %shift_right_arithmetic3A_492 = arith.shrsi %and3A_489, %shift_right_arithmetic3A_491 : vector<16xi32>
      %or3A_493 = arith.constant 1179648 : i32
      %or3A_494 = vector.broadcast %or3A_493 : i32 to vector<16xi32>
      %or3A_495 = arith.ori %shift_right_arithmetic3A_492, %or3A_494 : vector<16xi32>
      %and3A_496 = arith.constant 3 : i32
      %and3A_497 = vector.broadcast %and3A_496 : i32 to vector<16xi32>
      %and3A_498 = arith.andi %and3A_489, %and3A_497 : vector<16xi32>
      %shift_left3A_499 = arith.constant 1 : i32
      %shift_left3A_500 = vector.broadcast %shift_left3A_499 : i32 to vector<16xi32>
      %shift_left3A_501 = arith.shli %and3A_498, %shift_left3A_500 : vector<16xi32>
      %add3A_502 = arith.constant 2304 : i32
      %add3A_503 = vector.broadcast %add3A_502 : i32 to vector<16xi32>
      %add3A_504 = arith.addi %add3A_130, %add3A_503 : vector<16xi32>
      tpu.vector_store_idx %arg13[%add3A_504], %or3A_495 : memref<3072xi32, #tpu.memory_space<vmem>>[vector<16xi32>], vector<16xi32>,
      tpu.vector_store_idx %arg15[%add3A_504], %shift_left3A_501 : memref<3072xi32, #tpu.memory_space<vmem>>[vector<16xi32>], vector<16xi32>,
      %mul3A_505 = arith.constant 7.010000e+02 : f32
      %mul3A_506 = vector.broadcast %mul3A_505 : f32 to vector<16xf32>
      %mul3A_507 = arith.mulf %get3A_124, %mul3A_506 : vector<16xf32>
      %convert_element_type3A_508 = arith.fptosi %mul3A_507 : vector<16xf32> to vector<16xi32>
      %mul3A_509 = arith.constant 7.010000e+02 : f32
      %mul3A_510 = vector.broadcast %mul3A_509 : f32 to vector<16xf32>
      %mul3A_511 = arith.mulf %get3A_126, %mul3A_510 : vector<16xf32>
      %convert_element_type3A_512 = arith.fptosi %mul3A_511 : vector<16xf32> to vector<16xi32>
      %mul3A_513 = arith.constant 7.010000e+02 : f32
      %mul3A_514 = vector.broadcast %mul3A_513 : f32 to vector<16xf32>
      %mul3A_515 = arith.mulf %get3A_128, %mul3A_514 : vector<16xf32>
      %convert_element_type3A_516 = arith.fptosi %mul3A_515 : vector<16xf32> to vector<16xi32>
      %mul3A_517 = arith.constant -1640531535 : i32
      %mul3A_518 = vector.broadcast %mul3A_517 : i32 to vector<16xi32>
      %mul3A_519 = arith.muli %convert_element_type3A_512, %mul3A_518 : vector<16xi32>
      %xor3A_520 = arith.xori %convert_element_type3A_508, %mul3A_519 : vector<16xi32>
      %mul3A_521 = arith.constant 805459861 : i32
      %mul3A_522 = vector.broadcast %mul3A_521 : i32 to vector<16xi32>
      %mul3A_523 = arith.muli %convert_element_type3A_516, %mul3A_522 : vector<16xi32>
      %xor3A_524 = arith.xori %xor3A_520, %mul3A_523 : vector<16xi32>
      %and3A_525 = arith.constant 524287 : i32
      %and3A_526 = vector.broadcast %and3A_525 : i32 to vector<16xi32>
      %and3A_527 = arith.andi %xor3A_524, %and3A_526 : vector<16xi32>
      %shift_right_arithmetic3A_528 = arith.constant 2 : i32
      %shift_right_arithmetic3A_529 = vector.broadcast %shift_right_arithmetic3A_528 : i32 to vector<16xi32>
      %shift_right_arithmetic3A_530 = arith.shrsi %and3A_527, %shift_right_arithmetic3A_529 : vector<16xi32>
      %or3A_531 = arith.constant 1310720 : i32
      %or3A_532 = vector.broadcast %or3A_531 : i32 to vector<16xi32>
      %or3A_533 = arith.ori %shift_right_arithmetic3A_530, %or3A_532 : vector<16xi32>
      %and3A_534 = arith.constant 3 : i32
      %and3A_535 = vector.broadcast %and3A_534 : i32 to vector<16xi32>
      %and3A_536 = arith.andi %and3A_527, %and3A_535 : vector<16xi32>
      %shift_left3A_537 = arith.constant 1 : i32
      %shift_left3A_538 = vector.broadcast %shift_left3A_537 : i32 to vector<16xi32>
      %shift_left3A_539 = arith.shli %and3A_536, %shift_left3A_538 : vector<16xi32>
      %add3A_540 = arith.constant 2560 : i32
      %add3A_541 = vector.broadcast %add3A_540 : i32 to vector<16xi32>
      %add3A_542 = arith.addi %add3A_130, %add3A_541 : vector<16xi32>
      tpu.vector_store_idx %arg13[%add3A_542], %or3A_533 : memref<3072xi32, #tpu.memory_space<vmem>>[vector<16xi32>], vector<16xi32>,
      tpu.vector_store_idx %arg15[%add3A_542], %shift_left3A_539 : memref<3072xi32, #tpu.memory_space<vmem>>[vector<16xi32>], vector<16xi32>,
      %mul3A_543 = arith.constant 1.024000e+03 : f32
      %mul3A_544 = vector.broadcast %mul3A_543 : f32 to vector<16xf32>
      %mul3A_545 = arith.mulf %get3A_124, %mul3A_544 : vector<16xf32>
      %convert_element_type3A_546 = arith.fptosi %mul3A_545 : vector<16xf32> to vector<16xi32>
      %mul3A_547 = arith.constant 1.024000e+03 : f32
      %mul3A_548 = vector.broadcast %mul3A_547 : f32 to vector<16xf32>
      %mul3A_549 = arith.mulf %get3A_126, %mul3A_548 : vector<16xf32>
      %convert_element_type3A_550 = arith.fptosi %mul3A_549 : vector<16xf32> to vector<16xi32>
      %mul3A_551 = arith.constant 1.024000e+03 : f32
      %mul3A_552 = vector.broadcast %mul3A_551 : f32 to vector<16xf32>
      %mul3A_553 = arith.mulf %get3A_128, %mul3A_552 : vector<16xf32>
      %convert_element_type3A_554 = arith.fptosi %mul3A_553 : vector<16xf32> to vector<16xi32>
      %mul3A_555 = arith.constant -1640531535 : i32
      %mul3A_556 = vector.broadcast %mul3A_555 : i32 to vector<16xi32>
      %mul3A_557 = arith.muli %convert_element_type3A_550, %mul3A_556 : vector<16xi32>
      %xor3A_558 = arith.xori %convert_element_type3A_546, %mul3A_557 : vector<16xi32>
      %mul3A_559 = arith.constant 805459861 : i32
      %mul3A_560 = vector.broadcast %mul3A_559 : i32 to vector<16xi32>
      %mul3A_561 = arith.muli %convert_element_type3A_554, %mul3A_560 : vector<16xi32>
      %xor3A_562 = arith.xori %xor3A_558, %mul3A_561 : vector<16xi32>
      %and3A_563 = arith.constant 524287 : i32
      %and3A_564 = vector.broadcast %and3A_563 : i32 to vector<16xi32>
      %and3A_565 = arith.andi %xor3A_562, %and3A_564 : vector<16xi32>
      %shift_right_arithmetic3A_566 = arith.constant 2 : i32
      %shift_right_arithmetic3A_567 = vector.broadcast %shift_right_arithmetic3A_566 : i32 to vector<16xi32>
      %shift_right_arithmetic3A_568 = arith.shrsi %and3A_565, %shift_right_arithmetic3A_567 : vector<16xi32>
      %or3A_569 = arith.constant 1441792 : i32
      %or3A_570 = vector.broadcast %or3A_569 : i32 to vector<16xi32>
      %or3A_571 = arith.ori %shift_right_arithmetic3A_568, %or3A_570 : vector<16xi32>
      %and3A_572 = arith.constant 3 : i32
      %and3A_573 = vector.broadcast %and3A_572 : i32 to vector<16xi32>
      %and3A_574 = arith.andi %and3A_565, %and3A_573 : vector<16xi32>
      %shift_left3A_575 = arith.constant 1 : i32
      %shift_left3A_576 = vector.broadcast %shift_left3A_575 : i32 to vector<16xi32>
      %shift_left3A_577 = arith.shli %and3A_574, %shift_left3A_576 : vector<16xi32>
      %add3A_578 = arith.constant 2816 : i32
      %add3A_579 = vector.broadcast %add3A_578 : i32 to vector<16xi32>
      %add3A_580 = arith.addi %add3A_130, %add3A_579 : vector<16xi32>
      tpu.vector_store_idx %arg13[%add3A_580], %or3A_571 : memref<3072xi32, #tpu.memory_space<vmem>>[vector<16xi32>], vector<16xi32>,
      tpu.vector_store_idx %arg15[%add3A_580], %shift_left3A_577 : memref<3072xi32, #tpu.memory_space<vmem>>[vector<16xi32>], vector<16xi32>,
    }
    %while3A_33 = arith.constant 1 : i32
    scf.for %while3A_121 = %while3A_31 to %while3A_27 step %while3A_33  : i32 {
      %mul3A_122 = arith.muli %while3A_121, %while3A : i32
      %add3A_123 = arith.addi %mul3A_4, %mul3A_122 : i32
      %get3A = arith.index_cast %add3A_123 : i32 to index
      %get3A_124 = tpu.vector_load %arg7[%get3A] {strides = array<i32>} : memref<256xf32, #tpu.memory_space<vmem>>, vector<16xf32>,
      %get3A_125 = arith.index_cast %add3A_123 : i32 to index
      %get3A_126 = tpu.vector_load %arg8[%get3A_125] {strides = array<i32>} : memref<256xf32, #tpu.memory_space<vmem>>, vector<16xf32>,
      %get3A_127 = arith.index_cast %add3A_123 : i32 to index
      %get3A_128 = tpu.vector_load %arg9[%get3A_127] {strides = array<i32>} : memref<256xf32, #tpu.memory_space<vmem>>, vector<16xf32>,
      %add3A_129 = vector.broadcast %add3A_123 : i32 to vector<16xi32>
      %add3A_130 = arith.addi %iota3A, %add3A_129 : vector<16xi32>
      %mul3A_131 = arith.constant 1.600000e+01 : f32
      %mul3A_132 = vector.broadcast %mul3A_131 : f32 to vector<16xf32>
      %mul3A_133 = arith.mulf %get3A_124, %mul3A_132 : vector<16xf32>
      %convert_element_type3A = arith.fptosi %mul3A_133 : vector<16xf32> to vector<16xi32>
      %mul3A_134 = arith.constant 1.600000e+01 : f32
      %mul3A_135 = vector.broadcast %mul3A_134 : f32 to vector<16xf32>
      %mul3A_136 = arith.mulf %get3A_126, %mul3A_135 : vector<16xf32>
      %convert_element_type3A_137 = arith.fptosi %mul3A_136 : vector<16xf32> to vector<16xi32>
      %mul3A_138 = arith.constant 1.600000e+01 : f32
      %mul3A_139 = vector.broadcast %mul3A_138 : f32 to vector<16xf32>
      %mul3A_140 = arith.mulf %get3A_128, %mul3A_139 : vector<16xf32>
      %convert_element_type3A_141 = arith.fptosi %mul3A_140 : vector<16xf32> to vector<16xi32>
      %mul3A_142 = arith.constant -1640531535 : i32
      %mul3A_143 = vector.broadcast %mul3A_142 : i32 to vector<16xi32>
      %mul3A_144 = arith.muli %convert_element_type3A_137, %mul3A_143 : vector<16xi32>
      %xor3A = arith.xori %convert_element_type3A, %mul3A_144 : vector<16xi32>
      %mul3A_145 = arith.constant 805459861 : i32
      %mul3A_146 = vector.broadcast %mul3A_145 : i32 to vector<16xi32>
      %mul3A_147 = arith.muli %convert_element_type3A_141, %mul3A_146 : vector<16xi32>
      %xor3A_148 = arith.xori %xor3A, %mul3A_147 : vector<16xi32>
      %and3A = arith.constant 524287 : i32
      %and3A_149 = vector.broadcast %and3A : i32 to vector<16xi32>
      %and3A_150 = arith.andi %xor3A_148, %and3A_149 : vector<16xi32>
      %shift_right_arithmetic3A = arith.constant 2 : i32
      %shift_right_arithmetic3A_151 = vector.broadcast %shift_right_arithmetic3A : i32 to vector<16xi32>
      %shift_right_arithmetic3A_152 = arith.shrsi %and3A_150, %shift_right_arithmetic3A_151 : vector<16xi32>
      %or3A = arith.constant 0 : i32
      %or3A_153 = vector.broadcast %or3A : i32 to vector<16xi32>
      %or3A_154 = arith.ori %shift_right_arithmetic3A_152, %or3A_153 : vector<16xi32>
      %and3A_155 = arith.constant 3 : i32
      %and3A_156 = vector.broadcast %and3A_155 : i32 to vector<16xi32>
      %and3A_157 = arith.andi %and3A_150, %and3A_156 : vector<16xi32>
      %shift_left3A = arith.constant 1 : i32
      %shift_left3A_158 = vector.broadcast %shift_left3A : i32 to vector<16xi32>
      %shift_left3A_159 = arith.shli %and3A_157, %shift_left3A_158 : vector<16xi32>
      %add3A_160 = arith.constant 0 : i32
      %add3A_161 = vector.broadcast %add3A_160 : i32 to vector<16xi32>
      %add3A_162 = arith.addi %add3A_130, %add3A_161 : vector<16xi32>
      tpu.vector_store_idx %arg13[%add3A_162], %or3A_154 : memref<3072xi32, #tpu.memory_space<vmem>>[vector<16xi32>], vector<16xi32>,
      tpu.vector_store_idx %arg15[%add3A_162], %shift_left3A_159 : memref<3072xi32, #tpu.memory_space<vmem>>[vector<16xi32>], vector<16xi32>,
      %mul3A_163 = arith.constant 2.300000e+01 : f32
      %mul3A_164 = vector.broadcast %mul3A_163 : f32 to vector<16xf32>
      %mul3A_165 = arith.mulf %get3A_124, %mul3A_164 : vector<16xf32>
      %convert_element_type3A_166 = arith.fptosi %mul3A_165 : vector<16xf32> to vector<16xi32>
      %mul3A_167 = arith.constant 2.300000e+01 : f32
      %mul3A_168 = vector.broadcast %mul3A_167 : f32 to vector<16xf32>
      %mul3A_169 = arith.mulf %get3A_126, %mul3A_168 : vector<16xf32>
      %convert_element_type3A_170 = arith.fptosi %mul3A_169 : vector<16xf32> to vector<16xi32>
      %mul3A_171 = arith.constant 2.300000e+01 : f32
      %mul3A_172 = vector.broadcast %mul3A_171 : f32 to vector<16xf32>
      %mul3A_173 = arith.mulf %get3A_128, %mul3A_172 : vector<16xf32>
      %convert_element_type3A_174 = arith.fptosi %mul3A_173 : vector<16xf32> to vector<16xi32>
      %mul3A_175 = arith.constant -1640531535 : i32
      %mul3A_176 = vector.broadcast %mul3A_175 : i32 to vector<16xi32>
      %mul3A_177 = arith.muli %convert_element_type3A_170, %mul3A_176 : vector<16xi32>
      %xor3A_178 = arith.xori %convert_element_type3A_166, %mul3A_177 : vector<16xi32>
      %mul3A_179 = arith.constant 805459861 : i32
      %mul3A_180 = vector.broadcast %mul3A_179 : i32 to vector<16xi32>
      %mul3A_181 = arith.muli %convert_element_type3A_174, %mul3A_180 : vector<16xi32>
      %xor3A_182 = arith.xori %xor3A_178, %mul3A_181 : vector<16xi32>
      %and3A_183 = arith.constant 524287 : i32
      %and3A_184 = vector.broadcast %and3A_183 : i32 to vector<16xi32>
      %and3A_185 = arith.andi %xor3A_182, %and3A_184 : vector<16xi32>
      %shift_right_arithmetic3A_186 = arith.constant 2 : i32
      %shift_right_arithmetic3A_187 = vector.broadcast %shift_right_arithmetic3A_186 : i32 to vector<16xi32>
      %shift_right_arithmetic3A_188 = arith.shrsi %and3A_185, %shift_right_arithmetic3A_187 : vector<16xi32>
      %or3A_189 = arith.constant 131072 : i32
      %or3A_190 = vector.broadcast %or3A_189 : i32 to vector<16xi32>
      %or3A_191 = arith.ori %shift_right_arithmetic3A_188, %or3A_190 : vector<16xi32>
      %and3A_192 = arith.constant 3 : i32
      %and3A_193 = vector.broadcast %and3A_192 : i32 to vector<16xi32>
      %and3A_194 = arith.andi %and3A_185, %and3A_193 : vector<16xi32>
      %shift_left3A_195 = arith.constant 1 : i32
      %shift_left3A_196 = vector.broadcast %shift_left3A_195 : i32 to vector<16xi32>
      %shift_left3A_197 = arith.shli %and3A_194, %shift_left3A_196 : vector<16xi32>
      %add3A_198 = arith.constant 256 : i32
      %add3A_199 = vector.broadcast %add3A_198 : i32 to vector<16xi32>
      %add3A_200 = arith.addi %add3A_130, %add3A_199 : vector<16xi32>
      tpu.vector_store_idx %arg13[%add3A_200], %or3A_191 : memref<3072xi32, #tpu.memory_space<vmem>>[vector<16xi32>], vector<16xi32>,
      tpu.vector_store_idx %arg15[%add3A_200], %shift_left3A_197 : memref<3072xi32, #tpu.memory_space<vmem>>[vector<16xi32>], vector<16xi32>,
      %mul3A_201 = arith.constant 3.400000e+01 : f32
      %mul3A_202 = vector.broadcast %mul3A_201 : f32 to vector<16xf32>
      %mul3A_203 = arith.mulf %get3A_124, %mul3A_202 : vector<16xf32>
      %convert_element_type3A_204 = arith.fptosi %mul3A_203 : vector<16xf32> to vector<16xi32>
      %mul3A_205 = arith.constant 3.400000e+01 : f32
      %mul3A_206 = vector.broadcast %mul3A_205 : f32 to vector<16xf32>
      %mul3A_207 = arith.mulf %get3A_126, %mul3A_206 : vector<16xf32>
      %convert_element_type3A_208 = arith.fptosi %mul3A_207 : vector<16xf32> to vector<16xi32>
      %mul3A_209 = arith.constant 3.400000e+01 : f32
      %mul3A_210 = vector.broadcast %mul3A_209 : f32 to vector<16xf32>
      %mul3A_211 = arith.mulf %get3A_128, %mul3A_210 : vector<16xf32>
      %convert_element_type3A_212 = arith.fptosi %mul3A_211 : vector<16xf32> to vector<16xi32>
      %mul3A_213 = arith.constant -1640531535 : i32
      %mul3A_214 = vector.broadcast %mul3A_213 : i32 to vector<16xi32>
      %mul3A_215 = arith.muli %convert_element_type3A_208, %mul3A_214 : vector<16xi32>
      %xor3A_216 = arith.xori %convert_element_type3A_204, %mul3A_215 : vector<16xi32>
      %mul3A_217 = arith.constant 805459861 : i32
      %mul3A_218 = vector.broadcast %mul3A_217 : i32 to vector<16xi32>
      %mul3A_219 = arith.muli %convert_element_type3A_212, %mul3A_218 : vector<16xi32>
      %xor3A_220 = arith.xori %xor3A_216, %mul3A_219 : vector<16xi32>
      %and3A_221 = arith.constant 524287 : i32
      %and3A_222 = vector.broadcast %and3A_221 : i32 to vector<16xi32>
      %and3A_223 = arith.andi %xor3A_220, %and3A_222 : vector<16xi32>
      %shift_right_arithmetic3A_224 = arith.constant 2 : i32
      %shift_right_arithmetic3A_225 = vector.broadcast %shift_right_arithmetic3A_224 : i32 to vector<16xi32>
      %shift_right_arithmetic3A_226 = arith.shrsi %and3A_223, %shift_right_arithmetic3A_225 : vector<16xi32>
      %or3A_227 = arith.constant 262144 : i32
      %or3A_228 = vector.broadcast %or3A_227 : i32 to vector<16xi32>
      %or3A_229 = arith.ori %shift_right_arithmetic3A_226, %or3A_228 : vector<16xi32>
      %and3A_230 = arith.constant 3 : i32
      %and3A_231 = vector.broadcast %and3A_230 : i32 to vector<16xi32>
      %and3A_232 = arith.andi %and3A_223, %and3A_231 : vector<16xi32>
      %shift_left3A_233 = arith.constant 1 : i32
      %shift_left3A_234 = vector.broadcast %shift_left3A_233 : i32 to vector<16xi32>
      %shift_left3A_235 = arith.shli %and3A_232, %shift_left3A_234 : vector<16xi32>
      %add3A_236 = arith.constant 512 : i32
      %add3A_237 = vector.broadcast %add3A_236 : i32 to vector<16xi32>
      %add3A_238 = arith.addi %add3A_130, %add3A_237 : vector<16xi32>
      tpu.vector_store_idx %arg13[%add3A_238], %or3A_229 : memref<3072xi32, #tpu.memory_space<vmem>>[vector<16xi32>], vector<16xi32>,
      tpu.vector_store_idx %arg15[%add3A_238], %shift_left3A_235 : memref<3072xi32, #tpu.memory_space<vmem>>[vector<16xi32>], vector<16xi32>,
      %mul3A_239 = arith.constant 4.900000e+01 : f32
      %mul3A_240 = vector.broadcast %mul3A_239 : f32 to vector<16xf32>
      %mul3A_241 = arith.mulf %get3A_124, %mul3A_240 : vector<16xf32>
      %convert_element_type3A_242 = arith.fptosi %mul3A_241 : vector<16xf32> to vector<16xi32>
      %mul3A_243 = arith.constant 4.900000e+01 : f32
      %mul3A_244 = vector.broadcast %mul3A_243 : f32 to vector<16xf32>
      %mul3A_245 = arith.mulf %get3A_126, %mul3A_244 : vector<16xf32>
      %convert_element_type3A_246 = arith.fptosi %mul3A_245 : vector<16xf32> to vector<16xi32>
      %mul3A_247 = arith.constant 4.900000e+01 : f32
      %mul3A_248 = vector.broadcast %mul3A_247 : f32 to vector<16xf32>
      %mul3A_249 = arith.mulf %get3A_128, %mul3A_248 : vector<16xf32>
      %convert_element_type3A_250 = arith.fptosi %mul3A_249 : vector<16xf32> to vector<16xi32>
      %mul3A_251 = arith.constant -1640531535 : i32
      %mul3A_252 = vector.broadcast %mul3A_251 : i32 to vector<16xi32>
      %mul3A_253 = arith.muli %convert_element_type3A_246, %mul3A_252 : vector<16xi32>
      %xor3A_254 = arith.xori %convert_element_type3A_242, %mul3A_253 : vector<16xi32>
      %mul3A_255 = arith.constant 805459861 : i32
      %mul3A_256 = vector.broadcast %mul3A_255 : i32 to vector<16xi32>
      %mul3A_257 = arith.muli %convert_element_type3A_250, %mul3A_256 : vector<16xi32>
      %xor3A_258 = arith.xori %xor3A_254, %mul3A_257 : vector<16xi32>
      %and3A_259 = arith.constant 524287 : i32
      %and3A_260 = vector.broadcast %and3A_259 : i32 to vector<16xi32>
      %and3A_261 = arith.andi %xor3A_258, %and3A_260 : vector<16xi32>
      %shift_right_arithmetic3A_262 = arith.constant 2 : i32
      %shift_right_arithmetic3A_263 = vector.broadcast %shift_right_arithmetic3A_262 : i32 to vector<16xi32>
      %shift_right_arithmetic3A_264 = arith.shrsi %and3A_261, %shift_right_arithmetic3A_263 : vector<16xi32>
      %or3A_265 = arith.constant 393216 : i32
      %or3A_266 = vector.broadcast %or3A_265 : i32 to vector<16xi32>
      %or3A_267 = arith.ori %shift_right_arithmetic3A_264, %or3A_266 : vector<16xi32>
      %and3A_268 = arith.constant 3 : i32
      %and3A_269 = vector.broadcast %and3A_268 : i32 to vector<16xi32>
      %and3A_270 = arith.andi %and3A_261, %and3A_269 : vector<16xi32>
      %shift_left3A_271 = arith.constant 1 : i32
      %shift_left3A_272 = vector.broadcast %shift_left3A_271 : i32 to vector<16xi32>
      %shift_left3A_273 = arith.shli %and3A_270, %shift_left3A_272 : vector<16xi32>
      %add3A_274 = arith.constant 768 : i32
      %add3A_275 = vector.broadcast %add3A_274 : i32 to vector<16xi32>
      %add3A_276 = arith.addi %add3A_130, %add3A_275 : vector<16xi32>
      tpu.vector_store_idx %arg13[%add3A_276], %or3A_267 : memref<3072xi32, #tpu.memory_space<vmem>>[vector<16xi32>], vector<16xi32>,
      tpu.vector_store_idx %arg15[%add3A_276], %shift_left3A_273 : memref<3072xi32, #tpu.memory_space<vmem>>[vector<16xi32>], vector<16xi32>,
      %mul3A_277 = arith.constant 7.200000e+01 : f32
      %mul3A_278 = vector.broadcast %mul3A_277 : f32 to vector<16xf32>
      %mul3A_279 = arith.mulf %get3A_124, %mul3A_278 : vector<16xf32>
      %convert_element_type3A_280 = arith.fptosi %mul3A_279 : vector<16xf32> to vector<16xi32>
      %mul3A_281 = arith.constant 7.200000e+01 : f32
      %mul3A_282 = vector.broadcast %mul3A_281 : f32 to vector<16xf32>
      %mul3A_283 = arith.mulf %get3A_126, %mul3A_282 : vector<16xf32>
      %convert_element_type3A_284 = arith.fptosi %mul3A_283 : vector<16xf32> to vector<16xi32>
      %mul3A_285 = arith.constant 7.200000e+01 : f32
      %mul3A_286 = vector.broadcast %mul3A_285 : f32 to vector<16xf32>
      %mul3A_287 = arith.mulf %get3A_128, %mul3A_286 : vector<16xf32>
      %convert_element_type3A_288 = arith.fptosi %mul3A_287 : vector<16xf32> to vector<16xi32>
      %mul3A_289 = arith.constant -1640531535 : i32
      %mul3A_290 = vector.broadcast %mul3A_289 : i32 to vector<16xi32>
      %mul3A_291 = arith.muli %convert_element_type3A_284, %mul3A_290 : vector<16xi32>
      %xor3A_292 = arith.xori %convert_element_type3A_280, %mul3A_291 : vector<16xi32>
      %mul3A_293 = arith.constant 805459861 : i32
      %mul3A_294 = vector.broadcast %mul3A_293 : i32 to vector<16xi32>
      %mul3A_295 = arith.muli %convert_element_type3A_288, %mul3A_294 : vector<16xi32>
      %xor3A_296 = arith.xori %xor3A_292, %mul3A_295 : vector<16xi32>
      %and3A_297 = arith.constant 524287 : i32
      %and3A_298 = vector.broadcast %and3A_297 : i32 to vector<16xi32>
      %and3A_299 = arith.andi %xor3A_296, %and3A_298 : vector<16xi32>
      %shift_right_arithmetic3A_300 = arith.constant 2 : i32
      %shift_right_arithmetic3A_301 = vector.broadcast %shift_right_arithmetic3A_300 : i32 to vector<16xi32>
      %shift_right_arithmetic3A_302 = arith.shrsi %and3A_299, %shift_right_arithmetic3A_301 : vector<16xi32>
      %or3A_303 = arith.constant 524288 : i32
      %or3A_304 = vector.broadcast %or3A_303 : i32 to vector<16xi32>
      %or3A_305 = arith.ori %shift_right_arithmetic3A_302, %or3A_304 : vector<16xi32>
      %and3A_306 = arith.constant 3 : i32
      %and3A_307 = vector.broadcast %and3A_306 : i32 to vector<16xi32>
      %and3A_308 = arith.andi %and3A_299, %and3A_307 : vector<16xi32>
      %shift_left3A_309 = arith.constant 1 : i32
      %shift_left3A_310 = vector.broadcast %shift_left3A_309 : i32 to vector<16xi32>
      %shift_left3A_311 = arith.shli %and3A_308, %shift_left3A_310 : vector<16xi32>
      %add3A_312 = arith.constant 1024 : i32
      %add3A_313 = vector.broadcast %add3A_312 : i32 to vector<16xi32>
      %add3A_314 = arith.addi %add3A_130, %add3A_313 : vector<16xi32>
      tpu.vector_store_idx %arg13[%add3A_314], %or3A_305 : memref<3072xi32, #tpu.memory_space<vmem>>[vector<16xi32>], vector<16xi32>,
      tpu.vector_store_idx %arg15[%add3A_314], %shift_left3A_311 : memref<3072xi32, #tpu.memory_space<vmem>>[vector<16xi32>], vector<16xi32>,
      %mul3A_315 = arith.constant 1.050000e+02 : f32
      %mul3A_316 = vector.broadcast %mul3A_315 : f32 to vector<16xf32>
      %mul3A_317 = arith.mulf %get3A_124, %mul3A_316 : vector<16xf32>
      %convert_element_type3A_318 = arith.fptosi %mul3A_317 : vector<16xf32> to vector<16xi32>
      %mul3A_319 = arith.constant 1.050000e+02 : f32
      %mul3A_320 = vector.broadcast %mul3A_319 : f32 to vector<16xf32>
      %mul3A_321 = arith.mulf %get3A_126, %mul3A_320 : vector<16xf32>
      %convert_element_type3A_322 = arith.fptosi %mul3A_321 : vector<16xf32> to vector<16xi32>
      %mul3A_323 = arith.constant 1.050000e+02 : f32
      %mul3A_324 = vector.broadcast %mul3A_323 : f32 to vector<16xf32>
      %mul3A_325 = arith.mulf %get3A_128, %mul3A_324 : vector<16xf32>
      %convert_element_type3A_326 = arith.fptosi %mul3A_325 : vector<16xf32> to vector<16xi32>
      %mul3A_327 = arith.constant -1640531535 : i32
      %mul3A_328 = vector.broadcast %mul3A_327 : i32 to vector<16xi32>
      %mul3A_329 = arith.muli %convert_element_type3A_322, %mul3A_328 : vector<16xi32>
      %xor3A_330 = arith.xori %convert_element_type3A_318, %mul3A_329 : vector<16xi32>
      %mul3A_331 = arith.constant 805459861 : i32
      %mul3A_332 = vector.broadcast %mul3A_331 : i32 to vector<16xi32>
      %mul3A_333 = arith.muli %convert_element_type3A_326, %mul3A_332 : vector<16xi32>
      %xor3A_334 = arith.xori %xor3A_330, %mul3A_333 : vector<16xi32>
      %and3A_335 = arith.constant 524287 : i32
      %and3A_336 = vector.broadcast %and3A_335 : i32 to vector<16xi32>
      %and3A_337 = arith.andi %xor3A_334, %and3A_336 : vector<16xi32>
      %shift_right_arithmetic3A_338 = arith.constant 2 : i32
      %shift_right_arithmetic3A_339 = vector.broadcast %shift_right_arithmetic3A_338 : i32 to vector<16xi32>
      %shift_right_arithmetic3A_340 = arith.shrsi %and3A_337, %shift_right_arithmetic3A_339 : vector<16xi32>
      %or3A_341 = arith.constant 655360 : i32
      %or3A_342 = vector.broadcast %or3A_341 : i32 to vector<16xi32>
      %or3A_343 = arith.ori %shift_right_arithmetic3A_340, %or3A_342 : vector<16xi32>
      %and3A_344 = arith.constant 3 : i32
      %and3A_345 = vector.broadcast %and3A_344 : i32 to vector<16xi32>
      %and3A_346 = arith.andi %and3A_337, %and3A_345 : vector<16xi32>
      %shift_left3A_347 = arith.constant 1 : i32
      %shift_left3A_348 = vector.broadcast %shift_left3A_347 : i32 to vector<16xi32>
      %shift_left3A_349 = arith.shli %and3A_346, %shift_left3A_348 : vector<16xi32>
      %add3A_350 = arith.constant 1280 : i32
      %add3A_351 = vector.broadcast %add3A_350 : i32 to vector<16xi32>
      %add3A_352 = arith.addi %add3A_130, %add3A_351 : vector<16xi32>
      tpu.vector_store_idx %arg13[%add3A_352], %or3A_343 : memref<3072xi32, #tpu.memory_space<vmem>>[vector<16xi32>], vector<16xi32>,
      tpu.vector_store_idx %arg15[%add3A_352], %shift_left3A_349 : memref<3072xi32, #tpu.memory_space<vmem>>[vector<16xi32>], vector<16xi32>,
      %mul3A_353 = arith.constant 1.540000e+02 : f32
      %mul3A_354 = vector.broadcast %mul3A_353 : f32 to vector<16xf32>
      %mul3A_355 = arith.mulf %get3A_124, %mul3A_354 : vector<16xf32>
      %convert_element_type3A_356 = arith.fptosi %mul3A_355 : vector<16xf32> to vector<16xi32>
      %mul3A_357 = arith.constant 1.540000e+02 : f32
      %mul3A_358 = vector.broadcast %mul3A_357 : f32 to vector<16xf32>
      %mul3A_359 = arith.mulf %get3A_126, %mul3A_358 : vector<16xf32>
      %convert_element_type3A_360 = arith.fptosi %mul3A_359 : vector<16xf32> to vector<16xi32>
      %mul3A_361 = arith.constant 1.540000e+02 : f32
      %mul3A_362 = vector.broadcast %mul3A_361 : f32 to vector<16xf32>
      %mul3A_363 = arith.mulf %get3A_128, %mul3A_362 : vector<16xf32>
      %convert_element_type3A_364 = arith.fptosi %mul3A_363 : vector<16xf32> to vector<16xi32>
      %mul3A_365 = arith.constant -1640531535 : i32
      %mul3A_366 = vector.broadcast %mul3A_365 : i32 to vector<16xi32>
      %mul3A_367 = arith.muli %convert_element_type3A_360, %mul3A_366 : vector<16xi32>
      %xor3A_368 = arith.xori %convert_element_type3A_356, %mul3A_367 : vector<16xi32>
      %mul3A_369 = arith.constant 805459861 : i32
      %mul3A_370 = vector.broadcast %mul3A_369 : i32 to vector<16xi32>
      %mul3A_371 = arith.muli %convert_element_type3A_364, %mul3A_370 : vector<16xi32>
      %xor3A_372 = arith.xori %xor3A_368, %mul3A_371 : vector<16xi32>
      %and3A_373 = arith.constant 524287 : i32
      %and3A_374 = vector.broadcast %and3A_373 : i32 to vector<16xi32>
      %and3A_375 = arith.andi %xor3A_372, %and3A_374 : vector<16xi32>
      %shift_right_arithmetic3A_376 = arith.constant 2 : i32
      %shift_right_arithmetic3A_377 = vector.broadcast %shift_right_arithmetic3A_376 : i32 to vector<16xi32>
      %shift_right_arithmetic3A_378 = arith.shrsi %and3A_375, %shift_right_arithmetic3A_377 : vector<16xi32>
      %or3A_379 = arith.constant 786432 : i32
      %or3A_380 = vector.broadcast %or3A_379 : i32 to vector<16xi32>
      %or3A_381 = arith.ori %shift_right_arithmetic3A_378, %or3A_380 : vector<16xi32>
      %and3A_382 = arith.constant 3 : i32
      %and3A_383 = vector.broadcast %and3A_382 : i32 to vector<16xi32>
      %and3A_384 = arith.andi %and3A_375, %and3A_383 : vector<16xi32>
      %shift_left3A_385 = arith.constant 1 : i32
      %shift_left3A_386 = vector.broadcast %shift_left3A_385 : i32 to vector<16xi32>
      %shift_left3A_387 = arith.shli %and3A_384, %shift_left3A_386 : vector<16xi32>
      %add3A_388 = arith.constant 1536 : i32
      %add3A_389 = vector.broadcast %add3A_388 : i32 to vector<16xi32>
      %add3A_390 = arith.addi %add3A_130, %add3A_389 : vector<16xi32>
      tpu.vector_store_idx %arg13[%add3A_390], %or3A_381 : memref<3072xi32, #tpu.memory_space<vmem>>[vector<16xi32>], vector<16xi32>,
      tpu.vector_store_idx %arg15[%add3A_390], %shift_left3A_387 : memref<3072xi32, #tpu.memory_space<vmem>>[vector<16xi32>], vector<16xi32>,
      %mul3A_391 = arith.constant 2.250000e+02 : f32
      %mul3A_392 = vector.broadcast %mul3A_391 : f32 to vector<16xf32>
      %mul3A_393 = arith.mulf %get3A_124, %mul3A_392 : vector<16xf32>
      %convert_element_type3A_394 = arith.fptosi %mul3A_393 : vector<16xf32> to vector<16xi32>
      %mul3A_395 = arith.constant 2.250000e+02 : f32
      %mul3A_396 = vector.broadcast %mul3A_395 : f32 to vector<16xf32>
      %mul3A_397 = arith.mulf %get3A_126, %mul3A_396 : vector<16xf32>
      %convert_element_type3A_398 = arith.fptosi %mul3A_397 : vector<16xf32> to vector<16xi32>
      %mul3A_399 = arith.constant 2.250000e+02 : f32
      %mul3A_400 = vector.broadcast %mul3A_399 : f32 to vector<16xf32>
      %mul3A_401 = arith.mulf %get3A_128, %mul3A_400 : vector<16xf32>
      %convert_element_type3A_402 = arith.fptosi %mul3A_401 : vector<16xf32> to vector<16xi32>
      %mul3A_403 = arith.constant -1640531535 : i32
      %mul3A_404 = vector.broadcast %mul3A_403 : i32 to vector<16xi32>
      %mul3A_405 = arith.muli %convert_element_type3A_398, %mul3A_404 : vector<16xi32>
      %xor3A_406 = arith.xori %convert_element_type3A_394, %mul3A_405 : vector<16xi32>
      %mul3A_407 = arith.constant 805459861 : i32
      %mul3A_408 = vector.broadcast %mul3A_407 : i32 to vector<16xi32>
      %mul3A_409 = arith.muli %convert_element_type3A_402, %mul3A_408 : vector<16xi32>
      %xor3A_410 = arith.xori %xor3A_406, %mul3A_409 : vector<16xi32>
      %and3A_411 = arith.constant 524287 : i32
      %and3A_412 = vector.broadcast %and3A_411 : i32 to vector<16xi32>
      %and3A_413 = arith.andi %xor3A_410, %and3A_412 : vector<16xi32>
      %shift_right_arithmetic3A_414 = arith.constant 2 : i32
      %shift_right_arithmetic3A_415 = vector.broadcast %shift_right_arithmetic3A_414 : i32 to vector<16xi32>
      %shift_right_arithmetic3A_416 = arith.shrsi %and3A_413, %shift_right_arithmetic3A_415 : vector<16xi32>
      %or3A_417 = arith.constant 917504 : i32
      %or3A_418 = vector.broadcast %or3A_417 : i32 to vector<16xi32>
      %or3A_419 = arith.ori %shift_right_arithmetic3A_416, %or3A_418 : vector<16xi32>
      %and3A_420 = arith.constant 3 : i32
      %and3A_421 = vector.broadcast %and3A_420 : i32 to vector<16xi32>
      %and3A_422 = arith.andi %and3A_413, %and3A_421 : vector<16xi32>
      %shift_left3A_423 = arith.constant 1 : i32
      %shift_left3A_424 = vector.broadcast %shift_left3A_423 : i32 to vector<16xi32>
      %shift_left3A_425 = arith.shli %and3A_422, %shift_left3A_424 : vector<16xi32>
      %add3A_426 = arith.constant 1792 : i32
      %add3A_427 = vector.broadcast %add3A_426 : i32 to vector<16xi32>
      %add3A_428 = arith.addi %add3A_130, %add3A_427 : vector<16xi32>
      tpu.vector_store_idx %arg13[%add3A_428], %or3A_419 : memref<3072xi32, #tpu.memory_space<vmem>>[vector<16xi32>], vector<16xi32>,
      tpu.vector_store_idx %arg15[%add3A_428], %shift_left3A_425 : memref<3072xi32, #tpu.memory_space<vmem>>[vector<16xi32>], vector<16xi32>,
      %mul3A_429 = arith.constant 3.290000e+02 : f32
      %mul3A_430 = vector.broadcast %mul3A_429 : f32 to vector<16xf32>
      %mul3A_431 = arith.mulf %get3A_124, %mul3A_430 : vector<16xf32>
      %convert_element_type3A_432 = arith.fptosi %mul3A_431 : vector<16xf32> to vector<16xi32>
      %mul3A_433 = arith.constant 3.290000e+02 : f32
      %mul3A_434 = vector.broadcast %mul3A_433 : f32 to vector<16xf32>
      %mul3A_435 = arith.mulf %get3A_126, %mul3A_434 : vector<16xf32>
      %convert_element_type3A_436 = arith.fptosi %mul3A_435 : vector<16xf32> to vector<16xi32>
      %mul3A_437 = arith.constant 3.290000e+02 : f32
      %mul3A_438 = vector.broadcast %mul3A_437 : f32 to vector<16xf32>
      %mul3A_439 = arith.mulf %get3A_128, %mul3A_438 : vector<16xf32>
      %convert_element_type3A_440 = arith.fptosi %mul3A_439 : vector<16xf32> to vector<16xi32>
      %mul3A_441 = arith.constant -1640531535 : i32
      %mul3A_442 = vector.broadcast %mul3A_441 : i32 to vector<16xi32>
      %mul3A_443 = arith.muli %convert_element_type3A_436, %mul3A_442 : vector<16xi32>
      %xor3A_444 = arith.xori %convert_element_type3A_432, %mul3A_443 : vector<16xi32>
      %mul3A_445 = arith.constant 805459861 : i32
      %mul3A_446 = vector.broadcast %mul3A_445 : i32 to vector<16xi32>
      %mul3A_447 = arith.muli %convert_element_type3A_440, %mul3A_446 : vector<16xi32>
      %xor3A_448 = arith.xori %xor3A_444, %mul3A_447 : vector<16xi32>
      %and3A_449 = arith.constant 524287 : i32
      %and3A_450 = vector.broadcast %and3A_449 : i32 to vector<16xi32>
      %and3A_451 = arith.andi %xor3A_448, %and3A_450 : vector<16xi32>
      %shift_right_arithmetic3A_452 = arith.constant 2 : i32
      %shift_right_arithmetic3A_453 = vector.broadcast %shift_right_arithmetic3A_452 : i32 to vector<16xi32>
      %shift_right_arithmetic3A_454 = arith.shrsi %and3A_451, %shift_right_arithmetic3A_453 : vector<16xi32>
      %or3A_455 = arith.constant 1048576 : i32
      %or3A_456 = vector.broadcast %or3A_455 : i32 to vector<16xi32>
      %or3A_457 = arith.ori %shift_right_arithmetic3A_454, %or3A_456 : vector<16xi32>
      %and3A_458 = arith.constant 3 : i32
      %and3A_459 = vector.broadcast %and3A_458 : i32 to vector<16xi32>
      %and3A_460 = arith.andi %and3A_451, %and3A_459 : vector<16xi32>
      %shift_left3A_461 = arith.constant 1 : i32
      %shift_left3A_462 = vector.broadcast %shift_left3A_461 : i32 to vector<16xi32>
      %shift_left3A_463 = arith.shli %and3A_460, %shift_left3A_462 : vector<16xi32>
      %add3A_464 = arith.constant 2048 : i32
      %add3A_465 = vector.broadcast %add3A_464 : i32 to vector<16xi32>
      %add3A_466 = arith.addi %add3A_130, %add3A_465 : vector<16xi32>
      tpu.vector_store_idx %arg13[%add3A_466], %or3A_457 : memref<3072xi32, #tpu.memory_space<vmem>>[vector<16xi32>], vector<16xi32>,
      tpu.vector_store_idx %arg15[%add3A_466], %shift_left3A_463 : memref<3072xi32, #tpu.memory_space<vmem>>[vector<16xi32>], vector<16xi32>,
      %mul3A_467 = arith.constant 4.800000e+02 : f32
      %mul3A_468 = vector.broadcast %mul3A_467 : f32 to vector<16xf32>
      %mul3A_469 = arith.mulf %get3A_124, %mul3A_468 : vector<16xf32>
      %convert_element_type3A_470 = arith.fptosi %mul3A_469 : vector<16xf32> to vector<16xi32>
      %mul3A_471 = arith.constant 4.800000e+02 : f32
      %mul3A_472 = vector.broadcast %mul3A_471 : f32 to vector<16xf32>
      %mul3A_473 = arith.mulf %get3A_126, %mul3A_472 : vector<16xf32>
      %convert_element_type3A_474 = arith.fptosi %mul3A_473 : vector<16xf32> to vector<16xi32>
      %mul3A_475 = arith.constant 4.800000e+02 : f32
      %mul3A_476 = vector.broadcast %mul3A_475 : f32 to vector<16xf32>
      %mul3A_477 = arith.mulf %get3A_128, %mul3A_476 : vector<16xf32>
      %convert_element_type3A_478 = arith.fptosi %mul3A_477 : vector<16xf32> to vector<16xi32>
      %mul3A_479 = arith.constant -1640531535 : i32
      %mul3A_480 = vector.broadcast %mul3A_479 : i32 to vector<16xi32>
      %mul3A_481 = arith.muli %convert_element_type3A_474, %mul3A_480 : vector<16xi32>
      %xor3A_482 = arith.xori %convert_element_type3A_470, %mul3A_481 : vector<16xi32>
      %mul3A_483 = arith.constant 805459861 : i32
      %mul3A_484 = vector.broadcast %mul3A_483 : i32 to vector<16xi32>
      %mul3A_485 = arith.muli %convert_element_type3A_478, %mul3A_484 : vector<16xi32>
      %xor3A_486 = arith.xori %xor3A_482, %mul3A_485 : vector<16xi32>
      %and3A_487 = arith.constant 524287 : i32
      %and3A_488 = vector.broadcast %and3A_487 : i32 to vector<16xi32>
      %and3A_489 = arith.andi %xor3A_486, %and3A_488 : vector<16xi32>
      %shift_right_arithmetic3A_490 = arith.constant 2 : i32
      %shift_right_arithmetic3A_491 = vector.broadcast %shift_right_arithmetic3A_490 : i32 to vector<16xi32>
      %shift_right_arithmetic3A_492 = arith.shrsi %and3A_489, %shift_right_arithmetic3A_491 : vector<16xi32>
      %or3A_493 = arith.constant 1179648 : i32
      %or3A_494 = vector.broadcast %or3A_493 : i32 to vector<16xi32>
      %or3A_495 = arith.ori %shift_right_arithmetic3A_492, %or3A_494 : vector<16xi32>
      %and3A_496 = arith.constant 3 : i32
      %and3A_497 = vector.broadcast %and3A_496 : i32 to vector<16xi32>
      %and3A_498 = arith.andi %and3A_489, %and3A_497 : vector<16xi32>
      %shift_left3A_499 = arith.constant 1 : i32
      %shift_left3A_500 = vector.broadcast %shift_left3A_499 : i32 to vector<16xi32>
      %shift_left3A_501 = arith.shli %and3A_498, %shift_left3A_500 : vector<16xi32>
      %add3A_502 = arith.constant 2304 : i32
      %add3A_503 = vector.broadcast %add3A_502 : i32 to vector<16xi32>
      %add3A_504 = arith.addi %add3A_130, %add3A_503 : vector<16xi32>
      tpu.vector_store_idx %arg13[%add3A_504], %or3A_495 : memref<3072xi32, #tpu.memory_space<vmem>>[vector<16xi32>], vector<16xi32>,
      tpu.vector_store_idx %arg15[%add3A_504], %shift_left3A_501 : memref<3072xi32, #tpu.memory_space<vmem>>[vector<16xi32>], vector<16xi32>,
      %mul3A_505 = arith.constant 7.010000e+02 : f32
      %mul3A_506 = vector.broadcast %mul3A_505 : f32 to vector<16xf32>
      %mul3A_507 = arith.mulf %get3A_124, %mul3A_506 : vector<16xf32>
      %convert_element_type3A_508 = arith.fptosi %mul3A_507 : vector<16xf32> to vector<16xi32>
      %mul3A_509 = arith.constant 7.010000e+02 : f32
      %mul3A_510 = vector.broadcast %mul3A_509 : f32 to vector<16xf32>
      %mul3A_511 = arith.mulf %get3A_126, %mul3A_510 : vector<16xf32>
      %convert_element_type3A_512 = arith.fptosi %mul3A_511 : vector<16xf32> to vector<16xi32>
      %mul3A_513 = arith.constant 7.010000e+02 : f32
      %mul3A_514 = vector.broadcast %mul3A_513 : f32 to vector<16xf32>
      %mul3A_515 = arith.mulf %get3A_128, %mul3A_514 : vector<16xf32>
      %convert_element_type3A_516 = arith.fptosi %mul3A_515 : vector<16xf32> to vector<16xi32>
      %mul3A_517 = arith.constant -1640531535 : i32
      %mul3A_518 = vector.broadcast %mul3A_517 : i32 to vector<16xi32>
      %mul3A_519 = arith.muli %convert_element_type3A_512, %mul3A_518 : vector<16xi32>
      %xor3A_520 = arith.xori %convert_element_type3A_508, %mul3A_519 : vector<16xi32>
      %mul3A_521 = arith.constant 805459861 : i32
      %mul3A_522 = vector.broadcast %mul3A_521 : i32 to vector<16xi32>
      %mul3A_523 = arith.muli %convert_element_type3A_516, %mul3A_522 : vector<16xi32>
      %xor3A_524 = arith.xori %xor3A_520, %mul3A_523 : vector<16xi32>
      %and3A_525 = arith.constant 524287 : i32
      %and3A_526 = vector.broadcast %and3A_525 : i32 to vector<16xi32>
      %and3A_527 = arith.andi %xor3A_524, %and3A_526 : vector<16xi32>
      %shift_right_arithmetic3A_528 = arith.constant 2 : i32
      %shift_right_arithmetic3A_529 = vector.broadcast %shift_right_arithmetic3A_528 : i32 to vector<16xi32>
      %shift_right_arithmetic3A_530 = arith.shrsi %and3A_527, %shift_right_arithmetic3A_529 : vector<16xi32>
      %or3A_531 = arith.constant 1310720 : i32
      %or3A_532 = vector.broadcast %or3A_531 : i32 to vector<16xi32>
      %or3A_533 = arith.ori %shift_right_arithmetic3A_530, %or3A_532 : vector<16xi32>
      %and3A_534 = arith.constant 3 : i32
      %and3A_535 = vector.broadcast %and3A_534 : i32 to vector<16xi32>
      %and3A_536 = arith.andi %and3A_527, %and3A_535 : vector<16xi32>
      %shift_left3A_537 = arith.constant 1 : i32
      %shift_left3A_538 = vector.broadcast %shift_left3A_537 : i32 to vector<16xi32>
      %shift_left3A_539 = arith.shli %and3A_536, %shift_left3A_538 : vector<16xi32>
      %add3A_540 = arith.constant 2560 : i32
      %add3A_541 = vector.broadcast %add3A_540 : i32 to vector<16xi32>
      %add3A_542 = arith.addi %add3A_130, %add3A_541 : vector<16xi32>
      tpu.vector_store_idx %arg13[%add3A_542], %or3A_533 : memref<3072xi32, #tpu.memory_space<vmem>>[vector<16xi32>], vector<16xi32>,
      tpu.vector_store_idx %arg15[%add3A_542], %shift_left3A_539 : memref<3072xi32, #tpu.memory_space<vmem>>[vector<16xi32>], vector<16xi32>,
      %mul3A_543 = arith.constant 1.024000e+03 : f32
      %mul3A_544 = vector.broadcast %mul3A_543 : f32 to vector<16xf32>
      %mul3A_545 = arith.mulf %get3A_124, %mul3A_544 : vector<16xf32>
      %convert_element_type3A_546 = arith.fptosi %mul3A_545 : vector<16xf32> to vector<16xi32>
      %mul3A_547 = arith.constant 1.024000e+03 : f32
      %mul3A_548 = vector.broadcast %mul3A_547 : f32 to vector<16xf32>
      %mul3A_549 = arith.mulf %get3A_126, %mul3A_548 : vector<16xf32>
      %convert_element_type3A_550 = arith.fptosi %mul3A_549 : vector<16xf32> to vector<16xi32>
      %mul3A_551 = arith.constant 1.024000e+03 : f32
      %mul3A_552 = vector.broadcast %mul3A_551 : f32 to vector<16xf32>
      %mul3A_553 = arith.mulf %get3A_128, %mul3A_552 : vector<16xf32>
      %convert_element_type3A_554 = arith.fptosi %mul3A_553 : vector<16xf32> to vector<16xi32>
      %mul3A_555 = arith.constant -1640531535 : i32
      %mul3A_556 = vector.broadcast %mul3A_555 : i32 to vector<16xi32>
      %mul3A_557 = arith.muli %convert_element_type3A_550, %mul3A_556 : vector<16xi32>
      %xor3A_558 = arith.xori %convert_element_type3A_546, %mul3A_557 : vector<16xi32>
      %mul3A_559 = arith.constant 805459861 : i32
      %mul3A_560 = vector.broadcast %mul3A_559 : i32 to vector<16xi32>
      %mul3A_561 = arith.muli %convert_element_type3A_554, %mul3A_560 : vector<16xi32>
      %xor3A_562 = arith.xori %xor3A_558, %mul3A_561 : vector<16xi32>
      %and3A_563 = arith.constant 524287 : i32
      %and3A_564 = vector.broadcast %and3A_563 : i32 to vector<16xi32>
      %and3A_565 = arith.andi %xor3A_562, %and3A_564 : vector<16xi32>
      %shift_right_arithmetic3A_566 = arith.constant 2 : i32
      %shift_right_arithmetic3A_567 = vector.broadcast %shift_right_arithmetic3A_566 : i32 to vector<16xi32>
      %shift_right_arithmetic3A_568 = arith.shrsi %and3A_565, %shift_right_arithmetic3A_567 : vector<16xi32>
      %or3A_569 = arith.constant 1441792 : i32
      %or3A_570 = vector.broadcast %or3A_569 : i32 to vector<16xi32>
      %or3A_571 = arith.ori %shift_right_arithmetic3A_568, %or3A_570 : vector<16xi32>
      %and3A_572 = arith.constant 3 : i32
      %and3A_573 = vector.broadcast %and3A_572 : i32 to vector<16xi32>
      %and3A_574 = arith.andi %and3A_565, %and3A_573 : vector<16xi32>
      %shift_left3A_575 = arith.constant 1 : i32
      %shift_left3A_576 = vector.broadcast %shift_left3A_575 : i32 to vector<16xi32>
      %shift_left3A_577 = arith.shli %and3A_574, %shift_left3A_576 : vector<16xi32>
      %add3A_578 = arith.constant 2816 : i32
      %add3A_579 = vector.broadcast %add3A_578 : i32 to vector<16xi32>
      %add3A_580 = arith.addi %add3A_130, %add3A_579 : vector<16xi32>
      tpu.vector_store_idx %arg13[%add3A_580], %or3A_571 : memref<3072xi32, #tpu.memory_space<vmem>>[vector<16xi32>], vector<16xi32>,
      tpu.vector_store_idx %arg15[%add3A_580], %shift_left3A_577 : memref<3072xi32, #tpu.memory_space<vmem>>[vector<16xi32>], vector<16xi32>,
    }
    %dma_start3A_34 = arith.constant 0 : i32
    %dma_start3A_35 = arith.constant 0 : i32
    %dma_start3A_36 = tpu.memref_slice %arg5[%dma_start3A_34, %dma_start3A_35] : memref<1572864x8xf32, #tpu.memory_space<hbm>> -> memref<1572864x8xf32, #tpu.memory_space<hbm>>
    tpu.enqueue_indirect_dma source(%dma_start3A_36 : memref<1572864x8xf32, #tpu.memory_space<hbm>>) target(%arg17 : memref<3072x8xf32, #tpu.memory_space<vmem>>) offsets(%arg13 : memref<3072xi32, #tpu.memory_space<vmem>>) semaphore(%arg21 : memref<!tpu.dma_semaphore, #tpu.memory_space<semaphore_mem>>)
    %sub3A_37 = arith.subi %add3A_6, %mul3A_2 : i32
    %sub3A_38 = arith.constant 512 : i32
    %sub3A_39 = arith.constant 1 : i32
    %sub3A_40 = arith.subi %sub3A_38, %sub3A_39 : i32
    %add3A_41 = arith.addi %sub3A_37, %sub3A_40 : i32
    %div3A_42 = arith.constant 512 : i32
    %div3A_43 = arith.divsi %add3A_41, %div3A_42 : i32
    %while3A_44 = arith.constant 512 : i32
    %while3A_45 = arith.constant 0 : i32
    %while3A_46 = arith.subi %div3A_43, %while3A_45 : i32
    %while3A_47 = arith.addi %while3A_45, %while3A_46 : i32
    %while3A_48 = arith.constant 1 : i32
    %while3A_49 = arith.divsi %while3A_46, %while3A_48 : i32
    %while3A_50 = arith.muli %while3A_49, %while3A_48 : i32
    %while3A_51 = arith.addi %while3A_45, %while3A_50 : i32
    %while3A_52 = arith.constant 1 : i32
    scf.for %while3A_121 = %while3A_45 to %while3A_51 step %while3A_52  : i32 {
      %mul3A_122 = arith.muli %while3A_121, %while3A_44 : i32
      %add3A_123 = arith.addi %mul3A_2, %mul3A_122 : i32
      %gt3A = arith.cmpi sgt, %add3A_123, %mul3A_2 : i32
      %convert_element_type3A = arith.extui %gt3A : i1 to i32
      %cond3A = arith.constant 0 : i32
      %cond3A_124 = arith.cmpi ne, %convert_element_type3A, %cond3A : i32
      scf.if %cond3A_124 {
        %sub3A_300 = arith.constant 512 : i32
        %sub3A_301 = arith.subi %add3A_123, %sub3A_300 : i32
        %mul3A_302 = arith.constant 8 : i32
        %mul3A_303 = arith.muli %sub3A_301, %mul3A_302 : i32
        %add3A_304 = arith.constant 0 : i32
        %add3A_305 = arith.addi %mul3A_303, %add3A_304 : i32
        %mul3A_306 = arith.constant 8 : i32
        %mul3A_307 = arith.muli %sub3A_301, %mul3A_306 : i32
        %add3A_308 = arith.constant 8388608 : i32
        %add3A_309 = arith.addi %mul3A_307, %add3A_308 : i32
        %mul3A_310 = arith.constant 8 : i32
        %mul3A_311 = arith.muli %sub3A_301, %mul3A_310 : i32
        %add3A_312 = arith.constant 16777216 : i32
        %add3A_313 = arith.addi %mul3A_311, %add3A_312 : i32
        %dma_wait3A_314 = arith.constant 0 : i32
        %dma_wait3A_315 = tpu.memref_slice %arg19[%dma_wait3A_314] : memref<6144xf32, #tpu.memory_space<vmem>> -> memref<2048xf32, #tpu.memory_space<vmem>>
        %dma_wait3A_316 = tpu.memref_slice %arg6[%add3A_305] : memref<25165824xf32, #tpu.memory_space<hbm>> -> memref<2048xf32, #tpu.memory_space<hbm>>
        %dma_wait3A_317 = tpu.memref_slice %arg6[%add3A_305] : memref<25165824xf32, #tpu.memory_space<hbm>> -> memref<2048xf32, #tpu.memory_space<hbm>>
        %dma_wait3A_318 = arith.constant 0 : i32
        %dma_wait3A_319 = tpu.memref_slice %arg19[%dma_wait3A_318] : memref<6144xf32, #tpu.memory_space<vmem>> -> memref<2048xf32, #tpu.memory_space<vmem>>
        tpu.wait_dma2 semaphore(%arg24 : memref<!tpu.dma_semaphore, #tpu.memory_space<semaphore_mem>>) src(%dma_wait3A_319 : memref<2048xf32, #tpu.memory_space<vmem>>) dst(%dma_wait3A_317 : memref<2048xf32, #tpu.memory_space<hbm>>)
        %dma_wait3A_320 = arith.constant 2048 : i32
        %dma_wait3A_321 = tpu.memref_slice %arg19[%dma_wait3A_320] : memref<6144xf32, #tpu.memory_space<vmem>> -> memref<2048xf32, #tpu.memory_space<vmem>>
        %dma_wait3A_322 = tpu.memref_slice %arg6[%add3A_309] : memref<25165824xf32, #tpu.memory_space<hbm>> -> memref<2048xf32, #tpu.memory_space<hbm>>
        %dma_wait3A_323 = tpu.memref_slice %arg6[%add3A_309] : memref<25165824xf32, #tpu.memory_space<hbm>> -> memref<2048xf32, #tpu.memory_space<hbm>>
        %dma_wait3A_324 = arith.constant 2048 : i32
        %dma_wait3A_325 = tpu.memref_slice %arg19[%dma_wait3A_324] : memref<6144xf32, #tpu.memory_space<vmem>> -> memref<2048xf32, #tpu.memory_space<vmem>>
        tpu.wait_dma2 semaphore(%arg24 : memref<!tpu.dma_semaphore, #tpu.memory_space<semaphore_mem>>) src(%dma_wait3A_325 : memref<2048xf32, #tpu.memory_space<vmem>>) dst(%dma_wait3A_323 : memref<2048xf32, #tpu.memory_space<hbm>>)
        %dma_wait3A_326 = arith.constant 4096 : i32
        %dma_wait3A_327 = tpu.memref_slice %arg19[%dma_wait3A_326] : memref<6144xf32, #tpu.memory_space<vmem>> -> memref<2048xf32, #tpu.memory_space<vmem>>
        %dma_wait3A_328 = tpu.memref_slice %arg6[%add3A_313] : memref<25165824xf32, #tpu.memory_space<hbm>> -> memref<2048xf32, #tpu.memory_space<hbm>>
        %dma_wait3A_329 = tpu.memref_slice %arg6[%add3A_313] : memref<25165824xf32, #tpu.memory_space<hbm>> -> memref<2048xf32, #tpu.memory_space<hbm>>
        %dma_wait3A_330 = arith.constant 4096 : i32
        %dma_wait3A_331 = tpu.memref_slice %arg19[%dma_wait3A_330] : memref<6144xf32, #tpu.memory_space<vmem>> -> memref<2048xf32, #tpu.memory_space<vmem>>
        tpu.wait_dma2 semaphore(%arg24 : memref<!tpu.dma_semaphore, #tpu.memory_space<semaphore_mem>>) src(%dma_wait3A_331 : memref<2048xf32, #tpu.memory_space<vmem>>) dst(%dma_wait3A_329 : memref<2048xf32, #tpu.memory_space<hbm>>)
      } else {
      }
      %add3A_125 = arith.constant 256 : i32
      %add3A_126 = arith.addi %add3A_123, %add3A_125 : i32
      %dma_start3A_127 = tpu.memref_slice %arg2[%add3A_126] : memref<1048576xf32, #tpu.memory_space<hbm>> -> memref<256xf32, #tpu.memory_space<hbm>>
      %dma_start3A_128 = tpu.memref_slice %arg2[%add3A_126] : memref<1048576xf32, #tpu.memory_space<hbm>> -> memref<256xf32, #tpu.memory_space<hbm>>
      tpu.enqueue_dma source(%dma_start3A_128 : memref<256xf32, #tpu.memory_space<hbm>>) target(%arg10 : memref<256xf32, #tpu.memory_space<vmem>>) target_semaphore(%arg23 : memref<!tpu.dma_semaphore, #tpu.memory_space<semaphore_mem>>)
      %dma_start3A_129 = tpu.memref_slice %arg3[%add3A_126] : memref<1048576xf32, #tpu.memory_space<hbm>> -> memref<256xf32, #tpu.memory_space<hbm>>
      %dma_start3A_130 = tpu.memref_slice %arg3[%add3A_126] : memref<1048576xf32, #tpu.memory_space<hbm>> -> memref<256xf32, #tpu.memory_space<hbm>>
      tpu.enqueue_dma source(%dma_start3A_130 : memref<256xf32, #tpu.memory_space<hbm>>) target(%arg11 : memref<256xf32, #tpu.memory_space<vmem>>) target_semaphore(%arg23 : memref<!tpu.dma_semaphore, #tpu.memory_space<semaphore_mem>>)
      %dma_start3A_131 = tpu.memref_slice %arg4[%add3A_126] : memref<1048576xf32, #tpu.memory_space<hbm>> -> memref<256xf32, #tpu.memory_space<hbm>>
      %dma_start3A_132 = tpu.memref_slice %arg4[%add3A_126] : memref<1048576xf32, #tpu.memory_space<hbm>> -> memref<256xf32, #tpu.memory_space<hbm>>
      tpu.enqueue_dma source(%dma_start3A_132 : memref<256xf32, #tpu.memory_space<hbm>>) target(%arg12 : memref<256xf32, #tpu.memory_space<vmem>>) target_semaphore(%arg23 : memref<!tpu.dma_semaphore, #tpu.memory_space<semaphore_mem>>)
      %dma_wait3A_133 = tpu.memref_slice %arg2[%add3A_126] : memref<1048576xf32, #tpu.memory_space<hbm>> -> memref<256xf32, #tpu.memory_space<hbm>>
      %dma_wait3A_134 = tpu.memref_slice %arg2[%add3A_126] : memref<1048576xf32, #tpu.memory_space<hbm>> -> memref<256xf32, #tpu.memory_space<hbm>>
      tpu.wait_dma2 semaphore(%arg23 : memref<!tpu.dma_semaphore, #tpu.memory_space<semaphore_mem>>) src(%dma_wait3A_134 : memref<256xf32, #tpu.memory_space<hbm>>) dst(%arg10 : memref<256xf32, #tpu.memory_space<vmem>>)
      %dma_wait3A_135 = tpu.memref_slice %arg3[%add3A_126] : memref<1048576xf32, #tpu.memory_space<hbm>> -> memref<256xf32, #tpu.memory_space<hbm>>
      %dma_wait3A_136 = tpu.memref_slice %arg3[%add3A_126] : memref<1048576xf32, #tpu.memory_space<hbm>> -> memref<256xf32, #tpu.memory_space<hbm>>
      tpu.wait_dma2 semaphore(%arg23 : memref<!tpu.dma_semaphore, #tpu.memory_space<semaphore_mem>>) src(%dma_wait3A_136 : memref<256xf32, #tpu.memory_space<hbm>>) dst(%arg11 : memref<256xf32, #tpu.memory_space<vmem>>)
      %dma_wait3A_137 = tpu.memref_slice %arg4[%add3A_126] : memref<1048576xf32, #tpu.memory_space<hbm>> -> memref<256xf32, #tpu.memory_space<hbm>>
      %dma_wait3A_138 = tpu.memref_slice %arg4[%add3A_126] : memref<1048576xf32, #tpu.memory_space<hbm>> -> memref<256xf32, #tpu.memory_space<hbm>>
      tpu.wait_dma2 semaphore(%arg23 : memref<!tpu.dma_semaphore, #tpu.memory_space<semaphore_mem>>) src(%dma_wait3A_138 : memref<256xf32, #tpu.memory_space<hbm>>) dst(%arg12 : memref<256xf32, #tpu.memory_space<vmem>>)
      %sub3A_139 = arith.constant 256 : i32
      %sub3A_140 = arith.subi %sub3A_139, %mul3A_4 : i32
      %sub3A_141 = arith.constant 16 : i32
      %sub3A_142 = arith.constant 1 : i32
      %sub3A_143 = arith.subi %sub3A_141, %sub3A_142 : i32
      %add3A_144 = arith.addi %sub3A_140, %sub3A_143 : i32
      %div3A_145 = arith.constant 16 : i32
      %div3A_146 = arith.divsi %add3A_144, %div3A_145 : i32
      %while3A_147 = arith.constant 16 : i32
      %while3A_148 = arith.constant 0 : i32
      %while3A_149 = arith.subi %div3A_146, %while3A_148 : i32
      %while3A_150 = arith.addi %while3A_148, %while3A_149 : i32
      %while3A_151 = arith.constant 1 : i32
      %while3A_152 = arith.divsi %while3A_149, %while3A_151 : i32
      %while3A_153 = arith.muli %while3A_152, %while3A_151 : i32
      %while3A_154 = arith.addi %while3A_148, %while3A_153 : i32
      %while3A_155 = arith.constant 1 : i32
      scf.for %while3A_300 = %while3A_148 to %while3A_154 step %while3A_155  : i32 {
        %mul3A_301 = arith.muli %while3A_300, %while3A_147 : i32
        %add3A_302 = arith.addi %mul3A_4, %mul3A_301 : i32
        %get3A = arith.index_cast %add3A_302 : i32 to index
        %get3A_303 = tpu.vector_load %arg10[%get3A] {strides = array<i32>} : memref<256xf32, #tpu.memory_space<vmem>>, vector<16xf32>,
        %get3A_304 = arith.index_cast %add3A_302 : i32 to index
        %get3A_305 = tpu.vector_load %arg11[%get3A_304] {strides = array<i32>} : memref<256xf32, #tpu.memory_space<vmem>>, vector<16xf32>,
        %get3A_306 = arith.index_cast %add3A_302 : i32 to index
        %get3A_307 = tpu.vector_load %arg12[%get3A_306] {strides = array<i32>} : memref<256xf32, #tpu.memory_space<vmem>>, vector<16xf32>,
        %add3A_308 = vector.broadcast %add3A_302 : i32 to vector<16xi32>
        %add3A_309 = arith.addi %iota3A, %add3A_308 : vector<16xi32>
        %mul3A_310 = arith.constant 1.600000e+01 : f32
        %mul3A_311 = vector.broadcast %mul3A_310 : f32 to vector<16xf32>
        %mul3A_312 = arith.mulf %get3A_303, %mul3A_311 : vector<16xf32>
        %convert_element_type3A_313 = arith.fptosi %mul3A_312 : vector<16xf32> to vector<16xi32>
        %mul3A_314 = arith.constant 1.600000e+01 : f32
        %mul3A_315 = vector.broadcast %mul3A_314 : f32 to vector<16xf32>
        %mul3A_316 = arith.mulf %get3A_305, %mul3A_315 : vector<16xf32>
        %convert_element_type3A_317 = arith.fptosi %mul3A_316 : vector<16xf32> to vector<16xi32>
        %mul3A_318 = arith.constant 1.600000e+01 : f32
        %mul3A_319 = vector.broadcast %mul3A_318 : f32 to vector<16xf32>
        %mul3A_320 = arith.mulf %get3A_307, %mul3A_319 : vector<16xf32>
        %convert_element_type3A_321 = arith.fptosi %mul3A_320 : vector<16xf32> to vector<16xi32>
        %mul3A_322 = arith.constant -1640531535 : i32
        %mul3A_323 = vector.broadcast %mul3A_322 : i32 to vector<16xi32>
        %mul3A_324 = arith.muli %convert_element_type3A_317, %mul3A_323 : vector<16xi32>
        %xor3A = arith.xori %convert_element_type3A_313, %mul3A_324 : vector<16xi32>
        %mul3A_325 = arith.constant 805459861 : i32
        %mul3A_326 = vector.broadcast %mul3A_325 : i32 to vector<16xi32>
        %mul3A_327 = arith.muli %convert_element_type3A_321, %mul3A_326 : vector<16xi32>
        %xor3A_328 = arith.xori %xor3A, %mul3A_327 : vector<16xi32>
        %and3A = arith.constant 524287 : i32
        %and3A_329 = vector.broadcast %and3A : i32 to vector<16xi32>
        %and3A_330 = arith.andi %xor3A_328, %and3A_329 : vector<16xi32>
        %shift_right_arithmetic3A = arith.constant 2 : i32
        %shift_right_arithmetic3A_331 = vector.broadcast %shift_right_arithmetic3A : i32 to vector<16xi32>
        %shift_right_arithmetic3A_332 = arith.shrsi %and3A_330, %shift_right_arithmetic3A_331 : vector<16xi32>
        %or3A = arith.constant 0 : i32
        %or3A_333 = vector.broadcast %or3A : i32 to vector<16xi32>
        %or3A_334 = arith.ori %shift_right_arithmetic3A_332, %or3A_333 : vector<16xi32>
        %and3A_335 = arith.constant 3 : i32
        %and3A_336 = vector.broadcast %and3A_335 : i32 to vector<16xi32>
        %and3A_337 = arith.andi %and3A_330, %and3A_336 : vector<16xi32>
        %shift_left3A = arith.constant 1 : i32
        %shift_left3A_338 = vector.broadcast %shift_left3A : i32 to vector<16xi32>
        %shift_left3A_339 = arith.shli %and3A_337, %shift_left3A_338 : vector<16xi32>
        %add3A_340 = arith.constant 0 : i32
        %add3A_341 = vector.broadcast %add3A_340 : i32 to vector<16xi32>
        %add3A_342 = arith.addi %add3A_309, %add3A_341 : vector<16xi32>
        tpu.vector_store_idx %arg14[%add3A_342], %or3A_334 : memref<3072xi32, #tpu.memory_space<vmem>>[vector<16xi32>], vector<16xi32>,
        tpu.vector_store_idx %arg16[%add3A_342], %shift_left3A_339 : memref<3072xi32, #tpu.memory_space<vmem>>[vector<16xi32>], vector<16xi32>,
        %mul3A_343 = arith.constant 2.300000e+01 : f32
        %mul3A_344 = vector.broadcast %mul3A_343 : f32 to vector<16xf32>
        %mul3A_345 = arith.mulf %get3A_303, %mul3A_344 : vector<16xf32>
        %convert_element_type3A_346 = arith.fptosi %mul3A_345 : vector<16xf32> to vector<16xi32>
        %mul3A_347 = arith.constant 2.300000e+01 : f32
        %mul3A_348 = vector.broadcast %mul3A_347 : f32 to vector<16xf32>
        %mul3A_349 = arith.mulf %get3A_305, %mul3A_348 : vector<16xf32>
        %convert_element_type3A_350 = arith.fptosi %mul3A_349 : vector<16xf32> to vector<16xi32>
        %mul3A_351 = arith.constant 2.300000e+01 : f32
        %mul3A_352 = vector.broadcast %mul3A_351 : f32 to vector<16xf32>
        %mul3A_353 = arith.mulf %get3A_307, %mul3A_352 : vector<16xf32>
        %convert_element_type3A_354 = arith.fptosi %mul3A_353 : vector<16xf32> to vector<16xi32>
        %mul3A_355 = arith.constant -1640531535 : i32
        %mul3A_356 = vector.broadcast %mul3A_355 : i32 to vector<16xi32>
        %mul3A_357 = arith.muli %convert_element_type3A_350, %mul3A_356 : vector<16xi32>
        %xor3A_358 = arith.xori %convert_element_type3A_346, %mul3A_357 : vector<16xi32>
        %mul3A_359 = arith.constant 805459861 : i32
        %mul3A_360 = vector.broadcast %mul3A_359 : i32 to vector<16xi32>
        %mul3A_361 = arith.muli %convert_element_type3A_354, %mul3A_360 : vector<16xi32>
        %xor3A_362 = arith.xori %xor3A_358, %mul3A_361 : vector<16xi32>
        %and3A_363 = arith.constant 524287 : i32
        %and3A_364 = vector.broadcast %and3A_363 : i32 to vector<16xi32>
        %and3A_365 = arith.andi %xor3A_362, %and3A_364 : vector<16xi32>
        %shift_right_arithmetic3A_366 = arith.constant 2 : i32
        %shift_right_arithmetic3A_367 = vector.broadcast %shift_right_arithmetic3A_366 : i32 to vector<16xi32>
        %shift_right_arithmetic3A_368 = arith.shrsi %and3A_365, %shift_right_arithmetic3A_367 : vector<16xi32>
        %or3A_369 = arith.constant 131072 : i32
        %or3A_370 = vector.broadcast %or3A_369 : i32 to vector<16xi32>
        %or3A_371 = arith.ori %shift_right_arithmetic3A_368, %or3A_370 : vector<16xi32>
        %and3A_372 = arith.constant 3 : i32
        %and3A_373 = vector.broadcast %and3A_372 : i32 to vector<16xi32>
        %and3A_374 = arith.andi %and3A_365, %and3A_373 : vector<16xi32>
        %shift_left3A_375 = arith.constant 1 : i32
        %shift_left3A_376 = vector.broadcast %shift_left3A_375 : i32 to vector<16xi32>
        %shift_left3A_377 = arith.shli %and3A_374, %shift_left3A_376 : vector<16xi32>
        %add3A_378 = arith.constant 256 : i32
        %add3A_379 = vector.broadcast %add3A_378 : i32 to vector<16xi32>
        %add3A_380 = arith.addi %add3A_309, %add3A_379 : vector<16xi32>
        tpu.vector_store_idx %arg14[%add3A_380], %or3A_371 : memref<3072xi32, #tpu.memory_space<vmem>>[vector<16xi32>], vector<16xi32>,
        tpu.vector_store_idx %arg16[%add3A_380], %shift_left3A_377 : memref<3072xi32, #tpu.memory_space<vmem>>[vector<16xi32>], vector<16xi32>,
        %mul3A_381 = arith.constant 3.400000e+01 : f32
        %mul3A_382 = vector.broadcast %mul3A_381 : f32 to vector<16xf32>
        %mul3A_383 = arith.mulf %get3A_303, %mul3A_382 : vector<16xf32>
        %convert_element_type3A_384 = arith.fptosi %mul3A_383 : vector<16xf32> to vector<16xi32>
        %mul3A_385 = arith.constant 3.400000e+01 : f32
        %mul3A_386 = vector.broadcast %mul3A_385 : f32 to vector<16xf32>
        %mul3A_387 = arith.mulf %get3A_305, %mul3A_386 : vector<16xf32>
        %convert_element_type3A_388 = arith.fptosi %mul3A_387 : vector<16xf32> to vector<16xi32>
        %mul3A_389 = arith.constant 3.400000e+01 : f32
        %mul3A_390 = vector.broadcast %mul3A_389 : f32 to vector<16xf32>
        %mul3A_391 = arith.mulf %get3A_307, %mul3A_390 : vector<16xf32>
        %convert_element_type3A_392 = arith.fptosi %mul3A_391 : vector<16xf32> to vector<16xi32>
        %mul3A_393 = arith.constant -1640531535 : i32
        %mul3A_394 = vector.broadcast %mul3A_393 : i32 to vector<16xi32>
        %mul3A_395 = arith.muli %convert_element_type3A_388, %mul3A_394 : vector<16xi32>
        %xor3A_396 = arith.xori %convert_element_type3A_384, %mul3A_395 : vector<16xi32>
        %mul3A_397 = arith.constant 805459861 : i32
        %mul3A_398 = vector.broadcast %mul3A_397 : i32 to vector<16xi32>
        %mul3A_399 = arith.muli %convert_element_type3A_392, %mul3A_398 : vector<16xi32>
        %xor3A_400 = arith.xori %xor3A_396, %mul3A_399 : vector<16xi32>
        %and3A_401 = arith.constant 524287 : i32
        %and3A_402 = vector.broadcast %and3A_401 : i32 to vector<16xi32>
        %and3A_403 = arith.andi %xor3A_400, %and3A_402 : vector<16xi32>
        %shift_right_arithmetic3A_404 = arith.constant 2 : i32
        %shift_right_arithmetic3A_405 = vector.broadcast %shift_right_arithmetic3A_404 : i32 to vector<16xi32>
        %shift_right_arithmetic3A_406 = arith.shrsi %and3A_403, %shift_right_arithmetic3A_405 : vector<16xi32>
        %or3A_407 = arith.constant 262144 : i32
        %or3A_408 = vector.broadcast %or3A_407 : i32 to vector<16xi32>
        %or3A_409 = arith.ori %shift_right_arithmetic3A_406, %or3A_408 : vector<16xi32>
        %and3A_410 = arith.constant 3 : i32
        %and3A_411 = vector.broadcast %and3A_410 : i32 to vector<16xi32>
        %and3A_412 = arith.andi %and3A_403, %and3A_411 : vector<16xi32>
        %shift_left3A_413 = arith.constant 1 : i32
        %shift_left3A_414 = vector.broadcast %shift_left3A_413 : i32 to vector<16xi32>
        %shift_left3A_415 = arith.shli %and3A_412, %shift_left3A_414 : vector<16xi32>
        %add3A_416 = arith.constant 512 : i32
        %add3A_417 = vector.broadcast %add3A_416 : i32 to vector<16xi32>
        %add3A_418 = arith.addi %add3A_309, %add3A_417 : vector<16xi32>
        tpu.vector_store_idx %arg14[%add3A_418], %or3A_409 : memref<3072xi32, #tpu.memory_space<vmem>>[vector<16xi32>], vector<16xi32>,
        tpu.vector_store_idx %arg16[%add3A_418], %shift_left3A_415 : memref<3072xi32, #tpu.memory_space<vmem>>[vector<16xi32>], vector<16xi32>,
        %mul3A_419 = arith.constant 4.900000e+01 : f32
        %mul3A_420 = vector.broadcast %mul3A_419 : f32 to vector<16xf32>
        %mul3A_421 = arith.mulf %get3A_303, %mul3A_420 : vector<16xf32>
        %convert_element_type3A_422 = arith.fptosi %mul3A_421 : vector<16xf32> to vector<16xi32>
        %mul3A_423 = arith.constant 4.900000e+01 : f32
        %mul3A_424 = vector.broadcast %mul3A_423 : f32 to vector<16xf32>
        %mul3A_425 = arith.mulf %get3A_305, %mul3A_424 : vector<16xf32>
        %convert_element_type3A_426 = arith.fptosi %mul3A_425 : vector<16xf32> to vector<16xi32>
        %mul3A_427 = arith.constant 4.900000e+01 : f32
        %mul3A_428 = vector.broadcast %mul3A_427 : f32 to vector<16xf32>
        %mul3A_429 = arith.mulf %get3A_307, %mul3A_428 : vector<16xf32>
        %convert_element_type3A_430 = arith.fptosi %mul3A_429 : vector<16xf32> to vector<16xi32>
        %mul3A_431 = arith.constant -1640531535 : i32
        %mul3A_432 = vector.broadcast %mul3A_431 : i32 to vector<16xi32>
        %mul3A_433 = arith.muli %convert_element_type3A_426, %mul3A_432 : vector<16xi32>
        %xor3A_434 = arith.xori %convert_element_type3A_422, %mul3A_433 : vector<16xi32>
        %mul3A_435 = arith.constant 805459861 : i32
        %mul3A_436 = vector.broadcast %mul3A_435 : i32 to vector<16xi32>
        %mul3A_437 = arith.muli %convert_element_type3A_430, %mul3A_436 : vector<16xi32>
        %xor3A_438 = arith.xori %xor3A_434, %mul3A_437 : vector<16xi32>
        %and3A_439 = arith.constant 524287 : i32
        %and3A_440 = vector.broadcast %and3A_439 : i32 to vector<16xi32>
        %and3A_441 = arith.andi %xor3A_438, %and3A_440 : vector<16xi32>
        %shift_right_arithmetic3A_442 = arith.constant 2 : i32
        %shift_right_arithmetic3A_443 = vector.broadcast %shift_right_arithmetic3A_442 : i32 to vector<16xi32>
        %shift_right_arithmetic3A_444 = arith.shrsi %and3A_441, %shift_right_arithmetic3A_443 : vector<16xi32>
        %or3A_445 = arith.constant 393216 : i32
        %or3A_446 = vector.broadcast %or3A_445 : i32 to vector<16xi32>
        %or3A_447 = arith.ori %shift_right_arithmetic3A_444, %or3A_446 : vector<16xi32>
        %and3A_448 = arith.constant 3 : i32
        %and3A_449 = vector.broadcast %and3A_448 : i32 to vector<16xi32>
        %and3A_450 = arith.andi %and3A_441, %and3A_449 : vector<16xi32>
        %shift_left3A_451 = arith.constant 1 : i32
        %shift_left3A_452 = vector.broadcast %shift_left3A_451 : i32 to vector<16xi32>
        %shift_left3A_453 = arith.shli %and3A_450, %shift_left3A_452 : vector<16xi32>
        %add3A_454 = arith.constant 768 : i32
        %add3A_455 = vector.broadcast %add3A_454 : i32 to vector<16xi32>
        %add3A_456 = arith.addi %add3A_309, %add3A_455 : vector<16xi32>
        tpu.vector_store_idx %arg14[%add3A_456], %or3A_447 : memref<3072xi32, #tpu.memory_space<vmem>>[vector<16xi32>], vector<16xi32>,
        tpu.vector_store_idx %arg16[%add3A_456], %shift_left3A_453 : memref<3072xi32, #tpu.memory_space<vmem>>[vector<16xi32>], vector<16xi32>,
        %mul3A_457 = arith.constant 7.200000e+01 : f32
        %mul3A_458 = vector.broadcast %mul3A_457 : f32 to vector<16xf32>
        %mul3A_459 = arith.mulf %get3A_303, %mul3A_458 : vector<16xf32>
        %convert_element_type3A_460 = arith.fptosi %mul3A_459 : vector<16xf32> to vector<16xi32>
        %mul3A_461 = arith.constant 7.200000e+01 : f32
        %mul3A_462 = vector.broadcast %mul3A_461 : f32 to vector<16xf32>
        %mul3A_463 = arith.mulf %get3A_305, %mul3A_462 : vector<16xf32>
        %convert_element_type3A_464 = arith.fptosi %mul3A_463 : vector<16xf32> to vector<16xi32>
        %mul3A_465 = arith.constant 7.200000e+01 : f32
        %mul3A_466 = vector.broadcast %mul3A_465 : f32 to vector<16xf32>
        %mul3A_467 = arith.mulf %get3A_307, %mul3A_466 : vector<16xf32>
        %convert_element_type3A_468 = arith.fptosi %mul3A_467 : vector<16xf32> to vector<16xi32>
        %mul3A_469 = arith.constant -1640531535 : i32
        %mul3A_470 = vector.broadcast %mul3A_469 : i32 to vector<16xi32>
        %mul3A_471 = arith.muli %convert_element_type3A_464, %mul3A_470 : vector<16xi32>
        %xor3A_472 = arith.xori %convert_element_type3A_460, %mul3A_471 : vector<16xi32>
        %mul3A_473 = arith.constant 805459861 : i32
        %mul3A_474 = vector.broadcast %mul3A_473 : i32 to vector<16xi32>
        %mul3A_475 = arith.muli %convert_element_type3A_468, %mul3A_474 : vector<16xi32>
        %xor3A_476 = arith.xori %xor3A_472, %mul3A_475 : vector<16xi32>
        %and3A_477 = arith.constant 524287 : i32
        %and3A_478 = vector.broadcast %and3A_477 : i32 to vector<16xi32>
        %and3A_479 = arith.andi %xor3A_476, %and3A_478 : vector<16xi32>
        %shift_right_arithmetic3A_480 = arith.constant 2 : i32
        %shift_right_arithmetic3A_481 = vector.broadcast %shift_right_arithmetic3A_480 : i32 to vector<16xi32>
        %shift_right_arithmetic3A_482 = arith.shrsi %and3A_479, %shift_right_arithmetic3A_481 : vector<16xi32>
        %or3A_483 = arith.constant 524288 : i32
        %or3A_484 = vector.broadcast %or3A_483 : i32 to vector<16xi32>
        %or3A_485 = arith.ori %shift_right_arithmetic3A_482, %or3A_484 : vector<16xi32>
        %and3A_486 = arith.constant 3 : i32
        %and3A_487 = vector.broadcast %and3A_486 : i32 to vector<16xi32>
        %and3A_488 = arith.andi %and3A_479, %and3A_487 : vector<16xi32>
        %shift_left3A_489 = arith.constant 1 : i32
        %shift_left3A_490 = vector.broadcast %shift_left3A_489 : i32 to vector<16xi32>
        %shift_left3A_491 = arith.shli %and3A_488, %shift_left3A_490 : vector<16xi32>
        %add3A_492 = arith.constant 1024 : i32
        %add3A_493 = vector.broadcast %add3A_492 : i32 to vector<16xi32>
        %add3A_494 = arith.addi %add3A_309, %add3A_493 : vector<16xi32>
        tpu.vector_store_idx %arg14[%add3A_494], %or3A_485 : memref<3072xi32, #tpu.memory_space<vmem>>[vector<16xi32>], vector<16xi32>,
        tpu.vector_store_idx %arg16[%add3A_494], %shift_left3A_491 : memref<3072xi32, #tpu.memory_space<vmem>>[vector<16xi32>], vector<16xi32>,
        %mul3A_495 = arith.constant 1.050000e+02 : f32
        %mul3A_496 = vector.broadcast %mul3A_495 : f32 to vector<16xf32>
        %mul3A_497 = arith.mulf %get3A_303, %mul3A_496 : vector<16xf32>
        %convert_element_type3A_498 = arith.fptosi %mul3A_497 : vector<16xf32> to vector<16xi32>
        %mul3A_499 = arith.constant 1.050000e+02 : f32
        %mul3A_500 = vector.broadcast %mul3A_499 : f32 to vector<16xf32>
        %mul3A_501 = arith.mulf %get3A_305, %mul3A_500 : vector<16xf32>
        %convert_element_type3A_502 = arith.fptosi %mul3A_501 : vector<16xf32> to vector<16xi32>
        %mul3A_503 = arith.constant 1.050000e+02 : f32
        %mul3A_504 = vector.broadcast %mul3A_503 : f32 to vector<16xf32>
        %mul3A_505 = arith.mulf %get3A_307, %mul3A_504 : vector<16xf32>
        %convert_element_type3A_506 = arith.fptosi %mul3A_505 : vector<16xf32> to vector<16xi32>
        %mul3A_507 = arith.constant -1640531535 : i32
        %mul3A_508 = vector.broadcast %mul3A_507 : i32 to vector<16xi32>
        %mul3A_509 = arith.muli %convert_element_type3A_502, %mul3A_508 : vector<16xi32>
        %xor3A_510 = arith.xori %convert_element_type3A_498, %mul3A_509 : vector<16xi32>
        %mul3A_511 = arith.constant 805459861 : i32
        %mul3A_512 = vector.broadcast %mul3A_511 : i32 to vector<16xi32>
        %mul3A_513 = arith.muli %convert_element_type3A_506, %mul3A_512 : vector<16xi32>
        %xor3A_514 = arith.xori %xor3A_510, %mul3A_513 : vector<16xi32>
        %and3A_515 = arith.constant 524287 : i32
        %and3A_516 = vector.broadcast %and3A_515 : i32 to vector<16xi32>
        %and3A_517 = arith.andi %xor3A_514, %and3A_516 : vector<16xi32>
        %shift_right_arithmetic3A_518 = arith.constant 2 : i32
        %shift_right_arithmetic3A_519 = vector.broadcast %shift_right_arithmetic3A_518 : i32 to vector<16xi32>
        %shift_right_arithmetic3A_520 = arith.shrsi %and3A_517, %shift_right_arithmetic3A_519 : vector<16xi32>
        %or3A_521 = arith.constant 655360 : i32
        %or3A_522 = vector.broadcast %or3A_521 : i32 to vector<16xi32>
        %or3A_523 = arith.ori %shift_right_arithmetic3A_520, %or3A_522 : vector<16xi32>
        %and3A_524 = arith.constant 3 : i32
        %and3A_525 = vector.broadcast %and3A_524 : i32 to vector<16xi32>
        %and3A_526 = arith.andi %and3A_517, %and3A_525 : vector<16xi32>
        %shift_left3A_527 = arith.constant 1 : i32
        %shift_left3A_528 = vector.broadcast %shift_left3A_527 : i32 to vector<16xi32>
        %shift_left3A_529 = arith.shli %and3A_526, %shift_left3A_528 : vector<16xi32>
        %add3A_530 = arith.constant 1280 : i32
        %add3A_531 = vector.broadcast %add3A_530 : i32 to vector<16xi32>
        %add3A_532 = arith.addi %add3A_309, %add3A_531 : vector<16xi32>
        tpu.vector_store_idx %arg14[%add3A_532], %or3A_523 : memref<3072xi32, #tpu.memory_space<vmem>>[vector<16xi32>], vector<16xi32>,
        tpu.vector_store_idx %arg16[%add3A_532], %shift_left3A_529 : memref<3072xi32, #tpu.memory_space<vmem>>[vector<16xi32>], vector<16xi32>,
        %mul3A_533 = arith.constant 1.540000e+02 : f32
        %mul3A_534 = vector.broadcast %mul3A_533 : f32 to vector<16xf32>
        %mul3A_535 = arith.mulf %get3A_303, %mul3A_534 : vector<16xf32>
        %convert_element_type3A_536 = arith.fptosi %mul3A_535 : vector<16xf32> to vector<16xi32>
        %mul3A_537 = arith.constant 1.540000e+02 : f32
        %mul3A_538 = vector.broadcast %mul3A_537 : f32 to vector<16xf32>
        %mul3A_539 = arith.mulf %get3A_305, %mul3A_538 : vector<16xf32>
        %convert_element_type3A_540 = arith.fptosi %mul3A_539 : vector<16xf32> to vector<16xi32>
        %mul3A_541 = arith.constant 1.540000e+02 : f32
        %mul3A_542 = vector.broadcast %mul3A_541 : f32 to vector<16xf32>
        %mul3A_543 = arith.mulf %get3A_307, %mul3A_542 : vector<16xf32>
        %convert_element_type3A_544 = arith.fptosi %mul3A_543 : vector<16xf32> to vector<16xi32>
        %mul3A_545 = arith.constant -1640531535 : i32
        %mul3A_546 = vector.broadcast %mul3A_545 : i32 to vector<16xi32>
        %mul3A_547 = arith.muli %convert_element_type3A_540, %mul3A_546 : vector<16xi32>
        %xor3A_548 = arith.xori %convert_element_type3A_536, %mul3A_547 : vector<16xi32>
        %mul3A_549 = arith.constant 805459861 : i32
        %mul3A_550 = vector.broadcast %mul3A_549 : i32 to vector<16xi32>
        %mul3A_551 = arith.muli %convert_element_type3A_544, %mul3A_550 : vector<16xi32>
        %xor3A_552 = arith.xori %xor3A_548, %mul3A_551 : vector<16xi32>
        %and3A_553 = arith.constant 524287 : i32
        %and3A_554 = vector.broadcast %and3A_553 : i32 to vector<16xi32>
        %and3A_555 = arith.andi %xor3A_552, %and3A_554 : vector<16xi32>
        %shift_right_arithmetic3A_556 = arith.constant 2 : i32
        %shift_right_arithmetic3A_557 = vector.broadcast %shift_right_arithmetic3A_556 : i32 to vector<16xi32>
        %shift_right_arithmetic3A_558 = arith.shrsi %and3A_555, %shift_right_arithmetic3A_557 : vector<16xi32>
        %or3A_559 = arith.constant 786432 : i32
        %or3A_560 = vector.broadcast %or3A_559 : i32 to vector<16xi32>
        %or3A_561 = arith.ori %shift_right_arithmetic3A_558, %or3A_560 : vector<16xi32>
        %and3A_562 = arith.constant 3 : i32
        %and3A_563 = vector.broadcast %and3A_562 : i32 to vector<16xi32>
        %and3A_564 = arith.andi %and3A_555, %and3A_563 : vector<16xi32>
        %shift_left3A_565 = arith.constant 1 : i32
        %shift_left3A_566 = vector.broadcast %shift_left3A_565 : i32 to vector<16xi32>
        %shift_left3A_567 = arith.shli %and3A_564, %shift_left3A_566 : vector<16xi32>
        %add3A_568 = arith.constant 1536 : i32
        %add3A_569 = vector.broadcast %add3A_568 : i32 to vector<16xi32>
        %add3A_570 = arith.addi %add3A_309, %add3A_569 : vector<16xi32>
        tpu.vector_store_idx %arg14[%add3A_570], %or3A_561 : memref<3072xi32, #tpu.memory_space<vmem>>[vector<16xi32>], vector<16xi32>,
        tpu.vector_store_idx %arg16[%add3A_570], %shift_left3A_567 : memref<3072xi32, #tpu.memory_space<vmem>>[vector<16xi32>], vector<16xi32>,
        %mul3A_571 = arith.constant 2.250000e+02 : f32
        %mul3A_572 = vector.broadcast %mul3A_571 : f32 to vector<16xf32>
        %mul3A_573 = arith.mulf %get3A_303, %mul3A_572 : vector<16xf32>
        %convert_element_type3A_574 = arith.fptosi %mul3A_573 : vector<16xf32> to vector<16xi32>
        %mul3A_575 = arith.constant 2.250000e+02 : f32
        %mul3A_576 = vector.broadcast %mul3A_575 : f32 to vector<16xf32>
        %mul3A_577 = arith.mulf %get3A_305, %mul3A_576 : vector<16xf32>
        %convert_element_type3A_578 = arith.fptosi %mul3A_577 : vector<16xf32> to vector<16xi32>
        %mul3A_579 = arith.constant 2.250000e+02 : f32
        %mul3A_580 = vector.broadcast %mul3A_579 : f32 to vector<16xf32>
        %mul3A_581 = arith.mulf %get3A_307, %mul3A_580 : vector<16xf32>
        %convert_element_type3A_582 = arith.fptosi %mul3A_581 : vector<16xf32> to vector<16xi32>
        %mul3A_583 = arith.constant -1640531535 : i32
        %mul3A_584 = vector.broadcast %mul3A_583 : i32 to vector<16xi32>
        %mul3A_585 = arith.muli %convert_element_type3A_578, %mul3A_584 : vector<16xi32>
        %xor3A_586 = arith.xori %convert_element_type3A_574, %mul3A_585 : vector<16xi32>
        %mul3A_587 = arith.constant 805459861 : i32
        %mul3A_588 = vector.broadcast %mul3A_587 : i32 to vector<16xi32>
        %mul3A_589 = arith.muli %convert_element_type3A_582, %mul3A_588 : vector<16xi32>
        %xor3A_590 = arith.xori %xor3A_586, %mul3A_589 : vector<16xi32>
        %and3A_591 = arith.constant 524287 : i32
        %and3A_592 = vector.broadcast %and3A_591 : i32 to vector<16xi32>
        %and3A_593 = arith.andi %xor3A_590, %and3A_592 : vector<16xi32>
        %shift_right_arithmetic3A_594 = arith.constant 2 : i32
        %shift_right_arithmetic3A_595 = vector.broadcast %shift_right_arithmetic3A_594 : i32 to vector<16xi32>
        %shift_right_arithmetic3A_596 = arith.shrsi %and3A_593, %shift_right_arithmetic3A_595 : vector<16xi32>
        %or3A_597 = arith.constant 917504 : i32
        %or3A_598 = vector.broadcast %or3A_597 : i32 to vector<16xi32>
        %or3A_599 = arith.ori %shift_right_arithmetic3A_596, %or3A_598 : vector<16xi32>
        %and3A_600 = arith.constant 3 : i32
        %and3A_601 = vector.broadcast %and3A_600 : i32 to vector<16xi32>
        %and3A_602 = arith.andi %and3A_593, %and3A_601 : vector<16xi32>
        %shift_left3A_603 = arith.constant 1 : i32
        %shift_left3A_604 = vector.broadcast %shift_left3A_603 : i32 to vector<16xi32>
        %shift_left3A_605 = arith.shli %and3A_602, %shift_left3A_604 : vector<16xi32>
        %add3A_606 = arith.constant 1792 : i32
        %add3A_607 = vector.broadcast %add3A_606 : i32 to vector<16xi32>
        %add3A_608 = arith.addi %add3A_309, %add3A_607 : vector<16xi32>
        tpu.vector_store_idx %arg14[%add3A_608], %or3A_599 : memref<3072xi32, #tpu.memory_space<vmem>>[vector<16xi32>], vector<16xi32>,
        tpu.vector_store_idx %arg16[%add3A_608], %shift_left3A_605 : memref<3072xi32, #tpu.memory_space<vmem>>[vector<16xi32>], vector<16xi32>,
        %mul3A_609 = arith.constant 3.290000e+02 : f32
        %mul3A_610 = vector.broadcast %mul3A_609 : f32 to vector<16xf32>
        %mul3A_611 = arith.mulf %get3A_303, %mul3A_610 : vector<16xf32>
        %convert_element_type3A_612 = arith.fptosi %mul3A_611 : vector<16xf32> to vector<16xi32>
        %mul3A_613 = arith.constant 3.290000e+02 : f32
        %mul3A_614 = vector.broadcast %mul3A_613 : f32 to vector<16xf32>
        %mul3A_615 = arith.mulf %get3A_305, %mul3A_614 : vector<16xf32>
        %convert_element_type3A_616 = arith.fptosi %mul3A_615 : vector<16xf32> to vector<16xi32>
        %mul3A_617 = arith.constant 3.290000e+02 : f32
        %mul3A_618 = vector.broadcast %mul3A_617 : f32 to vector<16xf32>
        %mul3A_619 = arith.mulf %get3A_307, %mul3A_618 : vector<16xf32>
        %convert_element_type3A_620 = arith.fptosi %mul3A_619 : vector<16xf32> to vector<16xi32>
        %mul3A_621 = arith.constant -1640531535 : i32
        %mul3A_622 = vector.broadcast %mul3A_621 : i32 to vector<16xi32>
        %mul3A_623 = arith.muli %convert_element_type3A_616, %mul3A_622 : vector<16xi32>
        %xor3A_624 = arith.xori %convert_element_type3A_612, %mul3A_623 : vector<16xi32>
        %mul3A_625 = arith.constant 805459861 : i32
        %mul3A_626 = vector.broadcast %mul3A_625 : i32 to vector<16xi32>
        %mul3A_627 = arith.muli %convert_element_type3A_620, %mul3A_626 : vector<16xi32>
        %xor3A_628 = arith.xori %xor3A_624, %mul3A_627 : vector<16xi32>
        %and3A_629 = arith.constant 524287 : i32
        %and3A_630 = vector.broadcast %and3A_629 : i32 to vector<16xi32>
        %and3A_631 = arith.andi %xor3A_628, %and3A_630 : vector<16xi32>
        %shift_right_arithmetic3A_632 = arith.constant 2 : i32
        %shift_right_arithmetic3A_633 = vector.broadcast %shift_right_arithmetic3A_632 : i32 to vector<16xi32>
        %shift_right_arithmetic3A_634 = arith.shrsi %and3A_631, %shift_right_arithmetic3A_633 : vector<16xi32>
        %or3A_635 = arith.constant 1048576 : i32
        %or3A_636 = vector.broadcast %or3A_635 : i32 to vector<16xi32>
        %or3A_637 = arith.ori %shift_right_arithmetic3A_634, %or3A_636 : vector<16xi32>
        %and3A_638 = arith.constant 3 : i32
        %and3A_639 = vector.broadcast %and3A_638 : i32 to vector<16xi32>
        %and3A_640 = arith.andi %and3A_631, %and3A_639 : vector<16xi32>
        %shift_left3A_641 = arith.constant 1 : i32
        %shift_left3A_642 = vector.broadcast %shift_left3A_641 : i32 to vector<16xi32>
        %shift_left3A_643 = arith.shli %and3A_640, %shift_left3A_642 : vector<16xi32>
        %add3A_644 = arith.constant 2048 : i32
        %add3A_645 = vector.broadcast %add3A_644 : i32 to vector<16xi32>
        %add3A_646 = arith.addi %add3A_309, %add3A_645 : vector<16xi32>
        tpu.vector_store_idx %arg14[%add3A_646], %or3A_637 : memref<3072xi32, #tpu.memory_space<vmem>>[vector<16xi32>], vector<16xi32>,
        tpu.vector_store_idx %arg16[%add3A_646], %shift_left3A_643 : memref<3072xi32, #tpu.memory_space<vmem>>[vector<16xi32>], vector<16xi32>,
        %mul3A_647 = arith.constant 4.800000e+02 : f32
        %mul3A_648 = vector.broadcast %mul3A_647 : f32 to vector<16xf32>
        %mul3A_649 = arith.mulf %get3A_303, %mul3A_648 : vector<16xf32>
        %convert_element_type3A_650 = arith.fptosi %mul3A_649 : vector<16xf32> to vector<16xi32>
        %mul3A_651 = arith.constant 4.800000e+02 : f32
        %mul3A_652 = vector.broadcast %mul3A_651 : f32 to vector<16xf32>
        %mul3A_653 = arith.mulf %get3A_305, %mul3A_652 : vector<16xf32>
        %convert_element_type3A_654 = arith.fptosi %mul3A_653 : vector<16xf32> to vector<16xi32>
        %mul3A_655 = arith.constant 4.800000e+02 : f32
        %mul3A_656 = vector.broadcast %mul3A_655 : f32 to vector<16xf32>
        %mul3A_657 = arith.mulf %get3A_307, %mul3A_656 : vector<16xf32>
        %convert_element_type3A_658 = arith.fptosi %mul3A_657 : vector<16xf32> to vector<16xi32>
        %mul3A_659 = arith.constant -1640531535 : i32
        %mul3A_660 = vector.broadcast %mul3A_659 : i32 to vector<16xi32>
        %mul3A_661 = arith.muli %convert_element_type3A_654, %mul3A_660 : vector<16xi32>
        %xor3A_662 = arith.xori %convert_element_type3A_650, %mul3A_661 : vector<16xi32>
        %mul3A_663 = arith.constant 805459861 : i32
        %mul3A_664 = vector.broadcast %mul3A_663 : i32 to vector<16xi32>
        %mul3A_665 = arith.muli %convert_element_type3A_658, %mul3A_664 : vector<16xi32>
        %xor3A_666 = arith.xori %xor3A_662, %mul3A_665 : vector<16xi32>
        %and3A_667 = arith.constant 524287 : i32
        %and3A_668 = vector.broadcast %and3A_667 : i32 to vector<16xi32>
        %and3A_669 = arith.andi %xor3A_666, %and3A_668 : vector<16xi32>
        %shift_right_arithmetic3A_670 = arith.constant 2 : i32
        %shift_right_arithmetic3A_671 = vector.broadcast %shift_right_arithmetic3A_670 : i32 to vector<16xi32>
        %shift_right_arithmetic3A_672 = arith.shrsi %and3A_669, %shift_right_arithmetic3A_671 : vector<16xi32>
        %or3A_673 = arith.constant 1179648 : i32
        %or3A_674 = vector.broadcast %or3A_673 : i32 to vector<16xi32>
        %or3A_675 = arith.ori %shift_right_arithmetic3A_672, %or3A_674 : vector<16xi32>
        %and3A_676 = arith.constant 3 : i32
        %and3A_677 = vector.broadcast %and3A_676 : i32 to vector<16xi32>
        %and3A_678 = arith.andi %and3A_669, %and3A_677 : vector<16xi32>
        %shift_left3A_679 = arith.constant 1 : i32
        %shift_left3A_680 = vector.broadcast %shift_left3A_679 : i32 to vector<16xi32>
        %shift_left3A_681 = arith.shli %and3A_678, %shift_left3A_680 : vector<16xi32>
        %add3A_682 = arith.constant 2304 : i32
        %add3A_683 = vector.broadcast %add3A_682 : i32 to vector<16xi32>
        %add3A_684 = arith.addi %add3A_309, %add3A_683 : vector<16xi32>
        tpu.vector_store_idx %arg14[%add3A_684], %or3A_675 : memref<3072xi32, #tpu.memory_space<vmem>>[vector<16xi32>], vector<16xi32>,
        tpu.vector_store_idx %arg16[%add3A_684], %shift_left3A_681 : memref<3072xi32, #tpu.memory_space<vmem>>[vector<16xi32>], vector<16xi32>,
        %mul3A_685 = arith.constant 7.010000e+02 : f32
        %mul3A_686 = vector.broadcast %mul3A_685 : f32 to vector<16xf32>
        %mul3A_687 = arith.mulf %get3A_303, %mul3A_686 : vector<16xf32>
        %convert_element_type3A_688 = arith.fptosi %mul3A_687 : vector<16xf32> to vector<16xi32>
        %mul3A_689 = arith.constant 7.010000e+02 : f32
        %mul3A_690 = vector.broadcast %mul3A_689 : f32 to vector<16xf32>
        %mul3A_691 = arith.mulf %get3A_305, %mul3A_690 : vector<16xf32>
        %convert_element_type3A_692 = arith.fptosi %mul3A_691 : vector<16xf32> to vector<16xi32>
        %mul3A_693 = arith.constant 7.010000e+02 : f32
        %mul3A_694 = vector.broadcast %mul3A_693 : f32 to vector<16xf32>
        %mul3A_695 = arith.mulf %get3A_307, %mul3A_694 : vector<16xf32>
        %convert_element_type3A_696 = arith.fptosi %mul3A_695 : vector<16xf32> to vector<16xi32>
        %mul3A_697 = arith.constant -1640531535 : i32
        %mul3A_698 = vector.broadcast %mul3A_697 : i32 to vector<16xi32>
        %mul3A_699 = arith.muli %convert_element_type3A_692, %mul3A_698 : vector<16xi32>
        %xor3A_700 = arith.xori %convert_element_type3A_688, %mul3A_699 : vector<16xi32>
        %mul3A_701 = arith.constant 805459861 : i32
        %mul3A_702 = vector.broadcast %mul3A_701 : i32 to vector<16xi32>
        %mul3A_703 = arith.muli %convert_element_type3A_696, %mul3A_702 : vector<16xi32>
        %xor3A_704 = arith.xori %xor3A_700, %mul3A_703 : vector<16xi32>
        %and3A_705 = arith.constant 524287 : i32
        %and3A_706 = vector.broadcast %and3A_705 : i32 to vector<16xi32>
        %and3A_707 = arith.andi %xor3A_704, %and3A_706 : vector<16xi32>
        %shift_right_arithmetic3A_708 = arith.constant 2 : i32
        %shift_right_arithmetic3A_709 = vector.broadcast %shift_right_arithmetic3A_708 : i32 to vector<16xi32>
        %shift_right_arithmetic3A_710 = arith.shrsi %and3A_707, %shift_right_arithmetic3A_709 : vector<16xi32>
        %or3A_711 = arith.constant 1310720 : i32
        %or3A_712 = vector.broadcast %or3A_711 : i32 to vector<16xi32>
        %or3A_713 = arith.ori %shift_right_arithmetic3A_710, %or3A_712 : vector<16xi32>
        %and3A_714 = arith.constant 3 : i32
        %and3A_715 = vector.broadcast %and3A_714 : i32 to vector<16xi32>
        %and3A_716 = arith.andi %and3A_707, %and3A_715 : vector<16xi32>
        %shift_left3A_717 = arith.constant 1 : i32
        %shift_left3A_718 = vector.broadcast %shift_left3A_717 : i32 to vector<16xi32>
        %shift_left3A_719 = arith.shli %and3A_716, %shift_left3A_718 : vector<16xi32>
        %add3A_720 = arith.constant 2560 : i32
        %add3A_721 = vector.broadcast %add3A_720 : i32 to vector<16xi32>
        %add3A_722 = arith.addi %add3A_309, %add3A_721 : vector<16xi32>
        tpu.vector_store_idx %arg14[%add3A_722], %or3A_713 : memref<3072xi32, #tpu.memory_space<vmem>>[vector<16xi32>], vector<16xi32>,
        tpu.vector_store_idx %arg16[%add3A_722], %shift_left3A_719 : memref<3072xi32, #tpu.memory_space<vmem>>[vector<16xi32>], vector<16xi32>,
        %mul3A_723 = arith.constant 1.024000e+03 : f32
        %mul3A_724 = vector.broadcast %mul3A_723 : f32 to vector<16xf32>
        %mul3A_725 = arith.mulf %get3A_303, %mul3A_724 : vector<16xf32>
        %convert_element_type3A_726 = arith.fptosi %mul3A_725 : vector<16xf32> to vector<16xi32>
        %mul3A_727 = arith.constant 1.024000e+03 : f32
        %mul3A_728 = vector.broadcast %mul3A_727 : f32 to vector<16xf32>
        %mul3A_729 = arith.mulf %get3A_305, %mul3A_728 : vector<16xf32>
        %convert_element_type3A_730 = arith.fptosi %mul3A_729 : vector<16xf32> to vector<16xi32>
        %mul3A_731 = arith.constant 1.024000e+03 : f32
        %mul3A_732 = vector.broadcast %mul3A_731 : f32 to vector<16xf32>
        %mul3A_733 = arith.mulf %get3A_307, %mul3A_732 : vector<16xf32>
        %convert_element_type3A_734 = arith.fptosi %mul3A_733 : vector<16xf32> to vector<16xi32>
        %mul3A_735 = arith.constant -1640531535 : i32
        %mul3A_736 = vector.broadcast %mul3A_735 : i32 to vector<16xi32>
        %mul3A_737 = arith.muli %convert_element_type3A_730, %mul3A_736 : vector<16xi32>
        %xor3A_738 = arith.xori %convert_element_type3A_726, %mul3A_737 : vector<16xi32>
        %mul3A_739 = arith.constant 805459861 : i32
        %mul3A_740 = vector.broadcast %mul3A_739 : i32 to vector<16xi32>
        %mul3A_741 = arith.muli %convert_element_type3A_734, %mul3A_740 : vector<16xi32>
        %xor3A_742 = arith.xori %xor3A_738, %mul3A_741 : vector<16xi32>
        %and3A_743 = arith.constant 524287 : i32
        %and3A_744 = vector.broadcast %and3A_743 : i32 to vector<16xi32>
        %and3A_745 = arith.andi %xor3A_742, %and3A_744 : vector<16xi32>
        %shift_right_arithmetic3A_746 = arith.constant 2 : i32
        %shift_right_arithmetic3A_747 = vector.broadcast %shift_right_arithmetic3A_746 : i32 to vector<16xi32>
        %shift_right_arithmetic3A_748 = arith.shrsi %and3A_745, %shift_right_arithmetic3A_747 : vector<16xi32>
        %or3A_749 = arith.constant 1441792 : i32
        %or3A_750 = vector.broadcast %or3A_749 : i32 to vector<16xi32>
        %or3A_751 = arith.ori %shift_right_arithmetic3A_748, %or3A_750 : vector<16xi32>
        %and3A_752 = arith.constant 3 : i32
        %and3A_753 = vector.broadcast %and3A_752 : i32 to vector<16xi32>
        %and3A_754 = arith.andi %and3A_745, %and3A_753 : vector<16xi32>
        %shift_left3A_755 = arith.constant 1 : i32
        %shift_left3A_756 = vector.broadcast %shift_left3A_755 : i32 to vector<16xi32>
        %shift_left3A_757 = arith.shli %and3A_754, %shift_left3A_756 : vector<16xi32>
        %add3A_758 = arith.constant 2816 : i32
        %add3A_759 = vector.broadcast %add3A_758 : i32 to vector<16xi32>
        %add3A_760 = arith.addi %add3A_309, %add3A_759 : vector<16xi32>
        tpu.vector_store_idx %arg14[%add3A_760], %or3A_751 : memref<3072xi32, #tpu.memory_space<vmem>>[vector<16xi32>], vector<16xi32>,
        tpu.vector_store_idx %arg16[%add3A_760], %shift_left3A_757 : memref<3072xi32, #tpu.memory_space<vmem>>[vector<16xi32>], vector<16xi32>,
      }
      %while3A_156 = arith.constant 1 : i32
      scf.for %while3A_300 = %while3A_154 to %while3A_150 step %while3A_156  : i32 {
        %mul3A_301 = arith.muli %while3A_300, %while3A_147 : i32
        %add3A_302 = arith.addi %mul3A_4, %mul3A_301 : i32
        %get3A = arith.index_cast %add3A_302 : i32 to index
        %get3A_303 = tpu.vector_load %arg10[%get3A] {strides = array<i32>} : memref<256xf32, #tpu.memory_space<vmem>>, vector<16xf32>,
        %get3A_304 = arith.index_cast %add3A_302 : i32 to index
        %get3A_305 = tpu.vector_load %arg11[%get3A_304] {strides = array<i32>} : memref<256xf32, #tpu.memory_space<vmem>>, vector<16xf32>,
        %get3A_306 = arith.index_cast %add3A_302 : i32 to index
        %get3A_307 = tpu.vector_load %arg12[%get3A_306] {strides = array<i32>} : memref<256xf32, #tpu.memory_space<vmem>>, vector<16xf32>,
        %add3A_308 = vector.broadcast %add3A_302 : i32 to vector<16xi32>
        %add3A_309 = arith.addi %iota3A, %add3A_308 : vector<16xi32>
        %mul3A_310 = arith.constant 1.600000e+01 : f32
        %mul3A_311 = vector.broadcast %mul3A_310 : f32 to vector<16xf32>
        %mul3A_312 = arith.mulf %get3A_303, %mul3A_311 : vector<16xf32>
        %convert_element_type3A_313 = arith.fptosi %mul3A_312 : vector<16xf32> to vector<16xi32>
        %mul3A_314 = arith.constant 1.600000e+01 : f32
        %mul3A_315 = vector.broadcast %mul3A_314 : f32 to vector<16xf32>
        %mul3A_316 = arith.mulf %get3A_305, %mul3A_315 : vector<16xf32>
        %convert_element_type3A_317 = arith.fptosi %mul3A_316 : vector<16xf32> to vector<16xi32>
        %mul3A_318 = arith.constant 1.600000e+01 : f32
        %mul3A_319 = vector.broadcast %mul3A_318 : f32 to vector<16xf32>
        %mul3A_320 = arith.mulf %get3A_307, %mul3A_319 : vector<16xf32>
        %convert_element_type3A_321 = arith.fptosi %mul3A_320 : vector<16xf32> to vector<16xi32>
        %mul3A_322 = arith.constant -1640531535 : i32
        %mul3A_323 = vector.broadcast %mul3A_322 : i32 to vector<16xi32>
        %mul3A_324 = arith.muli %convert_element_type3A_317, %mul3A_323 : vector<16xi32>
        %xor3A = arith.xori %convert_element_type3A_313, %mul3A_324 : vector<16xi32>
        %mul3A_325 = arith.constant 805459861 : i32
        %mul3A_326 = vector.broadcast %mul3A_325 : i32 to vector<16xi32>
        %mul3A_327 = arith.muli %convert_element_type3A_321, %mul3A_326 : vector<16xi32>
        %xor3A_328 = arith.xori %xor3A, %mul3A_327 : vector<16xi32>
        %and3A = arith.constant 524287 : i32
        %and3A_329 = vector.broadcast %and3A : i32 to vector<16xi32>
        %and3A_330 = arith.andi %xor3A_328, %and3A_329 : vector<16xi32>
        %shift_right_arithmetic3A = arith.constant 2 : i32
        %shift_right_arithmetic3A_331 = vector.broadcast %shift_right_arithmetic3A : i32 to vector<16xi32>
        %shift_right_arithmetic3A_332 = arith.shrsi %and3A_330, %shift_right_arithmetic3A_331 : vector<16xi32>
        %or3A = arith.constant 0 : i32
        %or3A_333 = vector.broadcast %or3A : i32 to vector<16xi32>
        %or3A_334 = arith.ori %shift_right_arithmetic3A_332, %or3A_333 : vector<16xi32>
        %and3A_335 = arith.constant 3 : i32
        %and3A_336 = vector.broadcast %and3A_335 : i32 to vector<16xi32>
        %and3A_337 = arith.andi %and3A_330, %and3A_336 : vector<16xi32>
        %shift_left3A = arith.constant 1 : i32
        %shift_left3A_338 = vector.broadcast %shift_left3A : i32 to vector<16xi32>
        %shift_left3A_339 = arith.shli %and3A_337, %shift_left3A_338 : vector<16xi32>
        %add3A_340 = arith.constant 0 : i32
        %add3A_341 = vector.broadcast %add3A_340 : i32 to vector<16xi32>
        %add3A_342 = arith.addi %add3A_309, %add3A_341 : vector<16xi32>
        tpu.vector_store_idx %arg14[%add3A_342], %or3A_334 : memref<3072xi32, #tpu.memory_space<vmem>>[vector<16xi32>], vector<16xi32>,
        tpu.vector_store_idx %arg16[%add3A_342], %shift_left3A_339 : memref<3072xi32, #tpu.memory_space<vmem>>[vector<16xi32>], vector<16xi32>,
        %mul3A_343 = arith.constant 2.300000e+01 : f32
        %mul3A_344 = vector.broadcast %mul3A_343 : f32 to vector<16xf32>
        %mul3A_345 = arith.mulf %get3A_303, %mul3A_344 : vector<16xf32>
        %convert_element_type3A_346 = arith.fptosi %mul3A_345 : vector<16xf32> to vector<16xi32>
        %mul3A_347 = arith.constant 2.300000e+01 : f32
        %mul3A_348 = vector.broadcast %mul3A_347 : f32 to vector<16xf32>
        %mul3A_349 = arith.mulf %get3A_305, %mul3A_348 : vector<16xf32>
        %convert_element_type3A_350 = arith.fptosi %mul3A_349 : vector<16xf32> to vector<16xi32>
        %mul3A_351 = arith.constant 2.300000e+01 : f32
        %mul3A_352 = vector.broadcast %mul3A_351 : f32 to vector<16xf32>
        %mul3A_353 = arith.mulf %get3A_307, %mul3A_352 : vector<16xf32>
        %convert_element_type3A_354 = arith.fptosi %mul3A_353 : vector<16xf32> to vector<16xi32>
        %mul3A_355 = arith.constant -1640531535 : i32
        %mul3A_356 = vector.broadcast %mul3A_355 : i32 to vector<16xi32>
        %mul3A_357 = arith.muli %convert_element_type3A_350, %mul3A_356 : vector<16xi32>
        %xor3A_358 = arith.xori %convert_element_type3A_346, %mul3A_357 : vector<16xi32>
        %mul3A_359 = arith.constant 805459861 : i32
        %mul3A_360 = vector.broadcast %mul3A_359 : i32 to vector<16xi32>
        %mul3A_361 = arith.muli %convert_element_type3A_354, %mul3A_360 : vector<16xi32>
        %xor3A_362 = arith.xori %xor3A_358, %mul3A_361 : vector<16xi32>
        %and3A_363 = arith.constant 524287 : i32
        %and3A_364 = vector.broadcast %and3A_363 : i32 to vector<16xi32>
        %and3A_365 = arith.andi %xor3A_362, %and3A_364 : vector<16xi32>
        %shift_right_arithmetic3A_366 = arith.constant 2 : i32
        %shift_right_arithmetic3A_367 = vector.broadcast %shift_right_arithmetic3A_366 : i32 to vector<16xi32>
        %shift_right_arithmetic3A_368 = arith.shrsi %and3A_365, %shift_right_arithmetic3A_367 : vector<16xi32>
        %or3A_369 = arith.constant 131072 : i32
        %or3A_370 = vector.broadcast %or3A_369 : i32 to vector<16xi32>
        %or3A_371 = arith.ori %shift_right_arithmetic3A_368, %or3A_370 : vector<16xi32>
        %and3A_372 = arith.constant 3 : i32
        %and3A_373 = vector.broadcast %and3A_372 : i32 to vector<16xi32>
        %and3A_374 = arith.andi %and3A_365, %and3A_373 : vector<16xi32>
        %shift_left3A_375 = arith.constant 1 : i32
        %shift_left3A_376 = vector.broadcast %shift_left3A_375 : i32 to vector<16xi32>
        %shift_left3A_377 = arith.shli %and3A_374, %shift_left3A_376 : vector<16xi32>
        %add3A_378 = arith.constant 256 : i32
        %add3A_379 = vector.broadcast %add3A_378 : i32 to vector<16xi32>
        %add3A_380 = arith.addi %add3A_309, %add3A_379 : vector<16xi32>
        tpu.vector_store_idx %arg14[%add3A_380], %or3A_371 : memref<3072xi32, #tpu.memory_space<vmem>>[vector<16xi32>], vector<16xi32>,
        tpu.vector_store_idx %arg16[%add3A_380], %shift_left3A_377 : memref<3072xi32, #tpu.memory_space<vmem>>[vector<16xi32>], vector<16xi32>,
        %mul3A_381 = arith.constant 3.400000e+01 : f32
        %mul3A_382 = vector.broadcast %mul3A_381 : f32 to vector<16xf32>
        %mul3A_383 = arith.mulf %get3A_303, %mul3A_382 : vector<16xf32>
        %convert_element_type3A_384 = arith.fptosi %mul3A_383 : vector<16xf32> to vector<16xi32>
        %mul3A_385 = arith.constant 3.400000e+01 : f32
        %mul3A_386 = vector.broadcast %mul3A_385 : f32 to vector<16xf32>
        %mul3A_387 = arith.mulf %get3A_305, %mul3A_386 : vector<16xf32>
        %convert_element_type3A_388 = arith.fptosi %mul3A_387 : vector<16xf32> to vector<16xi32>
        %mul3A_389 = arith.constant 3.400000e+01 : f32
        %mul3A_390 = vector.broadcast %mul3A_389 : f32 to vector<16xf32>
        %mul3A_391 = arith.mulf %get3A_307, %mul3A_390 : vector<16xf32>
        %convert_element_type3A_392 = arith.fptosi %mul3A_391 : vector<16xf32> to vector<16xi32>
        %mul3A_393 = arith.constant -1640531535 : i32
        %mul3A_394 = vector.broadcast %mul3A_393 : i32 to vector<16xi32>
        %mul3A_395 = arith.muli %convert_element_type3A_388, %mul3A_394 : vector<16xi32>
        %xor3A_396 = arith.xori %convert_element_type3A_384, %mul3A_395 : vector<16xi32>
        %mul3A_397 = arith.constant 805459861 : i32
        %mul3A_398 = vector.broadcast %mul3A_397 : i32 to vector<16xi32>
        %mul3A_399 = arith.muli %convert_element_type3A_392, %mul3A_398 : vector<16xi32>
        %xor3A_400 = arith.xori %xor3A_396, %mul3A_399 : vector<16xi32>
        %and3A_401 = arith.constant 524287 : i32
        %and3A_402 = vector.broadcast %and3A_401 : i32 to vector<16xi32>
        %and3A_403 = arith.andi %xor3A_400, %and3A_402 : vector<16xi32>
        %shift_right_arithmetic3A_404 = arith.constant 2 : i32
        %shift_right_arithmetic3A_405 = vector.broadcast %shift_right_arithmetic3A_404 : i32 to vector<16xi32>
        %shift_right_arithmetic3A_406 = arith.shrsi %and3A_403, %shift_right_arithmetic3A_405 : vector<16xi32>
        %or3A_407 = arith.constant 262144 : i32
        %or3A_408 = vector.broadcast %or3A_407 : i32 to vector<16xi32>
        %or3A_409 = arith.ori %shift_right_arithmetic3A_406, %or3A_408 : vector<16xi32>
        %and3A_410 = arith.constant 3 : i32
        %and3A_411 = vector.broadcast %and3A_410 : i32 to vector<16xi32>
        %and3A_412 = arith.andi %and3A_403, %and3A_411 : vector<16xi32>
        %shift_left3A_413 = arith.constant 1 : i32
        %shift_left3A_414 = vector.broadcast %shift_left3A_413 : i32 to vector<16xi32>
        %shift_left3A_415 = arith.shli %and3A_412, %shift_left3A_414 : vector<16xi32>
        %add3A_416 = arith.constant 512 : i32
        %add3A_417 = vector.broadcast %add3A_416 : i32 to vector<16xi32>
        %add3A_418 = arith.addi %add3A_309, %add3A_417 : vector<16xi32>
        tpu.vector_store_idx %arg14[%add3A_418], %or3A_409 : memref<3072xi32, #tpu.memory_space<vmem>>[vector<16xi32>], vector<16xi32>,
        tpu.vector_store_idx %arg16[%add3A_418], %shift_left3A_415 : memref<3072xi32, #tpu.memory_space<vmem>>[vector<16xi32>], vector<16xi32>,
        %mul3A_419 = arith.constant 4.900000e+01 : f32
        %mul3A_420 = vector.broadcast %mul3A_419 : f32 to vector<16xf32>
        %mul3A_421 = arith.mulf %get3A_303, %mul3A_420 : vector<16xf32>
        %convert_element_type3A_422 = arith.fptosi %mul3A_421 : vector<16xf32> to vector<16xi32>
        %mul3A_423 = arith.constant 4.900000e+01 : f32
        %mul3A_424 = vector.broadcast %mul3A_423 : f32 to vector<16xf32>
        %mul3A_425 = arith.mulf %get3A_305, %mul3A_424 : vector<16xf32>
        %convert_element_type3A_426 = arith.fptosi %mul3A_425 : vector<16xf32> to vector<16xi32>
        %mul3A_427 = arith.constant 4.900000e+01 : f32
        %mul3A_428 = vector.broadcast %mul3A_427 : f32 to vector<16xf32>
        %mul3A_429 = arith.mulf %get3A_307, %mul3A_428 : vector<16xf32>
        %convert_element_type3A_430 = arith.fptosi %mul3A_429 : vector<16xf32> to vector<16xi32>
        %mul3A_431 = arith.constant -1640531535 : i32
        %mul3A_432 = vector.broadcast %mul3A_431 : i32 to vector<16xi32>
        %mul3A_433 = arith.muli %convert_element_type3A_426, %mul3A_432 : vector<16xi32>
        %xor3A_434 = arith.xori %convert_element_type3A_422, %mul3A_433 : vector<16xi32>
        %mul3A_435 = arith.constant 805459861 : i32
        %mul3A_436 = vector.broadcast %mul3A_435 : i32 to vector<16xi32>
        %mul3A_437 = arith.muli %convert_element_type3A_430, %mul3A_436 : vector<16xi32>
        %xor3A_438 = arith.xori %xor3A_434, %mul3A_437 : vector<16xi32>
        %and3A_439 = arith.constant 524287 : i32
        %and3A_440 = vector.broadcast %and3A_439 : i32 to vector<16xi32>
        %and3A_441 = arith.andi %xor3A_438, %and3A_440 : vector<16xi32>
        %shift_right_arithmetic3A_442 = arith.constant 2 : i32
        %shift_right_arithmetic3A_443 = vector.broadcast %shift_right_arithmetic3A_442 : i32 to vector<16xi32>
        %shift_right_arithmetic3A_444 = arith.shrsi %and3A_441, %shift_right_arithmetic3A_443 : vector<16xi32>
        %or3A_445 = arith.constant 393216 : i32
        %or3A_446 = vector.broadcast %or3A_445 : i32 to vector<16xi32>
        %or3A_447 = arith.ori %shift_right_arithmetic3A_444, %or3A_446 : vector<16xi32>
        %and3A_448 = arith.constant 3 : i32
        %and3A_449 = vector.broadcast %and3A_448 : i32 to vector<16xi32>
        %and3A_450 = arith.andi %and3A_441, %and3A_449 : vector<16xi32>
        %shift_left3A_451 = arith.constant 1 : i32
        %shift_left3A_452 = vector.broadcast %shift_left3A_451 : i32 to vector<16xi32>
        %shift_left3A_453 = arith.shli %and3A_450, %shift_left3A_452 : vector<16xi32>
        %add3A_454 = arith.constant 768 : i32
        %add3A_455 = vector.broadcast %add3A_454 : i32 to vector<16xi32>
        %add3A_456 = arith.addi %add3A_309, %add3A_455 : vector<16xi32>
        tpu.vector_store_idx %arg14[%add3A_456], %or3A_447 : memref<3072xi32, #tpu.memory_space<vmem>>[vector<16xi32>], vector<16xi32>,
        tpu.vector_store_idx %arg16[%add3A_456], %shift_left3A_453 : memref<3072xi32, #tpu.memory_space<vmem>>[vector<16xi32>], vector<16xi32>,
        %mul3A_457 = arith.constant 7.200000e+01 : f32
        %mul3A_458 = vector.broadcast %mul3A_457 : f32 to vector<16xf32>
        %mul3A_459 = arith.mulf %get3A_303, %mul3A_458 : vector<16xf32>
        %convert_element_type3A_460 = arith.fptosi %mul3A_459 : vector<16xf32> to vector<16xi32>
        %mul3A_461 = arith.constant 7.200000e+01 : f32
        %mul3A_462 = vector.broadcast %mul3A_461 : f32 to vector<16xf32>
        %mul3A_463 = arith.mulf %get3A_305, %mul3A_462 : vector<16xf32>
        %convert_element_type3A_464 = arith.fptosi %mul3A_463 : vector<16xf32> to vector<16xi32>
        %mul3A_465 = arith.constant 7.200000e+01 : f32
        %mul3A_466 = vector.broadcast %mul3A_465 : f32 to vector<16xf32>
        %mul3A_467 = arith.mulf %get3A_307, %mul3A_466 : vector<16xf32>
        %convert_element_type3A_468 = arith.fptosi %mul3A_467 : vector<16xf32> to vector<16xi32>
        %mul3A_469 = arith.constant -1640531535 : i32
        %mul3A_470 = vector.broadcast %mul3A_469 : i32 to vector<16xi32>
        %mul3A_471 = arith.muli %convert_element_type3A_464, %mul3A_470 : vector<16xi32>
        %xor3A_472 = arith.xori %convert_element_type3A_460, %mul3A_471 : vector<16xi32>
        %mul3A_473 = arith.constant 805459861 : i32
        %mul3A_474 = vector.broadcast %mul3A_473 : i32 to vector<16xi32>
        %mul3A_475 = arith.muli %convert_element_type3A_468, %mul3A_474 : vector<16xi32>
        %xor3A_476 = arith.xori %xor3A_472, %mul3A_475 : vector<16xi32>
        %and3A_477 = arith.constant 524287 : i32
        %and3A_478 = vector.broadcast %and3A_477 : i32 to vector<16xi32>
        %and3A_479 = arith.andi %xor3A_476, %and3A_478 : vector<16xi32>
        %shift_right_arithmetic3A_480 = arith.constant 2 : i32
        %shift_right_arithmetic3A_481 = vector.broadcast %shift_right_arithmetic3A_480 : i32 to vector<16xi32>
        %shift_right_arithmetic3A_482 = arith.shrsi %and3A_479, %shift_right_arithmetic3A_481 : vector<16xi32>
        %or3A_483 = arith.constant 524288 : i32
        %or3A_484 = vector.broadcast %or3A_483 : i32 to vector<16xi32>
        %or3A_485 = arith.ori %shift_right_arithmetic3A_482, %or3A_484 : vector<16xi32>
        %and3A_486 = arith.constant 3 : i32
        %and3A_487 = vector.broadcast %and3A_486 : i32 to vector<16xi32>
        %and3A_488 = arith.andi %and3A_479, %and3A_487 : vector<16xi32>
        %shift_left3A_489 = arith.constant 1 : i32
        %shift_left3A_490 = vector.broadcast %shift_left3A_489 : i32 to vector<16xi32>
        %shift_left3A_491 = arith.shli %and3A_488, %shift_left3A_490 : vector<16xi32>
        %add3A_492 = arith.constant 1024 : i32
        %add3A_493 = vector.broadcast %add3A_492 : i32 to vector<16xi32>
        %add3A_494 = arith.addi %add3A_309, %add3A_493 : vector<16xi32>
        tpu.vector_store_idx %arg14[%add3A_494], %or3A_485 : memref<3072xi32, #tpu.memory_space<vmem>>[vector<16xi32>], vector<16xi32>,
        tpu.vector_store_idx %arg16[%add3A_494], %shift_left3A_491 : memref<3072xi32, #tpu.memory_space<vmem>>[vector<16xi32>], vector<16xi32>,
        %mul3A_495 = arith.constant 1.050000e+02 : f32
        %mul3A_496 = vector.broadcast %mul3A_495 : f32 to vector<16xf32>
        %mul3A_497 = arith.mulf %get3A_303, %mul3A_496 : vector<16xf32>
        %convert_element_type3A_498 = arith.fptosi %mul3A_497 : vector<16xf32> to vector<16xi32>
        %mul3A_499 = arith.constant 1.050000e+02 : f32
        %mul3A_500 = vector.broadcast %mul3A_499 : f32 to vector<16xf32>
        %mul3A_501 = arith.mulf %get3A_305, %mul3A_500 : vector<16xf32>
        %convert_element_type3A_502 = arith.fptosi %mul3A_501 : vector<16xf32> to vector<16xi32>
        %mul3A_503 = arith.constant 1.050000e+02 : f32
        %mul3A_504 = vector.broadcast %mul3A_503 : f32 to vector<16xf32>
        %mul3A_505 = arith.mulf %get3A_307, %mul3A_504 : vector<16xf32>
        %convert_element_type3A_506 = arith.fptosi %mul3A_505 : vector<16xf32> to vector<16xi32>
        %mul3A_507 = arith.constant -1640531535 : i32
        %mul3A_508 = vector.broadcast %mul3A_507 : i32 to vector<16xi32>
        %mul3A_509 = arith.muli %convert_element_type3A_502, %mul3A_508 : vector<16xi32>
        %xor3A_510 = arith.xori %convert_element_type3A_498, %mul3A_509 : vector<16xi32>
        %mul3A_511 = arith.constant 805459861 : i32
        %mul3A_512 = vector.broadcast %mul3A_511 : i32 to vector<16xi32>
        %mul3A_513 = arith.muli %convert_element_type3A_506, %mul3A_512 : vector<16xi32>
        %xor3A_514 = arith.xori %xor3A_510, %mul3A_513 : vector<16xi32>
        %and3A_515 = arith.constant 524287 : i32
        %and3A_516 = vector.broadcast %and3A_515 : i32 to vector<16xi32>
        %and3A_517 = arith.andi %xor3A_514, %and3A_516 : vector<16xi32>
        %shift_right_arithmetic3A_518 = arith.constant 2 : i32
        %shift_right_arithmetic3A_519 = vector.broadcast %shift_right_arithmetic3A_518 : i32 to vector<16xi32>
        %shift_right_arithmetic3A_520 = arith.shrsi %and3A_517, %shift_right_arithmetic3A_519 : vector<16xi32>
        %or3A_521 = arith.constant 655360 : i32
        %or3A_522 = vector.broadcast %or3A_521 : i32 to vector<16xi32>
        %or3A_523 = arith.ori %shift_right_arithmetic3A_520, %or3A_522 : vector<16xi32>
        %and3A_524 = arith.constant 3 : i32
        %and3A_525 = vector.broadcast %and3A_524 : i32 to vector<16xi32>
        %and3A_526 = arith.andi %and3A_517, %and3A_525 : vector<16xi32>
        %shift_left3A_527 = arith.constant 1 : i32
        %shift_left3A_528 = vector.broadcast %shift_left3A_527 : i32 to vector<16xi32>
        %shift_left3A_529 = arith.shli %and3A_526, %shift_left3A_528 : vector<16xi32>
        %add3A_530 = arith.constant 1280 : i32
        %add3A_531 = vector.broadcast %add3A_530 : i32 to vector<16xi32>
        %add3A_532 = arith.addi %add3A_309, %add3A_531 : vector<16xi32>
        tpu.vector_store_idx %arg14[%add3A_532], %or3A_523 : memref<3072xi32, #tpu.memory_space<vmem>>[vector<16xi32>], vector<16xi32>,
        tpu.vector_store_idx %arg16[%add3A_532], %shift_left3A_529 : memref<3072xi32, #tpu.memory_space<vmem>>[vector<16xi32>], vector<16xi32>,
        %mul3A_533 = arith.constant 1.540000e+02 : f32
        %mul3A_534 = vector.broadcast %mul3A_533 : f32 to vector<16xf32>
        %mul3A_535 = arith.mulf %get3A_303, %mul3A_534 : vector<16xf32>
        %convert_element_type3A_536 = arith.fptosi %mul3A_535 : vector<16xf32> to vector<16xi32>
        %mul3A_537 = arith.constant 1.540000e+02 : f32
        %mul3A_538 = vector.broadcast %mul3A_537 : f32 to vector<16xf32>
        %mul3A_539 = arith.mulf %get3A_305, %mul3A_538 : vector<16xf32>
        %convert_element_type3A_540 = arith.fptosi %mul3A_539 : vector<16xf32> to vector<16xi32>
        %mul3A_541 = arith.constant 1.540000e+02 : f32
        %mul3A_542 = vector.broadcast %mul3A_541 : f32 to vector<16xf32>
        %mul3A_543 = arith.mulf %get3A_307, %mul3A_542 : vector<16xf32>
        %convert_element_type3A_544 = arith.fptosi %mul3A_543 : vector<16xf32> to vector<16xi32>
        %mul3A_545 = arith.constant -1640531535 : i32
        %mul3A_546 = vector.broadcast %mul3A_545 : i32 to vector<16xi32>
        %mul3A_547 = arith.muli %convert_element_type3A_540, %mul3A_546 : vector<16xi32>
        %xor3A_548 = arith.xori %convert_element_type3A_536, %mul3A_547 : vector<16xi32>
        %mul3A_549 = arith.constant 805459861 : i32
        %mul3A_550 = vector.broadcast %mul3A_549 : i32 to vector<16xi32>
        %mul3A_551 = arith.muli %convert_element_type3A_544, %mul3A_550 : vector<16xi32>
        %xor3A_552 = arith.xori %xor3A_548, %mul3A_551 : vector<16xi32>
        %and3A_553 = arith.constant 524287 : i32
        %and3A_554 = vector.broadcast %and3A_553 : i32 to vector<16xi32>
        %and3A_555 = arith.andi %xor3A_552, %and3A_554 : vector<16xi32>
        %shift_right_arithmetic3A_556 = arith.constant 2 : i32
        %shift_right_arithmetic3A_557 = vector.broadcast %shift_right_arithmetic3A_556 : i32 to vector<16xi32>
        %shift_right_arithmetic3A_558 = arith.shrsi %and3A_555, %shift_right_arithmetic3A_557 : vector<16xi32>
        %or3A_559 = arith.constant 786432 : i32
        %or3A_560 = vector.broadcast %or3A_559 : i32 to vector<16xi32>
        %or3A_561 = arith.ori %shift_right_arithmetic3A_558, %or3A_560 : vector<16xi32>
        %and3A_562 = arith.constant 3 : i32
        %and3A_563 = vector.broadcast %and3A_562 : i32 to vector<16xi32>
        %and3A_564 = arith.andi %and3A_555, %and3A_563 : vector<16xi32>
        %shift_left3A_565 = arith.constant 1 : i32
        %shift_left3A_566 = vector.broadcast %shift_left3A_565 : i32 to vector<16xi32>
        %shift_left3A_567 = arith.shli %and3A_564, %shift_left3A_566 : vector<16xi32>
        %add3A_568 = arith.constant 1536 : i32
        %add3A_569 = vector.broadcast %add3A_568 : i32 to vector<16xi32>
        %add3A_570 = arith.addi %add3A_309, %add3A_569 : vector<16xi32>
        tpu.vector_store_idx %arg14[%add3A_570], %or3A_561 : memref<3072xi32, #tpu.memory_space<vmem>>[vector<16xi32>], vector<16xi32>,
        tpu.vector_store_idx %arg16[%add3A_570], %shift_left3A_567 : memref<3072xi32, #tpu.memory_space<vmem>>[vector<16xi32>], vector<16xi32>,
        %mul3A_571 = arith.constant 2.250000e+02 : f32
        %mul3A_572 = vector.broadcast %mul3A_571 : f32 to vector<16xf32>
        %mul3A_573 = arith.mulf %get3A_303, %mul3A_572 : vector<16xf32>
        %convert_element_type3A_574 = arith.fptosi %mul3A_573 : vector<16xf32> to vector<16xi32>
        %mul3A_575 = arith.constant 2.250000e+02 : f32
        %mul3A_576 = vector.broadcast %mul3A_575 : f32 to vector<16xf32>
        %mul3A_577 = arith.mulf %get3A_305, %mul3A_576 : vector<16xf32>
        %convert_element_type3A_578 = arith.fptosi %mul3A_577 : vector<16xf32> to vector<16xi32>
        %mul3A_579 = arith.constant 2.250000e+02 : f32
        %mul3A_580 = vector.broadcast %mul3A_579 : f32 to vector<16xf32>
        %mul3A_581 = arith.mulf %get3A_307, %mul3A_580 : vector<16xf32>
        %convert_element_type3A_582 = arith.fptosi %mul3A_581 : vector<16xf32> to vector<16xi32>
        %mul3A_583 = arith.constant -1640531535 : i32
        %mul3A_584 = vector.broadcast %mul3A_583 : i32 to vector<16xi32>
        %mul3A_585 = arith.muli %convert_element_type3A_578, %mul3A_584 : vector<16xi32>
        %xor3A_586 = arith.xori %convert_element_type3A_574, %mul3A_585 : vector<16xi32>
        %mul3A_587 = arith.constant 805459861 : i32
        %mul3A_588 = vector.broadcast %mul3A_587 : i32 to vector<16xi32>
        %mul3A_589 = arith.muli %convert_element_type3A_582, %mul3A_588 : vector<16xi32>
        %xor3A_590 = arith.xori %xor3A_586, %mul3A_589 : vector<16xi32>
        %and3A_591 = arith.constant 524287 : i32
        %and3A_592 = vector.broadcast %and3A_591 : i32 to vector<16xi32>
        %and3A_593 = arith.andi %xor3A_590, %and3A_592 : vector<16xi32>
        %shift_right_arithmetic3A_594 = arith.constant 2 : i32
        %shift_right_arithmetic3A_595 = vector.broadcast %shift_right_arithmetic3A_594 : i32 to vector<16xi32>
        %shift_right_arithmetic3A_596 = arith.shrsi %and3A_593, %shift_right_arithmetic3A_595 : vector<16xi32>
        %or3A_597 = arith.constant 917504 : i32
        %or3A_598 = vector.broadcast %or3A_597 : i32 to vector<16xi32>
        %or3A_599 = arith.ori %shift_right_arithmetic3A_596, %or3A_598 : vector<16xi32>
        %and3A_600 = arith.constant 3 : i32
        %and3A_601 = vector.broadcast %and3A_600 : i32 to vector<16xi32>
        %and3A_602 = arith.andi %and3A_593, %and3A_601 : vector<16xi32>
        %shift_left3A_603 = arith.constant 1 : i32
        %shift_left3A_604 = vector.broadcast %shift_left3A_603 : i32 to vector<16xi32>
        %shift_left3A_605 = arith.shli %and3A_602, %shift_left3A_604 : vector<16xi32>
        %add3A_606 = arith.constant 1792 : i32
        %add3A_607 = vector.broadcast %add3A_606 : i32 to vector<16xi32>
        %add3A_608 = arith.addi %add3A_309, %add3A_607 : vector<16xi32>
        tpu.vector_store_idx %arg14[%add3A_608], %or3A_599 : memref<3072xi32, #tpu.memory_space<vmem>>[vector<16xi32>], vector<16xi32>,
        tpu.vector_store_idx %arg16[%add3A_608], %shift_left3A_605 : memref<3072xi32, #tpu.memory_space<vmem>>[vector<16xi32>], vector<16xi32>,
        %mul3A_609 = arith.constant 3.290000e+02 : f32
        %mul3A_610 = vector.broadcast %mul3A_609 : f32 to vector<16xf32>
        %mul3A_611 = arith.mulf %get3A_303, %mul3A_610 : vector<16xf32>
        %convert_element_type3A_612 = arith.fptosi %mul3A_611 : vector<16xf32> to vector<16xi32>
        %mul3A_613 = arith.constant 3.290000e+02 : f32
        %mul3A_614 = vector.broadcast %mul3A_613 : f32 to vector<16xf32>
        %mul3A_615 = arith.mulf %get3A_305, %mul3A_614 : vector<16xf32>
        %convert_element_type3A_616 = arith.fptosi %mul3A_615 : vector<16xf32> to vector<16xi32>
        %mul3A_617 = arith.constant 3.290000e+02 : f32
        %mul3A_618 = vector.broadcast %mul3A_617 : f32 to vector<16xf32>
        %mul3A_619 = arith.mulf %get3A_307, %mul3A_618 : vector<16xf32>
        %convert_element_type3A_620 = arith.fptosi %mul3A_619 : vector<16xf32> to vector<16xi32>
        %mul3A_621 = arith.constant -1640531535 : i32
        %mul3A_622 = vector.broadcast %mul3A_621 : i32 to vector<16xi32>
        %mul3A_623 = arith.muli %convert_element_type3A_616, %mul3A_622 : vector<16xi32>
        %xor3A_624 = arith.xori %convert_element_type3A_612, %mul3A_623 : vector<16xi32>
        %mul3A_625 = arith.constant 805459861 : i32
        %mul3A_626 = vector.broadcast %mul3A_625 : i32 to vector<16xi32>
        %mul3A_627 = arith.muli %convert_element_type3A_620, %mul3A_626 : vector<16xi32>
        %xor3A_628 = arith.xori %xor3A_624, %mul3A_627 : vector<16xi32>
        %and3A_629 = arith.constant 524287 : i32
        %and3A_630 = vector.broadcast %and3A_629 : i32 to vector<16xi32>
        %and3A_631 = arith.andi %xor3A_628, %and3A_630 : vector<16xi32>
        %shift_right_arithmetic3A_632 = arith.constant 2 : i32
        %shift_right_arithmetic3A_633 = vector.broadcast %shift_right_arithmetic3A_632 : i32 to vector<16xi32>
        %shift_right_arithmetic3A_634 = arith.shrsi %and3A_631, %shift_right_arithmetic3A_633 : vector<16xi32>
        %or3A_635 = arith.constant 1048576 : i32
        %or3A_636 = vector.broadcast %or3A_635 : i32 to vector<16xi32>
        %or3A_637 = arith.ori %shift_right_arithmetic3A_634, %or3A_636 : vector<16xi32>
        %and3A_638 = arith.constant 3 : i32
        %and3A_639 = vector.broadcast %and3A_638 : i32 to vector<16xi32>
        %and3A_640 = arith.andi %and3A_631, %and3A_639 : vector<16xi32>
        %shift_left3A_641 = arith.constant 1 : i32
        %shift_left3A_642 = vector.broadcast %shift_left3A_641 : i32 to vector<16xi32>
        %shift_left3A_643 = arith.shli %and3A_640, %shift_left3A_642 : vector<16xi32>
        %add3A_644 = arith.constant 2048 : i32
        %add3A_645 = vector.broadcast %add3A_644 : i32 to vector<16xi32>
        %add3A_646 = arith.addi %add3A_309, %add3A_645 : vector<16xi32>
        tpu.vector_store_idx %arg14[%add3A_646], %or3A_637 : memref<3072xi32, #tpu.memory_space<vmem>>[vector<16xi32>], vector<16xi32>,
        tpu.vector_store_idx %arg16[%add3A_646], %shift_left3A_643 : memref<3072xi32, #tpu.memory_space<vmem>>[vector<16xi32>], vector<16xi32>,
        %mul3A_647 = arith.constant 4.800000e+02 : f32
        %mul3A_648 = vector.broadcast %mul3A_647 : f32 to vector<16xf32>
        %mul3A_649 = arith.mulf %get3A_303, %mul3A_648 : vector<16xf32>
        %convert_element_type3A_650 = arith.fptosi %mul3A_649 : vector<16xf32> to vector<16xi32>
        %mul3A_651 = arith.constant 4.800000e+02 : f32
        %mul3A_652 = vector.broadcast %mul3A_651 : f32 to vector<16xf32>
        %mul3A_653 = arith.mulf %get3A_305, %mul3A_652 : vector<16xf32>
        %convert_element_type3A_654 = arith.fptosi %mul3A_653 : vector<16xf32> to vector<16xi32>
        %mul3A_655 = arith.constant 4.800000e+02 : f32
        %mul3A_656 = vector.broadcast %mul3A_655 : f32 to vector<16xf32>
        %mul3A_657 = arith.mulf %get3A_307, %mul3A_656 : vector<16xf32>
        %convert_element_type3A_658 = arith.fptosi %mul3A_657 : vector<16xf32> to vector<16xi32>
        %mul3A_659 = arith.constant -1640531535 : i32
        %mul3A_660 = vector.broadcast %mul3A_659 : i32 to vector<16xi32>
        %mul3A_661 = arith.muli %convert_element_type3A_654, %mul3A_660 : vector<16xi32>
        %xor3A_662 = arith.xori %convert_element_type3A_650, %mul3A_661 : vector<16xi32>
        %mul3A_663 = arith.constant 805459861 : i32
        %mul3A_664 = vector.broadcast %mul3A_663 : i32 to vector<16xi32>
        %mul3A_665 = arith.muli %convert_element_type3A_658, %mul3A_664 : vector<16xi32>
        %xor3A_666 = arith.xori %xor3A_662, %mul3A_665 : vector<16xi32>
        %and3A_667 = arith.constant 524287 : i32
        %and3A_668 = vector.broadcast %and3A_667 : i32 to vector<16xi32>
        %and3A_669 = arith.andi %xor3A_666, %and3A_668 : vector<16xi32>
        %shift_right_arithmetic3A_670 = arith.constant 2 : i32
        %shift_right_arithmetic3A_671 = vector.broadcast %shift_right_arithmetic3A_670 : i32 to vector<16xi32>
        %shift_right_arithmetic3A_672 = arith.shrsi %and3A_669, %shift_right_arithmetic3A_671 : vector<16xi32>
        %or3A_673 = arith.constant 1179648 : i32
        %or3A_674 = vector.broadcast %or3A_673 : i32 to vector<16xi32>
        %or3A_675 = arith.ori %shift_right_arithmetic3A_672, %or3A_674 : vector<16xi32>
        %and3A_676 = arith.constant 3 : i32
        %and3A_677 = vector.broadcast %and3A_676 : i32 to vector<16xi32>
        %and3A_678 = arith.andi %and3A_669, %and3A_677 : vector<16xi32>
        %shift_left3A_679 = arith.constant 1 : i32
        %shift_left3A_680 = vector.broadcast %shift_left3A_679 : i32 to vector<16xi32>
        %shift_left3A_681 = arith.shli %and3A_678, %shift_left3A_680 : vector<16xi32>
        %add3A_682 = arith.constant 2304 : i32
        %add3A_683 = vector.broadcast %add3A_682 : i32 to vector<16xi32>
        %add3A_684 = arith.addi %add3A_309, %add3A_683 : vector<16xi32>
        tpu.vector_store_idx %arg14[%add3A_684], %or3A_675 : memref<3072xi32, #tpu.memory_space<vmem>>[vector<16xi32>], vector<16xi32>,
        tpu.vector_store_idx %arg16[%add3A_684], %shift_left3A_681 : memref<3072xi32, #tpu.memory_space<vmem>>[vector<16xi32>], vector<16xi32>,
        %mul3A_685 = arith.constant 7.010000e+02 : f32
        %mul3A_686 = vector.broadcast %mul3A_685 : f32 to vector<16xf32>
        %mul3A_687 = arith.mulf %get3A_303, %mul3A_686 : vector<16xf32>
        %convert_element_type3A_688 = arith.fptosi %mul3A_687 : vector<16xf32> to vector<16xi32>
        %mul3A_689 = arith.constant 7.010000e+02 : f32
        %mul3A_690 = vector.broadcast %mul3A_689 : f32 to vector<16xf32>
        %mul3A_691 = arith.mulf %get3A_305, %mul3A_690 : vector<16xf32>
        %convert_element_type3A_692 = arith.fptosi %mul3A_691 : vector<16xf32> to vector<16xi32>
        %mul3A_693 = arith.constant 7.010000e+02 : f32
        %mul3A_694 = vector.broadcast %mul3A_693 : f32 to vector<16xf32>
        %mul3A_695 = arith.mulf %get3A_307, %mul3A_694 : vector<16xf32>
        %convert_element_type3A_696 = arith.fptosi %mul3A_695 : vector<16xf32> to vector<16xi32>
        %mul3A_697 = arith.constant -1640531535 : i32
        %mul3A_698 = vector.broadcast %mul3A_697 : i32 to vector<16xi32>
        %mul3A_699 = arith.muli %convert_element_type3A_692, %mul3A_698 : vector<16xi32>
        %xor3A_700 = arith.xori %convert_element_type3A_688, %mul3A_699 : vector<16xi32>
        %mul3A_701 = arith.constant 805459861 : i32
        %mul3A_702 = vector.broadcast %mul3A_701 : i32 to vector<16xi32>
        %mul3A_703 = arith.muli %convert_element_type3A_696, %mul3A_702 : vector<16xi32>
        %xor3A_704 = arith.xori %xor3A_700, %mul3A_703 : vector<16xi32>
        %and3A_705 = arith.constant 524287 : i32
        %and3A_706 = vector.broadcast %and3A_705 : i32 to vector<16xi32>
        %and3A_707 = arith.andi %xor3A_704, %and3A_706 : vector<16xi32>
        %shift_right_arithmetic3A_708 = arith.constant 2 : i32
        %shift_right_arithmetic3A_709 = vector.broadcast %shift_right_arithmetic3A_708 : i32 to vector<16xi32>
        %shift_right_arithmetic3A_710 = arith.shrsi %and3A_707, %shift_right_arithmetic3A_709 : vector<16xi32>
        %or3A_711 = arith.constant 1310720 : i32
        %or3A_712 = vector.broadcast %or3A_711 : i32 to vector<16xi32>
        %or3A_713 = arith.ori %shift_right_arithmetic3A_710, %or3A_712 : vector<16xi32>
        %and3A_714 = arith.constant 3 : i32
        %and3A_715 = vector.broadcast %and3A_714 : i32 to vector<16xi32>
        %and3A_716 = arith.andi %and3A_707, %and3A_715 : vector<16xi32>
        %shift_left3A_717 = arith.constant 1 : i32
        %shift_left3A_718 = vector.broadcast %shift_left3A_717 : i32 to vector<16xi32>
        %shift_left3A_719 = arith.shli %and3A_716, %shift_left3A_718 : vector<16xi32>
        %add3A_720 = arith.constant 2560 : i32
        %add3A_721 = vector.broadcast %add3A_720 : i32 to vector<16xi32>
        %add3A_722 = arith.addi %add3A_309, %add3A_721 : vector<16xi32>
        tpu.vector_store_idx %arg14[%add3A_722], %or3A_713 : memref<3072xi32, #tpu.memory_space<vmem>>[vector<16xi32>], vector<16xi32>,
        tpu.vector_store_idx %arg16[%add3A_722], %shift_left3A_719 : memref<3072xi32, #tpu.memory_space<vmem>>[vector<16xi32>], vector<16xi32>,
        %mul3A_723 = arith.constant 1.024000e+03 : f32
        %mul3A_724 = vector.broadcast %mul3A_723 : f32 to vector<16xf32>
        %mul3A_725 = arith.mulf %get3A_303, %mul3A_724 : vector<16xf32>
        %convert_element_type3A_726 = arith.fptosi %mul3A_725 : vector<16xf32> to vector<16xi32>
        %mul3A_727 = arith.constant 1.024000e+03 : f32
        %mul3A_728 = vector.broadcast %mul3A_727 : f32 to vector<16xf32>
        %mul3A_729 = arith.mulf %get3A_305, %mul3A_728 : vector<16xf32>
        %convert_element_type3A_730 = arith.fptosi %mul3A_729 : vector<16xf32> to vector<16xi32>
        %mul3A_731 = arith.constant 1.024000e+03 : f32
        %mul3A_732 = vector.broadcast %mul3A_731 : f32 to vector<16xf32>
        %mul3A_733 = arith.mulf %get3A_307, %mul3A_732 : vector<16xf32>
        %convert_element_type3A_734 = arith.fptosi %mul3A_733 : vector<16xf32> to vector<16xi32>
        %mul3A_735 = arith.constant -1640531535 : i32
        %mul3A_736 = vector.broadcast %mul3A_735 : i32 to vector<16xi32>
        %mul3A_737 = arith.muli %convert_element_type3A_730, %mul3A_736 : vector<16xi32>
        %xor3A_738 = arith.xori %convert_element_type3A_726, %mul3A_737 : vector<16xi32>
        %mul3A_739 = arith.constant 805459861 : i32
        %mul3A_740 = vector.broadcast %mul3A_739 : i32 to vector<16xi32>
        %mul3A_741 = arith.muli %convert_element_type3A_734, %mul3A_740 : vector<16xi32>
        %xor3A_742 = arith.xori %xor3A_738, %mul3A_741 : vector<16xi32>
        %and3A_743 = arith.constant 524287 : i32
        %and3A_744 = vector.broadcast %and3A_743 : i32 to vector<16xi32>
        %and3A_745 = arith.andi %xor3A_742, %and3A_744 : vector<16xi32>
        %shift_right_arithmetic3A_746 = arith.constant 2 : i32
        %shift_right_arithmetic3A_747 = vector.broadcast %shift_right_arithmetic3A_746 : i32 to vector<16xi32>
        %shift_right_arithmetic3A_748 = arith.shrsi %and3A_745, %shift_right_arithmetic3A_747 : vector<16xi32>
        %or3A_749 = arith.constant 1441792 : i32
        %or3A_750 = vector.broadcast %or3A_749 : i32 to vector<16xi32>
        %or3A_751 = arith.ori %shift_right_arithmetic3A_748, %or3A_750 : vector<16xi32>
        %and3A_752 = arith.constant 3 : i32
        %and3A_753 = vector.broadcast %and3A_752 : i32 to vector<16xi32>
        %and3A_754 = arith.andi %and3A_745, %and3A_753 : vector<16xi32>
        %shift_left3A_755 = arith.constant 1 : i32
        %shift_left3A_756 = vector.broadcast %shift_left3A_755 : i32 to vector<16xi32>
        %shift_left3A_757 = arith.shli %and3A_754, %shift_left3A_756 : vector<16xi32>
        %add3A_758 = arith.constant 2816 : i32
        %add3A_759 = vector.broadcast %add3A_758 : i32 to vector<16xi32>
        %add3A_760 = arith.addi %add3A_309, %add3A_759 : vector<16xi32>
        tpu.vector_store_idx %arg14[%add3A_760], %or3A_751 : memref<3072xi32, #tpu.memory_space<vmem>>[vector<16xi32>], vector<16xi32>,
        tpu.vector_store_idx %arg16[%add3A_760], %shift_left3A_757 : memref<3072xi32, #tpu.memory_space<vmem>>[vector<16xi32>], vector<16xi32>,
      }
      %dma_wait3A_157 = arith.constant 0 : i32
      %dma_wait3A_158 = arith.constant 0 : i32
      %dma_wait3A_159 = tpu.memref_slice %arg5[%dma_wait3A_157, %dma_wait3A_158] : memref<1572864x8xf32, #tpu.memory_space<hbm>> -> memref<1572864x8xf32, #tpu.memory_space<hbm>>
      tpu.wait_indirect_dma semaphore(%arg21 : memref<!tpu.dma_semaphore, #tpu.memory_space<semaphore_mem>>) src(%dma_wait3A_159 : memref<1572864x8xf32, #tpu.memory_space<hbm>>) dst(%arg17 : memref<3072x8xf32, #tpu.memory_space<vmem>>)
      %convert_element_type3A_160 = arith.extui %gt3A : i1 to i32
      %cond3A_161 = arith.constant 0 : i32
      %cond3A_162 = arith.cmpi ne, %convert_element_type3A_160, %cond3A_161 : i32
      scf.if %cond3A_162 {
        %sub3A_300 = arith.constant 256 : i32
        %sub3A_301 = arith.subi %add3A_123, %sub3A_300 : i32
        %mul3A_302 = arith.constant 8 : i32
        %mul3A_303 = arith.muli %sub3A_301, %mul3A_302 : i32
        %add3A_304 = arith.constant 0 : i32
        %add3A_305 = arith.addi %mul3A_303, %add3A_304 : i32
        %mul3A_306 = arith.constant 8 : i32
        %mul3A_307 = arith.muli %sub3A_301, %mul3A_306 : i32
        %add3A_308 = arith.constant 8388608 : i32
        %add3A_309 = arith.addi %mul3A_307, %add3A_308 : i32
        %mul3A_310 = arith.constant 8 : i32
        %mul3A_311 = arith.muli %sub3A_301, %mul3A_310 : i32
        %add3A_312 = arith.constant 16777216 : i32
        %add3A_313 = arith.addi %mul3A_311, %add3A_312 : i32
        %dma_wait3A_314 = arith.constant 0 : i32
        %dma_wait3A_315 = tpu.memref_slice %arg20[%dma_wait3A_314] : memref<6144xf32, #tpu.memory_space<vmem>> -> memref<2048xf32, #tpu.memory_space<vmem>>
        %dma_wait3A_316 = tpu.memref_slice %arg6[%add3A_305] : memref<25165824xf32, #tpu.memory_space<hbm>> -> memref<2048xf32, #tpu.memory_space<hbm>>
        %dma_wait3A_317 = tpu.memref_slice %arg6[%add3A_305] : memref<25165824xf32, #tpu.memory_space<hbm>> -> memref<2048xf32, #tpu.memory_space<hbm>>
        %dma_wait3A_318 = arith.constant 0 : i32
        %dma_wait3A_319 = tpu.memref_slice %arg20[%dma_wait3A_318] : memref<6144xf32, #tpu.memory_space<vmem>> -> memref<2048xf32, #tpu.memory_space<vmem>>
        tpu.wait_dma2 semaphore(%arg24 : memref<!tpu.dma_semaphore, #tpu.memory_space<semaphore_mem>>) src(%dma_wait3A_319 : memref<2048xf32, #tpu.memory_space<vmem>>) dst(%dma_wait3A_317 : memref<2048xf32, #tpu.memory_space<hbm>>)
        %dma_wait3A_320 = arith.constant 2048 : i32
        %dma_wait3A_321 = tpu.memref_slice %arg20[%dma_wait3A_320] : memref<6144xf32, #tpu.memory_space<vmem>> -> memref<2048xf32, #tpu.memory_space<vmem>>
        %dma_wait3A_322 = tpu.memref_slice %arg6[%add3A_309] : memref<25165824xf32, #tpu.memory_space<hbm>> -> memref<2048xf32, #tpu.memory_space<hbm>>
        %dma_wait3A_323 = tpu.memref_slice %arg6[%add3A_309] : memref<25165824xf32, #tpu.memory_space<hbm>> -> memref<2048xf32, #tpu.memory_space<hbm>>
        %dma_wait3A_324 = arith.constant 2048 : i32
        %dma_wait3A_325 = tpu.memref_slice %arg20[%dma_wait3A_324] : memref<6144xf32, #tpu.memory_space<vmem>> -> memref<2048xf32, #tpu.memory_space<vmem>>
        tpu.wait_dma2 semaphore(%arg24 : memref<!tpu.dma_semaphore, #tpu.memory_space<semaphore_mem>>) src(%dma_wait3A_325 : memref<2048xf32, #tpu.memory_space<vmem>>) dst(%dma_wait3A_323 : memref<2048xf32, #tpu.memory_space<hbm>>)
        %dma_wait3A_326 = arith.constant 4096 : i32
        %dma_wait3A_327 = tpu.memref_slice %arg20[%dma_wait3A_326] : memref<6144xf32, #tpu.memory_space<vmem>> -> memref<2048xf32, #tpu.memory_space<vmem>>
        %dma_wait3A_328 = tpu.memref_slice %arg6[%add3A_313] : memref<25165824xf32, #tpu.memory_space<hbm>> -> memref<2048xf32, #tpu.memory_space<hbm>>
        %dma_wait3A_329 = tpu.memref_slice %arg6[%add3A_313] : memref<25165824xf32, #tpu.memory_space<hbm>> -> memref<2048xf32, #tpu.memory_space<hbm>>
        %dma_wait3A_330 = arith.constant 4096 : i32
        %dma_wait3A_331 = tpu.memref_slice %arg20[%dma_wait3A_330] : memref<6144xf32, #tpu.memory_space<vmem>> -> memref<2048xf32, #tpu.memory_space<vmem>>
        tpu.wait_dma2 semaphore(%arg24 : memref<!tpu.dma_semaphore, #tpu.memory_space<semaphore_mem>>) src(%dma_wait3A_331 : memref<2048xf32, #tpu.memory_space<vmem>>) dst(%dma_wait3A_329 : memref<2048xf32, #tpu.memory_space<hbm>>)
      } else {
      }
      %dma_start3A_163 = arith.constant 0 : i32
      %dma_start3A_164 = arith.constant 0 : i32
      %dma_start3A_165 = tpu.memref_slice %arg5[%dma_start3A_163, %dma_start3A_164] : memref<1572864x8xf32, #tpu.memory_space<hbm>> -> memref<1572864x8xf32, #tpu.memory_space<hbm>>
      tpu.enqueue_indirect_dma source(%dma_start3A_165 : memref<1572864x8xf32, #tpu.memory_space<hbm>>) target(%arg18 : memref<3072x8xf32, #tpu.memory_space<vmem>>) offsets(%arg14 : memref<3072xi32, #tpu.memory_space<vmem>>) semaphore(%arg22 : memref<!tpu.dma_semaphore, #tpu.memory_space<semaphore_mem>>)
      %sub3A_166 = arith.constant 3072 : i32
      %sub3A_167 = arith.subi %sub3A_166, %mul3A_4 : i32
      %sub3A_168 = arith.constant 16 : i32
      %sub3A_169 = arith.constant 1 : i32
      %sub3A_170 = arith.subi %sub3A_168, %sub3A_169 : i32
      %add3A_171 = arith.addi %sub3A_167, %sub3A_170 : i32
      %div3A_172 = arith.constant 16 : i32
      %div3A_173 = arith.divsi %add3A_171, %div3A_172 : i32
      %while3A_174 = arith.constant 16 : i32
      %while3A_175 = arith.constant 0 : i32
      %while3A_176 = arith.subi %div3A_173, %while3A_175 : i32
      %while3A_177 = arith.addi %while3A_175, %while3A_176 : i32
      %while3A_178 = arith.constant 1 : i32
      %while3A_179 = arith.divsi %while3A_176, %while3A_178 : i32
      %while3A_180 = arith.muli %while3A_179, %while3A_178 : i32
      %while3A_181 = arith.addi %while3A_175, %while3A_180 : i32
      %while3A_182 = arith.constant 1 : i32
      scf.for %while3A_300 = %while3A_175 to %while3A_181 step %while3A_182  : i32 {
        %mul3A_301 = arith.muli %while3A_300, %while3A_174 : i32
        %add3A_302 = arith.addi %mul3A_4, %mul3A_301 : i32
        %get3A = arith.index_cast %add3A_302 : i32 to index
        %get3A_303 = tpu.vector_load %arg15[%get3A] {strides = array<i32>} : memref<3072xi32, #tpu.memory_space<vmem>>, vector<16xi32>,
        %add3A_304 = vector.broadcast %add3A_302 : i32 to vector<16xi32>
        %add3A_305 = arith.addi %iota3A, %add3A_304 : vector<16xi32>
        %gather3A = tpu.vector_load_idx %arg17[%add3A_305, %get3A_303] : memref<3072x8xf32, #tpu.memory_space<vmem>>[vector<16xi32>, vector<16xi32>], vector<16xf32>,
        %add3A_306 = arith.constant 1 : i32
        %add3A_307 = vector.broadcast %add3A_306 : i32 to vector<16xi32>
        %add3A_308 = arith.addi %get3A_303, %add3A_307 : vector<16xi32>
        %gather3A_309 = tpu.vector_load_idx %arg17[%add3A_305, %add3A_308] : memref<3072x8xf32, #tpu.memory_space<vmem>>[vector<16xi32>, vector<16xi32>], vector<16xf32>,
        %shift_right_arithmetic3A = arith.constant 10 : i32
        %shift_right_arithmetic3A_310 = arith.shrsi %add3A_302, %shift_right_arithmetic3A : i32
        %shift_left3A = arith.constant 11 : i32
        %shift_left3A_311 = arith.shli %shift_right_arithmetic3A_310, %shift_left3A : i32
        %shift_right_arithmetic3A_312 = arith.constant 7 : i32
        %shift_right_arithmetic3A_313 = arith.shrsi %add3A_302, %shift_right_arithmetic3A_312 : i32
        %and3A = arith.constant 1 : i32
        %and3A_314 = arith.andi %shift_right_arithmetic3A_313, %and3A : i32
        %shift_left3A_315 = arith.constant 10 : i32
        %shift_left3A_316 = arith.shli %and3A_314, %shift_left3A_315 : i32
        %or3A = arith.ori %shift_left3A_311, %shift_left3A_316 : i32
        %shift_right_arithmetic3A_317 = arith.constant 8 : i32
        %shift_right_arithmetic3A_318 = arith.shrsi %add3A_302, %shift_right_arithmetic3A_317 : i32
        %and3A_319 = arith.constant 3 : i32
        %and3A_320 = arith.andi %shift_right_arithmetic3A_318, %and3A_319 : i32
        %shift_left3A_321 = arith.constant 8 : i32
        %shift_left3A_322 = arith.shli %and3A_320, %shift_left3A_321 : i32
        %or3A_323 = arith.ori %or3A, %shift_left3A_322 : i32
        %and3A_324 = arith.constant 127 : i32
        %and3A_325 = arith.andi %add3A_302, %and3A_324 : i32
        %or3A_326 = arith.ori %or3A_323, %and3A_325 : i32
        %add3A_327 = vector.broadcast %or3A_326 : i32 to vector<16xi32>
        %add3A_328 = arith.addi %iota3A, %add3A_327 : vector<16xi32>
        tpu.vector_store_idx %arg19[%add3A_328], %gather3A : memref<6144xf32, #tpu.memory_space<vmem>>[vector<16xi32>], vector<16xf32>,
        %add3A_329 = arith.constant 128 : i32
        %add3A_330 = vector.broadcast %add3A_329 : i32 to vector<16xi32>
        %add3A_331 = arith.addi %add3A_328, %add3A_330 : vector<16xi32>
        tpu.vector_store_idx %arg19[%add3A_331], %gather3A_309 : memref<6144xf32, #tpu.memory_space<vmem>>[vector<16xi32>], vector<16xf32>,
      }
      %while3A_183 = arith.constant 1 : i32
      scf.for %while3A_300 = %while3A_181 to %while3A_177 step %while3A_183  : i32 {
        %mul3A_301 = arith.muli %while3A_300, %while3A_174 : i32
        %add3A_302 = arith.addi %mul3A_4, %mul3A_301 : i32
        %get3A = arith.index_cast %add3A_302 : i32 to index
        %get3A_303 = tpu.vector_load %arg15[%get3A] {strides = array<i32>} : memref<3072xi32, #tpu.memory_space<vmem>>, vector<16xi32>,
        %add3A_304 = vector.broadcast %add3A_302 : i32 to vector<16xi32>
        %add3A_305 = arith.addi %iota3A, %add3A_304 : vector<16xi32>
        %gather3A = tpu.vector_load_idx %arg17[%add3A_305, %get3A_303] : memref<3072x8xf32, #tpu.memory_space<vmem>>[vector<16xi32>, vector<16xi32>], vector<16xf32>,
        %add3A_306 = arith.constant 1 : i32
        %add3A_307 = vector.broadcast %add3A_306 : i32 to vector<16xi32>
        %add3A_308 = arith.addi %get3A_303, %add3A_307 : vector<16xi32>
        %gather3A_309 = tpu.vector_load_idx %arg17[%add3A_305, %add3A_308] : memref<3072x8xf32, #tpu.memory_space<vmem>>[vector<16xi32>, vector<16xi32>], vector<16xf32>,
        %shift_right_arithmetic3A = arith.constant 10 : i32
        %shift_right_arithmetic3A_310 = arith.shrsi %add3A_302, %shift_right_arithmetic3A : i32
        %shift_left3A = arith.constant 11 : i32
        %shift_left3A_311 = arith.shli %shift_right_arithmetic3A_310, %shift_left3A : i32
        %shift_right_arithmetic3A_312 = arith.constant 7 : i32
        %shift_right_arithmetic3A_313 = arith.shrsi %add3A_302, %shift_right_arithmetic3A_312 : i32
        %and3A = arith.constant 1 : i32
        %and3A_314 = arith.andi %shift_right_arithmetic3A_313, %and3A : i32
        %shift_left3A_315 = arith.constant 10 : i32
        %shift_left3A_316 = arith.shli %and3A_314, %shift_left3A_315 : i32
        %or3A = arith.ori %shift_left3A_311, %shift_left3A_316 : i32
        %shift_right_arithmetic3A_317 = arith.constant 8 : i32
        %shift_right_arithmetic3A_318 = arith.shrsi %add3A_302, %shift_right_arithmetic3A_317 : i32
        %and3A_319 = arith.constant 3 : i32
        %and3A_320 = arith.andi %shift_right_arithmetic3A_318, %and3A_319 : i32
        %shift_left3A_321 = arith.constant 8 : i32
        %shift_left3A_322 = arith.shli %and3A_320, %shift_left3A_321 : i32
        %or3A_323 = arith.ori %or3A, %shift_left3A_322 : i32
        %and3A_324 = arith.constant 127 : i32
        %and3A_325 = arith.andi %add3A_302, %and3A_324 : i32
        %or3A_326 = arith.ori %or3A_323, %and3A_325 : i32
        %add3A_327 = vector.broadcast %or3A_326 : i32 to vector<16xi32>
        %add3A_328 = arith.addi %iota3A, %add3A_327 : vector<16xi32>
        tpu.vector_store_idx %arg19[%add3A_328], %gather3A : memref<6144xf32, #tpu.memory_space<vmem>>[vector<16xi32>], vector<16xf32>,
        %add3A_329 = arith.constant 128 : i32
        %add3A_330 = vector.broadcast %add3A_329 : i32 to vector<16xi32>
        %add3A_331 = arith.addi %add3A_328, %add3A_330 : vector<16xi32>
        tpu.vector_store_idx %arg19[%add3A_331], %gather3A_309 : memref<6144xf32, #tpu.memory_space<vmem>>[vector<16xi32>], vector<16xf32>,
      }
      %mul3A_184 = arith.constant 8 : i32
      %mul3A_185 = arith.muli %add3A_123, %mul3A_184 : i32
      %add3A_186 = arith.constant 0 : i32
      %add3A_187 = arith.addi %mul3A_185, %add3A_186 : i32
      %mul3A_188 = arith.constant 8 : i32
      %mul3A_189 = arith.muli %add3A_123, %mul3A_188 : i32
      %add3A_190 = arith.constant 8388608 : i32
      %add3A_191 = arith.addi %mul3A_189, %add3A_190 : i32
      %mul3A_192 = arith.constant 8 : i32
      %mul3A_193 = arith.muli %add3A_123, %mul3A_192 : i32
      %add3A_194 = arith.constant 16777216 : i32
      %add3A_195 = arith.addi %mul3A_193, %add3A_194 : i32
      %dma_start3A_196 = arith.constant 0 : i32
      %dma_start3A_197 = tpu.memref_slice %arg19[%dma_start3A_196] : memref<6144xf32, #tpu.memory_space<vmem>> -> memref<2048xf32, #tpu.memory_space<vmem>>
      %dma_start3A_198 = tpu.memref_slice %arg6[%add3A_187] : memref<25165824xf32, #tpu.memory_space<hbm>> -> memref<2048xf32, #tpu.memory_space<hbm>>
      %dma_start3A_199 = tpu.memref_slice %arg6[%add3A_187] : memref<25165824xf32, #tpu.memory_space<hbm>> -> memref<2048xf32, #tpu.memory_space<hbm>>
      %dma_start3A_200 = arith.constant 0 : i32
      %dma_start3A_201 = tpu.memref_slice %arg19[%dma_start3A_200] : memref<6144xf32, #tpu.memory_space<vmem>> -> memref<2048xf32, #tpu.memory_space<vmem>>
      tpu.enqueue_dma source(%dma_start3A_201 : memref<2048xf32, #tpu.memory_space<vmem>>) target(%dma_start3A_199 : memref<2048xf32, #tpu.memory_space<hbm>>) target_semaphore(%arg24 : memref<!tpu.dma_semaphore, #tpu.memory_space<semaphore_mem>>)
      %dma_start3A_202 = arith.constant 2048 : i32
      %dma_start3A_203 = tpu.memref_slice %arg19[%dma_start3A_202] : memref<6144xf32, #tpu.memory_space<vmem>> -> memref<2048xf32, #tpu.memory_space<vmem>>
      %dma_start3A_204 = tpu.memref_slice %arg6[%add3A_191] : memref<25165824xf32, #tpu.memory_space<hbm>> -> memref<2048xf32, #tpu.memory_space<hbm>>
      %dma_start3A_205 = tpu.memref_slice %arg6[%add3A_191] : memref<25165824xf32, #tpu.memory_space<hbm>> -> memref<2048xf32, #tpu.memory_space<hbm>>
      %dma_start3A_206 = arith.constant 2048 : i32
      %dma_start3A_207 = tpu.memref_slice %arg19[%dma_start3A_206] : memref<6144xf32, #tpu.memory_space<vmem>> -> memref<2048xf32, #tpu.memory_space<vmem>>
      tpu.enqueue_dma source(%dma_start3A_207 : memref<2048xf32, #tpu.memory_space<vmem>>) target(%dma_start3A_205 : memref<2048xf32, #tpu.memory_space<hbm>>) target_semaphore(%arg24 : memref<!tpu.dma_semaphore, #tpu.memory_space<semaphore_mem>>)
      %dma_start3A_208 = arith.constant 4096 : i32
      %dma_start3A_209 = tpu.memref_slice %arg19[%dma_start3A_208] : memref<6144xf32, #tpu.memory_space<vmem>> -> memref<2048xf32, #tpu.memory_space<vmem>>
      %dma_start3A_210 = tpu.memref_slice %arg6[%add3A_195] : memref<25165824xf32, #tpu.memory_space<hbm>> -> memref<2048xf32, #tpu.memory_space<hbm>>
      %dma_start3A_211 = tpu.memref_slice %arg6[%add3A_195] : memref<25165824xf32, #tpu.memory_space<hbm>> -> memref<2048xf32, #tpu.memory_space<hbm>>
      %dma_start3A_212 = arith.constant 4096 : i32
      %dma_start3A_213 = tpu.memref_slice %arg19[%dma_start3A_212] : memref<6144xf32, #tpu.memory_space<vmem>> -> memref<2048xf32, #tpu.memory_space<vmem>>
      tpu.enqueue_dma source(%dma_start3A_213 : memref<2048xf32, #tpu.memory_space<vmem>>) target(%dma_start3A_211 : memref<2048xf32, #tpu.memory_space<hbm>>) target_semaphore(%arg24 : memref<!tpu.dma_semaphore, #tpu.memory_space<semaphore_mem>>)
      %add3A_214 = arith.constant 512 : i32
      %add3A_215 = arith.addi %add3A_123, %add3A_214 : i32
      %min3A = arith.minsi %add3A_215, %sub3A_7 : i32
      %dma_start3A_216 = tpu.memref_slice %arg2[%min3A] : memref<1048576xf32, #tpu.memory_space<hbm>> -> memref<256xf32, #tpu.memory_space<hbm>>
      %dma_start3A_217 = tpu.memref_slice %arg2[%min3A] : memref<1048576xf32, #tpu.memory_space<hbm>> -> memref<256xf32, #tpu.memory_space<hbm>>
      tpu.enqueue_dma source(%dma_start3A_217 : memref<256xf32, #tpu.memory_space<hbm>>) target(%arg7 : memref<256xf32, #tpu.memory_space<vmem>>) target_semaphore(%arg23 : memref<!tpu.dma_semaphore, #tpu.memory_space<semaphore_mem>>)
      %dma_start3A_218 = tpu.memref_slice %arg3[%min3A] : memref<1048576xf32, #tpu.memory_space<hbm>> -> memref<256xf32, #tpu.memory_space<hbm>>
      %dma_start3A_219 = tpu.memref_slice %arg3[%min3A] : memref<1048576xf32, #tpu.memory_space<hbm>> -> memref<256xf32, #tpu.memory_space<hbm>>
      tpu.enqueue_dma source(%dma_start3A_219 : memref<256xf32, #tpu.memory_space<hbm>>) target(%arg8 : memref<256xf32, #tpu.memory_space<vmem>>) target_semaphore(%arg23 : memref<!tpu.dma_semaphore, #tpu.memory_space<semaphore_mem>>)
      %dma_start3A_220 = tpu.memref_slice %arg4[%min3A] : memref<1048576xf32, #tpu.memory_space<hbm>> -> memref<256xf32, #tpu.memory_space<hbm>>
      %dma_start3A_221 = tpu.memref_slice %arg4[%min3A] : memref<1048576xf32, #tpu.memory_space<hbm>> -> memref<256xf32, #tpu.memory_space<hbm>>
      tpu.enqueue_dma source(%dma_start3A_221 : memref<256xf32, #tpu.memory_space<hbm>>) target(%arg9 : memref<256xf32, #tpu.memory_space<vmem>>) target_semaphore(%arg23 : memref<!tpu.dma_semaphore, #tpu.memory_space<semaphore_mem>>)
      %dma_wait3A_222 = tpu.memref_slice %arg2[%min3A] : memref<1048576xf32, #tpu.memory_space<hbm>> -> memref<256xf32, #tpu.memory_space<hbm>>
      %dma_wait3A_223 = tpu.memref_slice %arg2[%min3A] : memref<1048576xf32, #tpu.memory_space<hbm>> -> memref<256xf32, #tpu.memory_space<hbm>>
      tpu.wait_dma2 semaphore(%arg23 : memref<!tpu.dma_semaphore, #tpu.memory_space<semaphore_mem>>) src(%dma_wait3A_223 : memref<256xf32, #tpu.memory_space<hbm>>) dst(%arg7 : memref<256xf32, #tpu.memory_space<vmem>>)
      %dma_wait3A_224 = tpu.memref_slice %arg3[%min3A] : memref<1048576xf32, #tpu.memory_space<hbm>> -> memref<256xf32, #tpu.memory_space<hbm>>
      %dma_wait3A_225 = tpu.memref_slice %arg3[%min3A] : memref<1048576xf32, #tpu.memory_space<hbm>> -> memref<256xf32, #tpu.memory_space<hbm>>
      tpu.wait_dma2 semaphore(%arg23 : memref<!tpu.dma_semaphore, #tpu.memory_space<semaphore_mem>>) src(%dma_wait3A_225 : memref<256xf32, #tpu.memory_space<hbm>>) dst(%arg8 : memref<256xf32, #tpu.memory_space<vmem>>)
      %dma_wait3A_226 = tpu.memref_slice %arg4[%min3A] : memref<1048576xf32, #tpu.memory_space<hbm>> -> memref<256xf32, #tpu.memory_space<hbm>>
      %dma_wait3A_227 = tpu.memref_slice %arg4[%min3A] : memref<1048576xf32, #tpu.memory_space<hbm>> -> memref<256xf32, #tpu.memory_space<hbm>>
      tpu.wait_dma2 semaphore(%arg23 : memref<!tpu.dma_semaphore, #tpu.memory_space<semaphore_mem>>) src(%dma_wait3A_227 : memref<256xf32, #tpu.memory_space<hbm>>) dst(%arg9 : memref<256xf32, #tpu.memory_space<vmem>>)
      %sub3A_228 = arith.constant 256 : i32
      %sub3A_229 = arith.subi %sub3A_228, %mul3A_4 : i32
      %sub3A_230 = arith.constant 16 : i32
      %sub3A_231 = arith.constant 1 : i32
      %sub3A_232 = arith.subi %sub3A_230, %sub3A_231 : i32
      %add3A_233 = arith.addi %sub3A_229, %sub3A_232 : i32
      %div3A_234 = arith.constant 16 : i32
      %div3A_235 = arith.divsi %add3A_233, %div3A_234 : i32
      %while3A_236 = arith.constant 16 : i32
      %while3A_237 = arith.constant 0 : i32
      %while3A_238 = arith.subi %div3A_235, %while3A_237 : i32
      %while3A_239 = arith.addi %while3A_237, %while3A_238 : i32
      %while3A_240 = arith.constant 1 : i32
      %while3A_241 = arith.divsi %while3A_238, %while3A_240 : i32
      %while3A_242 = arith.muli %while3A_241, %while3A_240 : i32
      %while3A_243 = arith.addi %while3A_237, %while3A_242 : i32
      %while3A_244 = arith.constant 1 : i32
      scf.for %while3A_300 = %while3A_237 to %while3A_243 step %while3A_244  : i32 {
        %mul3A_301 = arith.muli %while3A_300, %while3A_236 : i32
        %add3A_302 = arith.addi %mul3A_4, %mul3A_301 : i32
        %get3A = arith.index_cast %add3A_302 : i32 to index
        %get3A_303 = tpu.vector_load %arg7[%get3A] {strides = array<i32>} : memref<256xf32, #tpu.memory_space<vmem>>, vector<16xf32>,
        %get3A_304 = arith.index_cast %add3A_302 : i32 to index
        %get3A_305 = tpu.vector_load %arg8[%get3A_304] {strides = array<i32>} : memref<256xf32, #tpu.memory_space<vmem>>, vector<16xf32>,
        %get3A_306 = arith.index_cast %add3A_302 : i32 to index
        %get3A_307 = tpu.vector_load %arg9[%get3A_306] {strides = array<i32>} : memref<256xf32, #tpu.memory_space<vmem>>, vector<16xf32>,
        %add3A_308 = vector.broadcast %add3A_302 : i32 to vector<16xi32>
        %add3A_309 = arith.addi %iota3A, %add3A_308 : vector<16xi32>
        %mul3A_310 = arith.constant 1.600000e+01 : f32
        %mul3A_311 = vector.broadcast %mul3A_310 : f32 to vector<16xf32>
        %mul3A_312 = arith.mulf %get3A_303, %mul3A_311 : vector<16xf32>
        %convert_element_type3A_313 = arith.fptosi %mul3A_312 : vector<16xf32> to vector<16xi32>
        %mul3A_314 = arith.constant 1.600000e+01 : f32
        %mul3A_315 = vector.broadcast %mul3A_314 : f32 to vector<16xf32>
        %mul3A_316 = arith.mulf %get3A_305, %mul3A_315 : vector<16xf32>
        %convert_element_type3A_317 = arith.fptosi %mul3A_316 : vector<16xf32> to vector<16xi32>
        %mul3A_318 = arith.constant 1.600000e+01 : f32
        %mul3A_319 = vector.broadcast %mul3A_318 : f32 to vector<16xf32>
        %mul3A_320 = arith.mulf %get3A_307, %mul3A_319 : vector<16xf32>
        %convert_element_type3A_321 = arith.fptosi %mul3A_320 : vector<16xf32> to vector<16xi32>
        %mul3A_322 = arith.constant -1640531535 : i32
        %mul3A_323 = vector.broadcast %mul3A_322 : i32 to vector<16xi32>
        %mul3A_324 = arith.muli %convert_element_type3A_317, %mul3A_323 : vector<16xi32>
        %xor3A = arith.xori %convert_element_type3A_313, %mul3A_324 : vector<16xi32>
        %mul3A_325 = arith.constant 805459861 : i32
        %mul3A_326 = vector.broadcast %mul3A_325 : i32 to vector<16xi32>
        %mul3A_327 = arith.muli %convert_element_type3A_321, %mul3A_326 : vector<16xi32>
        %xor3A_328 = arith.xori %xor3A, %mul3A_327 : vector<16xi32>
        %and3A = arith.constant 524287 : i32
        %and3A_329 = vector.broadcast %and3A : i32 to vector<16xi32>
        %and3A_330 = arith.andi %xor3A_328, %and3A_329 : vector<16xi32>
        %shift_right_arithmetic3A = arith.constant 2 : i32
        %shift_right_arithmetic3A_331 = vector.broadcast %shift_right_arithmetic3A : i32 to vector<16xi32>
        %shift_right_arithmetic3A_332 = arith.shrsi %and3A_330, %shift_right_arithmetic3A_331 : vector<16xi32>
        %or3A = arith.constant 0 : i32
        %or3A_333 = vector.broadcast %or3A : i32 to vector<16xi32>
        %or3A_334 = arith.ori %shift_right_arithmetic3A_332, %or3A_333 : vector<16xi32>
        %and3A_335 = arith.constant 3 : i32
        %and3A_336 = vector.broadcast %and3A_335 : i32 to vector<16xi32>
        %and3A_337 = arith.andi %and3A_330, %and3A_336 : vector<16xi32>
        %shift_left3A = arith.constant 1 : i32
        %shift_left3A_338 = vector.broadcast %shift_left3A : i32 to vector<16xi32>
        %shift_left3A_339 = arith.shli %and3A_337, %shift_left3A_338 : vector<16xi32>
        %add3A_340 = arith.constant 0 : i32
        %add3A_341 = vector.broadcast %add3A_340 : i32 to vector<16xi32>
        %add3A_342 = arith.addi %add3A_309, %add3A_341 : vector<16xi32>
        tpu.vector_store_idx %arg13[%add3A_342], %or3A_334 : memref<3072xi32, #tpu.memory_space<vmem>>[vector<16xi32>], vector<16xi32>,
        tpu.vector_store_idx %arg15[%add3A_342], %shift_left3A_339 : memref<3072xi32, #tpu.memory_space<vmem>>[vector<16xi32>], vector<16xi32>,
        %mul3A_343 = arith.constant 2.300000e+01 : f32
        %mul3A_344 = vector.broadcast %mul3A_343 : f32 to vector<16xf32>
        %mul3A_345 = arith.mulf %get3A_303, %mul3A_344 : vector<16xf32>
        %convert_element_type3A_346 = arith.fptosi %mul3A_345 : vector<16xf32> to vector<16xi32>
        %mul3A_347 = arith.constant 2.300000e+01 : f32
        %mul3A_348 = vector.broadcast %mul3A_347 : f32 to vector<16xf32>
        %mul3A_349 = arith.mulf %get3A_305, %mul3A_348 : vector<16xf32>
        %convert_element_type3A_350 = arith.fptosi %mul3A_349 : vector<16xf32> to vector<16xi32>
        %mul3A_351 = arith.constant 2.300000e+01 : f32
        %mul3A_352 = vector.broadcast %mul3A_351 : f32 to vector<16xf32>
        %mul3A_353 = arith.mulf %get3A_307, %mul3A_352 : vector<16xf32>
        %convert_element_type3A_354 = arith.fptosi %mul3A_353 : vector<16xf32> to vector<16xi32>
        %mul3A_355 = arith.constant -1640531535 : i32
        %mul3A_356 = vector.broadcast %mul3A_355 : i32 to vector<16xi32>
        %mul3A_357 = arith.muli %convert_element_type3A_350, %mul3A_356 : vector<16xi32>
        %xor3A_358 = arith.xori %convert_element_type3A_346, %mul3A_357 : vector<16xi32>
        %mul3A_359 = arith.constant 805459861 : i32
        %mul3A_360 = vector.broadcast %mul3A_359 : i32 to vector<16xi32>
        %mul3A_361 = arith.muli %convert_element_type3A_354, %mul3A_360 : vector<16xi32>
        %xor3A_362 = arith.xori %xor3A_358, %mul3A_361 : vector<16xi32>
        %and3A_363 = arith.constant 524287 : i32
        %and3A_364 = vector.broadcast %and3A_363 : i32 to vector<16xi32>
        %and3A_365 = arith.andi %xor3A_362, %and3A_364 : vector<16xi32>
        %shift_right_arithmetic3A_366 = arith.constant 2 : i32
        %shift_right_arithmetic3A_367 = vector.broadcast %shift_right_arithmetic3A_366 : i32 to vector<16xi32>
        %shift_right_arithmetic3A_368 = arith.shrsi %and3A_365, %shift_right_arithmetic3A_367 : vector<16xi32>
        %or3A_369 = arith.constant 131072 : i32
        %or3A_370 = vector.broadcast %or3A_369 : i32 to vector<16xi32>
        %or3A_371 = arith.ori %shift_right_arithmetic3A_368, %or3A_370 : vector<16xi32>
        %and3A_372 = arith.constant 3 : i32
        %and3A_373 = vector.broadcast %and3A_372 : i32 to vector<16xi32>
        %and3A_374 = arith.andi %and3A_365, %and3A_373 : vector<16xi32>
        %shift_left3A_375 = arith.constant 1 : i32
        %shift_left3A_376 = vector.broadcast %shift_left3A_375 : i32 to vector<16xi32>
        %shift_left3A_377 = arith.shli %and3A_374, %shift_left3A_376 : vector<16xi32>
        %add3A_378 = arith.constant 256 : i32
        %add3A_379 = vector.broadcast %add3A_378 : i32 to vector<16xi32>
        %add3A_380 = arith.addi %add3A_309, %add3A_379 : vector<16xi32>
        tpu.vector_store_idx %arg13[%add3A_380], %or3A_371 : memref<3072xi32, #tpu.memory_space<vmem>>[vector<16xi32>], vector<16xi32>,
        tpu.vector_store_idx %arg15[%add3A_380], %shift_left3A_377 : memref<3072xi32, #tpu.memory_space<vmem>>[vector<16xi32>], vector<16xi32>,
        %mul3A_381 = arith.constant 3.400000e+01 : f32
        %mul3A_382 = vector.broadcast %mul3A_381 : f32 to vector<16xf32>
        %mul3A_383 = arith.mulf %get3A_303, %mul3A_382 : vector<16xf32>
        %convert_element_type3A_384 = arith.fptosi %mul3A_383 : vector<16xf32> to vector<16xi32>
        %mul3A_385 = arith.constant 3.400000e+01 : f32
        %mul3A_386 = vector.broadcast %mul3A_385 : f32 to vector<16xf32>
        %mul3A_387 = arith.mulf %get3A_305, %mul3A_386 : vector<16xf32>
        %convert_element_type3A_388 = arith.fptosi %mul3A_387 : vector<16xf32> to vector<16xi32>
        %mul3A_389 = arith.constant 3.400000e+01 : f32
        %mul3A_390 = vector.broadcast %mul3A_389 : f32 to vector<16xf32>
        %mul3A_391 = arith.mulf %get3A_307, %mul3A_390 : vector<16xf32>
        %convert_element_type3A_392 = arith.fptosi %mul3A_391 : vector<16xf32> to vector<16xi32>
        %mul3A_393 = arith.constant -1640531535 : i32
        %mul3A_394 = vector.broadcast %mul3A_393 : i32 to vector<16xi32>
        %mul3A_395 = arith.muli %convert_element_type3A_388, %mul3A_394 : vector<16xi32>
        %xor3A_396 = arith.xori %convert_element_type3A_384, %mul3A_395 : vector<16xi32>
        %mul3A_397 = arith.constant 805459861 : i32
        %mul3A_398 = vector.broadcast %mul3A_397 : i32 to vector<16xi32>
        %mul3A_399 = arith.muli %convert_element_type3A_392, %mul3A_398 : vector<16xi32>
        %xor3A_400 = arith.xori %xor3A_396, %mul3A_399 : vector<16xi32>
        %and3A_401 = arith.constant 524287 : i32
        %and3A_402 = vector.broadcast %and3A_401 : i32 to vector<16xi32>
        %and3A_403 = arith.andi %xor3A_400, %and3A_402 : vector<16xi32>
        %shift_right_arithmetic3A_404 = arith.constant 2 : i32
        %shift_right_arithmetic3A_405 = vector.broadcast %shift_right_arithmetic3A_404 : i32 to vector<16xi32>
        %shift_right_arithmetic3A_406 = arith.shrsi %and3A_403, %shift_right_arithmetic3A_405 : vector<16xi32>
        %or3A_407 = arith.constant 262144 : i32
        %or3A_408 = vector.broadcast %or3A_407 : i32 to vector<16xi32>
        %or3A_409 = arith.ori %shift_right_arithmetic3A_406, %or3A_408 : vector<16xi32>
        %and3A_410 = arith.constant 3 : i32
        %and3A_411 = vector.broadcast %and3A_410 : i32 to vector<16xi32>
        %and3A_412 = arith.andi %and3A_403, %and3A_411 : vector<16xi32>
        %shift_left3A_413 = arith.constant 1 : i32
        %shift_left3A_414 = vector.broadcast %shift_left3A_413 : i32 to vector<16xi32>
        %shift_left3A_415 = arith.shli %and3A_412, %shift_left3A_414 : vector<16xi32>
        %add3A_416 = arith.constant 512 : i32
        %add3A_417 = vector.broadcast %add3A_416 : i32 to vector<16xi32>
        %add3A_418 = arith.addi %add3A_309, %add3A_417 : vector<16xi32>
        tpu.vector_store_idx %arg13[%add3A_418], %or3A_409 : memref<3072xi32, #tpu.memory_space<vmem>>[vector<16xi32>], vector<16xi32>,
        tpu.vector_store_idx %arg15[%add3A_418], %shift_left3A_415 : memref<3072xi32, #tpu.memory_space<vmem>>[vector<16xi32>], vector<16xi32>,
        %mul3A_419 = arith.constant 4.900000e+01 : f32
        %mul3A_420 = vector.broadcast %mul3A_419 : f32 to vector<16xf32>
        %mul3A_421 = arith.mulf %get3A_303, %mul3A_420 : vector<16xf32>
        %convert_element_type3A_422 = arith.fptosi %mul3A_421 : vector<16xf32> to vector<16xi32>
        %mul3A_423 = arith.constant 4.900000e+01 : f32
        %mul3A_424 = vector.broadcast %mul3A_423 : f32 to vector<16xf32>
        %mul3A_425 = arith.mulf %get3A_305, %mul3A_424 : vector<16xf32>
        %convert_element_type3A_426 = arith.fptosi %mul3A_425 : vector<16xf32> to vector<16xi32>
        %mul3A_427 = arith.constant 4.900000e+01 : f32
        %mul3A_428 = vector.broadcast %mul3A_427 : f32 to vector<16xf32>
        %mul3A_429 = arith.mulf %get3A_307, %mul3A_428 : vector<16xf32>
        %convert_element_type3A_430 = arith.fptosi %mul3A_429 : vector<16xf32> to vector<16xi32>
        %mul3A_431 = arith.constant -1640531535 : i32
        %mul3A_432 = vector.broadcast %mul3A_431 : i32 to vector<16xi32>
        %mul3A_433 = arith.muli %convert_element_type3A_426, %mul3A_432 : vector<16xi32>
        %xor3A_434 = arith.xori %convert_element_type3A_422, %mul3A_433 : vector<16xi32>
        %mul3A_435 = arith.constant 805459861 : i32
        %mul3A_436 = vector.broadcast %mul3A_435 : i32 to vector<16xi32>
        %mul3A_437 = arith.muli %convert_element_type3A_430, %mul3A_436 : vector<16xi32>
        %xor3A_438 = arith.xori %xor3A_434, %mul3A_437 : vector<16xi32>
        %and3A_439 = arith.constant 524287 : i32
        %and3A_440 = vector.broadcast %and3A_439 : i32 to vector<16xi32>
        %and3A_441 = arith.andi %xor3A_438, %and3A_440 : vector<16xi32>
        %shift_right_arithmetic3A_442 = arith.constant 2 : i32
        %shift_right_arithmetic3A_443 = vector.broadcast %shift_right_arithmetic3A_442 : i32 to vector<16xi32>
        %shift_right_arithmetic3A_444 = arith.shrsi %and3A_441, %shift_right_arithmetic3A_443 : vector<16xi32>
        %or3A_445 = arith.constant 393216 : i32
        %or3A_446 = vector.broadcast %or3A_445 : i32 to vector<16xi32>
        %or3A_447 = arith.ori %shift_right_arithmetic3A_444, %or3A_446 : vector<16xi32>
        %and3A_448 = arith.constant 3 : i32
        %and3A_449 = vector.broadcast %and3A_448 : i32 to vector<16xi32>
        %and3A_450 = arith.andi %and3A_441, %and3A_449 : vector<16xi32>
        %shift_left3A_451 = arith.constant 1 : i32
        %shift_left3A_452 = vector.broadcast %shift_left3A_451 : i32 to vector<16xi32>
        %shift_left3A_453 = arith.shli %and3A_450, %shift_left3A_452 : vector<16xi32>
        %add3A_454 = arith.constant 768 : i32
        %add3A_455 = vector.broadcast %add3A_454 : i32 to vector<16xi32>
        %add3A_456 = arith.addi %add3A_309, %add3A_455 : vector<16xi32>
        tpu.vector_store_idx %arg13[%add3A_456], %or3A_447 : memref<3072xi32, #tpu.memory_space<vmem>>[vector<16xi32>], vector<16xi32>,
        tpu.vector_store_idx %arg15[%add3A_456], %shift_left3A_453 : memref<3072xi32, #tpu.memory_space<vmem>>[vector<16xi32>], vector<16xi32>,
        %mul3A_457 = arith.constant 7.200000e+01 : f32
        %mul3A_458 = vector.broadcast %mul3A_457 : f32 to vector<16xf32>
        %mul3A_459 = arith.mulf %get3A_303, %mul3A_458 : vector<16xf32>
        %convert_element_type3A_460 = arith.fptosi %mul3A_459 : vector<16xf32> to vector<16xi32>
        %mul3A_461 = arith.constant 7.200000e+01 : f32
        %mul3A_462 = vector.broadcast %mul3A_461 : f32 to vector<16xf32>
        %mul3A_463 = arith.mulf %get3A_305, %mul3A_462 : vector<16xf32>
        %convert_element_type3A_464 = arith.fptosi %mul3A_463 : vector<16xf32> to vector<16xi32>
        %mul3A_465 = arith.constant 7.200000e+01 : f32
        %mul3A_466 = vector.broadcast %mul3A_465 : f32 to vector<16xf32>
        %mul3A_467 = arith.mulf %get3A_307, %mul3A_466 : vector<16xf32>
        %convert_element_type3A_468 = arith.fptosi %mul3A_467 : vector<16xf32> to vector<16xi32>
        %mul3A_469 = arith.constant -1640531535 : i32
        %mul3A_470 = vector.broadcast %mul3A_469 : i32 to vector<16xi32>
        %mul3A_471 = arith.muli %convert_element_type3A_464, %mul3A_470 : vector<16xi32>
        %xor3A_472 = arith.xori %convert_element_type3A_460, %mul3A_471 : vector<16xi32>
        %mul3A_473 = arith.constant 805459861 : i32
        %mul3A_474 = vector.broadcast %mul3A_473 : i32 to vector<16xi32>
        %mul3A_475 = arith.muli %convert_element_type3A_468, %mul3A_474 : vector<16xi32>
        %xor3A_476 = arith.xori %xor3A_472, %mul3A_475 : vector<16xi32>
        %and3A_477 = arith.constant 524287 : i32
        %and3A_478 = vector.broadcast %and3A_477 : i32 to vector<16xi32>
        %and3A_479 = arith.andi %xor3A_476, %and3A_478 : vector<16xi32>
        %shift_right_arithmetic3A_480 = arith.constant 2 : i32
        %shift_right_arithmetic3A_481 = vector.broadcast %shift_right_arithmetic3A_480 : i32 to vector<16xi32>
        %shift_right_arithmetic3A_482 = arith.shrsi %and3A_479, %shift_right_arithmetic3A_481 : vector<16xi32>
        %or3A_483 = arith.constant 524288 : i32
        %or3A_484 = vector.broadcast %or3A_483 : i32 to vector<16xi32>
        %or3A_485 = arith.ori %shift_right_arithmetic3A_482, %or3A_484 : vector<16xi32>
        %and3A_486 = arith.constant 3 : i32
        %and3A_487 = vector.broadcast %and3A_486 : i32 to vector<16xi32>
        %and3A_488 = arith.andi %and3A_479, %and3A_487 : vector<16xi32>
        %shift_left3A_489 = arith.constant 1 : i32
        %shift_left3A_490 = vector.broadcast %shift_left3A_489 : i32 to vector<16xi32>
        %shift_left3A_491 = arith.shli %and3A_488, %shift_left3A_490 : vector<16xi32>
        %add3A_492 = arith.constant 1024 : i32
        %add3A_493 = vector.broadcast %add3A_492 : i32 to vector<16xi32>
        %add3A_494 = arith.addi %add3A_309, %add3A_493 : vector<16xi32>
        tpu.vector_store_idx %arg13[%add3A_494], %or3A_485 : memref<3072xi32, #tpu.memory_space<vmem>>[vector<16xi32>], vector<16xi32>,
        tpu.vector_store_idx %arg15[%add3A_494], %shift_left3A_491 : memref<3072xi32, #tpu.memory_space<vmem>>[vector<16xi32>], vector<16xi32>,
        %mul3A_495 = arith.constant 1.050000e+02 : f32
        %mul3A_496 = vector.broadcast %mul3A_495 : f32 to vector<16xf32>
        %mul3A_497 = arith.mulf %get3A_303, %mul3A_496 : vector<16xf32>
        %convert_element_type3A_498 = arith.fptosi %mul3A_497 : vector<16xf32> to vector<16xi32>
        %mul3A_499 = arith.constant 1.050000e+02 : f32
        %mul3A_500 = vector.broadcast %mul3A_499 : f32 to vector<16xf32>
        %mul3A_501 = arith.mulf %get3A_305, %mul3A_500 : vector<16xf32>
        %convert_element_type3A_502 = arith.fptosi %mul3A_501 : vector<16xf32> to vector<16xi32>
        %mul3A_503 = arith.constant 1.050000e+02 : f32
        %mul3A_504 = vector.broadcast %mul3A_503 : f32 to vector<16xf32>
        %mul3A_505 = arith.mulf %get3A_307, %mul3A_504 : vector<16xf32>
        %convert_element_type3A_506 = arith.fptosi %mul3A_505 : vector<16xf32> to vector<16xi32>
        %mul3A_507 = arith.constant -1640531535 : i32
        %mul3A_508 = vector.broadcast %mul3A_507 : i32 to vector<16xi32>
        %mul3A_509 = arith.muli %convert_element_type3A_502, %mul3A_508 : vector<16xi32>
        %xor3A_510 = arith.xori %convert_element_type3A_498, %mul3A_509 : vector<16xi32>
        %mul3A_511 = arith.constant 805459861 : i32
        %mul3A_512 = vector.broadcast %mul3A_511 : i32 to vector<16xi32>
        %mul3A_513 = arith.muli %convert_element_type3A_506, %mul3A_512 : vector<16xi32>
        %xor3A_514 = arith.xori %xor3A_510, %mul3A_513 : vector<16xi32>
        %and3A_515 = arith.constant 524287 : i32
        %and3A_516 = vector.broadcast %and3A_515 : i32 to vector<16xi32>
        %and3A_517 = arith.andi %xor3A_514, %and3A_516 : vector<16xi32>
        %shift_right_arithmetic3A_518 = arith.constant 2 : i32
        %shift_right_arithmetic3A_519 = vector.broadcast %shift_right_arithmetic3A_518 : i32 to vector<16xi32>
        %shift_right_arithmetic3A_520 = arith.shrsi %and3A_517, %shift_right_arithmetic3A_519 : vector<16xi32>
        %or3A_521 = arith.constant 655360 : i32
        %or3A_522 = vector.broadcast %or3A_521 : i32 to vector<16xi32>
        %or3A_523 = arith.ori %shift_right_arithmetic3A_520, %or3A_522 : vector<16xi32>
        %and3A_524 = arith.constant 3 : i32
        %and3A_525 = vector.broadcast %and3A_524 : i32 to vector<16xi32>
        %and3A_526 = arith.andi %and3A_517, %and3A_525 : vector<16xi32>
        %shift_left3A_527 = arith.constant 1 : i32
        %shift_left3A_528 = vector.broadcast %shift_left3A_527 : i32 to vector<16xi32>
        %shift_left3A_529 = arith.shli %and3A_526, %shift_left3A_528 : vector<16xi32>
        %add3A_530 = arith.constant 1280 : i32
        %add3A_531 = vector.broadcast %add3A_530 : i32 to vector<16xi32>
        %add3A_532 = arith.addi %add3A_309, %add3A_531 : vector<16xi32>
        tpu.vector_store_idx %arg13[%add3A_532], %or3A_523 : memref<3072xi32, #tpu.memory_space<vmem>>[vector<16xi32>], vector<16xi32>,
        tpu.vector_store_idx %arg15[%add3A_532], %shift_left3A_529 : memref<3072xi32, #tpu.memory_space<vmem>>[vector<16xi32>], vector<16xi32>,
        %mul3A_533 = arith.constant 1.540000e+02 : f32
        %mul3A_534 = vector.broadcast %mul3A_533 : f32 to vector<16xf32>
        %mul3A_535 = arith.mulf %get3A_303, %mul3A_534 : vector<16xf32>
        %convert_element_type3A_536 = arith.fptosi %mul3A_535 : vector<16xf32> to vector<16xi32>
        %mul3A_537 = arith.constant 1.540000e+02 : f32
        %mul3A_538 = vector.broadcast %mul3A_537 : f32 to vector<16xf32>
        %mul3A_539 = arith.mulf %get3A_305, %mul3A_538 : vector<16xf32>
        %convert_element_type3A_540 = arith.fptosi %mul3A_539 : vector<16xf32> to vector<16xi32>
        %mul3A_541 = arith.constant 1.540000e+02 : f32
        %mul3A_542 = vector.broadcast %mul3A_541 : f32 to vector<16xf32>
        %mul3A_543 = arith.mulf %get3A_307, %mul3A_542 : vector<16xf32>
        %convert_element_type3A_544 = arith.fptosi %mul3A_543 : vector<16xf32> to vector<16xi32>
        %mul3A_545 = arith.constant -1640531535 : i32
        %mul3A_546 = vector.broadcast %mul3A_545 : i32 to vector<16xi32>
        %mul3A_547 = arith.muli %convert_element_type3A_540, %mul3A_546 : vector<16xi32>
        %xor3A_548 = arith.xori %convert_element_type3A_536, %mul3A_547 : vector<16xi32>
        %mul3A_549 = arith.constant 805459861 : i32
        %mul3A_550 = vector.broadcast %mul3A_549 : i32 to vector<16xi32>
        %mul3A_551 = arith.muli %convert_element_type3A_544, %mul3A_550 : vector<16xi32>
        %xor3A_552 = arith.xori %xor3A_548, %mul3A_551 : vector<16xi32>
        %and3A_553 = arith.constant 524287 : i32
        %and3A_554 = vector.broadcast %and3A_553 : i32 to vector<16xi32>
        %and3A_555 = arith.andi %xor3A_552, %and3A_554 : vector<16xi32>
        %shift_right_arithmetic3A_556 = arith.constant 2 : i32
        %shift_right_arithmetic3A_557 = vector.broadcast %shift_right_arithmetic3A_556 : i32 to vector<16xi32>
        %shift_right_arithmetic3A_558 = arith.shrsi %and3A_555, %shift_right_arithmetic3A_557 : vector<16xi32>
        %or3A_559 = arith.constant 786432 : i32
        %or3A_560 = vector.broadcast %or3A_559 : i32 to vector<16xi32>
        %or3A_561 = arith.ori %shift_right_arithmetic3A_558, %or3A_560 : vector<16xi32>
        %and3A_562 = arith.constant 3 : i32
        %and3A_563 = vector.broadcast %and3A_562 : i32 to vector<16xi32>
        %and3A_564 = arith.andi %and3A_555, %and3A_563 : vector<16xi32>
        %shift_left3A_565 = arith.constant 1 : i32
        %shift_left3A_566 = vector.broadcast %shift_left3A_565 : i32 to vector<16xi32>
        %shift_left3A_567 = arith.shli %and3A_564, %shift_left3A_566 : vector<16xi32>
        %add3A_568 = arith.constant 1536 : i32
        %add3A_569 = vector.broadcast %add3A_568 : i32 to vector<16xi32>
        %add3A_570 = arith.addi %add3A_309, %add3A_569 : vector<16xi32>
        tpu.vector_store_idx %arg13[%add3A_570], %or3A_561 : memref<3072xi32, #tpu.memory_space<vmem>>[vector<16xi32>], vector<16xi32>,
        tpu.vector_store_idx %arg15[%add3A_570], %shift_left3A_567 : memref<3072xi32, #tpu.memory_space<vmem>>[vector<16xi32>], vector<16xi32>,
        %mul3A_571 = arith.constant 2.250000e+02 : f32
        %mul3A_572 = vector.broadcast %mul3A_571 : f32 to vector<16xf32>
        %mul3A_573 = arith.mulf %get3A_303, %mul3A_572 : vector<16xf32>
        %convert_element_type3A_574 = arith.fptosi %mul3A_573 : vector<16xf32> to vector<16xi32>
        %mul3A_575 = arith.constant 2.250000e+02 : f32
        %mul3A_576 = vector.broadcast %mul3A_575 : f32 to vector<16xf32>
        %mul3A_577 = arith.mulf %get3A_305, %mul3A_576 : vector<16xf32>
        %convert_element_type3A_578 = arith.fptosi %mul3A_577 : vector<16xf32> to vector<16xi32>
        %mul3A_579 = arith.constant 2.250000e+02 : f32
        %mul3A_580 = vector.broadcast %mul3A_579 : f32 to vector<16xf32>
        %mul3A_581 = arith.mulf %get3A_307, %mul3A_580 : vector<16xf32>
        %convert_element_type3A_582 = arith.fptosi %mul3A_581 : vector<16xf32> to vector<16xi32>
        %mul3A_583 = arith.constant -1640531535 : i32
        %mul3A_584 = vector.broadcast %mul3A_583 : i32 to vector<16xi32>
        %mul3A_585 = arith.muli %convert_element_type3A_578, %mul3A_584 : vector<16xi32>
        %xor3A_586 = arith.xori %convert_element_type3A_574, %mul3A_585 : vector<16xi32>
        %mul3A_587 = arith.constant 805459861 : i32
        %mul3A_588 = vector.broadcast %mul3A_587 : i32 to vector<16xi32>
        %mul3A_589 = arith.muli %convert_element_type3A_582, %mul3A_588 : vector<16xi32>
        %xor3A_590 = arith.xori %xor3A_586, %mul3A_589 : vector<16xi32>
        %and3A_591 = arith.constant 524287 : i32
        %and3A_592 = vector.broadcast %and3A_591 : i32 to vector<16xi32>
        %and3A_593 = arith.andi %xor3A_590, %and3A_592 : vector<16xi32>
        %shift_right_arithmetic3A_594 = arith.constant 2 : i32
        %shift_right_arithmetic3A_595 = vector.broadcast %shift_right_arithmetic3A_594 : i32 to vector<16xi32>
        %shift_right_arithmetic3A_596 = arith.shrsi %and3A_593, %shift_right_arithmetic3A_595 : vector<16xi32>
        %or3A_597 = arith.constant 917504 : i32
        %or3A_598 = vector.broadcast %or3A_597 : i32 to vector<16xi32>
        %or3A_599 = arith.ori %shift_right_arithmetic3A_596, %or3A_598 : vector<16xi32>
        %and3A_600 = arith.constant 3 : i32
        %and3A_601 = vector.broadcast %and3A_600 : i32 to vector<16xi32>
        %and3A_602 = arith.andi %and3A_593, %and3A_601 : vector<16xi32>
        %shift_left3A_603 = arith.constant 1 : i32
        %shift_left3A_604 = vector.broadcast %shift_left3A_603 : i32 to vector<16xi32>
        %shift_left3A_605 = arith.shli %and3A_602, %shift_left3A_604 : vector<16xi32>
        %add3A_606 = arith.constant 1792 : i32
        %add3A_607 = vector.broadcast %add3A_606 : i32 to vector<16xi32>
        %add3A_608 = arith.addi %add3A_309, %add3A_607 : vector<16xi32>
        tpu.vector_store_idx %arg13[%add3A_608], %or3A_599 : memref<3072xi32, #tpu.memory_space<vmem>>[vector<16xi32>], vector<16xi32>,
        tpu.vector_store_idx %arg15[%add3A_608], %shift_left3A_605 : memref<3072xi32, #tpu.memory_space<vmem>>[vector<16xi32>], vector<16xi32>,
        %mul3A_609 = arith.constant 3.290000e+02 : f32
        %mul3A_610 = vector.broadcast %mul3A_609 : f32 to vector<16xf32>
        %mul3A_611 = arith.mulf %get3A_303, %mul3A_610 : vector<16xf32>
        %convert_element_type3A_612 = arith.fptosi %mul3A_611 : vector<16xf32> to vector<16xi32>
        %mul3A_613 = arith.constant 3.290000e+02 : f32
        %mul3A_614 = vector.broadcast %mul3A_613 : f32 to vector<16xf32>
        %mul3A_615 = arith.mulf %get3A_305, %mul3A_614 : vector<16xf32>
        %convert_element_type3A_616 = arith.fptosi %mul3A_615 : vector<16xf32> to vector<16xi32>
        %mul3A_617 = arith.constant 3.290000e+02 : f32
        %mul3A_618 = vector.broadcast %mul3A_617 : f32 to vector<16xf32>
        %mul3A_619 = arith.mulf %get3A_307, %mul3A_618 : vector<16xf32>
        %convert_element_type3A_620 = arith.fptosi %mul3A_619 : vector<16xf32> to vector<16xi32>
        %mul3A_621 = arith.constant -1640531535 : i32
        %mul3A_622 = vector.broadcast %mul3A_621 : i32 to vector<16xi32>
        %mul3A_623 = arith.muli %convert_element_type3A_616, %mul3A_622 : vector<16xi32>
        %xor3A_624 = arith.xori %convert_element_type3A_612, %mul3A_623 : vector<16xi32>
        %mul3A_625 = arith.constant 805459861 : i32
        %mul3A_626 = vector.broadcast %mul3A_625 : i32 to vector<16xi32>
        %mul3A_627 = arith.muli %convert_element_type3A_620, %mul3A_626 : vector<16xi32>
        %xor3A_628 = arith.xori %xor3A_624, %mul3A_627 : vector<16xi32>
        %and3A_629 = arith.constant 524287 : i32
        %and3A_630 = vector.broadcast %and3A_629 : i32 to vector<16xi32>
        %and3A_631 = arith.andi %xor3A_628, %and3A_630 : vector<16xi32>
        %shift_right_arithmetic3A_632 = arith.constant 2 : i32
        %shift_right_arithmetic3A_633 = vector.broadcast %shift_right_arithmetic3A_632 : i32 to vector<16xi32>
        %shift_right_arithmetic3A_634 = arith.shrsi %and3A_631, %shift_right_arithmetic3A_633 : vector<16xi32>
        %or3A_635 = arith.constant 1048576 : i32
        %or3A_636 = vector.broadcast %or3A_635 : i32 to vector<16xi32>
        %or3A_637 = arith.ori %shift_right_arithmetic3A_634, %or3A_636 : vector<16xi32>
        %and3A_638 = arith.constant 3 : i32
        %and3A_639 = vector.broadcast %and3A_638 : i32 to vector<16xi32>
        %and3A_640 = arith.andi %and3A_631, %and3A_639 : vector<16xi32>
        %shift_left3A_641 = arith.constant 1 : i32
        %shift_left3A_642 = vector.broadcast %shift_left3A_641 : i32 to vector<16xi32>
        %shift_left3A_643 = arith.shli %and3A_640, %shift_left3A_642 : vector<16xi32>
        %add3A_644 = arith.constant 2048 : i32
        %add3A_645 = vector.broadcast %add3A_644 : i32 to vector<16xi32>
        %add3A_646 = arith.addi %add3A_309, %add3A_645 : vector<16xi32>
        tpu.vector_store_idx %arg13[%add3A_646], %or3A_637 : memref<3072xi32, #tpu.memory_space<vmem>>[vector<16xi32>], vector<16xi32>,
        tpu.vector_store_idx %arg15[%add3A_646], %shift_left3A_643 : memref<3072xi32, #tpu.memory_space<vmem>>[vector<16xi32>], vector<16xi32>,
        %mul3A_647 = arith.constant 4.800000e+02 : f32
        %mul3A_648 = vector.broadcast %mul3A_647 : f32 to vector<16xf32>
        %mul3A_649 = arith.mulf %get3A_303, %mul3A_648 : vector<16xf32>
        %convert_element_type3A_650 = arith.fptosi %mul3A_649 : vector<16xf32> to vector<16xi32>
        %mul3A_651 = arith.constant 4.800000e+02 : f32
        %mul3A_652 = vector.broadcast %mul3A_651 : f32 to vector<16xf32>
        %mul3A_653 = arith.mulf %get3A_305, %mul3A_652 : vector<16xf32>
        %convert_element_type3A_654 = arith.fptosi %mul3A_653 : vector<16xf32> to vector<16xi32>
        %mul3A_655 = arith.constant 4.800000e+02 : f32
        %mul3A_656 = vector.broadcast %mul3A_655 : f32 to vector<16xf32>
        %mul3A_657 = arith.mulf %get3A_307, %mul3A_656 : vector<16xf32>
        %convert_element_type3A_658 = arith.fptosi %mul3A_657 : vector<16xf32> to vector<16xi32>
        %mul3A_659 = arith.constant -1640531535 : i32
        %mul3A_660 = vector.broadcast %mul3A_659 : i32 to vector<16xi32>
        %mul3A_661 = arith.muli %convert_element_type3A_654, %mul3A_660 : vector<16xi32>
        %xor3A_662 = arith.xori %convert_element_type3A_650, %mul3A_661 : vector<16xi32>
        %mul3A_663 = arith.constant 805459861 : i32
        %mul3A_664 = vector.broadcast %mul3A_663 : i32 to vector<16xi32>
        %mul3A_665 = arith.muli %convert_element_type3A_658, %mul3A_664 : vector<16xi32>
        %xor3A_666 = arith.xori %xor3A_662, %mul3A_665 : vector<16xi32>
        %and3A_667 = arith.constant 524287 : i32
        %and3A_668 = vector.broadcast %and3A_667 : i32 to vector<16xi32>
        %and3A_669 = arith.andi %xor3A_666, %and3A_668 : vector<16xi32>
        %shift_right_arithmetic3A_670 = arith.constant 2 : i32
        %shift_right_arithmetic3A_671 = vector.broadcast %shift_right_arithmetic3A_670 : i32 to vector<16xi32>
        %shift_right_arithmetic3A_672 = arith.shrsi %and3A_669, %shift_right_arithmetic3A_671 : vector<16xi32>
        %or3A_673 = arith.constant 1179648 : i32
        %or3A_674 = vector.broadcast %or3A_673 : i32 to vector<16xi32>
        %or3A_675 = arith.ori %shift_right_arithmetic3A_672, %or3A_674 : vector<16xi32>
        %and3A_676 = arith.constant 3 : i32
        %and3A_677 = vector.broadcast %and3A_676 : i32 to vector<16xi32>
        %and3A_678 = arith.andi %and3A_669, %and3A_677 : vector<16xi32>
        %shift_left3A_679 = arith.constant 1 : i32
        %shift_left3A_680 = vector.broadcast %shift_left3A_679 : i32 to vector<16xi32>
        %shift_left3A_681 = arith.shli %and3A_678, %shift_left3A_680 : vector<16xi32>
        %add3A_682 = arith.constant 2304 : i32
        %add3A_683 = vector.broadcast %add3A_682 : i32 to vector<16xi32>
        %add3A_684 = arith.addi %add3A_309, %add3A_683 : vector<16xi32>
        tpu.vector_store_idx %arg13[%add3A_684], %or3A_675 : memref<3072xi32, #tpu.memory_space<vmem>>[vector<16xi32>], vector<16xi32>,
        tpu.vector_store_idx %arg15[%add3A_684], %shift_left3A_681 : memref<3072xi32, #tpu.memory_space<vmem>>[vector<16xi32>], vector<16xi32>,
        %mul3A_685 = arith.constant 7.010000e+02 : f32
        %mul3A_686 = vector.broadcast %mul3A_685 : f32 to vector<16xf32>
        %mul3A_687 = arith.mulf %get3A_303, %mul3A_686 : vector<16xf32>
        %convert_element_type3A_688 = arith.fptosi %mul3A_687 : vector<16xf32> to vector<16xi32>
        %mul3A_689 = arith.constant 7.010000e+02 : f32
        %mul3A_690 = vector.broadcast %mul3A_689 : f32 to vector<16xf32>
        %mul3A_691 = arith.mulf %get3A_305, %mul3A_690 : vector<16xf32>
        %convert_element_type3A_692 = arith.fptosi %mul3A_691 : vector<16xf32> to vector<16xi32>
        %mul3A_693 = arith.constant 7.010000e+02 : f32
        %mul3A_694 = vector.broadcast %mul3A_693 : f32 to vector<16xf32>
        %mul3A_695 = arith.mulf %get3A_307, %mul3A_694 : vector<16xf32>
        %convert_element_type3A_696 = arith.fptosi %mul3A_695 : vector<16xf32> to vector<16xi32>
        %mul3A_697 = arith.constant -1640531535 : i32
        %mul3A_698 = vector.broadcast %mul3A_697 : i32 to vector<16xi32>
        %mul3A_699 = arith.muli %convert_element_type3A_692, %mul3A_698 : vector<16xi32>
        %xor3A_700 = arith.xori %convert_element_type3A_688, %mul3A_699 : vector<16xi32>
        %mul3A_701 = arith.constant 805459861 : i32
        %mul3A_702 = vector.broadcast %mul3A_701 : i32 to vector<16xi32>
        %mul3A_703 = arith.muli %convert_element_type3A_696, %mul3A_702 : vector<16xi32>
        %xor3A_704 = arith.xori %xor3A_700, %mul3A_703 : vector<16xi32>
        %and3A_705 = arith.constant 524287 : i32
        %and3A_706 = vector.broadcast %and3A_705 : i32 to vector<16xi32>
        %and3A_707 = arith.andi %xor3A_704, %and3A_706 : vector<16xi32>
        %shift_right_arithmetic3A_708 = arith.constant 2 : i32
        %shift_right_arithmetic3A_709 = vector.broadcast %shift_right_arithmetic3A_708 : i32 to vector<16xi32>
        %shift_right_arithmetic3A_710 = arith.shrsi %and3A_707, %shift_right_arithmetic3A_709 : vector<16xi32>
        %or3A_711 = arith.constant 1310720 : i32
        %or3A_712 = vector.broadcast %or3A_711 : i32 to vector<16xi32>
        %or3A_713 = arith.ori %shift_right_arithmetic3A_710, %or3A_712 : vector<16xi32>
        %and3A_714 = arith.constant 3 : i32
        %and3A_715 = vector.broadcast %and3A_714 : i32 to vector<16xi32>
        %and3A_716 = arith.andi %and3A_707, %and3A_715 : vector<16xi32>
        %shift_left3A_717 = arith.constant 1 : i32
        %shift_left3A_718 = vector.broadcast %shift_left3A_717 : i32 to vector<16xi32>
        %shift_left3A_719 = arith.shli %and3A_716, %shift_left3A_718 : vector<16xi32>
        %add3A_720 = arith.constant 2560 : i32
        %add3A_721 = vector.broadcast %add3A_720 : i32 to vector<16xi32>
        %add3A_722 = arith.addi %add3A_309, %add3A_721 : vector<16xi32>
        tpu.vector_store_idx %arg13[%add3A_722], %or3A_713 : memref<3072xi32, #tpu.memory_space<vmem>>[vector<16xi32>], vector<16xi32>,
        tpu.vector_store_idx %arg15[%add3A_722], %shift_left3A_719 : memref<3072xi32, #tpu.memory_space<vmem>>[vector<16xi32>], vector<16xi32>,
        %mul3A_723 = arith.constant 1.024000e+03 : f32
        %mul3A_724 = vector.broadcast %mul3A_723 : f32 to vector<16xf32>
        %mul3A_725 = arith.mulf %get3A_303, %mul3A_724 : vector<16xf32>
        %convert_element_type3A_726 = arith.fptosi %mul3A_725 : vector<16xf32> to vector<16xi32>
        %mul3A_727 = arith.constant 1.024000e+03 : f32
        %mul3A_728 = vector.broadcast %mul3A_727 : f32 to vector<16xf32>
        %mul3A_729 = arith.mulf %get3A_305, %mul3A_728 : vector<16xf32>
        %convert_element_type3A_730 = arith.fptosi %mul3A_729 : vector<16xf32> to vector<16xi32>
        %mul3A_731 = arith.constant 1.024000e+03 : f32
        %mul3A_732 = vector.broadcast %mul3A_731 : f32 to vector<16xf32>
        %mul3A_733 = arith.mulf %get3A_307, %mul3A_732 : vector<16xf32>
        %convert_element_type3A_734 = arith.fptosi %mul3A_733 : vector<16xf32> to vector<16xi32>
        %mul3A_735 = arith.constant -1640531535 : i32
        %mul3A_736 = vector.broadcast %mul3A_735 : i32 to vector<16xi32>
        %mul3A_737 = arith.muli %convert_element_type3A_730, %mul3A_736 : vector<16xi32>
        %xor3A_738 = arith.xori %convert_element_type3A_726, %mul3A_737 : vector<16xi32>
        %mul3A_739 = arith.constant 805459861 : i32
        %mul3A_740 = vector.broadcast %mul3A_739 : i32 to vector<16xi32>
        %mul3A_741 = arith.muli %convert_element_type3A_734, %mul3A_740 : vector<16xi32>
        %xor3A_742 = arith.xori %xor3A_738, %mul3A_741 : vector<16xi32>
        %and3A_743 = arith.constant 524287 : i32
        %and3A_744 = vector.broadcast %and3A_743 : i32 to vector<16xi32>
        %and3A_745 = arith.andi %xor3A_742, %and3A_744 : vector<16xi32>
        %shift_right_arithmetic3A_746 = arith.constant 2 : i32
        %shift_right_arithmetic3A_747 = vector.broadcast %shift_right_arithmetic3A_746 : i32 to vector<16xi32>
        %shift_right_arithmetic3A_748 = arith.shrsi %and3A_745, %shift_right_arithmetic3A_747 : vector<16xi32>
        %or3A_749 = arith.constant 1441792 : i32
        %or3A_750 = vector.broadcast %or3A_749 : i32 to vector<16xi32>
        %or3A_751 = arith.ori %shift_right_arithmetic3A_748, %or3A_750 : vector<16xi32>
        %and3A_752 = arith.constant 3 : i32
        %and3A_753 = vector.broadcast %and3A_752 : i32 to vector<16xi32>
        %and3A_754 = arith.andi %and3A_745, %and3A_753 : vector<16xi32>
        %shift_left3A_755 = arith.constant 1 : i32
        %shift_left3A_756 = vector.broadcast %shift_left3A_755 : i32 to vector<16xi32>
        %shift_left3A_757 = arith.shli %and3A_754, %shift_left3A_756 : vector<16xi32>
        %add3A_758 = arith.constant 2816 : i32
        %add3A_759 = vector.broadcast %add3A_758 : i32 to vector<16xi32>
        %add3A_760 = arith.addi %add3A_309, %add3A_759 : vector<16xi32>
        tpu.vector_store_idx %arg13[%add3A_760], %or3A_751 : memref<3072xi32, #tpu.memory_space<vmem>>[vector<16xi32>], vector<16xi32>,
        tpu.vector_store_idx %arg15[%add3A_760], %shift_left3A_757 : memref<3072xi32, #tpu.memory_space<vmem>>[vector<16xi32>], vector<16xi32>,
      }
      %while3A_245 = arith.constant 1 : i32
      scf.for %while3A_300 = %while3A_243 to %while3A_239 step %while3A_245  : i32 {
        %mul3A_301 = arith.muli %while3A_300, %while3A_236 : i32
        %add3A_302 = arith.addi %mul3A_4, %mul3A_301 : i32
        %get3A = arith.index_cast %add3A_302 : i32 to index
        %get3A_303 = tpu.vector_load %arg7[%get3A] {strides = array<i32>} : memref<256xf32, #tpu.memory_space<vmem>>, vector<16xf32>,
        %get3A_304 = arith.index_cast %add3A_302 : i32 to index
        %get3A_305 = tpu.vector_load %arg8[%get3A_304] {strides = array<i32>} : memref<256xf32, #tpu.memory_space<vmem>>, vector<16xf32>,
        %get3A_306 = arith.index_cast %add3A_302 : i32 to index
        %get3A_307 = tpu.vector_load %arg9[%get3A_306] {strides = array<i32>} : memref<256xf32, #tpu.memory_space<vmem>>, vector<16xf32>,
        %add3A_308 = vector.broadcast %add3A_302 : i32 to vector<16xi32>
        %add3A_309 = arith.addi %iota3A, %add3A_308 : vector<16xi32>
        %mul3A_310 = arith.constant 1.600000e+01 : f32
        %mul3A_311 = vector.broadcast %mul3A_310 : f32 to vector<16xf32>
        %mul3A_312 = arith.mulf %get3A_303, %mul3A_311 : vector<16xf32>
        %convert_element_type3A_313 = arith.fptosi %mul3A_312 : vector<16xf32> to vector<16xi32>
        %mul3A_314 = arith.constant 1.600000e+01 : f32
        %mul3A_315 = vector.broadcast %mul3A_314 : f32 to vector<16xf32>
        %mul3A_316 = arith.mulf %get3A_305, %mul3A_315 : vector<16xf32>
        %convert_element_type3A_317 = arith.fptosi %mul3A_316 : vector<16xf32> to vector<16xi32>
        %mul3A_318 = arith.constant 1.600000e+01 : f32
        %mul3A_319 = vector.broadcast %mul3A_318 : f32 to vector<16xf32>
        %mul3A_320 = arith.mulf %get3A_307, %mul3A_319 : vector<16xf32>
        %convert_element_type3A_321 = arith.fptosi %mul3A_320 : vector<16xf32> to vector<16xi32>
        %mul3A_322 = arith.constant -1640531535 : i32
        %mul3A_323 = vector.broadcast %mul3A_322 : i32 to vector<16xi32>
        %mul3A_324 = arith.muli %convert_element_type3A_317, %mul3A_323 : vector<16xi32>
        %xor3A = arith.xori %convert_element_type3A_313, %mul3A_324 : vector<16xi32>
        %mul3A_325 = arith.constant 805459861 : i32
        %mul3A_326 = vector.broadcast %mul3A_325 : i32 to vector<16xi32>
        %mul3A_327 = arith.muli %convert_element_type3A_321, %mul3A_326 : vector<16xi32>
        %xor3A_328 = arith.xori %xor3A, %mul3A_327 : vector<16xi32>
        %and3A = arith.constant 524287 : i32
        %and3A_329 = vector.broadcast %and3A : i32 to vector<16xi32>
        %and3A_330 = arith.andi %xor3A_328, %and3A_329 : vector<16xi32>
        %shift_right_arithmetic3A = arith.constant 2 : i32
        %shift_right_arithmetic3A_331 = vector.broadcast %shift_right_arithmetic3A : i32 to vector<16xi32>
        %shift_right_arithmetic3A_332 = arith.shrsi %and3A_330, %shift_right_arithmetic3A_331 : vector<16xi32>
        %or3A = arith.constant 0 : i32
        %or3A_333 = vector.broadcast %or3A : i32 to vector<16xi32>
        %or3A_334 = arith.ori %shift_right_arithmetic3A_332, %or3A_333 : vector<16xi32>
        %and3A_335 = arith.constant 3 : i32
        %and3A_336 = vector.broadcast %and3A_335 : i32 to vector<16xi32>
        %and3A_337 = arith.andi %and3A_330, %and3A_336 : vector<16xi32>
        %shift_left3A = arith.constant 1 : i32
        %shift_left3A_338 = vector.broadcast %shift_left3A : i32 to vector<16xi32>
        %shift_left3A_339 = arith.shli %and3A_337, %shift_left3A_338 : vector<16xi32>
        %add3A_340 = arith.constant 0 : i32
        %add3A_341 = vector.broadcast %add3A_340 : i32 to vector<16xi32>
        %add3A_342 = arith.addi %add3A_309, %add3A_341 : vector<16xi32>
        tpu.vector_store_idx %arg13[%add3A_342], %or3A_334 : memref<3072xi32, #tpu.memory_space<vmem>>[vector<16xi32>], vector<16xi32>,
        tpu.vector_store_idx %arg15[%add3A_342], %shift_left3A_339 : memref<3072xi32, #tpu.memory_space<vmem>>[vector<16xi32>], vector<16xi32>,
        %mul3A_343 = arith.constant 2.300000e+01 : f32
        %mul3A_344 = vector.broadcast %mul3A_343 : f32 to vector<16xf32>
        %mul3A_345 = arith.mulf %get3A_303, %mul3A_344 : vector<16xf32>
        %convert_element_type3A_346 = arith.fptosi %mul3A_345 : vector<16xf32> to vector<16xi32>
        %mul3A_347 = arith.constant 2.300000e+01 : f32
        %mul3A_348 = vector.broadcast %mul3A_347 : f32 to vector<16xf32>
        %mul3A_349 = arith.mulf %get3A_305, %mul3A_348 : vector<16xf32>
        %convert_element_type3A_350 = arith.fptosi %mul3A_349 : vector<16xf32> to vector<16xi32>
        %mul3A_351 = arith.constant 2.300000e+01 : f32
        %mul3A_352 = vector.broadcast %mul3A_351 : f32 to vector<16xf32>
        %mul3A_353 = arith.mulf %get3A_307, %mul3A_352 : vector<16xf32>
        %convert_element_type3A_354 = arith.fptosi %mul3A_353 : vector<16xf32> to vector<16xi32>
        %mul3A_355 = arith.constant -1640531535 : i32
        %mul3A_356 = vector.broadcast %mul3A_355 : i32 to vector<16xi32>
        %mul3A_357 = arith.muli %convert_element_type3A_350, %mul3A_356 : vector<16xi32>
        %xor3A_358 = arith.xori %convert_element_type3A_346, %mul3A_357 : vector<16xi32>
        %mul3A_359 = arith.constant 805459861 : i32
        %mul3A_360 = vector.broadcast %mul3A_359 : i32 to vector<16xi32>
        %mul3A_361 = arith.muli %convert_element_type3A_354, %mul3A_360 : vector<16xi32>
        %xor3A_362 = arith.xori %xor3A_358, %mul3A_361 : vector<16xi32>
        %and3A_363 = arith.constant 524287 : i32
        %and3A_364 = vector.broadcast %and3A_363 : i32 to vector<16xi32>
        %and3A_365 = arith.andi %xor3A_362, %and3A_364 : vector<16xi32>
        %shift_right_arithmetic3A_366 = arith.constant 2 : i32
        %shift_right_arithmetic3A_367 = vector.broadcast %shift_right_arithmetic3A_366 : i32 to vector<16xi32>
        %shift_right_arithmetic3A_368 = arith.shrsi %and3A_365, %shift_right_arithmetic3A_367 : vector<16xi32>
        %or3A_369 = arith.constant 131072 : i32
        %or3A_370 = vector.broadcast %or3A_369 : i32 to vector<16xi32>
        %or3A_371 = arith.ori %shift_right_arithmetic3A_368, %or3A_370 : vector<16xi32>
        %and3A_372 = arith.constant 3 : i32
        %and3A_373 = vector.broadcast %and3A_372 : i32 to vector<16xi32>
        %and3A_374 = arith.andi %and3A_365, %and3A_373 : vector<16xi32>
        %shift_left3A_375 = arith.constant 1 : i32
        %shift_left3A_376 = vector.broadcast %shift_left3A_375 : i32 to vector<16xi32>
        %shift_left3A_377 = arith.shli %and3A_374, %shift_left3A_376 : vector<16xi32>
        %add3A_378 = arith.constant 256 : i32
        %add3A_379 = vector.broadcast %add3A_378 : i32 to vector<16xi32>
        %add3A_380 = arith.addi %add3A_309, %add3A_379 : vector<16xi32>
        tpu.vector_store_idx %arg13[%add3A_380], %or3A_371 : memref<3072xi32, #tpu.memory_space<vmem>>[vector<16xi32>], vector<16xi32>,
        tpu.vector_store_idx %arg15[%add3A_380], %shift_left3A_377 : memref<3072xi32, #tpu.memory_space<vmem>>[vector<16xi32>], vector<16xi32>,
        %mul3A_381 = arith.constant 3.400000e+01 : f32
        %mul3A_382 = vector.broadcast %mul3A_381 : f32 to vector<16xf32>
        %mul3A_383 = arith.mulf %get3A_303, %mul3A_382 : vector<16xf32>
        %convert_element_type3A_384 = arith.fptosi %mul3A_383 : vector<16xf32> to vector<16xi32>
        %mul3A_385 = arith.constant 3.400000e+01 : f32
        %mul3A_386 = vector.broadcast %mul3A_385 : f32 to vector<16xf32>
        %mul3A_387 = arith.mulf %get3A_305, %mul3A_386 : vector<16xf32>
        %convert_element_type3A_388 = arith.fptosi %mul3A_387 : vector<16xf32> to vector<16xi32>
        %mul3A_389 = arith.constant 3.400000e+01 : f32
        %mul3A_390 = vector.broadcast %mul3A_389 : f32 to vector<16xf32>
        %mul3A_391 = arith.mulf %get3A_307, %mul3A_390 : vector<16xf32>
        %convert_element_type3A_392 = arith.fptosi %mul3A_391 : vector<16xf32> to vector<16xi32>
        %mul3A_393 = arith.constant -1640531535 : i32
        %mul3A_394 = vector.broadcast %mul3A_393 : i32 to vector<16xi32>
        %mul3A_395 = arith.muli %convert_element_type3A_388, %mul3A_394 : vector<16xi32>
        %xor3A_396 = arith.xori %convert_element_type3A_384, %mul3A_395 : vector<16xi32>
        %mul3A_397 = arith.constant 805459861 : i32
        %mul3A_398 = vector.broadcast %mul3A_397 : i32 to vector<16xi32>
        %mul3A_399 = arith.muli %convert_element_type3A_392, %mul3A_398 : vector<16xi32>
        %xor3A_400 = arith.xori %xor3A_396, %mul3A_399 : vector<16xi32>
        %and3A_401 = arith.constant 524287 : i32
        %and3A_402 = vector.broadcast %and3A_401 : i32 to vector<16xi32>
        %and3A_403 = arith.andi %xor3A_400, %and3A_402 : vector<16xi32>
        %shift_right_arithmetic3A_404 = arith.constant 2 : i32
        %shift_right_arithmetic3A_405 = vector.broadcast %shift_right_arithmetic3A_404 : i32 to vector<16xi32>
        %shift_right_arithmetic3A_406 = arith.shrsi %and3A_403, %shift_right_arithmetic3A_405 : vector<16xi32>
        %or3A_407 = arith.constant 262144 : i32
        %or3A_408 = vector.broadcast %or3A_407 : i32 to vector<16xi32>
        %or3A_409 = arith.ori %shift_right_arithmetic3A_406, %or3A_408 : vector<16xi32>
        %and3A_410 = arith.constant 3 : i32
        %and3A_411 = vector.broadcast %and3A_410 : i32 to vector<16xi32>
        %and3A_412 = arith.andi %and3A_403, %and3A_411 : vector<16xi32>
        %shift_left3A_413 = arith.constant 1 : i32
        %shift_left3A_414 = vector.broadcast %shift_left3A_413 : i32 to vector<16xi32>
        %shift_left3A_415 = arith.shli %and3A_412, %shift_left3A_414 : vector<16xi32>
        %add3A_416 = arith.constant 512 : i32
        %add3A_417 = vector.broadcast %add3A_416 : i32 to vector<16xi32>
        %add3A_418 = arith.addi %add3A_309, %add3A_417 : vector<16xi32>
        tpu.vector_store_idx %arg13[%add3A_418], %or3A_409 : memref<3072xi32, #tpu.memory_space<vmem>>[vector<16xi32>], vector<16xi32>,
        tpu.vector_store_idx %arg15[%add3A_418], %shift_left3A_415 : memref<3072xi32, #tpu.memory_space<vmem>>[vector<16xi32>], vector<16xi32>,
        %mul3A_419 = arith.constant 4.900000e+01 : f32
        %mul3A_420 = vector.broadcast %mul3A_419 : f32 to vector<16xf32>
        %mul3A_421 = arith.mulf %get3A_303, %mul3A_420 : vector<16xf32>
        %convert_element_type3A_422 = arith.fptosi %mul3A_421 : vector<16xf32> to vector<16xi32>
        %mul3A_423 = arith.constant 4.900000e+01 : f32
        %mul3A_424 = vector.broadcast %mul3A_423 : f32 to vector<16xf32>
        %mul3A_425 = arith.mulf %get3A_305, %mul3A_424 : vector<16xf32>
        %convert_element_type3A_426 = arith.fptosi %mul3A_425 : vector<16xf32> to vector<16xi32>
        %mul3A_427 = arith.constant 4.900000e+01 : f32
        %mul3A_428 = vector.broadcast %mul3A_427 : f32 to vector<16xf32>
        %mul3A_429 = arith.mulf %get3A_307, %mul3A_428 : vector<16xf32>
        %convert_element_type3A_430 = arith.fptosi %mul3A_429 : vector<16xf32> to vector<16xi32>
        %mul3A_431 = arith.constant -1640531535 : i32
        %mul3A_432 = vector.broadcast %mul3A_431 : i32 to vector<16xi32>
        %mul3A_433 = arith.muli %convert_element_type3A_426, %mul3A_432 : vector<16xi32>
        %xor3A_434 = arith.xori %convert_element_type3A_422, %mul3A_433 : vector<16xi32>
        %mul3A_435 = arith.constant 805459861 : i32
        %mul3A_436 = vector.broadcast %mul3A_435 : i32 to vector<16xi32>
        %mul3A_437 = arith.muli %convert_element_type3A_430, %mul3A_436 : vector<16xi32>
        %xor3A_438 = arith.xori %xor3A_434, %mul3A_437 : vector<16xi32>
        %and3A_439 = arith.constant 524287 : i32
        %and3A_440 = vector.broadcast %and3A_439 : i32 to vector<16xi32>
        %and3A_441 = arith.andi %xor3A_438, %and3A_440 : vector<16xi32>
        %shift_right_arithmetic3A_442 = arith.constant 2 : i32
        %shift_right_arithmetic3A_443 = vector.broadcast %shift_right_arithmetic3A_442 : i32 to vector<16xi32>
        %shift_right_arithmetic3A_444 = arith.shrsi %and3A_441, %shift_right_arithmetic3A_443 : vector<16xi32>
        %or3A_445 = arith.constant 393216 : i32
        %or3A_446 = vector.broadcast %or3A_445 : i32 to vector<16xi32>
        %or3A_447 = arith.ori %shift_right_arithmetic3A_444, %or3A_446 : vector<16xi32>
        %and3A_448 = arith.constant 3 : i32
        %and3A_449 = vector.broadcast %and3A_448 : i32 to vector<16xi32>
        %and3A_450 = arith.andi %and3A_441, %and3A_449 : vector<16xi32>
        %shift_left3A_451 = arith.constant 1 : i32
        %shift_left3A_452 = vector.broadcast %shift_left3A_451 : i32 to vector<16xi32>
        %shift_left3A_453 = arith.shli %and3A_450, %shift_left3A_452 : vector<16xi32>
        %add3A_454 = arith.constant 768 : i32
        %add3A_455 = vector.broadcast %add3A_454 : i32 to vector<16xi32>
        %add3A_456 = arith.addi %add3A_309, %add3A_455 : vector<16xi32>
        tpu.vector_store_idx %arg13[%add3A_456], %or3A_447 : memref<3072xi32, #tpu.memory_space<vmem>>[vector<16xi32>], vector<16xi32>,
        tpu.vector_store_idx %arg15[%add3A_456], %shift_left3A_453 : memref<3072xi32, #tpu.memory_space<vmem>>[vector<16xi32>], vector<16xi32>,
        %mul3A_457 = arith.constant 7.200000e+01 : f32
        %mul3A_458 = vector.broadcast %mul3A_457 : f32 to vector<16xf32>
        %mul3A_459 = arith.mulf %get3A_303, %mul3A_458 : vector<16xf32>
        %convert_element_type3A_460 = arith.fptosi %mul3A_459 : vector<16xf32> to vector<16xi32>
        %mul3A_461 = arith.constant 7.200000e+01 : f32
        %mul3A_462 = vector.broadcast %mul3A_461 : f32 to vector<16xf32>
        %mul3A_463 = arith.mulf %get3A_305, %mul3A_462 : vector<16xf32>
        %convert_element_type3A_464 = arith.fptosi %mul3A_463 : vector<16xf32> to vector<16xi32>
        %mul3A_465 = arith.constant 7.200000e+01 : f32
        %mul3A_466 = vector.broadcast %mul3A_465 : f32 to vector<16xf32>
        %mul3A_467 = arith.mulf %get3A_307, %mul3A_466 : vector<16xf32>
        %convert_element_type3A_468 = arith.fptosi %mul3A_467 : vector<16xf32> to vector<16xi32>
        %mul3A_469 = arith.constant -1640531535 : i32
        %mul3A_470 = vector.broadcast %mul3A_469 : i32 to vector<16xi32>
        %mul3A_471 = arith.muli %convert_element_type3A_464, %mul3A_470 : vector<16xi32>
        %xor3A_472 = arith.xori %convert_element_type3A_460, %mul3A_471 : vector<16xi32>
        %mul3A_473 = arith.constant 805459861 : i32
        %mul3A_474 = vector.broadcast %mul3A_473 : i32 to vector<16xi32>
        %mul3A_475 = arith.muli %convert_element_type3A_468, %mul3A_474 : vector<16xi32>
        %xor3A_476 = arith.xori %xor3A_472, %mul3A_475 : vector<16xi32>
        %and3A_477 = arith.constant 524287 : i32
        %and3A_478 = vector.broadcast %and3A_477 : i32 to vector<16xi32>
        %and3A_479 = arith.andi %xor3A_476, %and3A_478 : vector<16xi32>
        %shift_right_arithmetic3A_480 = arith.constant 2 : i32
        %shift_right_arithmetic3A_481 = vector.broadcast %shift_right_arithmetic3A_480 : i32 to vector<16xi32>
        %shift_right_arithmetic3A_482 = arith.shrsi %and3A_479, %shift_right_arithmetic3A_481 : vector<16xi32>
        %or3A_483 = arith.constant 524288 : i32
        %or3A_484 = vector.broadcast %or3A_483 : i32 to vector<16xi32>
        %or3A_485 = arith.ori %shift_right_arithmetic3A_482, %or3A_484 : vector<16xi32>
        %and3A_486 = arith.constant 3 : i32
        %and3A_487 = vector.broadcast %and3A_486 : i32 to vector<16xi32>
        %and3A_488 = arith.andi %and3A_479, %and3A_487 : vector<16xi32>
        %shift_left3A_489 = arith.constant 1 : i32
        %shift_left3A_490 = vector.broadcast %shift_left3A_489 : i32 to vector<16xi32>
        %shift_left3A_491 = arith.shli %and3A_488, %shift_left3A_490 : vector<16xi32>
        %add3A_492 = arith.constant 1024 : i32
        %add3A_493 = vector.broadcast %add3A_492 : i32 to vector<16xi32>
        %add3A_494 = arith.addi %add3A_309, %add3A_493 : vector<16xi32>
        tpu.vector_store_idx %arg13[%add3A_494], %or3A_485 : memref<3072xi32, #tpu.memory_space<vmem>>[vector<16xi32>], vector<16xi32>,
        tpu.vector_store_idx %arg15[%add3A_494], %shift_left3A_491 : memref<3072xi32, #tpu.memory_space<vmem>>[vector<16xi32>], vector<16xi32>,
        %mul3A_495 = arith.constant 1.050000e+02 : f32
        %mul3A_496 = vector.broadcast %mul3A_495 : f32 to vector<16xf32>
        %mul3A_497 = arith.mulf %get3A_303, %mul3A_496 : vector<16xf32>
        %convert_element_type3A_498 = arith.fptosi %mul3A_497 : vector<16xf32> to vector<16xi32>
        %mul3A_499 = arith.constant 1.050000e+02 : f32
        %mul3A_500 = vector.broadcast %mul3A_499 : f32 to vector<16xf32>
        %mul3A_501 = arith.mulf %get3A_305, %mul3A_500 : vector<16xf32>
        %convert_element_type3A_502 = arith.fptosi %mul3A_501 : vector<16xf32> to vector<16xi32>
        %mul3A_503 = arith.constant 1.050000e+02 : f32
        %mul3A_504 = vector.broadcast %mul3A_503 : f32 to vector<16xf32>
        %mul3A_505 = arith.mulf %get3A_307, %mul3A_504 : vector<16xf32>
        %convert_element_type3A_506 = arith.fptosi %mul3A_505 : vector<16xf32> to vector<16xi32>
        %mul3A_507 = arith.constant -1640531535 : i32
        %mul3A_508 = vector.broadcast %mul3A_507 : i32 to vector<16xi32>
        %mul3A_509 = arith.muli %convert_element_type3A_502, %mul3A_508 : vector<16xi32>
        %xor3A_510 = arith.xori %convert_element_type3A_498, %mul3A_509 : vector<16xi32>
        %mul3A_511 = arith.constant 805459861 : i32
        %mul3A_512 = vector.broadcast %mul3A_511 : i32 to vector<16xi32>
        %mul3A_513 = arith.muli %convert_element_type3A_506, %mul3A_512 : vector<16xi32>
        %xor3A_514 = arith.xori %xor3A_510, %mul3A_513 : vector<16xi32>
        %and3A_515 = arith.constant 524287 : i32
        %and3A_516 = vector.broadcast %and3A_515 : i32 to vector<16xi32>
        %and3A_517 = arith.andi %xor3A_514, %and3A_516 : vector<16xi32>
        %shift_right_arithmetic3A_518 = arith.constant 2 : i32
        %shift_right_arithmetic3A_519 = vector.broadcast %shift_right_arithmetic3A_518 : i32 to vector<16xi32>
        %shift_right_arithmetic3A_520 = arith.shrsi %and3A_517, %shift_right_arithmetic3A_519 : vector<16xi32>
        %or3A_521 = arith.constant 655360 : i32
        %or3A_522 = vector.broadcast %or3A_521 : i32 to vector<16xi32>
        %or3A_523 = arith.ori %shift_right_arithmetic3A_520, %or3A_522 : vector<16xi32>
        %and3A_524 = arith.constant 3 : i32
        %and3A_525 = vector.broadcast %and3A_524 : i32 to vector<16xi32>
        %and3A_526 = arith.andi %and3A_517, %and3A_525 : vector<16xi32>
        %shift_left3A_527 = arith.constant 1 : i32
        %shift_left3A_528 = vector.broadcast %shift_left3A_527 : i32 to vector<16xi32>
        %shift_left3A_529 = arith.shli %and3A_526, %shift_left3A_528 : vector<16xi32>
        %add3A_530 = arith.constant 1280 : i32
        %add3A_531 = vector.broadcast %add3A_530 : i32 to vector<16xi32>
        %add3A_532 = arith.addi %add3A_309, %add3A_531 : vector<16xi32>
        tpu.vector_store_idx %arg13[%add3A_532], %or3A_523 : memref<3072xi32, #tpu.memory_space<vmem>>[vector<16xi32>], vector<16xi32>,
        tpu.vector_store_idx %arg15[%add3A_532], %shift_left3A_529 : memref<3072xi32, #tpu.memory_space<vmem>>[vector<16xi32>], vector<16xi32>,
        %mul3A_533 = arith.constant 1.540000e+02 : f32
        %mul3A_534 = vector.broadcast %mul3A_533 : f32 to vector<16xf32>
        %mul3A_535 = arith.mulf %get3A_303, %mul3A_534 : vector<16xf32>
        %convert_element_type3A_536 = arith.fptosi %mul3A_535 : vector<16xf32> to vector<16xi32>
        %mul3A_537 = arith.constant 1.540000e+02 : f32
        %mul3A_538 = vector.broadcast %mul3A_537 : f32 to vector<16xf32>
        %mul3A_539 = arith.mulf %get3A_305, %mul3A_538 : vector<16xf32>
        %convert_element_type3A_540 = arith.fptosi %mul3A_539 : vector<16xf32> to vector<16xi32>
        %mul3A_541 = arith.constant 1.540000e+02 : f32
        %mul3A_542 = vector.broadcast %mul3A_541 : f32 to vector<16xf32>
        %mul3A_543 = arith.mulf %get3A_307, %mul3A_542 : vector<16xf32>
        %convert_element_type3A_544 = arith.fptosi %mul3A_543 : vector<16xf32> to vector<16xi32>
        %mul3A_545 = arith.constant -1640531535 : i32
        %mul3A_546 = vector.broadcast %mul3A_545 : i32 to vector<16xi32>
        %mul3A_547 = arith.muli %convert_element_type3A_540, %mul3A_546 : vector<16xi32>
        %xor3A_548 = arith.xori %convert_element_type3A_536, %mul3A_547 : vector<16xi32>
        %mul3A_549 = arith.constant 805459861 : i32
        %mul3A_550 = vector.broadcast %mul3A_549 : i32 to vector<16xi32>
        %mul3A_551 = arith.muli %convert_element_type3A_544, %mul3A_550 : vector<16xi32>
        %xor3A_552 = arith.xori %xor3A_548, %mul3A_551 : vector<16xi32>
        %and3A_553 = arith.constant 524287 : i32
        %and3A_554 = vector.broadcast %and3A_553 : i32 to vector<16xi32>
        %and3A_555 = arith.andi %xor3A_552, %and3A_554 : vector<16xi32>
        %shift_right_arithmetic3A_556 = arith.constant 2 : i32
        %shift_right_arithmetic3A_557 = vector.broadcast %shift_right_arithmetic3A_556 : i32 to vector<16xi32>
        %shift_right_arithmetic3A_558 = arith.shrsi %and3A_555, %shift_right_arithmetic3A_557 : vector<16xi32>
        %or3A_559 = arith.constant 786432 : i32
        %or3A_560 = vector.broadcast %or3A_559 : i32 to vector<16xi32>
        %or3A_561 = arith.ori %shift_right_arithmetic3A_558, %or3A_560 : vector<16xi32>
        %and3A_562 = arith.constant 3 : i32
        %and3A_563 = vector.broadcast %and3A_562 : i32 to vector<16xi32>
        %and3A_564 = arith.andi %and3A_555, %and3A_563 : vector<16xi32>
        %shift_left3A_565 = arith.constant 1 : i32
        %shift_left3A_566 = vector.broadcast %shift_left3A_565 : i32 to vector<16xi32>
        %shift_left3A_567 = arith.shli %and3A_564, %shift_left3A_566 : vector<16xi32>
        %add3A_568 = arith.constant 1536 : i32
        %add3A_569 = vector.broadcast %add3A_568 : i32 to vector<16xi32>
        %add3A_570 = arith.addi %add3A_309, %add3A_569 : vector<16xi32>
        tpu.vector_store_idx %arg13[%add3A_570], %or3A_561 : memref<3072xi32, #tpu.memory_space<vmem>>[vector<16xi32>], vector<16xi32>,
        tpu.vector_store_idx %arg15[%add3A_570], %shift_left3A_567 : memref<3072xi32, #tpu.memory_space<vmem>>[vector<16xi32>], vector<16xi32>,
        %mul3A_571 = arith.constant 2.250000e+02 : f32
        %mul3A_572 = vector.broadcast %mul3A_571 : f32 to vector<16xf32>
        %mul3A_573 = arith.mulf %get3A_303, %mul3A_572 : vector<16xf32>
        %convert_element_type3A_574 = arith.fptosi %mul3A_573 : vector<16xf32> to vector<16xi32>
        %mul3A_575 = arith.constant 2.250000e+02 : f32
        %mul3A_576 = vector.broadcast %mul3A_575 : f32 to vector<16xf32>
        %mul3A_577 = arith.mulf %get3A_305, %mul3A_576 : vector<16xf32>
        %convert_element_type3A_578 = arith.fptosi %mul3A_577 : vector<16xf32> to vector<16xi32>
        %mul3A_579 = arith.constant 2.250000e+02 : f32
        %mul3A_580 = vector.broadcast %mul3A_579 : f32 to vector<16xf32>
        %mul3A_581 = arith.mulf %get3A_307, %mul3A_580 : vector<16xf32>
        %convert_element_type3A_582 = arith.fptosi %mul3A_581 : vector<16xf32> to vector<16xi32>
        %mul3A_583 = arith.constant -1640531535 : i32
        %mul3A_584 = vector.broadcast %mul3A_583 : i32 to vector<16xi32>
        %mul3A_585 = arith.muli %convert_element_type3A_578, %mul3A_584 : vector<16xi32>
        %xor3A_586 = arith.xori %convert_element_type3A_574, %mul3A_585 : vector<16xi32>
        %mul3A_587 = arith.constant 805459861 : i32
        %mul3A_588 = vector.broadcast %mul3A_587 : i32 to vector<16xi32>
        %mul3A_589 = arith.muli %convert_element_type3A_582, %mul3A_588 : vector<16xi32>
        %xor3A_590 = arith.xori %xor3A_586, %mul3A_589 : vector<16xi32>
        %and3A_591 = arith.constant 524287 : i32
        %and3A_592 = vector.broadcast %and3A_591 : i32 to vector<16xi32>
        %and3A_593 = arith.andi %xor3A_590, %and3A_592 : vector<16xi32>
        %shift_right_arithmetic3A_594 = arith.constant 2 : i32
        %shift_right_arithmetic3A_595 = vector.broadcast %shift_right_arithmetic3A_594 : i32 to vector<16xi32>
        %shift_right_arithmetic3A_596 = arith.shrsi %and3A_593, %shift_right_arithmetic3A_595 : vector<16xi32>
        %or3A_597 = arith.constant 917504 : i32
        %or3A_598 = vector.broadcast %or3A_597 : i32 to vector<16xi32>
        %or3A_599 = arith.ori %shift_right_arithmetic3A_596, %or3A_598 : vector<16xi32>
        %and3A_600 = arith.constant 3 : i32
        %and3A_601 = vector.broadcast %and3A_600 : i32 to vector<16xi32>
        %and3A_602 = arith.andi %and3A_593, %and3A_601 : vector<16xi32>
        %shift_left3A_603 = arith.constant 1 : i32
        %shift_left3A_604 = vector.broadcast %shift_left3A_603 : i32 to vector<16xi32>
        %shift_left3A_605 = arith.shli %and3A_602, %shift_left3A_604 : vector<16xi32>
        %add3A_606 = arith.constant 1792 : i32
        %add3A_607 = vector.broadcast %add3A_606 : i32 to vector<16xi32>
        %add3A_608 = arith.addi %add3A_309, %add3A_607 : vector<16xi32>
        tpu.vector_store_idx %arg13[%add3A_608], %or3A_599 : memref<3072xi32, #tpu.memory_space<vmem>>[vector<16xi32>], vector<16xi32>,
        tpu.vector_store_idx %arg15[%add3A_608], %shift_left3A_605 : memref<3072xi32, #tpu.memory_space<vmem>>[vector<16xi32>], vector<16xi32>,
        %mul3A_609 = arith.constant 3.290000e+02 : f32
        %mul3A_610 = vector.broadcast %mul3A_609 : f32 to vector<16xf32>
        %mul3A_611 = arith.mulf %get3A_303, %mul3A_610 : vector<16xf32>
        %convert_element_type3A_612 = arith.fptosi %mul3A_611 : vector<16xf32> to vector<16xi32>
        %mul3A_613 = arith.constant 3.290000e+02 : f32
        %mul3A_614 = vector.broadcast %mul3A_613 : f32 to vector<16xf32>
        %mul3A_615 = arith.mulf %get3A_305, %mul3A_614 : vector<16xf32>
        %convert_element_type3A_616 = arith.fptosi %mul3A_615 : vector<16xf32> to vector<16xi32>
        %mul3A_617 = arith.constant 3.290000e+02 : f32
        %mul3A_618 = vector.broadcast %mul3A_617 : f32 to vector<16xf32>
        %mul3A_619 = arith.mulf %get3A_307, %mul3A_618 : vector<16xf32>
        %convert_element_type3A_620 = arith.fptosi %mul3A_619 : vector<16xf32> to vector<16xi32>
        %mul3A_621 = arith.constant -1640531535 : i32
        %mul3A_622 = vector.broadcast %mul3A_621 : i32 to vector<16xi32>
        %mul3A_623 = arith.muli %convert_element_type3A_616, %mul3A_622 : vector<16xi32>
        %xor3A_624 = arith.xori %convert_element_type3A_612, %mul3A_623 : vector<16xi32>
        %mul3A_625 = arith.constant 805459861 : i32
        %mul3A_626 = vector.broadcast %mul3A_625 : i32 to vector<16xi32>
        %mul3A_627 = arith.muli %convert_element_type3A_620, %mul3A_626 : vector<16xi32>
        %xor3A_628 = arith.xori %xor3A_624, %mul3A_627 : vector<16xi32>
        %and3A_629 = arith.constant 524287 : i32
        %and3A_630 = vector.broadcast %and3A_629 : i32 to vector<16xi32>
        %and3A_631 = arith.andi %xor3A_628, %and3A_630 : vector<16xi32>
        %shift_right_arithmetic3A_632 = arith.constant 2 : i32
        %shift_right_arithmetic3A_633 = vector.broadcast %shift_right_arithmetic3A_632 : i32 to vector<16xi32>
        %shift_right_arithmetic3A_634 = arith.shrsi %and3A_631, %shift_right_arithmetic3A_633 : vector<16xi32>
        %or3A_635 = arith.constant 1048576 : i32
        %or3A_636 = vector.broadcast %or3A_635 : i32 to vector<16xi32>
        %or3A_637 = arith.ori %shift_right_arithmetic3A_634, %or3A_636 : vector<16xi32>
        %and3A_638 = arith.constant 3 : i32
        %and3A_639 = vector.broadcast %and3A_638 : i32 to vector<16xi32>
        %and3A_640 = arith.andi %and3A_631, %and3A_639 : vector<16xi32>
        %shift_left3A_641 = arith.constant 1 : i32
        %shift_left3A_642 = vector.broadcast %shift_left3A_641 : i32 to vector<16xi32>
        %shift_left3A_643 = arith.shli %and3A_640, %shift_left3A_642 : vector<16xi32>
        %add3A_644 = arith.constant 2048 : i32
        %add3A_645 = vector.broadcast %add3A_644 : i32 to vector<16xi32>
        %add3A_646 = arith.addi %add3A_309, %add3A_645 : vector<16xi32>
        tpu.vector_store_idx %arg13[%add3A_646], %or3A_637 : memref<3072xi32, #tpu.memory_space<vmem>>[vector<16xi32>], vector<16xi32>,
        tpu.vector_store_idx %arg15[%add3A_646], %shift_left3A_643 : memref<3072xi32, #tpu.memory_space<vmem>>[vector<16xi32>], vector<16xi32>,
        %mul3A_647 = arith.constant 4.800000e+02 : f32
        %mul3A_648 = vector.broadcast %mul3A_647 : f32 to vector<16xf32>
        %mul3A_649 = arith.mulf %get3A_303, %mul3A_648 : vector<16xf32>
        %convert_element_type3A_650 = arith.fptosi %mul3A_649 : vector<16xf32> to vector<16xi32>
        %mul3A_651 = arith.constant 4.800000e+02 : f32
        %mul3A_652 = vector.broadcast %mul3A_651 : f32 to vector<16xf32>
        %mul3A_653 = arith.mulf %get3A_305, %mul3A_652 : vector<16xf32>
        %convert_element_type3A_654 = arith.fptosi %mul3A_653 : vector<16xf32> to vector<16xi32>
        %mul3A_655 = arith.constant 4.800000e+02 : f32
        %mul3A_656 = vector.broadcast %mul3A_655 : f32 to vector<16xf32>
        %mul3A_657 = arith.mulf %get3A_307, %mul3A_656 : vector<16xf32>
        %convert_element_type3A_658 = arith.fptosi %mul3A_657 : vector<16xf32> to vector<16xi32>
        %mul3A_659 = arith.constant -1640531535 : i32
        %mul3A_660 = vector.broadcast %mul3A_659 : i32 to vector<16xi32>
        %mul3A_661 = arith.muli %convert_element_type3A_654, %mul3A_660 : vector<16xi32>
        %xor3A_662 = arith.xori %convert_element_type3A_650, %mul3A_661 : vector<16xi32>
        %mul3A_663 = arith.constant 805459861 : i32
        %mul3A_664 = vector.broadcast %mul3A_663 : i32 to vector<16xi32>
        %mul3A_665 = arith.muli %convert_element_type3A_658, %mul3A_664 : vector<16xi32>
        %xor3A_666 = arith.xori %xor3A_662, %mul3A_665 : vector<16xi32>
        %and3A_667 = arith.constant 524287 : i32
        %and3A_668 = vector.broadcast %and3A_667 : i32 to vector<16xi32>
        %and3A_669 = arith.andi %xor3A_666, %and3A_668 : vector<16xi32>
        %shift_right_arithmetic3A_670 = arith.constant 2 : i32
        %shift_right_arithmetic3A_671 = vector.broadcast %shift_right_arithmetic3A_670 : i32 to vector<16xi32>
        %shift_right_arithmetic3A_672 = arith.shrsi %and3A_669, %shift_right_arithmetic3A_671 : vector<16xi32>
        %or3A_673 = arith.constant 1179648 : i32
        %or3A_674 = vector.broadcast %or3A_673 : i32 to vector<16xi32>
        %or3A_675 = arith.ori %shift_right_arithmetic3A_672, %or3A_674 : vector<16xi32>
        %and3A_676 = arith.constant 3 : i32
        %and3A_677 = vector.broadcast %and3A_676 : i32 to vector<16xi32>
        %and3A_678 = arith.andi %and3A_669, %and3A_677 : vector<16xi32>
        %shift_left3A_679 = arith.constant 1 : i32
        %shift_left3A_680 = vector.broadcast %shift_left3A_679 : i32 to vector<16xi32>
        %shift_left3A_681 = arith.shli %and3A_678, %shift_left3A_680 : vector<16xi32>
        %add3A_682 = arith.constant 2304 : i32
        %add3A_683 = vector.broadcast %add3A_682 : i32 to vector<16xi32>
        %add3A_684 = arith.addi %add3A_309, %add3A_683 : vector<16xi32>
        tpu.vector_store_idx %arg13[%add3A_684], %or3A_675 : memref<3072xi32, #tpu.memory_space<vmem>>[vector<16xi32>], vector<16xi32>,
        tpu.vector_store_idx %arg15[%add3A_684], %shift_left3A_681 : memref<3072xi32, #tpu.memory_space<vmem>>[vector<16xi32>], vector<16xi32>,
        %mul3A_685 = arith.constant 7.010000e+02 : f32
        %mul3A_686 = vector.broadcast %mul3A_685 : f32 to vector<16xf32>
        %mul3A_687 = arith.mulf %get3A_303, %mul3A_686 : vector<16xf32>
        %convert_element_type3A_688 = arith.fptosi %mul3A_687 : vector<16xf32> to vector<16xi32>
        %mul3A_689 = arith.constant 7.010000e+02 : f32
        %mul3A_690 = vector.broadcast %mul3A_689 : f32 to vector<16xf32>
        %mul3A_691 = arith.mulf %get3A_305, %mul3A_690 : vector<16xf32>
        %convert_element_type3A_692 = arith.fptosi %mul3A_691 : vector<16xf32> to vector<16xi32>
        %mul3A_693 = arith.constant 7.010000e+02 : f32
        %mul3A_694 = vector.broadcast %mul3A_693 : f32 to vector<16xf32>
        %mul3A_695 = arith.mulf %get3A_307, %mul3A_694 : vector<16xf32>
        %convert_element_type3A_696 = arith.fptosi %mul3A_695 : vector<16xf32> to vector<16xi32>
        %mul3A_697 = arith.constant -1640531535 : i32
        %mul3A_698 = vector.broadcast %mul3A_697 : i32 to vector<16xi32>
        %mul3A_699 = arith.muli %convert_element_type3A_692, %mul3A_698 : vector<16xi32>
        %xor3A_700 = arith.xori %convert_element_type3A_688, %mul3A_699 : vector<16xi32>
        %mul3A_701 = arith.constant 805459861 : i32
        %mul3A_702 = vector.broadcast %mul3A_701 : i32 to vector<16xi32>
        %mul3A_703 = arith.muli %convert_element_type3A_696, %mul3A_702 : vector<16xi32>
        %xor3A_704 = arith.xori %xor3A_700, %mul3A_703 : vector<16xi32>
        %and3A_705 = arith.constant 524287 : i32
        %and3A_706 = vector.broadcast %and3A_705 : i32 to vector<16xi32>
        %and3A_707 = arith.andi %xor3A_704, %and3A_706 : vector<16xi32>
        %shift_right_arithmetic3A_708 = arith.constant 2 : i32
        %shift_right_arithmetic3A_709 = vector.broadcast %shift_right_arithmetic3A_708 : i32 to vector<16xi32>
        %shift_right_arithmetic3A_710 = arith.shrsi %and3A_707, %shift_right_arithmetic3A_709 : vector<16xi32>
        %or3A_711 = arith.constant 1310720 : i32
        %or3A_712 = vector.broadcast %or3A_711 : i32 to vector<16xi32>
        %or3A_713 = arith.ori %shift_right_arithmetic3A_710, %or3A_712 : vector<16xi32>
        %and3A_714 = arith.constant 3 : i32
        %and3A_715 = vector.broadcast %and3A_714 : i32 to vector<16xi32>
        %and3A_716 = arith.andi %and3A_707, %and3A_715 : vector<16xi32>
        %shift_left3A_717 = arith.constant 1 : i32
        %shift_left3A_718 = vector.broadcast %shift_left3A_717 : i32 to vector<16xi32>
        %shift_left3A_719 = arith.shli %and3A_716, %shift_left3A_718 : vector<16xi32>
        %add3A_720 = arith.constant 2560 : i32
        %add3A_721 = vector.broadcast %add3A_720 : i32 to vector<16xi32>
        %add3A_722 = arith.addi %add3A_309, %add3A_721 : vector<16xi32>
        tpu.vector_store_idx %arg13[%add3A_722], %or3A_713 : memref<3072xi32, #tpu.memory_space<vmem>>[vector<16xi32>], vector<16xi32>,
        tpu.vector_store_idx %arg15[%add3A_722], %shift_left3A_719 : memref<3072xi32, #tpu.memory_space<vmem>>[vector<16xi32>], vector<16xi32>,
        %mul3A_723 = arith.constant 1.024000e+03 : f32
        %mul3A_724 = vector.broadcast %mul3A_723 : f32 to vector<16xf32>
        %mul3A_725 = arith.mulf %get3A_303, %mul3A_724 : vector<16xf32>
        %convert_element_type3A_726 = arith.fptosi %mul3A_725 : vector<16xf32> to vector<16xi32>
        %mul3A_727 = arith.constant 1.024000e+03 : f32
        %mul3A_728 = vector.broadcast %mul3A_727 : f32 to vector<16xf32>
        %mul3A_729 = arith.mulf %get3A_305, %mul3A_728 : vector<16xf32>
        %convert_element_type3A_730 = arith.fptosi %mul3A_729 : vector<16xf32> to vector<16xi32>
        %mul3A_731 = arith.constant 1.024000e+03 : f32
        %mul3A_732 = vector.broadcast %mul3A_731 : f32 to vector<16xf32>
        %mul3A_733 = arith.mulf %get3A_307, %mul3A_732 : vector<16xf32>
        %convert_element_type3A_734 = arith.fptosi %mul3A_733 : vector<16xf32> to vector<16xi32>
        %mul3A_735 = arith.constant -1640531535 : i32
        %mul3A_736 = vector.broadcast %mul3A_735 : i32 to vector<16xi32>
        %mul3A_737 = arith.muli %convert_element_type3A_730, %mul3A_736 : vector<16xi32>
        %xor3A_738 = arith.xori %convert_element_type3A_726, %mul3A_737 : vector<16xi32>
        %mul3A_739 = arith.constant 805459861 : i32
        %mul3A_740 = vector.broadcast %mul3A_739 : i32 to vector<16xi32>
        %mul3A_741 = arith.muli %convert_element_type3A_734, %mul3A_740 : vector<16xi32>
        %xor3A_742 = arith.xori %xor3A_738, %mul3A_741 : vector<16xi32>
        %and3A_743 = arith.constant 524287 : i32
        %and3A_744 = vector.broadcast %and3A_743 : i32 to vector<16xi32>
        %and3A_745 = arith.andi %xor3A_742, %and3A_744 : vector<16xi32>
        %shift_right_arithmetic3A_746 = arith.constant 2 : i32
        %shift_right_arithmetic3A_747 = vector.broadcast %shift_right_arithmetic3A_746 : i32 to vector<16xi32>
        %shift_right_arithmetic3A_748 = arith.shrsi %and3A_745, %shift_right_arithmetic3A_747 : vector<16xi32>
        %or3A_749 = arith.constant 1441792 : i32
        %or3A_750 = vector.broadcast %or3A_749 : i32 to vector<16xi32>
        %or3A_751 = arith.ori %shift_right_arithmetic3A_748, %or3A_750 : vector<16xi32>
        %and3A_752 = arith.constant 3 : i32
        %and3A_753 = vector.broadcast %and3A_752 : i32 to vector<16xi32>
        %and3A_754 = arith.andi %and3A_745, %and3A_753 : vector<16xi32>
        %shift_left3A_755 = arith.constant 1 : i32
        %shift_left3A_756 = vector.broadcast %shift_left3A_755 : i32 to vector<16xi32>
        %shift_left3A_757 = arith.shli %and3A_754, %shift_left3A_756 : vector<16xi32>
        %add3A_758 = arith.constant 2816 : i32
        %add3A_759 = vector.broadcast %add3A_758 : i32 to vector<16xi32>
        %add3A_760 = arith.addi %add3A_309, %add3A_759 : vector<16xi32>
        tpu.vector_store_idx %arg13[%add3A_760], %or3A_751 : memref<3072xi32, #tpu.memory_space<vmem>>[vector<16xi32>], vector<16xi32>,
        tpu.vector_store_idx %arg15[%add3A_760], %shift_left3A_757 : memref<3072xi32, #tpu.memory_space<vmem>>[vector<16xi32>], vector<16xi32>,
      }
      %dma_start3A_246 = arith.constant 0 : i32
      %dma_start3A_247 = arith.constant 0 : i32
      %dma_start3A_248 = tpu.memref_slice %arg5[%dma_start3A_246, %dma_start3A_247] : memref<1572864x8xf32, #tpu.memory_space<hbm>> -> memref<1572864x8xf32, #tpu.memory_space<hbm>>
      tpu.enqueue_indirect_dma source(%dma_start3A_248 : memref<1572864x8xf32, #tpu.memory_space<hbm>>) target(%arg17 : memref<3072x8xf32, #tpu.memory_space<vmem>>) offsets(%arg13 : memref<3072xi32, #tpu.memory_space<vmem>>) semaphore(%arg21 : memref<!tpu.dma_semaphore, #tpu.memory_space<semaphore_mem>>)
      %dma_wait3A_249 = arith.constant 0 : i32
      %dma_wait3A_250 = arith.constant 0 : i32
      %dma_wait3A_251 = tpu.memref_slice %arg5[%dma_wait3A_249, %dma_wait3A_250] : memref<1572864x8xf32, #tpu.memory_space<hbm>> -> memref<1572864x8xf32, #tpu.memory_space<hbm>>
      tpu.wait_indirect_dma semaphore(%arg22 : memref<!tpu.dma_semaphore, #tpu.memory_space<semaphore_mem>>) src(%dma_wait3A_251 : memref<1572864x8xf32, #tpu.memory_space<hbm>>) dst(%arg18 : memref<3072x8xf32, #tpu.memory_space<vmem>>)
      %sub3A_252 = arith.constant 3072 : i32
      %sub3A_253 = arith.subi %sub3A_252, %mul3A_4 : i32
      %sub3A_254 = arith.constant 16 : i32
      %sub3A_255 = arith.constant 1 : i32
      %sub3A_256 = arith.subi %sub3A_254, %sub3A_255 : i32
      %add3A_257 = arith.addi %sub3A_253, %sub3A_256 : i32
      %div3A_258 = arith.constant 16 : i32
      %div3A_259 = arith.divsi %add3A_257, %div3A_258 : i32
      %while3A_260 = arith.constant 16 : i32
      %while3A_261 = arith.constant 0 : i32
      %while3A_262 = arith.subi %div3A_259, %while3A_261 : i32
      %while3A_263 = arith.addi %while3A_261, %while3A_262 : i32
      %while3A_264 = arith.constant 1 : i32
      %while3A_265 = arith.divsi %while3A_262, %while3A_264 : i32
      %while3A_266 = arith.muli %while3A_265, %while3A_264 : i32
      %while3A_267 = arith.addi %while3A_261, %while3A_266 : i32
      %while3A_268 = arith.constant 1 : i32
      scf.for %while3A_300 = %while3A_261 to %while3A_267 step %while3A_268  : i32 {
        %mul3A_301 = arith.muli %while3A_300, %while3A_260 : i32
        %add3A_302 = arith.addi %mul3A_4, %mul3A_301 : i32
        %get3A = arith.index_cast %add3A_302 : i32 to index
        %get3A_303 = tpu.vector_load %arg16[%get3A] {strides = array<i32>} : memref<3072xi32, #tpu.memory_space<vmem>>, vector<16xi32>,
        %add3A_304 = vector.broadcast %add3A_302 : i32 to vector<16xi32>
        %add3A_305 = arith.addi %iota3A, %add3A_304 : vector<16xi32>
        %gather3A = tpu.vector_load_idx %arg18[%add3A_305, %get3A_303] : memref<3072x8xf32, #tpu.memory_space<vmem>>[vector<16xi32>, vector<16xi32>], vector<16xf32>,
        %add3A_306 = arith.constant 1 : i32
        %add3A_307 = vector.broadcast %add3A_306 : i32 to vector<16xi32>
        %add3A_308 = arith.addi %get3A_303, %add3A_307 : vector<16xi32>
        %gather3A_309 = tpu.vector_load_idx %arg18[%add3A_305, %add3A_308] : memref<3072x8xf32, #tpu.memory_space<vmem>>[vector<16xi32>, vector<16xi32>], vector<16xf32>,
        %shift_right_arithmetic3A = arith.constant 10 : i32
        %shift_right_arithmetic3A_310 = arith.shrsi %add3A_302, %shift_right_arithmetic3A : i32
        %shift_left3A = arith.constant 11 : i32
        %shift_left3A_311 = arith.shli %shift_right_arithmetic3A_310, %shift_left3A : i32
        %shift_right_arithmetic3A_312 = arith.constant 7 : i32
        %shift_right_arithmetic3A_313 = arith.shrsi %add3A_302, %shift_right_arithmetic3A_312 : i32
        %and3A = arith.constant 1 : i32
        %and3A_314 = arith.andi %shift_right_arithmetic3A_313, %and3A : i32
        %shift_left3A_315 = arith.constant 10 : i32
        %shift_left3A_316 = arith.shli %and3A_314, %shift_left3A_315 : i32
        %or3A = arith.ori %shift_left3A_311, %shift_left3A_316 : i32
        %shift_right_arithmetic3A_317 = arith.constant 8 : i32
        %shift_right_arithmetic3A_318 = arith.shrsi %add3A_302, %shift_right_arithmetic3A_317 : i32
        %and3A_319 = arith.constant 3 : i32
        %and3A_320 = arith.andi %shift_right_arithmetic3A_318, %and3A_319 : i32
        %shift_left3A_321 = arith.constant 8 : i32
        %shift_left3A_322 = arith.shli %and3A_320, %shift_left3A_321 : i32
        %or3A_323 = arith.ori %or3A, %shift_left3A_322 : i32
        %and3A_324 = arith.constant 127 : i32
        %and3A_325 = arith.andi %add3A_302, %and3A_324 : i32
        %or3A_326 = arith.ori %or3A_323, %and3A_325 : i32
        %add3A_327 = vector.broadcast %or3A_326 : i32 to vector<16xi32>
        %add3A_328 = arith.addi %iota3A, %add3A_327 : vector<16xi32>
        tpu.vector_store_idx %arg20[%add3A_328], %gather3A : memref<6144xf32, #tpu.memory_space<vmem>>[vector<16xi32>], vector<16xf32>,
        %add3A_329 = arith.constant 128 : i32
        %add3A_330 = vector.broadcast %add3A_329 : i32 to vector<16xi32>
        %add3A_331 = arith.addi %add3A_328, %add3A_330 : vector<16xi32>
        tpu.vector_store_idx %arg20[%add3A_331], %gather3A_309 : memref<6144xf32, #tpu.memory_space<vmem>>[vector<16xi32>], vector<16xf32>,
      }
      %while3A_269 = arith.constant 1 : i32
      scf.for %while3A_300 = %while3A_267 to %while3A_263 step %while3A_269  : i32 {
        %mul3A_301 = arith.muli %while3A_300, %while3A_260 : i32
        %add3A_302 = arith.addi %mul3A_4, %mul3A_301 : i32
        %get3A = arith.index_cast %add3A_302 : i32 to index
        %get3A_303 = tpu.vector_load %arg16[%get3A] {strides = array<i32>} : memref<3072xi32, #tpu.memory_space<vmem>>, vector<16xi32>,
        %add3A_304 = vector.broadcast %add3A_302 : i32 to vector<16xi32>
        %add3A_305 = arith.addi %iota3A, %add3A_304 : vector<16xi32>
        %gather3A = tpu.vector_load_idx %arg18[%add3A_305, %get3A_303] : memref<3072x8xf32, #tpu.memory_space<vmem>>[vector<16xi32>, vector<16xi32>], vector<16xf32>,
        %add3A_306 = arith.constant 1 : i32
        %add3A_307 = vector.broadcast %add3A_306 : i32 to vector<16xi32>
        %add3A_308 = arith.addi %get3A_303, %add3A_307 : vector<16xi32>
        %gather3A_309 = tpu.vector_load_idx %arg18[%add3A_305, %add3A_308] : memref<3072x8xf32, #tpu.memory_space<vmem>>[vector<16xi32>, vector<16xi32>], vector<16xf32>,
        %shift_right_arithmetic3A = arith.constant 10 : i32
        %shift_right_arithmetic3A_310 = arith.shrsi %add3A_302, %shift_right_arithmetic3A : i32
        %shift_left3A = arith.constant 11 : i32
        %shift_left3A_311 = arith.shli %shift_right_arithmetic3A_310, %shift_left3A : i32
        %shift_right_arithmetic3A_312 = arith.constant 7 : i32
        %shift_right_arithmetic3A_313 = arith.shrsi %add3A_302, %shift_right_arithmetic3A_312 : i32
        %and3A = arith.constant 1 : i32
        %and3A_314 = arith.andi %shift_right_arithmetic3A_313, %and3A : i32
        %shift_left3A_315 = arith.constant 10 : i32
        %shift_left3A_316 = arith.shli %and3A_314, %shift_left3A_315 : i32
        %or3A = arith.ori %shift_left3A_311, %shift_left3A_316 : i32
        %shift_right_arithmetic3A_317 = arith.constant 8 : i32
        %shift_right_arithmetic3A_318 = arith.shrsi %add3A_302, %shift_right_arithmetic3A_317 : i32
        %and3A_319 = arith.constant 3 : i32
        %and3A_320 = arith.andi %shift_right_arithmetic3A_318, %and3A_319 : i32
        %shift_left3A_321 = arith.constant 8 : i32
        %shift_left3A_322 = arith.shli %and3A_320, %shift_left3A_321 : i32
        %or3A_323 = arith.ori %or3A, %shift_left3A_322 : i32
        %and3A_324 = arith.constant 127 : i32
        %and3A_325 = arith.andi %add3A_302, %and3A_324 : i32
        %or3A_326 = arith.ori %or3A_323, %and3A_325 : i32
        %add3A_327 = vector.broadcast %or3A_326 : i32 to vector<16xi32>
        %add3A_328 = arith.addi %iota3A, %add3A_327 : vector<16xi32>
        tpu.vector_store_idx %arg20[%add3A_328], %gather3A : memref<6144xf32, #tpu.memory_space<vmem>>[vector<16xi32>], vector<16xf32>,
        %add3A_329 = arith.constant 128 : i32
        %add3A_330 = vector.broadcast %add3A_329 : i32 to vector<16xi32>
        %add3A_331 = arith.addi %add3A_328, %add3A_330 : vector<16xi32>
        tpu.vector_store_idx %arg20[%add3A_331], %gather3A_309 : memref<6144xf32, #tpu.memory_space<vmem>>[vector<16xi32>], vector<16xf32>,
      }
      %mul3A_270 = arith.constant 8 : i32
      %mul3A_271 = arith.muli %add3A_126, %mul3A_270 : i32
      %add3A_272 = arith.constant 0 : i32
      %add3A_273 = arith.addi %mul3A_271, %add3A_272 : i32
      %mul3A_274 = arith.constant 8 : i32
      %mul3A_275 = arith.muli %add3A_126, %mul3A_274 : i32
      %add3A_276 = arith.constant 8388608 : i32
      %add3A_277 = arith.addi %mul3A_275, %add3A_276 : i32
      %mul3A_278 = arith.constant 8 : i32
      %mul3A_279 = arith.muli %add3A_126, %mul3A_278 : i32
      %add3A_280 = arith.constant 16777216 : i32
      %add3A_281 = arith.addi %mul3A_279, %add3A_280 : i32
      %dma_start3A_282 = arith.constant 0 : i32
      %dma_start3A_283 = tpu.memref_slice %arg20[%dma_start3A_282] : memref<6144xf32, #tpu.memory_space<vmem>> -> memref<2048xf32, #tpu.memory_space<vmem>>
      %dma_start3A_284 = tpu.memref_slice %arg6[%add3A_273] : memref<25165824xf32, #tpu.memory_space<hbm>> -> memref<2048xf32, #tpu.memory_space<hbm>>
      %dma_start3A_285 = tpu.memref_slice %arg6[%add3A_273] : memref<25165824xf32, #tpu.memory_space<hbm>> -> memref<2048xf32, #tpu.memory_space<hbm>>
      %dma_start3A_286 = arith.constant 0 : i32
      %dma_start3A_287 = tpu.memref_slice %arg20[%dma_start3A_286] : memref<6144xf32, #tpu.memory_space<vmem>> -> memref<2048xf32, #tpu.memory_space<vmem>>
      tpu.enqueue_dma source(%dma_start3A_287 : memref<2048xf32, #tpu.memory_space<vmem>>) target(%dma_start3A_285 : memref<2048xf32, #tpu.memory_space<hbm>>) target_semaphore(%arg24 : memref<!tpu.dma_semaphore, #tpu.memory_space<semaphore_mem>>)
      %dma_start3A_288 = arith.constant 2048 : i32
      %dma_start3A_289 = tpu.memref_slice %arg20[%dma_start3A_288] : memref<6144xf32, #tpu.memory_space<vmem>> -> memref<2048xf32, #tpu.memory_space<vmem>>
      %dma_start3A_290 = tpu.memref_slice %arg6[%add3A_277] : memref<25165824xf32, #tpu.memory_space<hbm>> -> memref<2048xf32, #tpu.memory_space<hbm>>
      %dma_start3A_291 = tpu.memref_slice %arg6[%add3A_277] : memref<25165824xf32, #tpu.memory_space<hbm>> -> memref<2048xf32, #tpu.memory_space<hbm>>
      %dma_start3A_292 = arith.constant 2048 : i32
      %dma_start3A_293 = tpu.memref_slice %arg20[%dma_start3A_292] : memref<6144xf32, #tpu.memory_space<vmem>> -> memref<2048xf32, #tpu.memory_space<vmem>>
      tpu.enqueue_dma source(%dma_start3A_293 : memref<2048xf32, #tpu.memory_space<vmem>>) target(%dma_start3A_291 : memref<2048xf32, #tpu.memory_space<hbm>>) target_semaphore(%arg24 : memref<!tpu.dma_semaphore, #tpu.memory_space<semaphore_mem>>)
      %dma_start3A_294 = arith.constant 4096 : i32
      %dma_start3A_295 = tpu.memref_slice %arg20[%dma_start3A_294] : memref<6144xf32, #tpu.memory_space<vmem>> -> memref<2048xf32, #tpu.memory_space<vmem>>
      %dma_start3A_296 = tpu.memref_slice %arg6[%add3A_281] : memref<25165824xf32, #tpu.memory_space<hbm>> -> memref<2048xf32, #tpu.memory_space<hbm>>
      %dma_start3A_297 = tpu.memref_slice %arg6[%add3A_281] : memref<25165824xf32, #tpu.memory_space<hbm>> -> memref<2048xf32, #tpu.memory_space<hbm>>
      %dma_start3A_298 = arith.constant 4096 : i32
      %dma_start3A_299 = tpu.memref_slice %arg20[%dma_start3A_298] : memref<6144xf32, #tpu.memory_space<vmem>> -> memref<2048xf32, #tpu.memory_space<vmem>>
      tpu.enqueue_dma source(%dma_start3A_299 : memref<2048xf32, #tpu.memory_space<vmem>>) target(%dma_start3A_297 : memref<2048xf32, #tpu.memory_space<hbm>>) target_semaphore(%arg24 : memref<!tpu.dma_semaphore, #tpu.memory_space<semaphore_mem>>)
    }
    %while3A_53 = arith.constant 1 : i32
    scf.for %while3A_121 = %while3A_51 to %while3A_47 step %while3A_53  : i32 {
      %mul3A_122 = arith.muli %while3A_121, %while3A_44 : i32
      %add3A_123 = arith.addi %mul3A_2, %mul3A_122 : i32
      %gt3A = arith.cmpi sgt, %add3A_123, %mul3A_2 : i32
      %convert_element_type3A = arith.extui %gt3A : i1 to i32
      %cond3A = arith.constant 0 : i32
      %cond3A_124 = arith.cmpi ne, %convert_element_type3A, %cond3A : i32
      scf.if %cond3A_124 {
        %sub3A_300 = arith.constant 512 : i32
        %sub3A_301 = arith.subi %add3A_123, %sub3A_300 : i32
        %mul3A_302 = arith.constant 8 : i32
        %mul3A_303 = arith.muli %sub3A_301, %mul3A_302 : i32
        %add3A_304 = arith.constant 0 : i32
        %add3A_305 = arith.addi %mul3A_303, %add3A_304 : i32
        %mul3A_306 = arith.constant 8 : i32
        %mul3A_307 = arith.muli %sub3A_301, %mul3A_306 : i32
        %add3A_308 = arith.constant 8388608 : i32
        %add3A_309 = arith.addi %mul3A_307, %add3A_308 : i32
        %mul3A_310 = arith.constant 8 : i32
        %mul3A_311 = arith.muli %sub3A_301, %mul3A_310 : i32
        %add3A_312 = arith.constant 16777216 : i32
        %add3A_313 = arith.addi %mul3A_311, %add3A_312 : i32
        %dma_wait3A_314 = arith.constant 0 : i32
        %dma_wait3A_315 = tpu.memref_slice %arg19[%dma_wait3A_314] : memref<6144xf32, #tpu.memory_space<vmem>> -> memref<2048xf32, #tpu.memory_space<vmem>>
        %dma_wait3A_316 = tpu.memref_slice %arg6[%add3A_305] : memref<25165824xf32, #tpu.memory_space<hbm>> -> memref<2048xf32, #tpu.memory_space<hbm>>
        %dma_wait3A_317 = tpu.memref_slice %arg6[%add3A_305] : memref<25165824xf32, #tpu.memory_space<hbm>> -> memref<2048xf32, #tpu.memory_space<hbm>>
        %dma_wait3A_318 = arith.constant 0 : i32
        %dma_wait3A_319 = tpu.memref_slice %arg19[%dma_wait3A_318] : memref<6144xf32, #tpu.memory_space<vmem>> -> memref<2048xf32, #tpu.memory_space<vmem>>
        tpu.wait_dma2 semaphore(%arg24 : memref<!tpu.dma_semaphore, #tpu.memory_space<semaphore_mem>>) src(%dma_wait3A_319 : memref<2048xf32, #tpu.memory_space<vmem>>) dst(%dma_wait3A_317 : memref<2048xf32, #tpu.memory_space<hbm>>)
        %dma_wait3A_320 = arith.constant 2048 : i32
        %dma_wait3A_321 = tpu.memref_slice %arg19[%dma_wait3A_320] : memref<6144xf32, #tpu.memory_space<vmem>> -> memref<2048xf32, #tpu.memory_space<vmem>>
        %dma_wait3A_322 = tpu.memref_slice %arg6[%add3A_309] : memref<25165824xf32, #tpu.memory_space<hbm>> -> memref<2048xf32, #tpu.memory_space<hbm>>
        %dma_wait3A_323 = tpu.memref_slice %arg6[%add3A_309] : memref<25165824xf32, #tpu.memory_space<hbm>> -> memref<2048xf32, #tpu.memory_space<hbm>>
        %dma_wait3A_324 = arith.constant 2048 : i32
        %dma_wait3A_325 = tpu.memref_slice %arg19[%dma_wait3A_324] : memref<6144xf32, #tpu.memory_space<vmem>> -> memref<2048xf32, #tpu.memory_space<vmem>>
        tpu.wait_dma2 semaphore(%arg24 : memref<!tpu.dma_semaphore, #tpu.memory_space<semaphore_mem>>) src(%dma_wait3A_325 : memref<2048xf32, #tpu.memory_space<vmem>>) dst(%dma_wait3A_323 : memref<2048xf32, #tpu.memory_space<hbm>>)
        %dma_wait3A_326 = arith.constant 4096 : i32
        %dma_wait3A_327 = tpu.memref_slice %arg19[%dma_wait3A_326] : memref<6144xf32, #tpu.memory_space<vmem>> -> memref<2048xf32, #tpu.memory_space<vmem>>
        %dma_wait3A_328 = tpu.memref_slice %arg6[%add3A_313] : memref<25165824xf32, #tpu.memory_space<hbm>> -> memref<2048xf32, #tpu.memory_space<hbm>>
        %dma_wait3A_329 = tpu.memref_slice %arg6[%add3A_313] : memref<25165824xf32, #tpu.memory_space<hbm>> -> memref<2048xf32, #tpu.memory_space<hbm>>
        %dma_wait3A_330 = arith.constant 4096 : i32
        %dma_wait3A_331 = tpu.memref_slice %arg19[%dma_wait3A_330] : memref<6144xf32, #tpu.memory_space<vmem>> -> memref<2048xf32, #tpu.memory_space<vmem>>
        tpu.wait_dma2 semaphore(%arg24 : memref<!tpu.dma_semaphore, #tpu.memory_space<semaphore_mem>>) src(%dma_wait3A_331 : memref<2048xf32, #tpu.memory_space<vmem>>) dst(%dma_wait3A_329 : memref<2048xf32, #tpu.memory_space<hbm>>)
      } else {
      }
      %add3A_125 = arith.constant 256 : i32
      %add3A_126 = arith.addi %add3A_123, %add3A_125 : i32
      %dma_start3A_127 = tpu.memref_slice %arg2[%add3A_126] : memref<1048576xf32, #tpu.memory_space<hbm>> -> memref<256xf32, #tpu.memory_space<hbm>>
      %dma_start3A_128 = tpu.memref_slice %arg2[%add3A_126] : memref<1048576xf32, #tpu.memory_space<hbm>> -> memref<256xf32, #tpu.memory_space<hbm>>
      tpu.enqueue_dma source(%dma_start3A_128 : memref<256xf32, #tpu.memory_space<hbm>>) target(%arg10 : memref<256xf32, #tpu.memory_space<vmem>>) target_semaphore(%arg23 : memref<!tpu.dma_semaphore, #tpu.memory_space<semaphore_mem>>)
      %dma_start3A_129 = tpu.memref_slice %arg3[%add3A_126] : memref<1048576xf32, #tpu.memory_space<hbm>> -> memref<256xf32, #tpu.memory_space<hbm>>
      %dma_start3A_130 = tpu.memref_slice %arg3[%add3A_126] : memref<1048576xf32, #tpu.memory_space<hbm>> -> memref<256xf32, #tpu.memory_space<hbm>>
      tpu.enqueue_dma source(%dma_start3A_130 : memref<256xf32, #tpu.memory_space<hbm>>) target(%arg11 : memref<256xf32, #tpu.memory_space<vmem>>) target_semaphore(%arg23 : memref<!tpu.dma_semaphore, #tpu.memory_space<semaphore_mem>>)
      %dma_start3A_131 = tpu.memref_slice %arg4[%add3A_126] : memref<1048576xf32, #tpu.memory_space<hbm>> -> memref<256xf32, #tpu.memory_space<hbm>>
      %dma_start3A_132 = tpu.memref_slice %arg4[%add3A_126] : memref<1048576xf32, #tpu.memory_space<hbm>> -> memref<256xf32, #tpu.memory_space<hbm>>
      tpu.enqueue_dma source(%dma_start3A_132 : memref<256xf32, #tpu.memory_space<hbm>>) target(%arg12 : memref<256xf32, #tpu.memory_space<vmem>>) target_semaphore(%arg23 : memref<!tpu.dma_semaphore, #tpu.memory_space<semaphore_mem>>)
      %dma_wait3A_133 = tpu.memref_slice %arg2[%add3A_126] : memref<1048576xf32, #tpu.memory_space<hbm>> -> memref<256xf32, #tpu.memory_space<hbm>>
      %dma_wait3A_134 = tpu.memref_slice %arg2[%add3A_126] : memref<1048576xf32, #tpu.memory_space<hbm>> -> memref<256xf32, #tpu.memory_space<hbm>>
      tpu.wait_dma2 semaphore(%arg23 : memref<!tpu.dma_semaphore, #tpu.memory_space<semaphore_mem>>) src(%dma_wait3A_134 : memref<256xf32, #tpu.memory_space<hbm>>) dst(%arg10 : memref<256xf32, #tpu.memory_space<vmem>>)
      %dma_wait3A_135 = tpu.memref_slice %arg3[%add3A_126] : memref<1048576xf32, #tpu.memory_space<hbm>> -> memref<256xf32, #tpu.memory_space<hbm>>
      %dma_wait3A_136 = tpu.memref_slice %arg3[%add3A_126] : memref<1048576xf32, #tpu.memory_space<hbm>> -> memref<256xf32, #tpu.memory_space<hbm>>
      tpu.wait_dma2 semaphore(%arg23 : memref<!tpu.dma_semaphore, #tpu.memory_space<semaphore_mem>>) src(%dma_wait3A_136 : memref<256xf32, #tpu.memory_space<hbm>>) dst(%arg11 : memref<256xf32, #tpu.memory_space<vmem>>)
      %dma_wait3A_137 = tpu.memref_slice %arg4[%add3A_126] : memref<1048576xf32, #tpu.memory_space<hbm>> -> memref<256xf32, #tpu.memory_space<hbm>>
      %dma_wait3A_138 = tpu.memref_slice %arg4[%add3A_126] : memref<1048576xf32, #tpu.memory_space<hbm>> -> memref<256xf32, #tpu.memory_space<hbm>>
      tpu.wait_dma2 semaphore(%arg23 : memref<!tpu.dma_semaphore, #tpu.memory_space<semaphore_mem>>) src(%dma_wait3A_138 : memref<256xf32, #tpu.memory_space<hbm>>) dst(%arg12 : memref<256xf32, #tpu.memory_space<vmem>>)
      %sub3A_139 = arith.constant 256 : i32
      %sub3A_140 = arith.subi %sub3A_139, %mul3A_4 : i32
      %sub3A_141 = arith.constant 16 : i32
      %sub3A_142 = arith.constant 1 : i32
      %sub3A_143 = arith.subi %sub3A_141, %sub3A_142 : i32
      %add3A_144 = arith.addi %sub3A_140, %sub3A_143 : i32
      %div3A_145 = arith.constant 16 : i32
      %div3A_146 = arith.divsi %add3A_144, %div3A_145 : i32
      %while3A_147 = arith.constant 16 : i32
      %while3A_148 = arith.constant 0 : i32
      %while3A_149 = arith.subi %div3A_146, %while3A_148 : i32
      %while3A_150 = arith.addi %while3A_148, %while3A_149 : i32
      %while3A_151 = arith.constant 1 : i32
      %while3A_152 = arith.divsi %while3A_149, %while3A_151 : i32
      %while3A_153 = arith.muli %while3A_152, %while3A_151 : i32
      %while3A_154 = arith.addi %while3A_148, %while3A_153 : i32
      %while3A_155 = arith.constant 1 : i32
      scf.for %while3A_300 = %while3A_148 to %while3A_154 step %while3A_155  : i32 {
        %mul3A_301 = arith.muli %while3A_300, %while3A_147 : i32
        %add3A_302 = arith.addi %mul3A_4, %mul3A_301 : i32
        %get3A = arith.index_cast %add3A_302 : i32 to index
        %get3A_303 = tpu.vector_load %arg10[%get3A] {strides = array<i32>} : memref<256xf32, #tpu.memory_space<vmem>>, vector<16xf32>,
        %get3A_304 = arith.index_cast %add3A_302 : i32 to index
        %get3A_305 = tpu.vector_load %arg11[%get3A_304] {strides = array<i32>} : memref<256xf32, #tpu.memory_space<vmem>>, vector<16xf32>,
        %get3A_306 = arith.index_cast %add3A_302 : i32 to index
        %get3A_307 = tpu.vector_load %arg12[%get3A_306] {strides = array<i32>} : memref<256xf32, #tpu.memory_space<vmem>>, vector<16xf32>,
        %add3A_308 = vector.broadcast %add3A_302 : i32 to vector<16xi32>
        %add3A_309 = arith.addi %iota3A, %add3A_308 : vector<16xi32>
        %mul3A_310 = arith.constant 1.600000e+01 : f32
        %mul3A_311 = vector.broadcast %mul3A_310 : f32 to vector<16xf32>
        %mul3A_312 = arith.mulf %get3A_303, %mul3A_311 : vector<16xf32>
        %convert_element_type3A_313 = arith.fptosi %mul3A_312 : vector<16xf32> to vector<16xi32>
        %mul3A_314 = arith.constant 1.600000e+01 : f32
        %mul3A_315 = vector.broadcast %mul3A_314 : f32 to vector<16xf32>
        %mul3A_316 = arith.mulf %get3A_305, %mul3A_315 : vector<16xf32>
        %convert_element_type3A_317 = arith.fptosi %mul3A_316 : vector<16xf32> to vector<16xi32>
        %mul3A_318 = arith.constant 1.600000e+01 : f32
        %mul3A_319 = vector.broadcast %mul3A_318 : f32 to vector<16xf32>
        %mul3A_320 = arith.mulf %get3A_307, %mul3A_319 : vector<16xf32>
        %convert_element_type3A_321 = arith.fptosi %mul3A_320 : vector<16xf32> to vector<16xi32>
        %mul3A_322 = arith.constant -1640531535 : i32
        %mul3A_323 = vector.broadcast %mul3A_322 : i32 to vector<16xi32>
        %mul3A_324 = arith.muli %convert_element_type3A_317, %mul3A_323 : vector<16xi32>
        %xor3A = arith.xori %convert_element_type3A_313, %mul3A_324 : vector<16xi32>
        %mul3A_325 = arith.constant 805459861 : i32
        %mul3A_326 = vector.broadcast %mul3A_325 : i32 to vector<16xi32>
        %mul3A_327 = arith.muli %convert_element_type3A_321, %mul3A_326 : vector<16xi32>
        %xor3A_328 = arith.xori %xor3A, %mul3A_327 : vector<16xi32>
        %and3A = arith.constant 524287 : i32
        %and3A_329 = vector.broadcast %and3A : i32 to vector<16xi32>
        %and3A_330 = arith.andi %xor3A_328, %and3A_329 : vector<16xi32>
        %shift_right_arithmetic3A = arith.constant 2 : i32
        %shift_right_arithmetic3A_331 = vector.broadcast %shift_right_arithmetic3A : i32 to vector<16xi32>
        %shift_right_arithmetic3A_332 = arith.shrsi %and3A_330, %shift_right_arithmetic3A_331 : vector<16xi32>
        %or3A = arith.constant 0 : i32
        %or3A_333 = vector.broadcast %or3A : i32 to vector<16xi32>
        %or3A_334 = arith.ori %shift_right_arithmetic3A_332, %or3A_333 : vector<16xi32>
        %and3A_335 = arith.constant 3 : i32
        %and3A_336 = vector.broadcast %and3A_335 : i32 to vector<16xi32>
        %and3A_337 = arith.andi %and3A_330, %and3A_336 : vector<16xi32>
        %shift_left3A = arith.constant 1 : i32
        %shift_left3A_338 = vector.broadcast %shift_left3A : i32 to vector<16xi32>
        %shift_left3A_339 = arith.shli %and3A_337, %shift_left3A_338 : vector<16xi32>
        %add3A_340 = arith.constant 0 : i32
        %add3A_341 = vector.broadcast %add3A_340 : i32 to vector<16xi32>
        %add3A_342 = arith.addi %add3A_309, %add3A_341 : vector<16xi32>
        tpu.vector_store_idx %arg14[%add3A_342], %or3A_334 : memref<3072xi32, #tpu.memory_space<vmem>>[vector<16xi32>], vector<16xi32>,
        tpu.vector_store_idx %arg16[%add3A_342], %shift_left3A_339 : memref<3072xi32, #tpu.memory_space<vmem>>[vector<16xi32>], vector<16xi32>,
        %mul3A_343 = arith.constant 2.300000e+01 : f32
        %mul3A_344 = vector.broadcast %mul3A_343 : f32 to vector<16xf32>
        %mul3A_345 = arith.mulf %get3A_303, %mul3A_344 : vector<16xf32>
        %convert_element_type3A_346 = arith.fptosi %mul3A_345 : vector<16xf32> to vector<16xi32>
        %mul3A_347 = arith.constant 2.300000e+01 : f32
        %mul3A_348 = vector.broadcast %mul3A_347 : f32 to vector<16xf32>
        %mul3A_349 = arith.mulf %get3A_305, %mul3A_348 : vector<16xf32>
        %convert_element_type3A_350 = arith.fptosi %mul3A_349 : vector<16xf32> to vector<16xi32>
        %mul3A_351 = arith.constant 2.300000e+01 : f32
        %mul3A_352 = vector.broadcast %mul3A_351 : f32 to vector<16xf32>
        %mul3A_353 = arith.mulf %get3A_307, %mul3A_352 : vector<16xf32>
        %convert_element_type3A_354 = arith.fptosi %mul3A_353 : vector<16xf32> to vector<16xi32>
        %mul3A_355 = arith.constant -1640531535 : i32
        %mul3A_356 = vector.broadcast %mul3A_355 : i32 to vector<16xi32>
        %mul3A_357 = arith.muli %convert_element_type3A_350, %mul3A_356 : vector<16xi32>
        %xor3A_358 = arith.xori %convert_element_type3A_346, %mul3A_357 : vector<16xi32>
        %mul3A_359 = arith.constant 805459861 : i32
        %mul3A_360 = vector.broadcast %mul3A_359 : i32 to vector<16xi32>
        %mul3A_361 = arith.muli %convert_element_type3A_354, %mul3A_360 : vector<16xi32>
        %xor3A_362 = arith.xori %xor3A_358, %mul3A_361 : vector<16xi32>
        %and3A_363 = arith.constant 524287 : i32
        %and3A_364 = vector.broadcast %and3A_363 : i32 to vector<16xi32>
        %and3A_365 = arith.andi %xor3A_362, %and3A_364 : vector<16xi32>
        %shift_right_arithmetic3A_366 = arith.constant 2 : i32
        %shift_right_arithmetic3A_367 = vector.broadcast %shift_right_arithmetic3A_366 : i32 to vector<16xi32>
        %shift_right_arithmetic3A_368 = arith.shrsi %and3A_365, %shift_right_arithmetic3A_367 : vector<16xi32>
        %or3A_369 = arith.constant 131072 : i32
        %or3A_370 = vector.broadcast %or3A_369 : i32 to vector<16xi32>
        %or3A_371 = arith.ori %shift_right_arithmetic3A_368, %or3A_370 : vector<16xi32>
        %and3A_372 = arith.constant 3 : i32
        %and3A_373 = vector.broadcast %and3A_372 : i32 to vector<16xi32>
        %and3A_374 = arith.andi %and3A_365, %and3A_373 : vector<16xi32>
        %shift_left3A_375 = arith.constant 1 : i32
        %shift_left3A_376 = vector.broadcast %shift_left3A_375 : i32 to vector<16xi32>
        %shift_left3A_377 = arith.shli %and3A_374, %shift_left3A_376 : vector<16xi32>
        %add3A_378 = arith.constant 256 : i32
        %add3A_379 = vector.broadcast %add3A_378 : i32 to vector<16xi32>
        %add3A_380 = arith.addi %add3A_309, %add3A_379 : vector<16xi32>
        tpu.vector_store_idx %arg14[%add3A_380], %or3A_371 : memref<3072xi32, #tpu.memory_space<vmem>>[vector<16xi32>], vector<16xi32>,
        tpu.vector_store_idx %arg16[%add3A_380], %shift_left3A_377 : memref<3072xi32, #tpu.memory_space<vmem>>[vector<16xi32>], vector<16xi32>,
        %mul3A_381 = arith.constant 3.400000e+01 : f32
        %mul3A_382 = vector.broadcast %mul3A_381 : f32 to vector<16xf32>
        %mul3A_383 = arith.mulf %get3A_303, %mul3A_382 : vector<16xf32>
        %convert_element_type3A_384 = arith.fptosi %mul3A_383 : vector<16xf32> to vector<16xi32>
        %mul3A_385 = arith.constant 3.400000e+01 : f32
        %mul3A_386 = vector.broadcast %mul3A_385 : f32 to vector<16xf32>
        %mul3A_387 = arith.mulf %get3A_305, %mul3A_386 : vector<16xf32>
        %convert_element_type3A_388 = arith.fptosi %mul3A_387 : vector<16xf32> to vector<16xi32>
        %mul3A_389 = arith.constant 3.400000e+01 : f32
        %mul3A_390 = vector.broadcast %mul3A_389 : f32 to vector<16xf32>
        %mul3A_391 = arith.mulf %get3A_307, %mul3A_390 : vector<16xf32>
        %convert_element_type3A_392 = arith.fptosi %mul3A_391 : vector<16xf32> to vector<16xi32>
        %mul3A_393 = arith.constant -1640531535 : i32
        %mul3A_394 = vector.broadcast %mul3A_393 : i32 to vector<16xi32>
        %mul3A_395 = arith.muli %convert_element_type3A_388, %mul3A_394 : vector<16xi32>
        %xor3A_396 = arith.xori %convert_element_type3A_384, %mul3A_395 : vector<16xi32>
        %mul3A_397 = arith.constant 805459861 : i32
        %mul3A_398 = vector.broadcast %mul3A_397 : i32 to vector<16xi32>
        %mul3A_399 = arith.muli %convert_element_type3A_392, %mul3A_398 : vector<16xi32>
        %xor3A_400 = arith.xori %xor3A_396, %mul3A_399 : vector<16xi32>
        %and3A_401 = arith.constant 524287 : i32
        %and3A_402 = vector.broadcast %and3A_401 : i32 to vector<16xi32>
        %and3A_403 = arith.andi %xor3A_400, %and3A_402 : vector<16xi32>
        %shift_right_arithmetic3A_404 = arith.constant 2 : i32
        %shift_right_arithmetic3A_405 = vector.broadcast %shift_right_arithmetic3A_404 : i32 to vector<16xi32>
        %shift_right_arithmetic3A_406 = arith.shrsi %and3A_403, %shift_right_arithmetic3A_405 : vector<16xi32>
        %or3A_407 = arith.constant 262144 : i32
        %or3A_408 = vector.broadcast %or3A_407 : i32 to vector<16xi32>
        %or3A_409 = arith.ori %shift_right_arithmetic3A_406, %or3A_408 : vector<16xi32>
        %and3A_410 = arith.constant 3 : i32
        %and3A_411 = vector.broadcast %and3A_410 : i32 to vector<16xi32>
        %and3A_412 = arith.andi %and3A_403, %and3A_411 : vector<16xi32>
        %shift_left3A_413 = arith.constant 1 : i32
        %shift_left3A_414 = vector.broadcast %shift_left3A_413 : i32 to vector<16xi32>
        %shift_left3A_415 = arith.shli %and3A_412, %shift_left3A_414 : vector<16xi32>
        %add3A_416 = arith.constant 512 : i32
        %add3A_417 = vector.broadcast %add3A_416 : i32 to vector<16xi32>
        %add3A_418 = arith.addi %add3A_309, %add3A_417 : vector<16xi32>
        tpu.vector_store_idx %arg14[%add3A_418], %or3A_409 : memref<3072xi32, #tpu.memory_space<vmem>>[vector<16xi32>], vector<16xi32>,
        tpu.vector_store_idx %arg16[%add3A_418], %shift_left3A_415 : memref<3072xi32, #tpu.memory_space<vmem>>[vector<16xi32>], vector<16xi32>,
        %mul3A_419 = arith.constant 4.900000e+01 : f32
        %mul3A_420 = vector.broadcast %mul3A_419 : f32 to vector<16xf32>
        %mul3A_421 = arith.mulf %get3A_303, %mul3A_420 : vector<16xf32>
        %convert_element_type3A_422 = arith.fptosi %mul3A_421 : vector<16xf32> to vector<16xi32>
        %mul3A_423 = arith.constant 4.900000e+01 : f32
        %mul3A_424 = vector.broadcast %mul3A_423 : f32 to vector<16xf32>
        %mul3A_425 = arith.mulf %get3A_305, %mul3A_424 : vector<16xf32>
        %convert_element_type3A_426 = arith.fptosi %mul3A_425 : vector<16xf32> to vector<16xi32>
        %mul3A_427 = arith.constant 4.900000e+01 : f32
        %mul3A_428 = vector.broadcast %mul3A_427 : f32 to vector<16xf32>
        %mul3A_429 = arith.mulf %get3A_307, %mul3A_428 : vector<16xf32>
        %convert_element_type3A_430 = arith.fptosi %mul3A_429 : vector<16xf32> to vector<16xi32>
        %mul3A_431 = arith.constant -1640531535 : i32
        %mul3A_432 = vector.broadcast %mul3A_431 : i32 to vector<16xi32>
        %mul3A_433 = arith.muli %convert_element_type3A_426, %mul3A_432 : vector<16xi32>
        %xor3A_434 = arith.xori %convert_element_type3A_422, %mul3A_433 : vector<16xi32>
        %mul3A_435 = arith.constant 805459861 : i32
        %mul3A_436 = vector.broadcast %mul3A_435 : i32 to vector<16xi32>
        %mul3A_437 = arith.muli %convert_element_type3A_430, %mul3A_436 : vector<16xi32>
        %xor3A_438 = arith.xori %xor3A_434, %mul3A_437 : vector<16xi32>
        %and3A_439 = arith.constant 524287 : i32
        %and3A_440 = vector.broadcast %and3A_439 : i32 to vector<16xi32>
        %and3A_441 = arith.andi %xor3A_438, %and3A_440 : vector<16xi32>
        %shift_right_arithmetic3A_442 = arith.constant 2 : i32
        %shift_right_arithmetic3A_443 = vector.broadcast %shift_right_arithmetic3A_442 : i32 to vector<16xi32>
        %shift_right_arithmetic3A_444 = arith.shrsi %and3A_441, %shift_right_arithmetic3A_443 : vector<16xi32>
        %or3A_445 = arith.constant 393216 : i32
        %or3A_446 = vector.broadcast %or3A_445 : i32 to vector<16xi32>
        %or3A_447 = arith.ori %shift_right_arithmetic3A_444, %or3A_446 : vector<16xi32>
        %and3A_448 = arith.constant 3 : i32
        %and3A_449 = vector.broadcast %and3A_448 : i32 to vector<16xi32>
        %and3A_450 = arith.andi %and3A_441, %and3A_449 : vector<16xi32>
        %shift_left3A_451 = arith.constant 1 : i32
        %shift_left3A_452 = vector.broadcast %shift_left3A_451 : i32 to vector<16xi32>
        %shift_left3A_453 = arith.shli %and3A_450, %shift_left3A_452 : vector<16xi32>
        %add3A_454 = arith.constant 768 : i32
        %add3A_455 = vector.broadcast %add3A_454 : i32 to vector<16xi32>
        %add3A_456 = arith.addi %add3A_309, %add3A_455 : vector<16xi32>
        tpu.vector_store_idx %arg14[%add3A_456], %or3A_447 : memref<3072xi32, #tpu.memory_space<vmem>>[vector<16xi32>], vector<16xi32>,
        tpu.vector_store_idx %arg16[%add3A_456], %shift_left3A_453 : memref<3072xi32, #tpu.memory_space<vmem>>[vector<16xi32>], vector<16xi32>,
        %mul3A_457 = arith.constant 7.200000e+01 : f32
        %mul3A_458 = vector.broadcast %mul3A_457 : f32 to vector<16xf32>
        %mul3A_459 = arith.mulf %get3A_303, %mul3A_458 : vector<16xf32>
        %convert_element_type3A_460 = arith.fptosi %mul3A_459 : vector<16xf32> to vector<16xi32>
        %mul3A_461 = arith.constant 7.200000e+01 : f32
        %mul3A_462 = vector.broadcast %mul3A_461 : f32 to vector<16xf32>
        %mul3A_463 = arith.mulf %get3A_305, %mul3A_462 : vector<16xf32>
        %convert_element_type3A_464 = arith.fptosi %mul3A_463 : vector<16xf32> to vector<16xi32>
        %mul3A_465 = arith.constant 7.200000e+01 : f32
        %mul3A_466 = vector.broadcast %mul3A_465 : f32 to vector<16xf32>
        %mul3A_467 = arith.mulf %get3A_307, %mul3A_466 : vector<16xf32>
        %convert_element_type3A_468 = arith.fptosi %mul3A_467 : vector<16xf32> to vector<16xi32>
        %mul3A_469 = arith.constant -1640531535 : i32
        %mul3A_470 = vector.broadcast %mul3A_469 : i32 to vector<16xi32>
        %mul3A_471 = arith.muli %convert_element_type3A_464, %mul3A_470 : vector<16xi32>
        %xor3A_472 = arith.xori %convert_element_type3A_460, %mul3A_471 : vector<16xi32>
        %mul3A_473 = arith.constant 805459861 : i32
        %mul3A_474 = vector.broadcast %mul3A_473 : i32 to vector<16xi32>
        %mul3A_475 = arith.muli %convert_element_type3A_468, %mul3A_474 : vector<16xi32>
        %xor3A_476 = arith.xori %xor3A_472, %mul3A_475 : vector<16xi32>
        %and3A_477 = arith.constant 524287 : i32
        %and3A_478 = vector.broadcast %and3A_477 : i32 to vector<16xi32>
        %and3A_479 = arith.andi %xor3A_476, %and3A_478 : vector<16xi32>
        %shift_right_arithmetic3A_480 = arith.constant 2 : i32
        %shift_right_arithmetic3A_481 = vector.broadcast %shift_right_arithmetic3A_480 : i32 to vector<16xi32>
        %shift_right_arithmetic3A_482 = arith.shrsi %and3A_479, %shift_right_arithmetic3A_481 : vector<16xi32>
        %or3A_483 = arith.constant 524288 : i32
        %or3A_484 = vector.broadcast %or3A_483 : i32 to vector<16xi32>
        %or3A_485 = arith.ori %shift_right_arithmetic3A_482, %or3A_484 : vector<16xi32>
        %and3A_486 = arith.constant 3 : i32
        %and3A_487 = vector.broadcast %and3A_486 : i32 to vector<16xi32>
        %and3A_488 = arith.andi %and3A_479, %and3A_487 : vector<16xi32>
        %shift_left3A_489 = arith.constant 1 : i32
        %shift_left3A_490 = vector.broadcast %shift_left3A_489 : i32 to vector<16xi32>
        %shift_left3A_491 = arith.shli %and3A_488, %shift_left3A_490 : vector<16xi32>
        %add3A_492 = arith.constant 1024 : i32
        %add3A_493 = vector.broadcast %add3A_492 : i32 to vector<16xi32>
        %add3A_494 = arith.addi %add3A_309, %add3A_493 : vector<16xi32>
        tpu.vector_store_idx %arg14[%add3A_494], %or3A_485 : memref<3072xi32, #tpu.memory_space<vmem>>[vector<16xi32>], vector<16xi32>,
        tpu.vector_store_idx %arg16[%add3A_494], %shift_left3A_491 : memref<3072xi32, #tpu.memory_space<vmem>>[vector<16xi32>], vector<16xi32>,
        %mul3A_495 = arith.constant 1.050000e+02 : f32
        %mul3A_496 = vector.broadcast %mul3A_495 : f32 to vector<16xf32>
        %mul3A_497 = arith.mulf %get3A_303, %mul3A_496 : vector<16xf32>
        %convert_element_type3A_498 = arith.fptosi %mul3A_497 : vector<16xf32> to vector<16xi32>
        %mul3A_499 = arith.constant 1.050000e+02 : f32
        %mul3A_500 = vector.broadcast %mul3A_499 : f32 to vector<16xf32>
        %mul3A_501 = arith.mulf %get3A_305, %mul3A_500 : vector<16xf32>
        %convert_element_type3A_502 = arith.fptosi %mul3A_501 : vector<16xf32> to vector<16xi32>
        %mul3A_503 = arith.constant 1.050000e+02 : f32
        %mul3A_504 = vector.broadcast %mul3A_503 : f32 to vector<16xf32>
        %mul3A_505 = arith.mulf %get3A_307, %mul3A_504 : vector<16xf32>
        %convert_element_type3A_506 = arith.fptosi %mul3A_505 : vector<16xf32> to vector<16xi32>
        %mul3A_507 = arith.constant -1640531535 : i32
        %mul3A_508 = vector.broadcast %mul3A_507 : i32 to vector<16xi32>
        %mul3A_509 = arith.muli %convert_element_type3A_502, %mul3A_508 : vector<16xi32>
        %xor3A_510 = arith.xori %convert_element_type3A_498, %mul3A_509 : vector<16xi32>
        %mul3A_511 = arith.constant 805459861 : i32
        %mul3A_512 = vector.broadcast %mul3A_511 : i32 to vector<16xi32>
        %mul3A_513 = arith.muli %convert_element_type3A_506, %mul3A_512 : vector<16xi32>
        %xor3A_514 = arith.xori %xor3A_510, %mul3A_513 : vector<16xi32>
        %and3A_515 = arith.constant 524287 : i32
        %and3A_516 = vector.broadcast %and3A_515 : i32 to vector<16xi32>
        %and3A_517 = arith.andi %xor3A_514, %and3A_516 : vector<16xi32>
        %shift_right_arithmetic3A_518 = arith.constant 2 : i32
        %shift_right_arithmetic3A_519 = vector.broadcast %shift_right_arithmetic3A_518 : i32 to vector<16xi32>
        %shift_right_arithmetic3A_520 = arith.shrsi %and3A_517, %shift_right_arithmetic3A_519 : vector<16xi32>
        %or3A_521 = arith.constant 655360 : i32
        %or3A_522 = vector.broadcast %or3A_521 : i32 to vector<16xi32>
        %or3A_523 = arith.ori %shift_right_arithmetic3A_520, %or3A_522 : vector<16xi32>
        %and3A_524 = arith.constant 3 : i32
        %and3A_525 = vector.broadcast %and3A_524 : i32 to vector<16xi32>
        %and3A_526 = arith.andi %and3A_517, %and3A_525 : vector<16xi32>
        %shift_left3A_527 = arith.constant 1 : i32
        %shift_left3A_528 = vector.broadcast %shift_left3A_527 : i32 to vector<16xi32>
        %shift_left3A_529 = arith.shli %and3A_526, %shift_left3A_528 : vector<16xi32>
        %add3A_530 = arith.constant 1280 : i32
        %add3A_531 = vector.broadcast %add3A_530 : i32 to vector<16xi32>
        %add3A_532 = arith.addi %add3A_309, %add3A_531 : vector<16xi32>
        tpu.vector_store_idx %arg14[%add3A_532], %or3A_523 : memref<3072xi32, #tpu.memory_space<vmem>>[vector<16xi32>], vector<16xi32>,
        tpu.vector_store_idx %arg16[%add3A_532], %shift_left3A_529 : memref<3072xi32, #tpu.memory_space<vmem>>[vector<16xi32>], vector<16xi32>,
        %mul3A_533 = arith.constant 1.540000e+02 : f32
        %mul3A_534 = vector.broadcast %mul3A_533 : f32 to vector<16xf32>
        %mul3A_535 = arith.mulf %get3A_303, %mul3A_534 : vector<16xf32>
        %convert_element_type3A_536 = arith.fptosi %mul3A_535 : vector<16xf32> to vector<16xi32>
        %mul3A_537 = arith.constant 1.540000e+02 : f32
        %mul3A_538 = vector.broadcast %mul3A_537 : f32 to vector<16xf32>
        %mul3A_539 = arith.mulf %get3A_305, %mul3A_538 : vector<16xf32>
        %convert_element_type3A_540 = arith.fptosi %mul3A_539 : vector<16xf32> to vector<16xi32>
        %mul3A_541 = arith.constant 1.540000e+02 : f32
        %mul3A_542 = vector.broadcast %mul3A_541 : f32 to vector<16xf32>
        %mul3A_543 = arith.mulf %get3A_307, %mul3A_542 : vector<16xf32>
        %convert_element_type3A_544 = arith.fptosi %mul3A_543 : vector<16xf32> to vector<16xi32>
        %mul3A_545 = arith.constant -1640531535 : i32
        %mul3A_546 = vector.broadcast %mul3A_545 : i32 to vector<16xi32>
        %mul3A_547 = arith.muli %convert_element_type3A_540, %mul3A_546 : vector<16xi32>
        %xor3A_548 = arith.xori %convert_element_type3A_536, %mul3A_547 : vector<16xi32>
        %mul3A_549 = arith.constant 805459861 : i32
        %mul3A_550 = vector.broadcast %mul3A_549 : i32 to vector<16xi32>
        %mul3A_551 = arith.muli %convert_element_type3A_544, %mul3A_550 : vector<16xi32>
        %xor3A_552 = arith.xori %xor3A_548, %mul3A_551 : vector<16xi32>
        %and3A_553 = arith.constant 524287 : i32
        %and3A_554 = vector.broadcast %and3A_553 : i32 to vector<16xi32>
        %and3A_555 = arith.andi %xor3A_552, %and3A_554 : vector<16xi32>
        %shift_right_arithmetic3A_556 = arith.constant 2 : i32
        %shift_right_arithmetic3A_557 = vector.broadcast %shift_right_arithmetic3A_556 : i32 to vector<16xi32>
        %shift_right_arithmetic3A_558 = arith.shrsi %and3A_555, %shift_right_arithmetic3A_557 : vector<16xi32>
        %or3A_559 = arith.constant 786432 : i32
        %or3A_560 = vector.broadcast %or3A_559 : i32 to vector<16xi32>
        %or3A_561 = arith.ori %shift_right_arithmetic3A_558, %or3A_560 : vector<16xi32>
        %and3A_562 = arith.constant 3 : i32
        %and3A_563 = vector.broadcast %and3A_562 : i32 to vector<16xi32>
        %and3A_564 = arith.andi %and3A_555, %and3A_563 : vector<16xi32>
        %shift_left3A_565 = arith.constant 1 : i32
        %shift_left3A_566 = vector.broadcast %shift_left3A_565 : i32 to vector<16xi32>
        %shift_left3A_567 = arith.shli %and3A_564, %shift_left3A_566 : vector<16xi32>
        %add3A_568 = arith.constant 1536 : i32
        %add3A_569 = vector.broadcast %add3A_568 : i32 to vector<16xi32>
        %add3A_570 = arith.addi %add3A_309, %add3A_569 : vector<16xi32>
        tpu.vector_store_idx %arg14[%add3A_570], %or3A_561 : memref<3072xi32, #tpu.memory_space<vmem>>[vector<16xi32>], vector<16xi32>,
        tpu.vector_store_idx %arg16[%add3A_570], %shift_left3A_567 : memref<3072xi32, #tpu.memory_space<vmem>>[vector<16xi32>], vector<16xi32>,
        %mul3A_571 = arith.constant 2.250000e+02 : f32
        %mul3A_572 = vector.broadcast %mul3A_571 : f32 to vector<16xf32>
        %mul3A_573 = arith.mulf %get3A_303, %mul3A_572 : vector<16xf32>
        %convert_element_type3A_574 = arith.fptosi %mul3A_573 : vector<16xf32> to vector<16xi32>
        %mul3A_575 = arith.constant 2.250000e+02 : f32
        %mul3A_576 = vector.broadcast %mul3A_575 : f32 to vector<16xf32>
        %mul3A_577 = arith.mulf %get3A_305, %mul3A_576 : vector<16xf32>
        %convert_element_type3A_578 = arith.fptosi %mul3A_577 : vector<16xf32> to vector<16xi32>
        %mul3A_579 = arith.constant 2.250000e+02 : f32
        %mul3A_580 = vector.broadcast %mul3A_579 : f32 to vector<16xf32>
        %mul3A_581 = arith.mulf %get3A_307, %mul3A_580 : vector<16xf32>
        %convert_element_type3A_582 = arith.fptosi %mul3A_581 : vector<16xf32> to vector<16xi32>
        %mul3A_583 = arith.constant -1640531535 : i32
        %mul3A_584 = vector.broadcast %mul3A_583 : i32 to vector<16xi32>
        %mul3A_585 = arith.muli %convert_element_type3A_578, %mul3A_584 : vector<16xi32>
        %xor3A_586 = arith.xori %convert_element_type3A_574, %mul3A_585 : vector<16xi32>
        %mul3A_587 = arith.constant 805459861 : i32
        %mul3A_588 = vector.broadcast %mul3A_587 : i32 to vector<16xi32>
        %mul3A_589 = arith.muli %convert_element_type3A_582, %mul3A_588 : vector<16xi32>
        %xor3A_590 = arith.xori %xor3A_586, %mul3A_589 : vector<16xi32>
        %and3A_591 = arith.constant 524287 : i32
        %and3A_592 = vector.broadcast %and3A_591 : i32 to vector<16xi32>
        %and3A_593 = arith.andi %xor3A_590, %and3A_592 : vector<16xi32>
        %shift_right_arithmetic3A_594 = arith.constant 2 : i32
        %shift_right_arithmetic3A_595 = vector.broadcast %shift_right_arithmetic3A_594 : i32 to vector<16xi32>
        %shift_right_arithmetic3A_596 = arith.shrsi %and3A_593, %shift_right_arithmetic3A_595 : vector<16xi32>
        %or3A_597 = arith.constant 917504 : i32
        %or3A_598 = vector.broadcast %or3A_597 : i32 to vector<16xi32>
        %or3A_599 = arith.ori %shift_right_arithmetic3A_596, %or3A_598 : vector<16xi32>
        %and3A_600 = arith.constant 3 : i32
        %and3A_601 = vector.broadcast %and3A_600 : i32 to vector<16xi32>
        %and3A_602 = arith.andi %and3A_593, %and3A_601 : vector<16xi32>
        %shift_left3A_603 = arith.constant 1 : i32
        %shift_left3A_604 = vector.broadcast %shift_left3A_603 : i32 to vector<16xi32>
        %shift_left3A_605 = arith.shli %and3A_602, %shift_left3A_604 : vector<16xi32>
        %add3A_606 = arith.constant 1792 : i32
        %add3A_607 = vector.broadcast %add3A_606 : i32 to vector<16xi32>
        %add3A_608 = arith.addi %add3A_309, %add3A_607 : vector<16xi32>
        tpu.vector_store_idx %arg14[%add3A_608], %or3A_599 : memref<3072xi32, #tpu.memory_space<vmem>>[vector<16xi32>], vector<16xi32>,
        tpu.vector_store_idx %arg16[%add3A_608], %shift_left3A_605 : memref<3072xi32, #tpu.memory_space<vmem>>[vector<16xi32>], vector<16xi32>,
        %mul3A_609 = arith.constant 3.290000e+02 : f32
        %mul3A_610 = vector.broadcast %mul3A_609 : f32 to vector<16xf32>
        %mul3A_611 = arith.mulf %get3A_303, %mul3A_610 : vector<16xf32>
        %convert_element_type3A_612 = arith.fptosi %mul3A_611 : vector<16xf32> to vector<16xi32>
        %mul3A_613 = arith.constant 3.290000e+02 : f32
        %mul3A_614 = vector.broadcast %mul3A_613 : f32 to vector<16xf32>
        %mul3A_615 = arith.mulf %get3A_305, %mul3A_614 : vector<16xf32>
        %convert_element_type3A_616 = arith.fptosi %mul3A_615 : vector<16xf32> to vector<16xi32>
        %mul3A_617 = arith.constant 3.290000e+02 : f32
        %mul3A_618 = vector.broadcast %mul3A_617 : f32 to vector<16xf32>
        %mul3A_619 = arith.mulf %get3A_307, %mul3A_618 : vector<16xf32>
        %convert_element_type3A_620 = arith.fptosi %mul3A_619 : vector<16xf32> to vector<16xi32>
        %mul3A_621 = arith.constant -1640531535 : i32
        %mul3A_622 = vector.broadcast %mul3A_621 : i32 to vector<16xi32>
        %mul3A_623 = arith.muli %convert_element_type3A_616, %mul3A_622 : vector<16xi32>
        %xor3A_624 = arith.xori %convert_element_type3A_612, %mul3A_623 : vector<16xi32>
        %mul3A_625 = arith.constant 805459861 : i32
        %mul3A_626 = vector.broadcast %mul3A_625 : i32 to vector<16xi32>
        %mul3A_627 = arith.muli %convert_element_type3A_620, %mul3A_626 : vector<16xi32>
        %xor3A_628 = arith.xori %xor3A_624, %mul3A_627 : vector<16xi32>
        %and3A_629 = arith.constant 524287 : i32
        %and3A_630 = vector.broadcast %and3A_629 : i32 to vector<16xi32>
        %and3A_631 = arith.andi %xor3A_628, %and3A_630 : vector<16xi32>
        %shift_right_arithmetic3A_632 = arith.constant 2 : i32
        %shift_right_arithmetic3A_633 = vector.broadcast %shift_right_arithmetic3A_632 : i32 to vector<16xi32>
        %shift_right_arithmetic3A_634 = arith.shrsi %and3A_631, %shift_right_arithmetic3A_633 : vector<16xi32>
        %or3A_635 = arith.constant 1048576 : i32
        %or3A_636 = vector.broadcast %or3A_635 : i32 to vector<16xi32>
        %or3A_637 = arith.ori %shift_right_arithmetic3A_634, %or3A_636 : vector<16xi32>
        %and3A_638 = arith.constant 3 : i32
        %and3A_639 = vector.broadcast %and3A_638 : i32 to vector<16xi32>
        %and3A_640 = arith.andi %and3A_631, %and3A_639 : vector<16xi32>
        %shift_left3A_641 = arith.constant 1 : i32
        %shift_left3A_642 = vector.broadcast %shift_left3A_641 : i32 to vector<16xi32>
        %shift_left3A_643 = arith.shli %and3A_640, %shift_left3A_642 : vector<16xi32>
        %add3A_644 = arith.constant 2048 : i32
        %add3A_645 = vector.broadcast %add3A_644 : i32 to vector<16xi32>
        %add3A_646 = arith.addi %add3A_309, %add3A_645 : vector<16xi32>
        tpu.vector_store_idx %arg14[%add3A_646], %or3A_637 : memref<3072xi32, #tpu.memory_space<vmem>>[vector<16xi32>], vector<16xi32>,
        tpu.vector_store_idx %arg16[%add3A_646], %shift_left3A_643 : memref<3072xi32, #tpu.memory_space<vmem>>[vector<16xi32>], vector<16xi32>,
        %mul3A_647 = arith.constant 4.800000e+02 : f32
        %mul3A_648 = vector.broadcast %mul3A_647 : f32 to vector<16xf32>
        %mul3A_649 = arith.mulf %get3A_303, %mul3A_648 : vector<16xf32>
        %convert_element_type3A_650 = arith.fptosi %mul3A_649 : vector<16xf32> to vector<16xi32>
        %mul3A_651 = arith.constant 4.800000e+02 : f32
        %mul3A_652 = vector.broadcast %mul3A_651 : f32 to vector<16xf32>
        %mul3A_653 = arith.mulf %get3A_305, %mul3A_652 : vector<16xf32>
        %convert_element_type3A_654 = arith.fptosi %mul3A_653 : vector<16xf32> to vector<16xi32>
        %mul3A_655 = arith.constant 4.800000e+02 : f32
        %mul3A_656 = vector.broadcast %mul3A_655 : f32 to vector<16xf32>
        %mul3A_657 = arith.mulf %get3A_307, %mul3A_656 : vector<16xf32>
        %convert_element_type3A_658 = arith.fptosi %mul3A_657 : vector<16xf32> to vector<16xi32>
        %mul3A_659 = arith.constant -1640531535 : i32
        %mul3A_660 = vector.broadcast %mul3A_659 : i32 to vector<16xi32>
        %mul3A_661 = arith.muli %convert_element_type3A_654, %mul3A_660 : vector<16xi32>
        %xor3A_662 = arith.xori %convert_element_type3A_650, %mul3A_661 : vector<16xi32>
        %mul3A_663 = arith.constant 805459861 : i32
        %mul3A_664 = vector.broadcast %mul3A_663 : i32 to vector<16xi32>
        %mul3A_665 = arith.muli %convert_element_type3A_658, %mul3A_664 : vector<16xi32>
        %xor3A_666 = arith.xori %xor3A_662, %mul3A_665 : vector<16xi32>
        %and3A_667 = arith.constant 524287 : i32
        %and3A_668 = vector.broadcast %and3A_667 : i32 to vector<16xi32>
        %and3A_669 = arith.andi %xor3A_666, %and3A_668 : vector<16xi32>
        %shift_right_arithmetic3A_670 = arith.constant 2 : i32
        %shift_right_arithmetic3A_671 = vector.broadcast %shift_right_arithmetic3A_670 : i32 to vector<16xi32>
        %shift_right_arithmetic3A_672 = arith.shrsi %and3A_669, %shift_right_arithmetic3A_671 : vector<16xi32>
        %or3A_673 = arith.constant 1179648 : i32
        %or3A_674 = vector.broadcast %or3A_673 : i32 to vector<16xi32>
        %or3A_675 = arith.ori %shift_right_arithmetic3A_672, %or3A_674 : vector<16xi32>
        %and3A_676 = arith.constant 3 : i32
        %and3A_677 = vector.broadcast %and3A_676 : i32 to vector<16xi32>
        %and3A_678 = arith.andi %and3A_669, %and3A_677 : vector<16xi32>
        %shift_left3A_679 = arith.constant 1 : i32
        %shift_left3A_680 = vector.broadcast %shift_left3A_679 : i32 to vector<16xi32>
        %shift_left3A_681 = arith.shli %and3A_678, %shift_left3A_680 : vector<16xi32>
        %add3A_682 = arith.constant 2304 : i32
        %add3A_683 = vector.broadcast %add3A_682 : i32 to vector<16xi32>
        %add3A_684 = arith.addi %add3A_309, %add3A_683 : vector<16xi32>
        tpu.vector_store_idx %arg14[%add3A_684], %or3A_675 : memref<3072xi32, #tpu.memory_space<vmem>>[vector<16xi32>], vector<16xi32>,
        tpu.vector_store_idx %arg16[%add3A_684], %shift_left3A_681 : memref<3072xi32, #tpu.memory_space<vmem>>[vector<16xi32>], vector<16xi32>,
        %mul3A_685 = arith.constant 7.010000e+02 : f32
        %mul3A_686 = vector.broadcast %mul3A_685 : f32 to vector<16xf32>
        %mul3A_687 = arith.mulf %get3A_303, %mul3A_686 : vector<16xf32>
        %convert_element_type3A_688 = arith.fptosi %mul3A_687 : vector<16xf32> to vector<16xi32>
        %mul3A_689 = arith.constant 7.010000e+02 : f32
        %mul3A_690 = vector.broadcast %mul3A_689 : f32 to vector<16xf32>
        %mul3A_691 = arith.mulf %get3A_305, %mul3A_690 : vector<16xf32>
        %convert_element_type3A_692 = arith.fptosi %mul3A_691 : vector<16xf32> to vector<16xi32>
        %mul3A_693 = arith.constant 7.010000e+02 : f32
        %mul3A_694 = vector.broadcast %mul3A_693 : f32 to vector<16xf32>
        %mul3A_695 = arith.mulf %get3A_307, %mul3A_694 : vector<16xf32>
        %convert_element_type3A_696 = arith.fptosi %mul3A_695 : vector<16xf32> to vector<16xi32>
        %mul3A_697 = arith.constant -1640531535 : i32
        %mul3A_698 = vector.broadcast %mul3A_697 : i32 to vector<16xi32>
        %mul3A_699 = arith.muli %convert_element_type3A_692, %mul3A_698 : vector<16xi32>
        %xor3A_700 = arith.xori %convert_element_type3A_688, %mul3A_699 : vector<16xi32>
        %mul3A_701 = arith.constant 805459861 : i32
        %mul3A_702 = vector.broadcast %mul3A_701 : i32 to vector<16xi32>
        %mul3A_703 = arith.muli %convert_element_type3A_696, %mul3A_702 : vector<16xi32>
        %xor3A_704 = arith.xori %xor3A_700, %mul3A_703 : vector<16xi32>
        %and3A_705 = arith.constant 524287 : i32
        %and3A_706 = vector.broadcast %and3A_705 : i32 to vector<16xi32>
        %and3A_707 = arith.andi %xor3A_704, %and3A_706 : vector<16xi32>
        %shift_right_arithmetic3A_708 = arith.constant 2 : i32
        %shift_right_arithmetic3A_709 = vector.broadcast %shift_right_arithmetic3A_708 : i32 to vector<16xi32>
        %shift_right_arithmetic3A_710 = arith.shrsi %and3A_707, %shift_right_arithmetic3A_709 : vector<16xi32>
        %or3A_711 = arith.constant 1310720 : i32
        %or3A_712 = vector.broadcast %or3A_711 : i32 to vector<16xi32>
        %or3A_713 = arith.ori %shift_right_arithmetic3A_710, %or3A_712 : vector<16xi32>
        %and3A_714 = arith.constant 3 : i32
        %and3A_715 = vector.broadcast %and3A_714 : i32 to vector<16xi32>
        %and3A_716 = arith.andi %and3A_707, %and3A_715 : vector<16xi32>
        %shift_left3A_717 = arith.constant 1 : i32
        %shift_left3A_718 = vector.broadcast %shift_left3A_717 : i32 to vector<16xi32>
        %shift_left3A_719 = arith.shli %and3A_716, %shift_left3A_718 : vector<16xi32>
        %add3A_720 = arith.constant 2560 : i32
        %add3A_721 = vector.broadcast %add3A_720 : i32 to vector<16xi32>
        %add3A_722 = arith.addi %add3A_309, %add3A_721 : vector<16xi32>
        tpu.vector_store_idx %arg14[%add3A_722], %or3A_713 : memref<3072xi32, #tpu.memory_space<vmem>>[vector<16xi32>], vector<16xi32>,
        tpu.vector_store_idx %arg16[%add3A_722], %shift_left3A_719 : memref<3072xi32, #tpu.memory_space<vmem>>[vector<16xi32>], vector<16xi32>,
        %mul3A_723 = arith.constant 1.024000e+03 : f32
        %mul3A_724 = vector.broadcast %mul3A_723 : f32 to vector<16xf32>
        %mul3A_725 = arith.mulf %get3A_303, %mul3A_724 : vector<16xf32>
        %convert_element_type3A_726 = arith.fptosi %mul3A_725 : vector<16xf32> to vector<16xi32>
        %mul3A_727 = arith.constant 1.024000e+03 : f32
        %mul3A_728 = vector.broadcast %mul3A_727 : f32 to vector<16xf32>
        %mul3A_729 = arith.mulf %get3A_305, %mul3A_728 : vector<16xf32>
        %convert_element_type3A_730 = arith.fptosi %mul3A_729 : vector<16xf32> to vector<16xi32>
        %mul3A_731 = arith.constant 1.024000e+03 : f32
        %mul3A_732 = vector.broadcast %mul3A_731 : f32 to vector<16xf32>
        %mul3A_733 = arith.mulf %get3A_307, %mul3A_732 : vector<16xf32>
        %convert_element_type3A_734 = arith.fptosi %mul3A_733 : vector<16xf32> to vector<16xi32>
        %mul3A_735 = arith.constant -1640531535 : i32
        %mul3A_736 = vector.broadcast %mul3A_735 : i32 to vector<16xi32>
        %mul3A_737 = arith.muli %convert_element_type3A_730, %mul3A_736 : vector<16xi32>
        %xor3A_738 = arith.xori %convert_element_type3A_726, %mul3A_737 : vector<16xi32>
        %mul3A_739 = arith.constant 805459861 : i32
        %mul3A_740 = vector.broadcast %mul3A_739 : i32 to vector<16xi32>
        %mul3A_741 = arith.muli %convert_element_type3A_734, %mul3A_740 : vector<16xi32>
        %xor3A_742 = arith.xori %xor3A_738, %mul3A_741 : vector<16xi32>
        %and3A_743 = arith.constant 524287 : i32
        %and3A_744 = vector.broadcast %and3A_743 : i32 to vector<16xi32>
        %and3A_745 = arith.andi %xor3A_742, %and3A_744 : vector<16xi32>
        %shift_right_arithmetic3A_746 = arith.constant 2 : i32
        %shift_right_arithmetic3A_747 = vector.broadcast %shift_right_arithmetic3A_746 : i32 to vector<16xi32>
        %shift_right_arithmetic3A_748 = arith.shrsi %and3A_745, %shift_right_arithmetic3A_747 : vector<16xi32>
        %or3A_749 = arith.constant 1441792 : i32
        %or3A_750 = vector.broadcast %or3A_749 : i32 to vector<16xi32>
        %or3A_751 = arith.ori %shift_right_arithmetic3A_748, %or3A_750 : vector<16xi32>
        %and3A_752 = arith.constant 3 : i32
        %and3A_753 = vector.broadcast %and3A_752 : i32 to vector<16xi32>
        %and3A_754 = arith.andi %and3A_745, %and3A_753 : vector<16xi32>
        %shift_left3A_755 = arith.constant 1 : i32
        %shift_left3A_756 = vector.broadcast %shift_left3A_755 : i32 to vector<16xi32>
        %shift_left3A_757 = arith.shli %and3A_754, %shift_left3A_756 : vector<16xi32>
        %add3A_758 = arith.constant 2816 : i32
        %add3A_759 = vector.broadcast %add3A_758 : i32 to vector<16xi32>
        %add3A_760 = arith.addi %add3A_309, %add3A_759 : vector<16xi32>
        tpu.vector_store_idx %arg14[%add3A_760], %or3A_751 : memref<3072xi32, #tpu.memory_space<vmem>>[vector<16xi32>], vector<16xi32>,
        tpu.vector_store_idx %arg16[%add3A_760], %shift_left3A_757 : memref<3072xi32, #tpu.memory_space<vmem>>[vector<16xi32>], vector<16xi32>,
      }
      %while3A_156 = arith.constant 1 : i32
      scf.for %while3A_300 = %while3A_154 to %while3A_150 step %while3A_156  : i32 {
        %mul3A_301 = arith.muli %while3A_300, %while3A_147 : i32
        %add3A_302 = arith.addi %mul3A_4, %mul3A_301 : i32
        %get3A = arith.index_cast %add3A_302 : i32 to index
        %get3A_303 = tpu.vector_load %arg10[%get3A] {strides = array<i32>} : memref<256xf32, #tpu.memory_space<vmem>>, vector<16xf32>,
        %get3A_304 = arith.index_cast %add3A_302 : i32 to index
        %get3A_305 = tpu.vector_load %arg11[%get3A_304] {strides = array<i32>} : memref<256xf32, #tpu.memory_space<vmem>>, vector<16xf32>,
        %get3A_306 = arith.index_cast %add3A_302 : i32 to index
        %get3A_307 = tpu.vector_load %arg12[%get3A_306] {strides = array<i32>} : memref<256xf32, #tpu.memory_space<vmem>>, vector<16xf32>,
        %add3A_308 = vector.broadcast %add3A_302 : i32 to vector<16xi32>
        %add3A_309 = arith.addi %iota3A, %add3A_308 : vector<16xi32>
        %mul3A_310 = arith.constant 1.600000e+01 : f32
        %mul3A_311 = vector.broadcast %mul3A_310 : f32 to vector<16xf32>
        %mul3A_312 = arith.mulf %get3A_303, %mul3A_311 : vector<16xf32>
        %convert_element_type3A_313 = arith.fptosi %mul3A_312 : vector<16xf32> to vector<16xi32>
        %mul3A_314 = arith.constant 1.600000e+01 : f32
        %mul3A_315 = vector.broadcast %mul3A_314 : f32 to vector<16xf32>
        %mul3A_316 = arith.mulf %get3A_305, %mul3A_315 : vector<16xf32>
        %convert_element_type3A_317 = arith.fptosi %mul3A_316 : vector<16xf32> to vector<16xi32>
        %mul3A_318 = arith.constant 1.600000e+01 : f32
        %mul3A_319 = vector.broadcast %mul3A_318 : f32 to vector<16xf32>
        %mul3A_320 = arith.mulf %get3A_307, %mul3A_319 : vector<16xf32>
        %convert_element_type3A_321 = arith.fptosi %mul3A_320 : vector<16xf32> to vector<16xi32>
        %mul3A_322 = arith.constant -1640531535 : i32
        %mul3A_323 = vector.broadcast %mul3A_322 : i32 to vector<16xi32>
        %mul3A_324 = arith.muli %convert_element_type3A_317, %mul3A_323 : vector<16xi32>
        %xor3A = arith.xori %convert_element_type3A_313, %mul3A_324 : vector<16xi32>
        %mul3A_325 = arith.constant 805459861 : i32
        %mul3A_326 = vector.broadcast %mul3A_325 : i32 to vector<16xi32>
        %mul3A_327 = arith.muli %convert_element_type3A_321, %mul3A_326 : vector<16xi32>
        %xor3A_328 = arith.xori %xor3A, %mul3A_327 : vector<16xi32>
        %and3A = arith.constant 524287 : i32
        %and3A_329 = vector.broadcast %and3A : i32 to vector<16xi32>
        %and3A_330 = arith.andi %xor3A_328, %and3A_329 : vector<16xi32>
        %shift_right_arithmetic3A = arith.constant 2 : i32
        %shift_right_arithmetic3A_331 = vector.broadcast %shift_right_arithmetic3A : i32 to vector<16xi32>
        %shift_right_arithmetic3A_332 = arith.shrsi %and3A_330, %shift_right_arithmetic3A_331 : vector<16xi32>
        %or3A = arith.constant 0 : i32
        %or3A_333 = vector.broadcast %or3A : i32 to vector<16xi32>
        %or3A_334 = arith.ori %shift_right_arithmetic3A_332, %or3A_333 : vector<16xi32>
        %and3A_335 = arith.constant 3 : i32
        %and3A_336 = vector.broadcast %and3A_335 : i32 to vector<16xi32>
        %and3A_337 = arith.andi %and3A_330, %and3A_336 : vector<16xi32>
        %shift_left3A = arith.constant 1 : i32
        %shift_left3A_338 = vector.broadcast %shift_left3A : i32 to vector<16xi32>
        %shift_left3A_339 = arith.shli %and3A_337, %shift_left3A_338 : vector<16xi32>
        %add3A_340 = arith.constant 0 : i32
        %add3A_341 = vector.broadcast %add3A_340 : i32 to vector<16xi32>
        %add3A_342 = arith.addi %add3A_309, %add3A_341 : vector<16xi32>
        tpu.vector_store_idx %arg14[%add3A_342], %or3A_334 : memref<3072xi32, #tpu.memory_space<vmem>>[vector<16xi32>], vector<16xi32>,
        tpu.vector_store_idx %arg16[%add3A_342], %shift_left3A_339 : memref<3072xi32, #tpu.memory_space<vmem>>[vector<16xi32>], vector<16xi32>,
        %mul3A_343 = arith.constant 2.300000e+01 : f32
        %mul3A_344 = vector.broadcast %mul3A_343 : f32 to vector<16xf32>
        %mul3A_345 = arith.mulf %get3A_303, %mul3A_344 : vector<16xf32>
        %convert_element_type3A_346 = arith.fptosi %mul3A_345 : vector<16xf32> to vector<16xi32>
        %mul3A_347 = arith.constant 2.300000e+01 : f32
        %mul3A_348 = vector.broadcast %mul3A_347 : f32 to vector<16xf32>
        %mul3A_349 = arith.mulf %get3A_305, %mul3A_348 : vector<16xf32>
        %convert_element_type3A_350 = arith.fptosi %mul3A_349 : vector<16xf32> to vector<16xi32>
        %mul3A_351 = arith.constant 2.300000e+01 : f32
        %mul3A_352 = vector.broadcast %mul3A_351 : f32 to vector<16xf32>
        %mul3A_353 = arith.mulf %get3A_307, %mul3A_352 : vector<16xf32>
        %convert_element_type3A_354 = arith.fptosi %mul3A_353 : vector<16xf32> to vector<16xi32>
        %mul3A_355 = arith.constant -1640531535 : i32
        %mul3A_356 = vector.broadcast %mul3A_355 : i32 to vector<16xi32>
        %mul3A_357 = arith.muli %convert_element_type3A_350, %mul3A_356 : vector<16xi32>
        %xor3A_358 = arith.xori %convert_element_type3A_346, %mul3A_357 : vector<16xi32>
        %mul3A_359 = arith.constant 805459861 : i32
        %mul3A_360 = vector.broadcast %mul3A_359 : i32 to vector<16xi32>
        %mul3A_361 = arith.muli %convert_element_type3A_354, %mul3A_360 : vector<16xi32>
        %xor3A_362 = arith.xori %xor3A_358, %mul3A_361 : vector<16xi32>
        %and3A_363 = arith.constant 524287 : i32
        %and3A_364 = vector.broadcast %and3A_363 : i32 to vector<16xi32>
        %and3A_365 = arith.andi %xor3A_362, %and3A_364 : vector<16xi32>
        %shift_right_arithmetic3A_366 = arith.constant 2 : i32
        %shift_right_arithmetic3A_367 = vector.broadcast %shift_right_arithmetic3A_366 : i32 to vector<16xi32>
        %shift_right_arithmetic3A_368 = arith.shrsi %and3A_365, %shift_right_arithmetic3A_367 : vector<16xi32>
        %or3A_369 = arith.constant 131072 : i32
        %or3A_370 = vector.broadcast %or3A_369 : i32 to vector<16xi32>
        %or3A_371 = arith.ori %shift_right_arithmetic3A_368, %or3A_370 : vector<16xi32>
        %and3A_372 = arith.constant 3 : i32
        %and3A_373 = vector.broadcast %and3A_372 : i32 to vector<16xi32>
        %and3A_374 = arith.andi %and3A_365, %and3A_373 : vector<16xi32>
        %shift_left3A_375 = arith.constant 1 : i32
        %shift_left3A_376 = vector.broadcast %shift_left3A_375 : i32 to vector<16xi32>
        %shift_left3A_377 = arith.shli %and3A_374, %shift_left3A_376 : vector<16xi32>
        %add3A_378 = arith.constant 256 : i32
        %add3A_379 = vector.broadcast %add3A_378 : i32 to vector<16xi32>
        %add3A_380 = arith.addi %add3A_309, %add3A_379 : vector<16xi32>
        tpu.vector_store_idx %arg14[%add3A_380], %or3A_371 : memref<3072xi32, #tpu.memory_space<vmem>>[vector<16xi32>], vector<16xi32>,
        tpu.vector_store_idx %arg16[%add3A_380], %shift_left3A_377 : memref<3072xi32, #tpu.memory_space<vmem>>[vector<16xi32>], vector<16xi32>,
        %mul3A_381 = arith.constant 3.400000e+01 : f32
        %mul3A_382 = vector.broadcast %mul3A_381 : f32 to vector<16xf32>
        %mul3A_383 = arith.mulf %get3A_303, %mul3A_382 : vector<16xf32>
        %convert_element_type3A_384 = arith.fptosi %mul3A_383 : vector<16xf32> to vector<16xi32>
        %mul3A_385 = arith.constant 3.400000e+01 : f32
        %mul3A_386 = vector.broadcast %mul3A_385 : f32 to vector<16xf32>
        %mul3A_387 = arith.mulf %get3A_305, %mul3A_386 : vector<16xf32>
        %convert_element_type3A_388 = arith.fptosi %mul3A_387 : vector<16xf32> to vector<16xi32>
        %mul3A_389 = arith.constant 3.400000e+01 : f32
        %mul3A_390 = vector.broadcast %mul3A_389 : f32 to vector<16xf32>
        %mul3A_391 = arith.mulf %get3A_307, %mul3A_390 : vector<16xf32>
        %convert_element_type3A_392 = arith.fptosi %mul3A_391 : vector<16xf32> to vector<16xi32>
        %mul3A_393 = arith.constant -1640531535 : i32
        %mul3A_394 = vector.broadcast %mul3A_393 : i32 to vector<16xi32>
        %mul3A_395 = arith.muli %convert_element_type3A_388, %mul3A_394 : vector<16xi32>
        %xor3A_396 = arith.xori %convert_element_type3A_384, %mul3A_395 : vector<16xi32>
        %mul3A_397 = arith.constant 805459861 : i32
        %mul3A_398 = vector.broadcast %mul3A_397 : i32 to vector<16xi32>
        %mul3A_399 = arith.muli %convert_element_type3A_392, %mul3A_398 : vector<16xi32>
        %xor3A_400 = arith.xori %xor3A_396, %mul3A_399 : vector<16xi32>
        %and3A_401 = arith.constant 524287 : i32
        %and3A_402 = vector.broadcast %and3A_401 : i32 to vector<16xi32>
        %and3A_403 = arith.andi %xor3A_400, %and3A_402 : vector<16xi32>
        %shift_right_arithmetic3A_404 = arith.constant 2 : i32
        %shift_right_arithmetic3A_405 = vector.broadcast %shift_right_arithmetic3A_404 : i32 to vector<16xi32>
        %shift_right_arithmetic3A_406 = arith.shrsi %and3A_403, %shift_right_arithmetic3A_405 : vector<16xi32>
        %or3A_407 = arith.constant 262144 : i32
        %or3A_408 = vector.broadcast %or3A_407 : i32 to vector<16xi32>
        %or3A_409 = arith.ori %shift_right_arithmetic3A_406, %or3A_408 : vector<16xi32>
        %and3A_410 = arith.constant 3 : i32
        %and3A_411 = vector.broadcast %and3A_410 : i32 to vector<16xi32>
        %and3A_412 = arith.andi %and3A_403, %and3A_411 : vector<16xi32>
        %shift_left3A_413 = arith.constant 1 : i32
        %shift_left3A_414 = vector.broadcast %shift_left3A_413 : i32 to vector<16xi32>
        %shift_left3A_415 = arith.shli %and3A_412, %shift_left3A_414 : vector<16xi32>
        %add3A_416 = arith.constant 512 : i32
        %add3A_417 = vector.broadcast %add3A_416 : i32 to vector<16xi32>
        %add3A_418 = arith.addi %add3A_309, %add3A_417 : vector<16xi32>
        tpu.vector_store_idx %arg14[%add3A_418], %or3A_409 : memref<3072xi32, #tpu.memory_space<vmem>>[vector<16xi32>], vector<16xi32>,
        tpu.vector_store_idx %arg16[%add3A_418], %shift_left3A_415 : memref<3072xi32, #tpu.memory_space<vmem>>[vector<16xi32>], vector<16xi32>,
        %mul3A_419 = arith.constant 4.900000e+01 : f32
        %mul3A_420 = vector.broadcast %mul3A_419 : f32 to vector<16xf32>
        %mul3A_421 = arith.mulf %get3A_303, %mul3A_420 : vector<16xf32>
        %convert_element_type3A_422 = arith.fptosi %mul3A_421 : vector<16xf32> to vector<16xi32>
        %mul3A_423 = arith.constant 4.900000e+01 : f32
        %mul3A_424 = vector.broadcast %mul3A_423 : f32 to vector<16xf32>
        %mul3A_425 = arith.mulf %get3A_305, %mul3A_424 : vector<16xf32>
        %convert_element_type3A_426 = arith.fptosi %mul3A_425 : vector<16xf32> to vector<16xi32>
        %mul3A_427 = arith.constant 4.900000e+01 : f32
        %mul3A_428 = vector.broadcast %mul3A_427 : f32 to vector<16xf32>
        %mul3A_429 = arith.mulf %get3A_307, %mul3A_428 : vector<16xf32>
        %convert_element_type3A_430 = arith.fptosi %mul3A_429 : vector<16xf32> to vector<16xi32>
        %mul3A_431 = arith.constant -1640531535 : i32
        %mul3A_432 = vector.broadcast %mul3A_431 : i32 to vector<16xi32>
        %mul3A_433 = arith.muli %convert_element_type3A_426, %mul3A_432 : vector<16xi32>
        %xor3A_434 = arith.xori %convert_element_type3A_422, %mul3A_433 : vector<16xi32>
        %mul3A_435 = arith.constant 805459861 : i32
        %mul3A_436 = vector.broadcast %mul3A_435 : i32 to vector<16xi32>
        %mul3A_437 = arith.muli %convert_element_type3A_430, %mul3A_436 : vector<16xi32>
        %xor3A_438 = arith.xori %xor3A_434, %mul3A_437 : vector<16xi32>
        %and3A_439 = arith.constant 524287 : i32
        %and3A_440 = vector.broadcast %and3A_439 : i32 to vector<16xi32>
        %and3A_441 = arith.andi %xor3A_438, %and3A_440 : vector<16xi32>
        %shift_right_arithmetic3A_442 = arith.constant 2 : i32
        %shift_right_arithmetic3A_443 = vector.broadcast %shift_right_arithmetic3A_442 : i32 to vector<16xi32>
        %shift_right_arithmetic3A_444 = arith.shrsi %and3A_441, %shift_right_arithmetic3A_443 : vector<16xi32>
        %or3A_445 = arith.constant 393216 : i32
        %or3A_446 = vector.broadcast %or3A_445 : i32 to vector<16xi32>
        %or3A_447 = arith.ori %shift_right_arithmetic3A_444, %or3A_446 : vector<16xi32>
        %and3A_448 = arith.constant 3 : i32
        %and3A_449 = vector.broadcast %and3A_448 : i32 to vector<16xi32>
        %and3A_450 = arith.andi %and3A_441, %and3A_449 : vector<16xi32>
        %shift_left3A_451 = arith.constant 1 : i32
        %shift_left3A_452 = vector.broadcast %shift_left3A_451 : i32 to vector<16xi32>
        %shift_left3A_453 = arith.shli %and3A_450, %shift_left3A_452 : vector<16xi32>
        %add3A_454 = arith.constant 768 : i32
        %add3A_455 = vector.broadcast %add3A_454 : i32 to vector<16xi32>
        %add3A_456 = arith.addi %add3A_309, %add3A_455 : vector<16xi32>
        tpu.vector_store_idx %arg14[%add3A_456], %or3A_447 : memref<3072xi32, #tpu.memory_space<vmem>>[vector<16xi32>], vector<16xi32>,
        tpu.vector_store_idx %arg16[%add3A_456], %shift_left3A_453 : memref<3072xi32, #tpu.memory_space<vmem>>[vector<16xi32>], vector<16xi32>,
        %mul3A_457 = arith.constant 7.200000e+01 : f32
        %mul3A_458 = vector.broadcast %mul3A_457 : f32 to vector<16xf32>
        %mul3A_459 = arith.mulf %get3A_303, %mul3A_458 : vector<16xf32>
        %convert_element_type3A_460 = arith.fptosi %mul3A_459 : vector<16xf32> to vector<16xi32>
        %mul3A_461 = arith.constant 7.200000e+01 : f32
        %mul3A_462 = vector.broadcast %mul3A_461 : f32 to vector<16xf32>
        %mul3A_463 = arith.mulf %get3A_305, %mul3A_462 : vector<16xf32>
        %convert_element_type3A_464 = arith.fptosi %mul3A_463 : vector<16xf32> to vector<16xi32>
        %mul3A_465 = arith.constant 7.200000e+01 : f32
        %mul3A_466 = vector.broadcast %mul3A_465 : f32 to vector<16xf32>
        %mul3A_467 = arith.mulf %get3A_307, %mul3A_466 : vector<16xf32>
        %convert_element_type3A_468 = arith.fptosi %mul3A_467 : vector<16xf32> to vector<16xi32>
        %mul3A_469 = arith.constant -1640531535 : i32
        %mul3A_470 = vector.broadcast %mul3A_469 : i32 to vector<16xi32>
        %mul3A_471 = arith.muli %convert_element_type3A_464, %mul3A_470 : vector<16xi32>
        %xor3A_472 = arith.xori %convert_element_type3A_460, %mul3A_471 : vector<16xi32>
        %mul3A_473 = arith.constant 805459861 : i32
        %mul3A_474 = vector.broadcast %mul3A_473 : i32 to vector<16xi32>
        %mul3A_475 = arith.muli %convert_element_type3A_468, %mul3A_474 : vector<16xi32>
        %xor3A_476 = arith.xori %xor3A_472, %mul3A_475 : vector<16xi32>
        %and3A_477 = arith.constant 524287 : i32
        %and3A_478 = vector.broadcast %and3A_477 : i32 to vector<16xi32>
        %and3A_479 = arith.andi %xor3A_476, %and3A_478 : vector<16xi32>
        %shift_right_arithmetic3A_480 = arith.constant 2 : i32
        %shift_right_arithmetic3A_481 = vector.broadcast %shift_right_arithmetic3A_480 : i32 to vector<16xi32>
        %shift_right_arithmetic3A_482 = arith.shrsi %and3A_479, %shift_right_arithmetic3A_481 : vector<16xi32>
        %or3A_483 = arith.constant 524288 : i32
        %or3A_484 = vector.broadcast %or3A_483 : i32 to vector<16xi32>
        %or3A_485 = arith.ori %shift_right_arithmetic3A_482, %or3A_484 : vector<16xi32>
        %and3A_486 = arith.constant 3 : i32
        %and3A_487 = vector.broadcast %and3A_486 : i32 to vector<16xi32>
        %and3A_488 = arith.andi %and3A_479, %and3A_487 : vector<16xi32>
        %shift_left3A_489 = arith.constant 1 : i32
        %shift_left3A_490 = vector.broadcast %shift_left3A_489 : i32 to vector<16xi32>
        %shift_left3A_491 = arith.shli %and3A_488, %shift_left3A_490 : vector<16xi32>
        %add3A_492 = arith.constant 1024 : i32
        %add3A_493 = vector.broadcast %add3A_492 : i32 to vector<16xi32>
        %add3A_494 = arith.addi %add3A_309, %add3A_493 : vector<16xi32>
        tpu.vector_store_idx %arg14[%add3A_494], %or3A_485 : memref<3072xi32, #tpu.memory_space<vmem>>[vector<16xi32>], vector<16xi32>,
        tpu.vector_store_idx %arg16[%add3A_494], %shift_left3A_491 : memref<3072xi32, #tpu.memory_space<vmem>>[vector<16xi32>], vector<16xi32>,
        %mul3A_495 = arith.constant 1.050000e+02 : f32
        %mul3A_496 = vector.broadcast %mul3A_495 : f32 to vector<16xf32>
        %mul3A_497 = arith.mulf %get3A_303, %mul3A_496 : vector<16xf32>
        %convert_element_type3A_498 = arith.fptosi %mul3A_497 : vector<16xf32> to vector<16xi32>
        %mul3A_499 = arith.constant 1.050000e+02 : f32
        %mul3A_500 = vector.broadcast %mul3A_499 : f32 to vector<16xf32>
        %mul3A_501 = arith.mulf %get3A_305, %mul3A_500 : vector<16xf32>
        %convert_element_type3A_502 = arith.fptosi %mul3A_501 : vector<16xf32> to vector<16xi32>
        %mul3A_503 = arith.constant 1.050000e+02 : f32
        %mul3A_504 = vector.broadcast %mul3A_503 : f32 to vector<16xf32>
        %mul3A_505 = arith.mulf %get3A_307, %mul3A_504 : vector<16xf32>
        %convert_element_type3A_506 = arith.fptosi %mul3A_505 : vector<16xf32> to vector<16xi32>
        %mul3A_507 = arith.constant -1640531535 : i32
        %mul3A_508 = vector.broadcast %mul3A_507 : i32 to vector<16xi32>
        %mul3A_509 = arith.muli %convert_element_type3A_502, %mul3A_508 : vector<16xi32>
        %xor3A_510 = arith.xori %convert_element_type3A_498, %mul3A_509 : vector<16xi32>
        %mul3A_511 = arith.constant 805459861 : i32
        %mul3A_512 = vector.broadcast %mul3A_511 : i32 to vector<16xi32>
        %mul3A_513 = arith.muli %convert_element_type3A_506, %mul3A_512 : vector<16xi32>
        %xor3A_514 = arith.xori %xor3A_510, %mul3A_513 : vector<16xi32>
        %and3A_515 = arith.constant 524287 : i32
        %and3A_516 = vector.broadcast %and3A_515 : i32 to vector<16xi32>
        %and3A_517 = arith.andi %xor3A_514, %and3A_516 : vector<16xi32>
        %shift_right_arithmetic3A_518 = arith.constant 2 : i32
        %shift_right_arithmetic3A_519 = vector.broadcast %shift_right_arithmetic3A_518 : i32 to vector<16xi32>
        %shift_right_arithmetic3A_520 = arith.shrsi %and3A_517, %shift_right_arithmetic3A_519 : vector<16xi32>
        %or3A_521 = arith.constant 655360 : i32
        %or3A_522 = vector.broadcast %or3A_521 : i32 to vector<16xi32>
        %or3A_523 = arith.ori %shift_right_arithmetic3A_520, %or3A_522 : vector<16xi32>
        %and3A_524 = arith.constant 3 : i32
        %and3A_525 = vector.broadcast %and3A_524 : i32 to vector<16xi32>
        %and3A_526 = arith.andi %and3A_517, %and3A_525 : vector<16xi32>
        %shift_left3A_527 = arith.constant 1 : i32
        %shift_left3A_528 = vector.broadcast %shift_left3A_527 : i32 to vector<16xi32>
        %shift_left3A_529 = arith.shli %and3A_526, %shift_left3A_528 : vector<16xi32>
        %add3A_530 = arith.constant 1280 : i32
        %add3A_531 = vector.broadcast %add3A_530 : i32 to vector<16xi32>
        %add3A_532 = arith.addi %add3A_309, %add3A_531 : vector<16xi32>
        tpu.vector_store_idx %arg14[%add3A_532], %or3A_523 : memref<3072xi32, #tpu.memory_space<vmem>>[vector<16xi32>], vector<16xi32>,
        tpu.vector_store_idx %arg16[%add3A_532], %shift_left3A_529 : memref<3072xi32, #tpu.memory_space<vmem>>[vector<16xi32>], vector<16xi32>,
        %mul3A_533 = arith.constant 1.540000e+02 : f32
        %mul3A_534 = vector.broadcast %mul3A_533 : f32 to vector<16xf32>
        %mul3A_535 = arith.mulf %get3A_303, %mul3A_534 : vector<16xf32>
        %convert_element_type3A_536 = arith.fptosi %mul3A_535 : vector<16xf32> to vector<16xi32>
        %mul3A_537 = arith.constant 1.540000e+02 : f32
        %mul3A_538 = vector.broadcast %mul3A_537 : f32 to vector<16xf32>
        %mul3A_539 = arith.mulf %get3A_305, %mul3A_538 : vector<16xf32>
        %convert_element_type3A_540 = arith.fptosi %mul3A_539 : vector<16xf32> to vector<16xi32>
        %mul3A_541 = arith.constant 1.540000e+02 : f32
        %mul3A_542 = vector.broadcast %mul3A_541 : f32 to vector<16xf32>
        %mul3A_543 = arith.mulf %get3A_307, %mul3A_542 : vector<16xf32>
        %convert_element_type3A_544 = arith.fptosi %mul3A_543 : vector<16xf32> to vector<16xi32>
        %mul3A_545 = arith.constant -1640531535 : i32
        %mul3A_546 = vector.broadcast %mul3A_545 : i32 to vector<16xi32>
        %mul3A_547 = arith.muli %convert_element_type3A_540, %mul3A_546 : vector<16xi32>
        %xor3A_548 = arith.xori %convert_element_type3A_536, %mul3A_547 : vector<16xi32>
        %mul3A_549 = arith.constant 805459861 : i32
        %mul3A_550 = vector.broadcast %mul3A_549 : i32 to vector<16xi32>
        %mul3A_551 = arith.muli %convert_element_type3A_544, %mul3A_550 : vector<16xi32>
        %xor3A_552 = arith.xori %xor3A_548, %mul3A_551 : vector<16xi32>
        %and3A_553 = arith.constant 524287 : i32
        %and3A_554 = vector.broadcast %and3A_553 : i32 to vector<16xi32>
        %and3A_555 = arith.andi %xor3A_552, %and3A_554 : vector<16xi32>
        %shift_right_arithmetic3A_556 = arith.constant 2 : i32
        %shift_right_arithmetic3A_557 = vector.broadcast %shift_right_arithmetic3A_556 : i32 to vector<16xi32>
        %shift_right_arithmetic3A_558 = arith.shrsi %and3A_555, %shift_right_arithmetic3A_557 : vector<16xi32>
        %or3A_559 = arith.constant 786432 : i32
        %or3A_560 = vector.broadcast %or3A_559 : i32 to vector<16xi32>
        %or3A_561 = arith.ori %shift_right_arithmetic3A_558, %or3A_560 : vector<16xi32>
        %and3A_562 = arith.constant 3 : i32
        %and3A_563 = vector.broadcast %and3A_562 : i32 to vector<16xi32>
        %and3A_564 = arith.andi %and3A_555, %and3A_563 : vector<16xi32>
        %shift_left3A_565 = arith.constant 1 : i32
        %shift_left3A_566 = vector.broadcast %shift_left3A_565 : i32 to vector<16xi32>
        %shift_left3A_567 = arith.shli %and3A_564, %shift_left3A_566 : vector<16xi32>
        %add3A_568 = arith.constant 1536 : i32
        %add3A_569 = vector.broadcast %add3A_568 : i32 to vector<16xi32>
        %add3A_570 = arith.addi %add3A_309, %add3A_569 : vector<16xi32>
        tpu.vector_store_idx %arg14[%add3A_570], %or3A_561 : memref<3072xi32, #tpu.memory_space<vmem>>[vector<16xi32>], vector<16xi32>,
        tpu.vector_store_idx %arg16[%add3A_570], %shift_left3A_567 : memref<3072xi32, #tpu.memory_space<vmem>>[vector<16xi32>], vector<16xi32>,
        %mul3A_571 = arith.constant 2.250000e+02 : f32
        %mul3A_572 = vector.broadcast %mul3A_571 : f32 to vector<16xf32>
        %mul3A_573 = arith.mulf %get3A_303, %mul3A_572 : vector<16xf32>
        %convert_element_type3A_574 = arith.fptosi %mul3A_573 : vector<16xf32> to vector<16xi32>
        %mul3A_575 = arith.constant 2.250000e+02 : f32
        %mul3A_576 = vector.broadcast %mul3A_575 : f32 to vector<16xf32>
        %mul3A_577 = arith.mulf %get3A_305, %mul3A_576 : vector<16xf32>
        %convert_element_type3A_578 = arith.fptosi %mul3A_577 : vector<16xf32> to vector<16xi32>
        %mul3A_579 = arith.constant 2.250000e+02 : f32
        %mul3A_580 = vector.broadcast %mul3A_579 : f32 to vector<16xf32>
        %mul3A_581 = arith.mulf %get3A_307, %mul3A_580 : vector<16xf32>
        %convert_element_type3A_582 = arith.fptosi %mul3A_581 : vector<16xf32> to vector<16xi32>
        %mul3A_583 = arith.constant -1640531535 : i32
        %mul3A_584 = vector.broadcast %mul3A_583 : i32 to vector<16xi32>
        %mul3A_585 = arith.muli %convert_element_type3A_578, %mul3A_584 : vector<16xi32>
        %xor3A_586 = arith.xori %convert_element_type3A_574, %mul3A_585 : vector<16xi32>
        %mul3A_587 = arith.constant 805459861 : i32
        %mul3A_588 = vector.broadcast %mul3A_587 : i32 to vector<16xi32>
        %mul3A_589 = arith.muli %convert_element_type3A_582, %mul3A_588 : vector<16xi32>
        %xor3A_590 = arith.xori %xor3A_586, %mul3A_589 : vector<16xi32>
        %and3A_591 = arith.constant 524287 : i32
        %and3A_592 = vector.broadcast %and3A_591 : i32 to vector<16xi32>
        %and3A_593 = arith.andi %xor3A_590, %and3A_592 : vector<16xi32>
        %shift_right_arithmetic3A_594 = arith.constant 2 : i32
        %shift_right_arithmetic3A_595 = vector.broadcast %shift_right_arithmetic3A_594 : i32 to vector<16xi32>
        %shift_right_arithmetic3A_596 = arith.shrsi %and3A_593, %shift_right_arithmetic3A_595 : vector<16xi32>
        %or3A_597 = arith.constant 917504 : i32
        %or3A_598 = vector.broadcast %or3A_597 : i32 to vector<16xi32>
        %or3A_599 = arith.ori %shift_right_arithmetic3A_596, %or3A_598 : vector<16xi32>
        %and3A_600 = arith.constant 3 : i32
        %and3A_601 = vector.broadcast %and3A_600 : i32 to vector<16xi32>
        %and3A_602 = arith.andi %and3A_593, %and3A_601 : vector<16xi32>
        %shift_left3A_603 = arith.constant 1 : i32
        %shift_left3A_604 = vector.broadcast %shift_left3A_603 : i32 to vector<16xi32>
        %shift_left3A_605 = arith.shli %and3A_602, %shift_left3A_604 : vector<16xi32>
        %add3A_606 = arith.constant 1792 : i32
        %add3A_607 = vector.broadcast %add3A_606 : i32 to vector<16xi32>
        %add3A_608 = arith.addi %add3A_309, %add3A_607 : vector<16xi32>
        tpu.vector_store_idx %arg14[%add3A_608], %or3A_599 : memref<3072xi32, #tpu.memory_space<vmem>>[vector<16xi32>], vector<16xi32>,
        tpu.vector_store_idx %arg16[%add3A_608], %shift_left3A_605 : memref<3072xi32, #tpu.memory_space<vmem>>[vector<16xi32>], vector<16xi32>,
        %mul3A_609 = arith.constant 3.290000e+02 : f32
        %mul3A_610 = vector.broadcast %mul3A_609 : f32 to vector<16xf32>
        %mul3A_611 = arith.mulf %get3A_303, %mul3A_610 : vector<16xf32>
        %convert_element_type3A_612 = arith.fptosi %mul3A_611 : vector<16xf32> to vector<16xi32>
        %mul3A_613 = arith.constant 3.290000e+02 : f32
        %mul3A_614 = vector.broadcast %mul3A_613 : f32 to vector<16xf32>
        %mul3A_615 = arith.mulf %get3A_305, %mul3A_614 : vector<16xf32>
        %convert_element_type3A_616 = arith.fptosi %mul3A_615 : vector<16xf32> to vector<16xi32>
        %mul3A_617 = arith.constant 3.290000e+02 : f32
        %mul3A_618 = vector.broadcast %mul3A_617 : f32 to vector<16xf32>
        %mul3A_619 = arith.mulf %get3A_307, %mul3A_618 : vector<16xf32>
        %convert_element_type3A_620 = arith.fptosi %mul3A_619 : vector<16xf32> to vector<16xi32>
        %mul3A_621 = arith.constant -1640531535 : i32
        %mul3A_622 = vector.broadcast %mul3A_621 : i32 to vector<16xi32>
        %mul3A_623 = arith.muli %convert_element_type3A_616, %mul3A_622 : vector<16xi32>
        %xor3A_624 = arith.xori %convert_element_type3A_612, %mul3A_623 : vector<16xi32>
        %mul3A_625 = arith.constant 805459861 : i32
        %mul3A_626 = vector.broadcast %mul3A_625 : i32 to vector<16xi32>
        %mul3A_627 = arith.muli %convert_element_type3A_620, %mul3A_626 : vector<16xi32>
        %xor3A_628 = arith.xori %xor3A_624, %mul3A_627 : vector<16xi32>
        %and3A_629 = arith.constant 524287 : i32
        %and3A_630 = vector.broadcast %and3A_629 : i32 to vector<16xi32>
        %and3A_631 = arith.andi %xor3A_628, %and3A_630 : vector<16xi32>
        %shift_right_arithmetic3A_632 = arith.constant 2 : i32
        %shift_right_arithmetic3A_633 = vector.broadcast %shift_right_arithmetic3A_632 : i32 to vector<16xi32>
        %shift_right_arithmetic3A_634 = arith.shrsi %and3A_631, %shift_right_arithmetic3A_633 : vector<16xi32>
        %or3A_635 = arith.constant 1048576 : i32
        %or3A_636 = vector.broadcast %or3A_635 : i32 to vector<16xi32>
        %or3A_637 = arith.ori %shift_right_arithmetic3A_634, %or3A_636 : vector<16xi32>
        %and3A_638 = arith.constant 3 : i32
        %and3A_639 = vector.broadcast %and3A_638 : i32 to vector<16xi32>
        %and3A_640 = arith.andi %and3A_631, %and3A_639 : vector<16xi32>
        %shift_left3A_641 = arith.constant 1 : i32
        %shift_left3A_642 = vector.broadcast %shift_left3A_641 : i32 to vector<16xi32>
        %shift_left3A_643 = arith.shli %and3A_640, %shift_left3A_642 : vector<16xi32>
        %add3A_644 = arith.constant 2048 : i32
        %add3A_645 = vector.broadcast %add3A_644 : i32 to vector<16xi32>
        %add3A_646 = arith.addi %add3A_309, %add3A_645 : vector<16xi32>
        tpu.vector_store_idx %arg14[%add3A_646], %or3A_637 : memref<3072xi32, #tpu.memory_space<vmem>>[vector<16xi32>], vector<16xi32>,
        tpu.vector_store_idx %arg16[%add3A_646], %shift_left3A_643 : memref<3072xi32, #tpu.memory_space<vmem>>[vector<16xi32>], vector<16xi32>,
        %mul3A_647 = arith.constant 4.800000e+02 : f32
        %mul3A_648 = vector.broadcast %mul3A_647 : f32 to vector<16xf32>
        %mul3A_649 = arith.mulf %get3A_303, %mul3A_648 : vector<16xf32>
        %convert_element_type3A_650 = arith.fptosi %mul3A_649 : vector<16xf32> to vector<16xi32>
        %mul3A_651 = arith.constant 4.800000e+02 : f32
        %mul3A_652 = vector.broadcast %mul3A_651 : f32 to vector<16xf32>
        %mul3A_653 = arith.mulf %get3A_305, %mul3A_652 : vector<16xf32>
        %convert_element_type3A_654 = arith.fptosi %mul3A_653 : vector<16xf32> to vector<16xi32>
        %mul3A_655 = arith.constant 4.800000e+02 : f32
        %mul3A_656 = vector.broadcast %mul3A_655 : f32 to vector<16xf32>
        %mul3A_657 = arith.mulf %get3A_307, %mul3A_656 : vector<16xf32>
        %convert_element_type3A_658 = arith.fptosi %mul3A_657 : vector<16xf32> to vector<16xi32>
        %mul3A_659 = arith.constant -1640531535 : i32
        %mul3A_660 = vector.broadcast %mul3A_659 : i32 to vector<16xi32>
        %mul3A_661 = arith.muli %convert_element_type3A_654, %mul3A_660 : vector<16xi32>
        %xor3A_662 = arith.xori %convert_element_type3A_650, %mul3A_661 : vector<16xi32>
        %mul3A_663 = arith.constant 805459861 : i32
        %mul3A_664 = vector.broadcast %mul3A_663 : i32 to vector<16xi32>
        %mul3A_665 = arith.muli %convert_element_type3A_658, %mul3A_664 : vector<16xi32>
        %xor3A_666 = arith.xori %xor3A_662, %mul3A_665 : vector<16xi32>
        %and3A_667 = arith.constant 524287 : i32
        %and3A_668 = vector.broadcast %and3A_667 : i32 to vector<16xi32>
        %and3A_669 = arith.andi %xor3A_666, %and3A_668 : vector<16xi32>
        %shift_right_arithmetic3A_670 = arith.constant 2 : i32
        %shift_right_arithmetic3A_671 = vector.broadcast %shift_right_arithmetic3A_670 : i32 to vector<16xi32>
        %shift_right_arithmetic3A_672 = arith.shrsi %and3A_669, %shift_right_arithmetic3A_671 : vector<16xi32>
        %or3A_673 = arith.constant 1179648 : i32
        %or3A_674 = vector.broadcast %or3A_673 : i32 to vector<16xi32>
        %or3A_675 = arith.ori %shift_right_arithmetic3A_672, %or3A_674 : vector<16xi32>
        %and3A_676 = arith.constant 3 : i32
        %and3A_677 = vector.broadcast %and3A_676 : i32 to vector<16xi32>
        %and3A_678 = arith.andi %and3A_669, %and3A_677 : vector<16xi32>
        %shift_left3A_679 = arith.constant 1 : i32
        %shift_left3A_680 = vector.broadcast %shift_left3A_679 : i32 to vector<16xi32>
        %shift_left3A_681 = arith.shli %and3A_678, %shift_left3A_680 : vector<16xi32>
        %add3A_682 = arith.constant 2304 : i32
        %add3A_683 = vector.broadcast %add3A_682 : i32 to vector<16xi32>
        %add3A_684 = arith.addi %add3A_309, %add3A_683 : vector<16xi32>
        tpu.vector_store_idx %arg14[%add3A_684], %or3A_675 : memref<3072xi32, #tpu.memory_space<vmem>>[vector<16xi32>], vector<16xi32>,
        tpu.vector_store_idx %arg16[%add3A_684], %shift_left3A_681 : memref<3072xi32, #tpu.memory_space<vmem>>[vector<16xi32>], vector<16xi32>,
        %mul3A_685 = arith.constant 7.010000e+02 : f32
        %mul3A_686 = vector.broadcast %mul3A_685 : f32 to vector<16xf32>
        %mul3A_687 = arith.mulf %get3A_303, %mul3A_686 : vector<16xf32>
        %convert_element_type3A_688 = arith.fptosi %mul3A_687 : vector<16xf32> to vector<16xi32>
        %mul3A_689 = arith.constant 7.010000e+02 : f32
        %mul3A_690 = vector.broadcast %mul3A_689 : f32 to vector<16xf32>
        %mul3A_691 = arith.mulf %get3A_305, %mul3A_690 : vector<16xf32>
        %convert_element_type3A_692 = arith.fptosi %mul3A_691 : vector<16xf32> to vector<16xi32>
        %mul3A_693 = arith.constant 7.010000e+02 : f32
        %mul3A_694 = vector.broadcast %mul3A_693 : f32 to vector<16xf32>
        %mul3A_695 = arith.mulf %get3A_307, %mul3A_694 : vector<16xf32>
        %convert_element_type3A_696 = arith.fptosi %mul3A_695 : vector<16xf32> to vector<16xi32>
        %mul3A_697 = arith.constant -1640531535 : i32
        %mul3A_698 = vector.broadcast %mul3A_697 : i32 to vector<16xi32>
        %mul3A_699 = arith.muli %convert_element_type3A_692, %mul3A_698 : vector<16xi32>
        %xor3A_700 = arith.xori %convert_element_type3A_688, %mul3A_699 : vector<16xi32>
        %mul3A_701 = arith.constant 805459861 : i32
        %mul3A_702 = vector.broadcast %mul3A_701 : i32 to vector<16xi32>
        %mul3A_703 = arith.muli %convert_element_type3A_696, %mul3A_702 : vector<16xi32>
        %xor3A_704 = arith.xori %xor3A_700, %mul3A_703 : vector<16xi32>
        %and3A_705 = arith.constant 524287 : i32
        %and3A_706 = vector.broadcast %and3A_705 : i32 to vector<16xi32>
        %and3A_707 = arith.andi %xor3A_704, %and3A_706 : vector<16xi32>
        %shift_right_arithmetic3A_708 = arith.constant 2 : i32
        %shift_right_arithmetic3A_709 = vector.broadcast %shift_right_arithmetic3A_708 : i32 to vector<16xi32>
        %shift_right_arithmetic3A_710 = arith.shrsi %and3A_707, %shift_right_arithmetic3A_709 : vector<16xi32>
        %or3A_711 = arith.constant 1310720 : i32
        %or3A_712 = vector.broadcast %or3A_711 : i32 to vector<16xi32>
        %or3A_713 = arith.ori %shift_right_arithmetic3A_710, %or3A_712 : vector<16xi32>
        %and3A_714 = arith.constant 3 : i32
        %and3A_715 = vector.broadcast %and3A_714 : i32 to vector<16xi32>
        %and3A_716 = arith.andi %and3A_707, %and3A_715 : vector<16xi32>
        %shift_left3A_717 = arith.constant 1 : i32
        %shift_left3A_718 = vector.broadcast %shift_left3A_717 : i32 to vector<16xi32>
        %shift_left3A_719 = arith.shli %and3A_716, %shift_left3A_718 : vector<16xi32>
        %add3A_720 = arith.constant 2560 : i32
        %add3A_721 = vector.broadcast %add3A_720 : i32 to vector<16xi32>
        %add3A_722 = arith.addi %add3A_309, %add3A_721 : vector<16xi32>
        tpu.vector_store_idx %arg14[%add3A_722], %or3A_713 : memref<3072xi32, #tpu.memory_space<vmem>>[vector<16xi32>], vector<16xi32>,
        tpu.vector_store_idx %arg16[%add3A_722], %shift_left3A_719 : memref<3072xi32, #tpu.memory_space<vmem>>[vector<16xi32>], vector<16xi32>,
        %mul3A_723 = arith.constant 1.024000e+03 : f32
        %mul3A_724 = vector.broadcast %mul3A_723 : f32 to vector<16xf32>
        %mul3A_725 = arith.mulf %get3A_303, %mul3A_724 : vector<16xf32>
        %convert_element_type3A_726 = arith.fptosi %mul3A_725 : vector<16xf32> to vector<16xi32>
        %mul3A_727 = arith.constant 1.024000e+03 : f32
        %mul3A_728 = vector.broadcast %mul3A_727 : f32 to vector<16xf32>
        %mul3A_729 = arith.mulf %get3A_305, %mul3A_728 : vector<16xf32>
        %convert_element_type3A_730 = arith.fptosi %mul3A_729 : vector<16xf32> to vector<16xi32>
        %mul3A_731 = arith.constant 1.024000e+03 : f32
        %mul3A_732 = vector.broadcast %mul3A_731 : f32 to vector<16xf32>
        %mul3A_733 = arith.mulf %get3A_307, %mul3A_732 : vector<16xf32>
        %convert_element_type3A_734 = arith.fptosi %mul3A_733 : vector<16xf32> to vector<16xi32>
        %mul3A_735 = arith.constant -1640531535 : i32
        %mul3A_736 = vector.broadcast %mul3A_735 : i32 to vector<16xi32>
        %mul3A_737 = arith.muli %convert_element_type3A_730, %mul3A_736 : vector<16xi32>
        %xor3A_738 = arith.xori %convert_element_type3A_726, %mul3A_737 : vector<16xi32>
        %mul3A_739 = arith.constant 805459861 : i32
        %mul3A_740 = vector.broadcast %mul3A_739 : i32 to vector<16xi32>
        %mul3A_741 = arith.muli %convert_element_type3A_734, %mul3A_740 : vector<16xi32>
        %xor3A_742 = arith.xori %xor3A_738, %mul3A_741 : vector<16xi32>
        %and3A_743 = arith.constant 524287 : i32
        %and3A_744 = vector.broadcast %and3A_743 : i32 to vector<16xi32>
        %and3A_745 = arith.andi %xor3A_742, %and3A_744 : vector<16xi32>
        %shift_right_arithmetic3A_746 = arith.constant 2 : i32
        %shift_right_arithmetic3A_747 = vector.broadcast %shift_right_arithmetic3A_746 : i32 to vector<16xi32>
        %shift_right_arithmetic3A_748 = arith.shrsi %and3A_745, %shift_right_arithmetic3A_747 : vector<16xi32>
        %or3A_749 = arith.constant 1441792 : i32
        %or3A_750 = vector.broadcast %or3A_749 : i32 to vector<16xi32>
        %or3A_751 = arith.ori %shift_right_arithmetic3A_748, %or3A_750 : vector<16xi32>
        %and3A_752 = arith.constant 3 : i32
        %and3A_753 = vector.broadcast %and3A_752 : i32 to vector<16xi32>
        %and3A_754 = arith.andi %and3A_745, %and3A_753 : vector<16xi32>
        %shift_left3A_755 = arith.constant 1 : i32
        %shift_left3A_756 = vector.broadcast %shift_left3A_755 : i32 to vector<16xi32>
        %shift_left3A_757 = arith.shli %and3A_754, %shift_left3A_756 : vector<16xi32>
        %add3A_758 = arith.constant 2816 : i32
        %add3A_759 = vector.broadcast %add3A_758 : i32 to vector<16xi32>
        %add3A_760 = arith.addi %add3A_309, %add3A_759 : vector<16xi32>
        tpu.vector_store_idx %arg14[%add3A_760], %or3A_751 : memref<3072xi32, #tpu.memory_space<vmem>>[vector<16xi32>], vector<16xi32>,
        tpu.vector_store_idx %arg16[%add3A_760], %shift_left3A_757 : memref<3072xi32, #tpu.memory_space<vmem>>[vector<16xi32>], vector<16xi32>,
      }
      %dma_wait3A_157 = arith.constant 0 : i32
      %dma_wait3A_158 = arith.constant 0 : i32
      %dma_wait3A_159 = tpu.memref_slice %arg5[%dma_wait3A_157, %dma_wait3A_158] : memref<1572864x8xf32, #tpu.memory_space<hbm>> -> memref<1572864x8xf32, #tpu.memory_space<hbm>>
      tpu.wait_indirect_dma semaphore(%arg21 : memref<!tpu.dma_semaphore, #tpu.memory_space<semaphore_mem>>) src(%dma_wait3A_159 : memref<1572864x8xf32, #tpu.memory_space<hbm>>) dst(%arg17 : memref<3072x8xf32, #tpu.memory_space<vmem>>)
      %convert_element_type3A_160 = arith.extui %gt3A : i1 to i32
      %cond3A_161 = arith.constant 0 : i32
      %cond3A_162 = arith.cmpi ne, %convert_element_type3A_160, %cond3A_161 : i32
      scf.if %cond3A_162 {
        %sub3A_300 = arith.constant 256 : i32
        %sub3A_301 = arith.subi %add3A_123, %sub3A_300 : i32
        %mul3A_302 = arith.constant 8 : i32
        %mul3A_303 = arith.muli %sub3A_301, %mul3A_302 : i32
        %add3A_304 = arith.constant 0 : i32
        %add3A_305 = arith.addi %mul3A_303, %add3A_304 : i32
        %mul3A_306 = arith.constant 8 : i32
        %mul3A_307 = arith.muli %sub3A_301, %mul3A_306 : i32
        %add3A_308 = arith.constant 8388608 : i32
        %add3A_309 = arith.addi %mul3A_307, %add3A_308 : i32
        %mul3A_310 = arith.constant 8 : i32
        %mul3A_311 = arith.muli %sub3A_301, %mul3A_310 : i32
        %add3A_312 = arith.constant 16777216 : i32
        %add3A_313 = arith.addi %mul3A_311, %add3A_312 : i32
        %dma_wait3A_314 = arith.constant 0 : i32
        %dma_wait3A_315 = tpu.memref_slice %arg20[%dma_wait3A_314] : memref<6144xf32, #tpu.memory_space<vmem>> -> memref<2048xf32, #tpu.memory_space<vmem>>
        %dma_wait3A_316 = tpu.memref_slice %arg6[%add3A_305] : memref<25165824xf32, #tpu.memory_space<hbm>> -> memref<2048xf32, #tpu.memory_space<hbm>>
        %dma_wait3A_317 = tpu.memref_slice %arg6[%add3A_305] : memref<25165824xf32, #tpu.memory_space<hbm>> -> memref<2048xf32, #tpu.memory_space<hbm>>
        %dma_wait3A_318 = arith.constant 0 : i32
        %dma_wait3A_319 = tpu.memref_slice %arg20[%dma_wait3A_318] : memref<6144xf32, #tpu.memory_space<vmem>> -> memref<2048xf32, #tpu.memory_space<vmem>>
        tpu.wait_dma2 semaphore(%arg24 : memref<!tpu.dma_semaphore, #tpu.memory_space<semaphore_mem>>) src(%dma_wait3A_319 : memref<2048xf32, #tpu.memory_space<vmem>>) dst(%dma_wait3A_317 : memref<2048xf32, #tpu.memory_space<hbm>>)
        %dma_wait3A_320 = arith.constant 2048 : i32
        %dma_wait3A_321 = tpu.memref_slice %arg20[%dma_wait3A_320] : memref<6144xf32, #tpu.memory_space<vmem>> -> memref<2048xf32, #tpu.memory_space<vmem>>
        %dma_wait3A_322 = tpu.memref_slice %arg6[%add3A_309] : memref<25165824xf32, #tpu.memory_space<hbm>> -> memref<2048xf32, #tpu.memory_space<hbm>>
        %dma_wait3A_323 = tpu.memref_slice %arg6[%add3A_309] : memref<25165824xf32, #tpu.memory_space<hbm>> -> memref<2048xf32, #tpu.memory_space<hbm>>
        %dma_wait3A_324 = arith.constant 2048 : i32
        %dma_wait3A_325 = tpu.memref_slice %arg20[%dma_wait3A_324] : memref<6144xf32, #tpu.memory_space<vmem>> -> memref<2048xf32, #tpu.memory_space<vmem>>
        tpu.wait_dma2 semaphore(%arg24 : memref<!tpu.dma_semaphore, #tpu.memory_space<semaphore_mem>>) src(%dma_wait3A_325 : memref<2048xf32, #tpu.memory_space<vmem>>) dst(%dma_wait3A_323 : memref<2048xf32, #tpu.memory_space<hbm>>)
        %dma_wait3A_326 = arith.constant 4096 : i32
        %dma_wait3A_327 = tpu.memref_slice %arg20[%dma_wait3A_326] : memref<6144xf32, #tpu.memory_space<vmem>> -> memref<2048xf32, #tpu.memory_space<vmem>>
        %dma_wait3A_328 = tpu.memref_slice %arg6[%add3A_313] : memref<25165824xf32, #tpu.memory_space<hbm>> -> memref<2048xf32, #tpu.memory_space<hbm>>
        %dma_wait3A_329 = tpu.memref_slice %arg6[%add3A_313] : memref<25165824xf32, #tpu.memory_space<hbm>> -> memref<2048xf32, #tpu.memory_space<hbm>>
        %dma_wait3A_330 = arith.constant 4096 : i32
        %dma_wait3A_331 = tpu.memref_slice %arg20[%dma_wait3A_330] : memref<6144xf32, #tpu.memory_space<vmem>> -> memref<2048xf32, #tpu.memory_space<vmem>>
        tpu.wait_dma2 semaphore(%arg24 : memref<!tpu.dma_semaphore, #tpu.memory_space<semaphore_mem>>) src(%dma_wait3A_331 : memref<2048xf32, #tpu.memory_space<vmem>>) dst(%dma_wait3A_329 : memref<2048xf32, #tpu.memory_space<hbm>>)
      } else {
      }
      %dma_start3A_163 = arith.constant 0 : i32
      %dma_start3A_164 = arith.constant 0 : i32
      %dma_start3A_165 = tpu.memref_slice %arg5[%dma_start3A_163, %dma_start3A_164] : memref<1572864x8xf32, #tpu.memory_space<hbm>> -> memref<1572864x8xf32, #tpu.memory_space<hbm>>
      tpu.enqueue_indirect_dma source(%dma_start3A_165 : memref<1572864x8xf32, #tpu.memory_space<hbm>>) target(%arg18 : memref<3072x8xf32, #tpu.memory_space<vmem>>) offsets(%arg14 : memref<3072xi32, #tpu.memory_space<vmem>>) semaphore(%arg22 : memref<!tpu.dma_semaphore, #tpu.memory_space<semaphore_mem>>)
      %sub3A_166 = arith.constant 3072 : i32
      %sub3A_167 = arith.subi %sub3A_166, %mul3A_4 : i32
      %sub3A_168 = arith.constant 16 : i32
      %sub3A_169 = arith.constant 1 : i32
      %sub3A_170 = arith.subi %sub3A_168, %sub3A_169 : i32
      %add3A_171 = arith.addi %sub3A_167, %sub3A_170 : i32
      %div3A_172 = arith.constant 16 : i32
      %div3A_173 = arith.divsi %add3A_171, %div3A_172 : i32
      %while3A_174 = arith.constant 16 : i32
      %while3A_175 = arith.constant 0 : i32
      %while3A_176 = arith.subi %div3A_173, %while3A_175 : i32
      %while3A_177 = arith.addi %while3A_175, %while3A_176 : i32
      %while3A_178 = arith.constant 1 : i32
      %while3A_179 = arith.divsi %while3A_176, %while3A_178 : i32
      %while3A_180 = arith.muli %while3A_179, %while3A_178 : i32
      %while3A_181 = arith.addi %while3A_175, %while3A_180 : i32
      %while3A_182 = arith.constant 1 : i32
      scf.for %while3A_300 = %while3A_175 to %while3A_181 step %while3A_182  : i32 {
        %mul3A_301 = arith.muli %while3A_300, %while3A_174 : i32
        %add3A_302 = arith.addi %mul3A_4, %mul3A_301 : i32
        %get3A = arith.index_cast %add3A_302 : i32 to index
        %get3A_303 = tpu.vector_load %arg15[%get3A] {strides = array<i32>} : memref<3072xi32, #tpu.memory_space<vmem>>, vector<16xi32>,
        %add3A_304 = vector.broadcast %add3A_302 : i32 to vector<16xi32>
        %add3A_305 = arith.addi %iota3A, %add3A_304 : vector<16xi32>
        %gather3A = tpu.vector_load_idx %arg17[%add3A_305, %get3A_303] : memref<3072x8xf32, #tpu.memory_space<vmem>>[vector<16xi32>, vector<16xi32>], vector<16xf32>,
        %add3A_306 = arith.constant 1 : i32
        %add3A_307 = vector.broadcast %add3A_306 : i32 to vector<16xi32>
        %add3A_308 = arith.addi %get3A_303, %add3A_307 : vector<16xi32>
        %gather3A_309 = tpu.vector_load_idx %arg17[%add3A_305, %add3A_308] : memref<3072x8xf32, #tpu.memory_space<vmem>>[vector<16xi32>, vector<16xi32>], vector<16xf32>,
        %shift_right_arithmetic3A = arith.constant 10 : i32
        %shift_right_arithmetic3A_310 = arith.shrsi %add3A_302, %shift_right_arithmetic3A : i32
        %shift_left3A = arith.constant 11 : i32
        %shift_left3A_311 = arith.shli %shift_right_arithmetic3A_310, %shift_left3A : i32
        %shift_right_arithmetic3A_312 = arith.constant 7 : i32
        %shift_right_arithmetic3A_313 = arith.shrsi %add3A_302, %shift_right_arithmetic3A_312 : i32
        %and3A = arith.constant 1 : i32
        %and3A_314 = arith.andi %shift_right_arithmetic3A_313, %and3A : i32
        %shift_left3A_315 = arith.constant 10 : i32
        %shift_left3A_316 = arith.shli %and3A_314, %shift_left3A_315 : i32
        %or3A = arith.ori %shift_left3A_311, %shift_left3A_316 : i32
        %shift_right_arithmetic3A_317 = arith.constant 8 : i32
        %shift_right_arithmetic3A_318 = arith.shrsi %add3A_302, %shift_right_arithmetic3A_317 : i32
        %and3A_319 = arith.constant 3 : i32
        %and3A_320 = arith.andi %shift_right_arithmetic3A_318, %and3A_319 : i32
        %shift_left3A_321 = arith.constant 8 : i32
        %shift_left3A_322 = arith.shli %and3A_320, %shift_left3A_321 : i32
        %or3A_323 = arith.ori %or3A, %shift_left3A_322 : i32
        %and3A_324 = arith.constant 127 : i32
        %and3A_325 = arith.andi %add3A_302, %and3A_324 : i32
        %or3A_326 = arith.ori %or3A_323, %and3A_325 : i32
        %add3A_327 = vector.broadcast %or3A_326 : i32 to vector<16xi32>
        %add3A_328 = arith.addi %iota3A, %add3A_327 : vector<16xi32>
        tpu.vector_store_idx %arg19[%add3A_328], %gather3A : memref<6144xf32, #tpu.memory_space<vmem>>[vector<16xi32>], vector<16xf32>,
        %add3A_329 = arith.constant 128 : i32
        %add3A_330 = vector.broadcast %add3A_329 : i32 to vector<16xi32>
        %add3A_331 = arith.addi %add3A_328, %add3A_330 : vector<16xi32>
        tpu.vector_store_idx %arg19[%add3A_331], %gather3A_309 : memref<6144xf32, #tpu.memory_space<vmem>>[vector<16xi32>], vector<16xf32>,
      }
      %while3A_183 = arith.constant 1 : i32
      scf.for %while3A_300 = %while3A_181 to %while3A_177 step %while3A_183  : i32 {
        %mul3A_301 = arith.muli %while3A_300, %while3A_174 : i32
        %add3A_302 = arith.addi %mul3A_4, %mul3A_301 : i32
        %get3A = arith.index_cast %add3A_302 : i32 to index
        %get3A_303 = tpu.vector_load %arg15[%get3A] {strides = array<i32>} : memref<3072xi32, #tpu.memory_space<vmem>>, vector<16xi32>,
        %add3A_304 = vector.broadcast %add3A_302 : i32 to vector<16xi32>
        %add3A_305 = arith.addi %iota3A, %add3A_304 : vector<16xi32>
        %gather3A = tpu.vector_load_idx %arg17[%add3A_305, %get3A_303] : memref<3072x8xf32, #tpu.memory_space<vmem>>[vector<16xi32>, vector<16xi32>], vector<16xf32>,
        %add3A_306 = arith.constant 1 : i32
        %add3A_307 = vector.broadcast %add3A_306 : i32 to vector<16xi32>
        %add3A_308 = arith.addi %get3A_303, %add3A_307 : vector<16xi32>
        %gather3A_309 = tpu.vector_load_idx %arg17[%add3A_305, %add3A_308] : memref<3072x8xf32, #tpu.memory_space<vmem>>[vector<16xi32>, vector<16xi32>], vector<16xf32>,
        %shift_right_arithmetic3A = arith.constant 10 : i32
        %shift_right_arithmetic3A_310 = arith.shrsi %add3A_302, %shift_right_arithmetic3A : i32
        %shift_left3A = arith.constant 11 : i32
        %shift_left3A_311 = arith.shli %shift_right_arithmetic3A_310, %shift_left3A : i32
        %shift_right_arithmetic3A_312 = arith.constant 7 : i32
        %shift_right_arithmetic3A_313 = arith.shrsi %add3A_302, %shift_right_arithmetic3A_312 : i32
        %and3A = arith.constant 1 : i32
        %and3A_314 = arith.andi %shift_right_arithmetic3A_313, %and3A : i32
        %shift_left3A_315 = arith.constant 10 : i32
        %shift_left3A_316 = arith.shli %and3A_314, %shift_left3A_315 : i32
        %or3A = arith.ori %shift_left3A_311, %shift_left3A_316 : i32
        %shift_right_arithmetic3A_317 = arith.constant 8 : i32
        %shift_right_arithmetic3A_318 = arith.shrsi %add3A_302, %shift_right_arithmetic3A_317 : i32
        %and3A_319 = arith.constant 3 : i32
        %and3A_320 = arith.andi %shift_right_arithmetic3A_318, %and3A_319 : i32
        %shift_left3A_321 = arith.constant 8 : i32
        %shift_left3A_322 = arith.shli %and3A_320, %shift_left3A_321 : i32
        %or3A_323 = arith.ori %or3A, %shift_left3A_322 : i32
        %and3A_324 = arith.constant 127 : i32
        %and3A_325 = arith.andi %add3A_302, %and3A_324 : i32
        %or3A_326 = arith.ori %or3A_323, %and3A_325 : i32
        %add3A_327 = vector.broadcast %or3A_326 : i32 to vector<16xi32>
        %add3A_328 = arith.addi %iota3A, %add3A_327 : vector<16xi32>
        tpu.vector_store_idx %arg19[%add3A_328], %gather3A : memref<6144xf32, #tpu.memory_space<vmem>>[vector<16xi32>], vector<16xf32>,
        %add3A_329 = arith.constant 128 : i32
        %add3A_330 = vector.broadcast %add3A_329 : i32 to vector<16xi32>
        %add3A_331 = arith.addi %add3A_328, %add3A_330 : vector<16xi32>
        tpu.vector_store_idx %arg19[%add3A_331], %gather3A_309 : memref<6144xf32, #tpu.memory_space<vmem>>[vector<16xi32>], vector<16xf32>,
      }
      %mul3A_184 = arith.constant 8 : i32
      %mul3A_185 = arith.muli %add3A_123, %mul3A_184 : i32
      %add3A_186 = arith.constant 0 : i32
      %add3A_187 = arith.addi %mul3A_185, %add3A_186 : i32
      %mul3A_188 = arith.constant 8 : i32
      %mul3A_189 = arith.muli %add3A_123, %mul3A_188 : i32
      %add3A_190 = arith.constant 8388608 : i32
      %add3A_191 = arith.addi %mul3A_189, %add3A_190 : i32
      %mul3A_192 = arith.constant 8 : i32
      %mul3A_193 = arith.muli %add3A_123, %mul3A_192 : i32
      %add3A_194 = arith.constant 16777216 : i32
      %add3A_195 = arith.addi %mul3A_193, %add3A_194 : i32
      %dma_start3A_196 = arith.constant 0 : i32
      %dma_start3A_197 = tpu.memref_slice %arg19[%dma_start3A_196] : memref<6144xf32, #tpu.memory_space<vmem>> -> memref<2048xf32, #tpu.memory_space<vmem>>
      %dma_start3A_198 = tpu.memref_slice %arg6[%add3A_187] : memref<25165824xf32, #tpu.memory_space<hbm>> -> memref<2048xf32, #tpu.memory_space<hbm>>
      %dma_start3A_199 = tpu.memref_slice %arg6[%add3A_187] : memref<25165824xf32, #tpu.memory_space<hbm>> -> memref<2048xf32, #tpu.memory_space<hbm>>
      %dma_start3A_200 = arith.constant 0 : i32
      %dma_start3A_201 = tpu.memref_slice %arg19[%dma_start3A_200] : memref<6144xf32, #tpu.memory_space<vmem>> -> memref<2048xf32, #tpu.memory_space<vmem>>
      tpu.enqueue_dma source(%dma_start3A_201 : memref<2048xf32, #tpu.memory_space<vmem>>) target(%dma_start3A_199 : memref<2048xf32, #tpu.memory_space<hbm>>) target_semaphore(%arg24 : memref<!tpu.dma_semaphore, #tpu.memory_space<semaphore_mem>>)
      %dma_start3A_202 = arith.constant 2048 : i32
      %dma_start3A_203 = tpu.memref_slice %arg19[%dma_start3A_202] : memref<6144xf32, #tpu.memory_space<vmem>> -> memref<2048xf32, #tpu.memory_space<vmem>>
      %dma_start3A_204 = tpu.memref_slice %arg6[%add3A_191] : memref<25165824xf32, #tpu.memory_space<hbm>> -> memref<2048xf32, #tpu.memory_space<hbm>>
      %dma_start3A_205 = tpu.memref_slice %arg6[%add3A_191] : memref<25165824xf32, #tpu.memory_space<hbm>> -> memref<2048xf32, #tpu.memory_space<hbm>>
      %dma_start3A_206 = arith.constant 2048 : i32
      %dma_start3A_207 = tpu.memref_slice %arg19[%dma_start3A_206] : memref<6144xf32, #tpu.memory_space<vmem>> -> memref<2048xf32, #tpu.memory_space<vmem>>
      tpu.enqueue_dma source(%dma_start3A_207 : memref<2048xf32, #tpu.memory_space<vmem>>) target(%dma_start3A_205 : memref<2048xf32, #tpu.memory_space<hbm>>) target_semaphore(%arg24 : memref<!tpu.dma_semaphore, #tpu.memory_space<semaphore_mem>>)
      %dma_start3A_208 = arith.constant 4096 : i32
      %dma_start3A_209 = tpu.memref_slice %arg19[%dma_start3A_208] : memref<6144xf32, #tpu.memory_space<vmem>> -> memref<2048xf32, #tpu.memory_space<vmem>>
      %dma_start3A_210 = tpu.memref_slice %arg6[%add3A_195] : memref<25165824xf32, #tpu.memory_space<hbm>> -> memref<2048xf32, #tpu.memory_space<hbm>>
      %dma_start3A_211 = tpu.memref_slice %arg6[%add3A_195] : memref<25165824xf32, #tpu.memory_space<hbm>> -> memref<2048xf32, #tpu.memory_space<hbm>>
      %dma_start3A_212 = arith.constant 4096 : i32
      %dma_start3A_213 = tpu.memref_slice %arg19[%dma_start3A_212] : memref<6144xf32, #tpu.memory_space<vmem>> -> memref<2048xf32, #tpu.memory_space<vmem>>
      tpu.enqueue_dma source(%dma_start3A_213 : memref<2048xf32, #tpu.memory_space<vmem>>) target(%dma_start3A_211 : memref<2048xf32, #tpu.memory_space<hbm>>) target_semaphore(%arg24 : memref<!tpu.dma_semaphore, #tpu.memory_space<semaphore_mem>>)
      %add3A_214 = arith.constant 512 : i32
      %add3A_215 = arith.addi %add3A_123, %add3A_214 : i32
      %min3A = arith.minsi %add3A_215, %sub3A_7 : i32
      %dma_start3A_216 = tpu.memref_slice %arg2[%min3A] : memref<1048576xf32, #tpu.memory_space<hbm>> -> memref<256xf32, #tpu.memory_space<hbm>>
      %dma_start3A_217 = tpu.memref_slice %arg2[%min3A] : memref<1048576xf32, #tpu.memory_space<hbm>> -> memref<256xf32, #tpu.memory_space<hbm>>
      tpu.enqueue_dma source(%dma_start3A_217 : memref<256xf32, #tpu.memory_space<hbm>>) target(%arg7 : memref<256xf32, #tpu.memory_space<vmem>>) target_semaphore(%arg23 : memref<!tpu.dma_semaphore, #tpu.memory_space<semaphore_mem>>)
      %dma_start3A_218 = tpu.memref_slice %arg3[%min3A] : memref<1048576xf32, #tpu.memory_space<hbm>> -> memref<256xf32, #tpu.memory_space<hbm>>
      %dma_start3A_219 = tpu.memref_slice %arg3[%min3A] : memref<1048576xf32, #tpu.memory_space<hbm>> -> memref<256xf32, #tpu.memory_space<hbm>>
      tpu.enqueue_dma source(%dma_start3A_219 : memref<256xf32, #tpu.memory_space<hbm>>) target(%arg8 : memref<256xf32, #tpu.memory_space<vmem>>) target_semaphore(%arg23 : memref<!tpu.dma_semaphore, #tpu.memory_space<semaphore_mem>>)
      %dma_start3A_220 = tpu.memref_slice %arg4[%min3A] : memref<1048576xf32, #tpu.memory_space<hbm>> -> memref<256xf32, #tpu.memory_space<hbm>>
      %dma_start3A_221 = tpu.memref_slice %arg4[%min3A] : memref<1048576xf32, #tpu.memory_space<hbm>> -> memref<256xf32, #tpu.memory_space<hbm>>
      tpu.enqueue_dma source(%dma_start3A_221 : memref<256xf32, #tpu.memory_space<hbm>>) target(%arg9 : memref<256xf32, #tpu.memory_space<vmem>>) target_semaphore(%arg23 : memref<!tpu.dma_semaphore, #tpu.memory_space<semaphore_mem>>)
      %dma_wait3A_222 = tpu.memref_slice %arg2[%min3A] : memref<1048576xf32, #tpu.memory_space<hbm>> -> memref<256xf32, #tpu.memory_space<hbm>>
      %dma_wait3A_223 = tpu.memref_slice %arg2[%min3A] : memref<1048576xf32, #tpu.memory_space<hbm>> -> memref<256xf32, #tpu.memory_space<hbm>>
      tpu.wait_dma2 semaphore(%arg23 : memref<!tpu.dma_semaphore, #tpu.memory_space<semaphore_mem>>) src(%dma_wait3A_223 : memref<256xf32, #tpu.memory_space<hbm>>) dst(%arg7 : memref<256xf32, #tpu.memory_space<vmem>>)
      %dma_wait3A_224 = tpu.memref_slice %arg3[%min3A] : memref<1048576xf32, #tpu.memory_space<hbm>> -> memref<256xf32, #tpu.memory_space<hbm>>
      %dma_wait3A_225 = tpu.memref_slice %arg3[%min3A] : memref<1048576xf32, #tpu.memory_space<hbm>> -> memref<256xf32, #tpu.memory_space<hbm>>
      tpu.wait_dma2 semaphore(%arg23 : memref<!tpu.dma_semaphore, #tpu.memory_space<semaphore_mem>>) src(%dma_wait3A_225 : memref<256xf32, #tpu.memory_space<hbm>>) dst(%arg8 : memref<256xf32, #tpu.memory_space<vmem>>)
      %dma_wait3A_226 = tpu.memref_slice %arg4[%min3A] : memref<1048576xf32, #tpu.memory_space<hbm>> -> memref<256xf32, #tpu.memory_space<hbm>>
      %dma_wait3A_227 = tpu.memref_slice %arg4[%min3A] : memref<1048576xf32, #tpu.memory_space<hbm>> -> memref<256xf32, #tpu.memory_space<hbm>>
      tpu.wait_dma2 semaphore(%arg23 : memref<!tpu.dma_semaphore, #tpu.memory_space<semaphore_mem>>) src(%dma_wait3A_227 : memref<256xf32, #tpu.memory_space<hbm>>) dst(%arg9 : memref<256xf32, #tpu.memory_space<vmem>>)
      %sub3A_228 = arith.constant 256 : i32
      %sub3A_229 = arith.subi %sub3A_228, %mul3A_4 : i32
      %sub3A_230 = arith.constant 16 : i32
      %sub3A_231 = arith.constant 1 : i32
      %sub3A_232 = arith.subi %sub3A_230, %sub3A_231 : i32
      %add3A_233 = arith.addi %sub3A_229, %sub3A_232 : i32
      %div3A_234 = arith.constant 16 : i32
      %div3A_235 = arith.divsi %add3A_233, %div3A_234 : i32
      %while3A_236 = arith.constant 16 : i32
      %while3A_237 = arith.constant 0 : i32
      %while3A_238 = arith.subi %div3A_235, %while3A_237 : i32
      %while3A_239 = arith.addi %while3A_237, %while3A_238 : i32
      %while3A_240 = arith.constant 1 : i32
      %while3A_241 = arith.divsi %while3A_238, %while3A_240 : i32
      %while3A_242 = arith.muli %while3A_241, %while3A_240 : i32
      %while3A_243 = arith.addi %while3A_237, %while3A_242 : i32
      %while3A_244 = arith.constant 1 : i32
      scf.for %while3A_300 = %while3A_237 to %while3A_243 step %while3A_244  : i32 {
        %mul3A_301 = arith.muli %while3A_300, %while3A_236 : i32
        %add3A_302 = arith.addi %mul3A_4, %mul3A_301 : i32
        %get3A = arith.index_cast %add3A_302 : i32 to index
        %get3A_303 = tpu.vector_load %arg7[%get3A] {strides = array<i32>} : memref<256xf32, #tpu.memory_space<vmem>>, vector<16xf32>,
        %get3A_304 = arith.index_cast %add3A_302 : i32 to index
        %get3A_305 = tpu.vector_load %arg8[%get3A_304] {strides = array<i32>} : memref<256xf32, #tpu.memory_space<vmem>>, vector<16xf32>,
        %get3A_306 = arith.index_cast %add3A_302 : i32 to index
        %get3A_307 = tpu.vector_load %arg9[%get3A_306] {strides = array<i32>} : memref<256xf32, #tpu.memory_space<vmem>>, vector<16xf32>,
        %add3A_308 = vector.broadcast %add3A_302 : i32 to vector<16xi32>
        %add3A_309 = arith.addi %iota3A, %add3A_308 : vector<16xi32>
        %mul3A_310 = arith.constant 1.600000e+01 : f32
        %mul3A_311 = vector.broadcast %mul3A_310 : f32 to vector<16xf32>
        %mul3A_312 = arith.mulf %get3A_303, %mul3A_311 : vector<16xf32>
        %convert_element_type3A_313 = arith.fptosi %mul3A_312 : vector<16xf32> to vector<16xi32>
        %mul3A_314 = arith.constant 1.600000e+01 : f32
        %mul3A_315 = vector.broadcast %mul3A_314 : f32 to vector<16xf32>
        %mul3A_316 = arith.mulf %get3A_305, %mul3A_315 : vector<16xf32>
        %convert_element_type3A_317 = arith.fptosi %mul3A_316 : vector<16xf32> to vector<16xi32>
        %mul3A_318 = arith.constant 1.600000e+01 : f32
        %mul3A_319 = vector.broadcast %mul3A_318 : f32 to vector<16xf32>
        %mul3A_320 = arith.mulf %get3A_307, %mul3A_319 : vector<16xf32>
        %convert_element_type3A_321 = arith.fptosi %mul3A_320 : vector<16xf32> to vector<16xi32>
        %mul3A_322 = arith.constant -1640531535 : i32
        %mul3A_323 = vector.broadcast %mul3A_322 : i32 to vector<16xi32>
        %mul3A_324 = arith.muli %convert_element_type3A_317, %mul3A_323 : vector<16xi32>
        %xor3A = arith.xori %convert_element_type3A_313, %mul3A_324 : vector<16xi32>
        %mul3A_325 = arith.constant 805459861 : i32
        %mul3A_326 = vector.broadcast %mul3A_325 : i32 to vector<16xi32>
        %mul3A_327 = arith.muli %convert_element_type3A_321, %mul3A_326 : vector<16xi32>
        %xor3A_328 = arith.xori %xor3A, %mul3A_327 : vector<16xi32>
        %and3A = arith.constant 524287 : i32
        %and3A_329 = vector.broadcast %and3A : i32 to vector<16xi32>
        %and3A_330 = arith.andi %xor3A_328, %and3A_329 : vector<16xi32>
        %shift_right_arithmetic3A = arith.constant 2 : i32
        %shift_right_arithmetic3A_331 = vector.broadcast %shift_right_arithmetic3A : i32 to vector<16xi32>
        %shift_right_arithmetic3A_332 = arith.shrsi %and3A_330, %shift_right_arithmetic3A_331 : vector<16xi32>
        %or3A = arith.constant 0 : i32
        %or3A_333 = vector.broadcast %or3A : i32 to vector<16xi32>
        %or3A_334 = arith.ori %shift_right_arithmetic3A_332, %or3A_333 : vector<16xi32>
        %and3A_335 = arith.constant 3 : i32
        %and3A_336 = vector.broadcast %and3A_335 : i32 to vector<16xi32>
        %and3A_337 = arith.andi %and3A_330, %and3A_336 : vector<16xi32>
        %shift_left3A = arith.constant 1 : i32
        %shift_left3A_338 = vector.broadcast %shift_left3A : i32 to vector<16xi32>
        %shift_left3A_339 = arith.shli %and3A_337, %shift_left3A_338 : vector<16xi32>
        %add3A_340 = arith.constant 0 : i32
        %add3A_341 = vector.broadcast %add3A_340 : i32 to vector<16xi32>
        %add3A_342 = arith.addi %add3A_309, %add3A_341 : vector<16xi32>
        tpu.vector_store_idx %arg13[%add3A_342], %or3A_334 : memref<3072xi32, #tpu.memory_space<vmem>>[vector<16xi32>], vector<16xi32>,
        tpu.vector_store_idx %arg15[%add3A_342], %shift_left3A_339 : memref<3072xi32, #tpu.memory_space<vmem>>[vector<16xi32>], vector<16xi32>,
        %mul3A_343 = arith.constant 2.300000e+01 : f32
        %mul3A_344 = vector.broadcast %mul3A_343 : f32 to vector<16xf32>
        %mul3A_345 = arith.mulf %get3A_303, %mul3A_344 : vector<16xf32>
        %convert_element_type3A_346 = arith.fptosi %mul3A_345 : vector<16xf32> to vector<16xi32>
        %mul3A_347 = arith.constant 2.300000e+01 : f32
        %mul3A_348 = vector.broadcast %mul3A_347 : f32 to vector<16xf32>
        %mul3A_349 = arith.mulf %get3A_305, %mul3A_348 : vector<16xf32>
        %convert_element_type3A_350 = arith.fptosi %mul3A_349 : vector<16xf32> to vector<16xi32>
        %mul3A_351 = arith.constant 2.300000e+01 : f32
        %mul3A_352 = vector.broadcast %mul3A_351 : f32 to vector<16xf32>
        %mul3A_353 = arith.mulf %get3A_307, %mul3A_352 : vector<16xf32>
        %convert_element_type3A_354 = arith.fptosi %mul3A_353 : vector<16xf32> to vector<16xi32>
        %mul3A_355 = arith.constant -1640531535 : i32
        %mul3A_356 = vector.broadcast %mul3A_355 : i32 to vector<16xi32>
        %mul3A_357 = arith.muli %convert_element_type3A_350, %mul3A_356 : vector<16xi32>
        %xor3A_358 = arith.xori %convert_element_type3A_346, %mul3A_357 : vector<16xi32>
        %mul3A_359 = arith.constant 805459861 : i32
        %mul3A_360 = vector.broadcast %mul3A_359 : i32 to vector<16xi32>
        %mul3A_361 = arith.muli %convert_element_type3A_354, %mul3A_360 : vector<16xi32>
        %xor3A_362 = arith.xori %xor3A_358, %mul3A_361 : vector<16xi32>
        %and3A_363 = arith.constant 524287 : i32
        %and3A_364 = vector.broadcast %and3A_363 : i32 to vector<16xi32>
        %and3A_365 = arith.andi %xor3A_362, %and3A_364 : vector<16xi32>
        %shift_right_arithmetic3A_366 = arith.constant 2 : i32
        %shift_right_arithmetic3A_367 = vector.broadcast %shift_right_arithmetic3A_366 : i32 to vector<16xi32>
        %shift_right_arithmetic3A_368 = arith.shrsi %and3A_365, %shift_right_arithmetic3A_367 : vector<16xi32>
        %or3A_369 = arith.constant 131072 : i32
        %or3A_370 = vector.broadcast %or3A_369 : i32 to vector<16xi32>
        %or3A_371 = arith.ori %shift_right_arithmetic3A_368, %or3A_370 : vector<16xi32>
        %and3A_372 = arith.constant 3 : i32
        %and3A_373 = vector.broadcast %and3A_372 : i32 to vector<16xi32>
        %and3A_374 = arith.andi %and3A_365, %and3A_373 : vector<16xi32>
        %shift_left3A_375 = arith.constant 1 : i32
        %shift_left3A_376 = vector.broadcast %shift_left3A_375 : i32 to vector<16xi32>
        %shift_left3A_377 = arith.shli %and3A_374, %shift_left3A_376 : vector<16xi32>
        %add3A_378 = arith.constant 256 : i32
        %add3A_379 = vector.broadcast %add3A_378 : i32 to vector<16xi32>
        %add3A_380 = arith.addi %add3A_309, %add3A_379 : vector<16xi32>
        tpu.vector_store_idx %arg13[%add3A_380], %or3A_371 : memref<3072xi32, #tpu.memory_space<vmem>>[vector<16xi32>], vector<16xi32>,
        tpu.vector_store_idx %arg15[%add3A_380], %shift_left3A_377 : memref<3072xi32, #tpu.memory_space<vmem>>[vector<16xi32>], vector<16xi32>,
        %mul3A_381 = arith.constant 3.400000e+01 : f32
        %mul3A_382 = vector.broadcast %mul3A_381 : f32 to vector<16xf32>
        %mul3A_383 = arith.mulf %get3A_303, %mul3A_382 : vector<16xf32>
        %convert_element_type3A_384 = arith.fptosi %mul3A_383 : vector<16xf32> to vector<16xi32>
        %mul3A_385 = arith.constant 3.400000e+01 : f32
        %mul3A_386 = vector.broadcast %mul3A_385 : f32 to vector<16xf32>
        %mul3A_387 = arith.mulf %get3A_305, %mul3A_386 : vector<16xf32>
        %convert_element_type3A_388 = arith.fptosi %mul3A_387 : vector<16xf32> to vector<16xi32>
        %mul3A_389 = arith.constant 3.400000e+01 : f32
        %mul3A_390 = vector.broadcast %mul3A_389 : f32 to vector<16xf32>
        %mul3A_391 = arith.mulf %get3A_307, %mul3A_390 : vector<16xf32>
        %convert_element_type3A_392 = arith.fptosi %mul3A_391 : vector<16xf32> to vector<16xi32>
        %mul3A_393 = arith.constant -1640531535 : i32
        %mul3A_394 = vector.broadcast %mul3A_393 : i32 to vector<16xi32>
        %mul3A_395 = arith.muli %convert_element_type3A_388, %mul3A_394 : vector<16xi32>
        %xor3A_396 = arith.xori %convert_element_type3A_384, %mul3A_395 : vector<16xi32>
        %mul3A_397 = arith.constant 805459861 : i32
        %mul3A_398 = vector.broadcast %mul3A_397 : i32 to vector<16xi32>
        %mul3A_399 = arith.muli %convert_element_type3A_392, %mul3A_398 : vector<16xi32>
        %xor3A_400 = arith.xori %xor3A_396, %mul3A_399 : vector<16xi32>
        %and3A_401 = arith.constant 524287 : i32
        %and3A_402 = vector.broadcast %and3A_401 : i32 to vector<16xi32>
        %and3A_403 = arith.andi %xor3A_400, %and3A_402 : vector<16xi32>
        %shift_right_arithmetic3A_404 = arith.constant 2 : i32
        %shift_right_arithmetic3A_405 = vector.broadcast %shift_right_arithmetic3A_404 : i32 to vector<16xi32>
        %shift_right_arithmetic3A_406 = arith.shrsi %and3A_403, %shift_right_arithmetic3A_405 : vector<16xi32>
        %or3A_407 = arith.constant 262144 : i32
        %or3A_408 = vector.broadcast %or3A_407 : i32 to vector<16xi32>
        %or3A_409 = arith.ori %shift_right_arithmetic3A_406, %or3A_408 : vector<16xi32>
        %and3A_410 = arith.constant 3 : i32
        %and3A_411 = vector.broadcast %and3A_410 : i32 to vector<16xi32>
        %and3A_412 = arith.andi %and3A_403, %and3A_411 : vector<16xi32>
        %shift_left3A_413 = arith.constant 1 : i32
        %shift_left3A_414 = vector.broadcast %shift_left3A_413 : i32 to vector<16xi32>
        %shift_left3A_415 = arith.shli %and3A_412, %shift_left3A_414 : vector<16xi32>
        %add3A_416 = arith.constant 512 : i32
        %add3A_417 = vector.broadcast %add3A_416 : i32 to vector<16xi32>
        %add3A_418 = arith.addi %add3A_309, %add3A_417 : vector<16xi32>
        tpu.vector_store_idx %arg13[%add3A_418], %or3A_409 : memref<3072xi32, #tpu.memory_space<vmem>>[vector<16xi32>], vector<16xi32>,
        tpu.vector_store_idx %arg15[%add3A_418], %shift_left3A_415 : memref<3072xi32, #tpu.memory_space<vmem>>[vector<16xi32>], vector<16xi32>,
        %mul3A_419 = arith.constant 4.900000e+01 : f32
        %mul3A_420 = vector.broadcast %mul3A_419 : f32 to vector<16xf32>
        %mul3A_421 = arith.mulf %get3A_303, %mul3A_420 : vector<16xf32>
        %convert_element_type3A_422 = arith.fptosi %mul3A_421 : vector<16xf32> to vector<16xi32>
        %mul3A_423 = arith.constant 4.900000e+01 : f32
        %mul3A_424 = vector.broadcast %mul3A_423 : f32 to vector<16xf32>
        %mul3A_425 = arith.mulf %get3A_305, %mul3A_424 : vector<16xf32>
        %convert_element_type3A_426 = arith.fptosi %mul3A_425 : vector<16xf32> to vector<16xi32>
        %mul3A_427 = arith.constant 4.900000e+01 : f32
        %mul3A_428 = vector.broadcast %mul3A_427 : f32 to vector<16xf32>
        %mul3A_429 = arith.mulf %get3A_307, %mul3A_428 : vector<16xf32>
        %convert_element_type3A_430 = arith.fptosi %mul3A_429 : vector<16xf32> to vector<16xi32>
        %mul3A_431 = arith.constant -1640531535 : i32
        %mul3A_432 = vector.broadcast %mul3A_431 : i32 to vector<16xi32>
        %mul3A_433 = arith.muli %convert_element_type3A_426, %mul3A_432 : vector<16xi32>
        %xor3A_434 = arith.xori %convert_element_type3A_422, %mul3A_433 : vector<16xi32>
        %mul3A_435 = arith.constant 805459861 : i32
        %mul3A_436 = vector.broadcast %mul3A_435 : i32 to vector<16xi32>
        %mul3A_437 = arith.muli %convert_element_type3A_430, %mul3A_436 : vector<16xi32>
        %xor3A_438 = arith.xori %xor3A_434, %mul3A_437 : vector<16xi32>
        %and3A_439 = arith.constant 524287 : i32
        %and3A_440 = vector.broadcast %and3A_439 : i32 to vector<16xi32>
        %and3A_441 = arith.andi %xor3A_438, %and3A_440 : vector<16xi32>
        %shift_right_arithmetic3A_442 = arith.constant 2 : i32
        %shift_right_arithmetic3A_443 = vector.broadcast %shift_right_arithmetic3A_442 : i32 to vector<16xi32>
        %shift_right_arithmetic3A_444 = arith.shrsi %and3A_441, %shift_right_arithmetic3A_443 : vector<16xi32>
        %or3A_445 = arith.constant 393216 : i32
        %or3A_446 = vector.broadcast %or3A_445 : i32 to vector<16xi32>
        %or3A_447 = arith.ori %shift_right_arithmetic3A_444, %or3A_446 : vector<16xi32>
        %and3A_448 = arith.constant 3 : i32
        %and3A_449 = vector.broadcast %and3A_448 : i32 to vector<16xi32>
        %and3A_450 = arith.andi %and3A_441, %and3A_449 : vector<16xi32>
        %shift_left3A_451 = arith.constant 1 : i32
        %shift_left3A_452 = vector.broadcast %shift_left3A_451 : i32 to vector<16xi32>
        %shift_left3A_453 = arith.shli %and3A_450, %shift_left3A_452 : vector<16xi32>
        %add3A_454 = arith.constant 768 : i32
        %add3A_455 = vector.broadcast %add3A_454 : i32 to vector<16xi32>
        %add3A_456 = arith.addi %add3A_309, %add3A_455 : vector<16xi32>
        tpu.vector_store_idx %arg13[%add3A_456], %or3A_447 : memref<3072xi32, #tpu.memory_space<vmem>>[vector<16xi32>], vector<16xi32>,
        tpu.vector_store_idx %arg15[%add3A_456], %shift_left3A_453 : memref<3072xi32, #tpu.memory_space<vmem>>[vector<16xi32>], vector<16xi32>,
        %mul3A_457 = arith.constant 7.200000e+01 : f32
        %mul3A_458 = vector.broadcast %mul3A_457 : f32 to vector<16xf32>
        %mul3A_459 = arith.mulf %get3A_303, %mul3A_458 : vector<16xf32>
        %convert_element_type3A_460 = arith.fptosi %mul3A_459 : vector<16xf32> to vector<16xi32>
        %mul3A_461 = arith.constant 7.200000e+01 : f32
        %mul3A_462 = vector.broadcast %mul3A_461 : f32 to vector<16xf32>
        %mul3A_463 = arith.mulf %get3A_305, %mul3A_462 : vector<16xf32>
        %convert_element_type3A_464 = arith.fptosi %mul3A_463 : vector<16xf32> to vector<16xi32>
        %mul3A_465 = arith.constant 7.200000e+01 : f32
        %mul3A_466 = vector.broadcast %mul3A_465 : f32 to vector<16xf32>
        %mul3A_467 = arith.mulf %get3A_307, %mul3A_466 : vector<16xf32>
        %convert_element_type3A_468 = arith.fptosi %mul3A_467 : vector<16xf32> to vector<16xi32>
        %mul3A_469 = arith.constant -1640531535 : i32
        %mul3A_470 = vector.broadcast %mul3A_469 : i32 to vector<16xi32>
        %mul3A_471 = arith.muli %convert_element_type3A_464, %mul3A_470 : vector<16xi32>
        %xor3A_472 = arith.xori %convert_element_type3A_460, %mul3A_471 : vector<16xi32>
        %mul3A_473 = arith.constant 805459861 : i32
        %mul3A_474 = vector.broadcast %mul3A_473 : i32 to vector<16xi32>
        %mul3A_475 = arith.muli %convert_element_type3A_468, %mul3A_474 : vector<16xi32>
        %xor3A_476 = arith.xori %xor3A_472, %mul3A_475 : vector<16xi32>
        %and3A_477 = arith.constant 524287 : i32
        %and3A_478 = vector.broadcast %and3A_477 : i32 to vector<16xi32>
        %and3A_479 = arith.andi %xor3A_476, %and3A_478 : vector<16xi32>
        %shift_right_arithmetic3A_480 = arith.constant 2 : i32
        %shift_right_arithmetic3A_481 = vector.broadcast %shift_right_arithmetic3A_480 : i32 to vector<16xi32>
        %shift_right_arithmetic3A_482 = arith.shrsi %and3A_479, %shift_right_arithmetic3A_481 : vector<16xi32>
        %or3A_483 = arith.constant 524288 : i32
        %or3A_484 = vector.broadcast %or3A_483 : i32 to vector<16xi32>
        %or3A_485 = arith.ori %shift_right_arithmetic3A_482, %or3A_484 : vector<16xi32>
        %and3A_486 = arith.constant 3 : i32
        %and3A_487 = vector.broadcast %and3A_486 : i32 to vector<16xi32>
        %and3A_488 = arith.andi %and3A_479, %and3A_487 : vector<16xi32>
        %shift_left3A_489 = arith.constant 1 : i32
        %shift_left3A_490 = vector.broadcast %shift_left3A_489 : i32 to vector<16xi32>
        %shift_left3A_491 = arith.shli %and3A_488, %shift_left3A_490 : vector<16xi32>
        %add3A_492 = arith.constant 1024 : i32
        %add3A_493 = vector.broadcast %add3A_492 : i32 to vector<16xi32>
        %add3A_494 = arith.addi %add3A_309, %add3A_493 : vector<16xi32>
        tpu.vector_store_idx %arg13[%add3A_494], %or3A_485 : memref<3072xi32, #tpu.memory_space<vmem>>[vector<16xi32>], vector<16xi32>,
        tpu.vector_store_idx %arg15[%add3A_494], %shift_left3A_491 : memref<3072xi32, #tpu.memory_space<vmem>>[vector<16xi32>], vector<16xi32>,
        %mul3A_495 = arith.constant 1.050000e+02 : f32
        %mul3A_496 = vector.broadcast %mul3A_495 : f32 to vector<16xf32>
        %mul3A_497 = arith.mulf %get3A_303, %mul3A_496 : vector<16xf32>
        %convert_element_type3A_498 = arith.fptosi %mul3A_497 : vector<16xf32> to vector<16xi32>
        %mul3A_499 = arith.constant 1.050000e+02 : f32
        %mul3A_500 = vector.broadcast %mul3A_499 : f32 to vector<16xf32>
        %mul3A_501 = arith.mulf %get3A_305, %mul3A_500 : vector<16xf32>
        %convert_element_type3A_502 = arith.fptosi %mul3A_501 : vector<16xf32> to vector<16xi32>
        %mul3A_503 = arith.constant 1.050000e+02 : f32
        %mul3A_504 = vector.broadcast %mul3A_503 : f32 to vector<16xf32>
        %mul3A_505 = arith.mulf %get3A_307, %mul3A_504 : vector<16xf32>
        %convert_element_type3A_506 = arith.fptosi %mul3A_505 : vector<16xf32> to vector<16xi32>
        %mul3A_507 = arith.constant -1640531535 : i32
        %mul3A_508 = vector.broadcast %mul3A_507 : i32 to vector<16xi32>
        %mul3A_509 = arith.muli %convert_element_type3A_502, %mul3A_508 : vector<16xi32>
        %xor3A_510 = arith.xori %convert_element_type3A_498, %mul3A_509 : vector<16xi32>
        %mul3A_511 = arith.constant 805459861 : i32
        %mul3A_512 = vector.broadcast %mul3A_511 : i32 to vector<16xi32>
        %mul3A_513 = arith.muli %convert_element_type3A_506, %mul3A_512 : vector<16xi32>
        %xor3A_514 = arith.xori %xor3A_510, %mul3A_513 : vector<16xi32>
        %and3A_515 = arith.constant 524287 : i32
        %and3A_516 = vector.broadcast %and3A_515 : i32 to vector<16xi32>
        %and3A_517 = arith.andi %xor3A_514, %and3A_516 : vector<16xi32>
        %shift_right_arithmetic3A_518 = arith.constant 2 : i32
        %shift_right_arithmetic3A_519 = vector.broadcast %shift_right_arithmetic3A_518 : i32 to vector<16xi32>
        %shift_right_arithmetic3A_520 = arith.shrsi %and3A_517, %shift_right_arithmetic3A_519 : vector<16xi32>
        %or3A_521 = arith.constant 655360 : i32
        %or3A_522 = vector.broadcast %or3A_521 : i32 to vector<16xi32>
        %or3A_523 = arith.ori %shift_right_arithmetic3A_520, %or3A_522 : vector<16xi32>
        %and3A_524 = arith.constant 3 : i32
        %and3A_525 = vector.broadcast %and3A_524 : i32 to vector<16xi32>
        %and3A_526 = arith.andi %and3A_517, %and3A_525 : vector<16xi32>
        %shift_left3A_527 = arith.constant 1 : i32
        %shift_left3A_528 = vector.broadcast %shift_left3A_527 : i32 to vector<16xi32>
        %shift_left3A_529 = arith.shli %and3A_526, %shift_left3A_528 : vector<16xi32>
        %add3A_530 = arith.constant 1280 : i32
        %add3A_531 = vector.broadcast %add3A_530 : i32 to vector<16xi32>
        %add3A_532 = arith.addi %add3A_309, %add3A_531 : vector<16xi32>
        tpu.vector_store_idx %arg13[%add3A_532], %or3A_523 : memref<3072xi32, #tpu.memory_space<vmem>>[vector<16xi32>], vector<16xi32>,
        tpu.vector_store_idx %arg15[%add3A_532], %shift_left3A_529 : memref<3072xi32, #tpu.memory_space<vmem>>[vector<16xi32>], vector<16xi32>,
        %mul3A_533 = arith.constant 1.540000e+02 : f32
        %mul3A_534 = vector.broadcast %mul3A_533 : f32 to vector<16xf32>
        %mul3A_535 = arith.mulf %get3A_303, %mul3A_534 : vector<16xf32>
        %convert_element_type3A_536 = arith.fptosi %mul3A_535 : vector<16xf32> to vector<16xi32>
        %mul3A_537 = arith.constant 1.540000e+02 : f32
        %mul3A_538 = vector.broadcast %mul3A_537 : f32 to vector<16xf32>
        %mul3A_539 = arith.mulf %get3A_305, %mul3A_538 : vector<16xf32>
        %convert_element_type3A_540 = arith.fptosi %mul3A_539 : vector<16xf32> to vector<16xi32>
        %mul3A_541 = arith.constant 1.540000e+02 : f32
        %mul3A_542 = vector.broadcast %mul3A_541 : f32 to vector<16xf32>
        %mul3A_543 = arith.mulf %get3A_307, %mul3A_542 : vector<16xf32>
        %convert_element_type3A_544 = arith.fptosi %mul3A_543 : vector<16xf32> to vector<16xi32>
        %mul3A_545 = arith.constant -1640531535 : i32
        %mul3A_546 = vector.broadcast %mul3A_545 : i32 to vector<16xi32>
        %mul3A_547 = arith.muli %convert_element_type3A_540, %mul3A_546 : vector<16xi32>
        %xor3A_548 = arith.xori %convert_element_type3A_536, %mul3A_547 : vector<16xi32>
        %mul3A_549 = arith.constant 805459861 : i32
        %mul3A_550 = vector.broadcast %mul3A_549 : i32 to vector<16xi32>
        %mul3A_551 = arith.muli %convert_element_type3A_544, %mul3A_550 : vector<16xi32>
        %xor3A_552 = arith.xori %xor3A_548, %mul3A_551 : vector<16xi32>
        %and3A_553 = arith.constant 524287 : i32
        %and3A_554 = vector.broadcast %and3A_553 : i32 to vector<16xi32>
        %and3A_555 = arith.andi %xor3A_552, %and3A_554 : vector<16xi32>
        %shift_right_arithmetic3A_556 = arith.constant 2 : i32
        %shift_right_arithmetic3A_557 = vector.broadcast %shift_right_arithmetic3A_556 : i32 to vector<16xi32>
        %shift_right_arithmetic3A_558 = arith.shrsi %and3A_555, %shift_right_arithmetic3A_557 : vector<16xi32>
        %or3A_559 = arith.constant 786432 : i32
        %or3A_560 = vector.broadcast %or3A_559 : i32 to vector<16xi32>
        %or3A_561 = arith.ori %shift_right_arithmetic3A_558, %or3A_560 : vector<16xi32>
        %and3A_562 = arith.constant 3 : i32
        %and3A_563 = vector.broadcast %and3A_562 : i32 to vector<16xi32>
        %and3A_564 = arith.andi %and3A_555, %and3A_563 : vector<16xi32>
        %shift_left3A_565 = arith.constant 1 : i32
        %shift_left3A_566 = vector.broadcast %shift_left3A_565 : i32 to vector<16xi32>
        %shift_left3A_567 = arith.shli %and3A_564, %shift_left3A_566 : vector<16xi32>
        %add3A_568 = arith.constant 1536 : i32
        %add3A_569 = vector.broadcast %add3A_568 : i32 to vector<16xi32>
        %add3A_570 = arith.addi %add3A_309, %add3A_569 : vector<16xi32>
        tpu.vector_store_idx %arg13[%add3A_570], %or3A_561 : memref<3072xi32, #tpu.memory_space<vmem>>[vector<16xi32>], vector<16xi32>,
        tpu.vector_store_idx %arg15[%add3A_570], %shift_left3A_567 : memref<3072xi32, #tpu.memory_space<vmem>>[vector<16xi32>], vector<16xi32>,
        %mul3A_571 = arith.constant 2.250000e+02 : f32
        %mul3A_572 = vector.broadcast %mul3A_571 : f32 to vector<16xf32>
        %mul3A_573 = arith.mulf %get3A_303, %mul3A_572 : vector<16xf32>
        %convert_element_type3A_574 = arith.fptosi %mul3A_573 : vector<16xf32> to vector<16xi32>
        %mul3A_575 = arith.constant 2.250000e+02 : f32
        %mul3A_576 = vector.broadcast %mul3A_575 : f32 to vector<16xf32>
        %mul3A_577 = arith.mulf %get3A_305, %mul3A_576 : vector<16xf32>
        %convert_element_type3A_578 = arith.fptosi %mul3A_577 : vector<16xf32> to vector<16xi32>
        %mul3A_579 = arith.constant 2.250000e+02 : f32
        %mul3A_580 = vector.broadcast %mul3A_579 : f32 to vector<16xf32>
        %mul3A_581 = arith.mulf %get3A_307, %mul3A_580 : vector<16xf32>
        %convert_element_type3A_582 = arith.fptosi %mul3A_581 : vector<16xf32> to vector<16xi32>
        %mul3A_583 = arith.constant -1640531535 : i32
        %mul3A_584 = vector.broadcast %mul3A_583 : i32 to vector<16xi32>
        %mul3A_585 = arith.muli %convert_element_type3A_578, %mul3A_584 : vector<16xi32>
        %xor3A_586 = arith.xori %convert_element_type3A_574, %mul3A_585 : vector<16xi32>
        %mul3A_587 = arith.constant 805459861 : i32
        %mul3A_588 = vector.broadcast %mul3A_587 : i32 to vector<16xi32>
        %mul3A_589 = arith.muli %convert_element_type3A_582, %mul3A_588 : vector<16xi32>
        %xor3A_590 = arith.xori %xor3A_586, %mul3A_589 : vector<16xi32>
        %and3A_591 = arith.constant 524287 : i32
        %and3A_592 = vector.broadcast %and3A_591 : i32 to vector<16xi32>
        %and3A_593 = arith.andi %xor3A_590, %and3A_592 : vector<16xi32>
        %shift_right_arithmetic3A_594 = arith.constant 2 : i32
        %shift_right_arithmetic3A_595 = vector.broadcast %shift_right_arithmetic3A_594 : i32 to vector<16xi32>
        %shift_right_arithmetic3A_596 = arith.shrsi %and3A_593, %shift_right_arithmetic3A_595 : vector<16xi32>
        %or3A_597 = arith.constant 917504 : i32
        %or3A_598 = vector.broadcast %or3A_597 : i32 to vector<16xi32>
        %or3A_599 = arith.ori %shift_right_arithmetic3A_596, %or3A_598 : vector<16xi32>
        %and3A_600 = arith.constant 3 : i32
        %and3A_601 = vector.broadcast %and3A_600 : i32 to vector<16xi32>
        %and3A_602 = arith.andi %and3A_593, %and3A_601 : vector<16xi32>
        %shift_left3A_603 = arith.constant 1 : i32
        %shift_left3A_604 = vector.broadcast %shift_left3A_603 : i32 to vector<16xi32>
        %shift_left3A_605 = arith.shli %and3A_602, %shift_left3A_604 : vector<16xi32>
        %add3A_606 = arith.constant 1792 : i32
        %add3A_607 = vector.broadcast %add3A_606 : i32 to vector<16xi32>
        %add3A_608 = arith.addi %add3A_309, %add3A_607 : vector<16xi32>
        tpu.vector_store_idx %arg13[%add3A_608], %or3A_599 : memref<3072xi32, #tpu.memory_space<vmem>>[vector<16xi32>], vector<16xi32>,
        tpu.vector_store_idx %arg15[%add3A_608], %shift_left3A_605 : memref<3072xi32, #tpu.memory_space<vmem>>[vector<16xi32>], vector<16xi32>,
        %mul3A_609 = arith.constant 3.290000e+02 : f32
        %mul3A_610 = vector.broadcast %mul3A_609 : f32 to vector<16xf32>
        %mul3A_611 = arith.mulf %get3A_303, %mul3A_610 : vector<16xf32>
        %convert_element_type3A_612 = arith.fptosi %mul3A_611 : vector<16xf32> to vector<16xi32>
        %mul3A_613 = arith.constant 3.290000e+02 : f32
        %mul3A_614 = vector.broadcast %mul3A_613 : f32 to vector<16xf32>
        %mul3A_615 = arith.mulf %get3A_305, %mul3A_614 : vector<16xf32>
        %convert_element_type3A_616 = arith.fptosi %mul3A_615 : vector<16xf32> to vector<16xi32>
        %mul3A_617 = arith.constant 3.290000e+02 : f32
        %mul3A_618 = vector.broadcast %mul3A_617 : f32 to vector<16xf32>
        %mul3A_619 = arith.mulf %get3A_307, %mul3A_618 : vector<16xf32>
        %convert_element_type3A_620 = arith.fptosi %mul3A_619 : vector<16xf32> to vector<16xi32>
        %mul3A_621 = arith.constant -1640531535 : i32
        %mul3A_622 = vector.broadcast %mul3A_621 : i32 to vector<16xi32>
        %mul3A_623 = arith.muli %convert_element_type3A_616, %mul3A_622 : vector<16xi32>
        %xor3A_624 = arith.xori %convert_element_type3A_612, %mul3A_623 : vector<16xi32>
        %mul3A_625 = arith.constant 805459861 : i32
        %mul3A_626 = vector.broadcast %mul3A_625 : i32 to vector<16xi32>
        %mul3A_627 = arith.muli %convert_element_type3A_620, %mul3A_626 : vector<16xi32>
        %xor3A_628 = arith.xori %xor3A_624, %mul3A_627 : vector<16xi32>
        %and3A_629 = arith.constant 524287 : i32
        %and3A_630 = vector.broadcast %and3A_629 : i32 to vector<16xi32>
        %and3A_631 = arith.andi %xor3A_628, %and3A_630 : vector<16xi32>
        %shift_right_arithmetic3A_632 = arith.constant 2 : i32
        %shift_right_arithmetic3A_633 = vector.broadcast %shift_right_arithmetic3A_632 : i32 to vector<16xi32>
        %shift_right_arithmetic3A_634 = arith.shrsi %and3A_631, %shift_right_arithmetic3A_633 : vector<16xi32>
        %or3A_635 = arith.constant 1048576 : i32
        %or3A_636 = vector.broadcast %or3A_635 : i32 to vector<16xi32>
        %or3A_637 = arith.ori %shift_right_arithmetic3A_634, %or3A_636 : vector<16xi32>
        %and3A_638 = arith.constant 3 : i32
        %and3A_639 = vector.broadcast %and3A_638 : i32 to vector<16xi32>
        %and3A_640 = arith.andi %and3A_631, %and3A_639 : vector<16xi32>
        %shift_left3A_641 = arith.constant 1 : i32
        %shift_left3A_642 = vector.broadcast %shift_left3A_641 : i32 to vector<16xi32>
        %shift_left3A_643 = arith.shli %and3A_640, %shift_left3A_642 : vector<16xi32>
        %add3A_644 = arith.constant 2048 : i32
        %add3A_645 = vector.broadcast %add3A_644 : i32 to vector<16xi32>
        %add3A_646 = arith.addi %add3A_309, %add3A_645 : vector<16xi32>
        tpu.vector_store_idx %arg13[%add3A_646], %or3A_637 : memref<3072xi32, #tpu.memory_space<vmem>>[vector<16xi32>], vector<16xi32>,
        tpu.vector_store_idx %arg15[%add3A_646], %shift_left3A_643 : memref<3072xi32, #tpu.memory_space<vmem>>[vector<16xi32>], vector<16xi32>,
        %mul3A_647 = arith.constant 4.800000e+02 : f32
        %mul3A_648 = vector.broadcast %mul3A_647 : f32 to vector<16xf32>
        %mul3A_649 = arith.mulf %get3A_303, %mul3A_648 : vector<16xf32>
        %convert_element_type3A_650 = arith.fptosi %mul3A_649 : vector<16xf32> to vector<16xi32>
        %mul3A_651 = arith.constant 4.800000e+02 : f32
        %mul3A_652 = vector.broadcast %mul3A_651 : f32 to vector<16xf32>
        %mul3A_653 = arith.mulf %get3A_305, %mul3A_652 : vector<16xf32>
        %convert_element_type3A_654 = arith.fptosi %mul3A_653 : vector<16xf32> to vector<16xi32>
        %mul3A_655 = arith.constant 4.800000e+02 : f32
        %mul3A_656 = vector.broadcast %mul3A_655 : f32 to vector<16xf32>
        %mul3A_657 = arith.mulf %get3A_307, %mul3A_656 : vector<16xf32>
        %convert_element_type3A_658 = arith.fptosi %mul3A_657 : vector<16xf32> to vector<16xi32>
        %mul3A_659 = arith.constant -1640531535 : i32
        %mul3A_660 = vector.broadcast %mul3A_659 : i32 to vector<16xi32>
        %mul3A_661 = arith.muli %convert_element_type3A_654, %mul3A_660 : vector<16xi32>
        %xor3A_662 = arith.xori %convert_element_type3A_650, %mul3A_661 : vector<16xi32>
        %mul3A_663 = arith.constant 805459861 : i32
        %mul3A_664 = vector.broadcast %mul3A_663 : i32 to vector<16xi32>
        %mul3A_665 = arith.muli %convert_element_type3A_658, %mul3A_664 : vector<16xi32>
        %xor3A_666 = arith.xori %xor3A_662, %mul3A_665 : vector<16xi32>
        %and3A_667 = arith.constant 524287 : i32
        %and3A_668 = vector.broadcast %and3A_667 : i32 to vector<16xi32>
        %and3A_669 = arith.andi %xor3A_666, %and3A_668 : vector<16xi32>
        %shift_right_arithmetic3A_670 = arith.constant 2 : i32
        %shift_right_arithmetic3A_671 = vector.broadcast %shift_right_arithmetic3A_670 : i32 to vector<16xi32>
        %shift_right_arithmetic3A_672 = arith.shrsi %and3A_669, %shift_right_arithmetic3A_671 : vector<16xi32>
        %or3A_673 = arith.constant 1179648 : i32
        %or3A_674 = vector.broadcast %or3A_673 : i32 to vector<16xi32>
        %or3A_675 = arith.ori %shift_right_arithmetic3A_672, %or3A_674 : vector<16xi32>
        %and3A_676 = arith.constant 3 : i32
        %and3A_677 = vector.broadcast %and3A_676 : i32 to vector<16xi32>
        %and3A_678 = arith.andi %and3A_669, %and3A_677 : vector<16xi32>
        %shift_left3A_679 = arith.constant 1 : i32
        %shift_left3A_680 = vector.broadcast %shift_left3A_679 : i32 to vector<16xi32>
        %shift_left3A_681 = arith.shli %and3A_678, %shift_left3A_680 : vector<16xi32>
        %add3A_682 = arith.constant 2304 : i32
        %add3A_683 = vector.broadcast %add3A_682 : i32 to vector<16xi32>
        %add3A_684 = arith.addi %add3A_309, %add3A_683 : vector<16xi32>
        tpu.vector_store_idx %arg13[%add3A_684], %or3A_675 : memref<3072xi32, #tpu.memory_space<vmem>>[vector<16xi32>], vector<16xi32>,
        tpu.vector_store_idx %arg15[%add3A_684], %shift_left3A_681 : memref<3072xi32, #tpu.memory_space<vmem>>[vector<16xi32>], vector<16xi32>,
        %mul3A_685 = arith.constant 7.010000e+02 : f32
        %mul3A_686 = vector.broadcast %mul3A_685 : f32 to vector<16xf32>
        %mul3A_687 = arith.mulf %get3A_303, %mul3A_686 : vector<16xf32>
        %convert_element_type3A_688 = arith.fptosi %mul3A_687 : vector<16xf32> to vector<16xi32>
        %mul3A_689 = arith.constant 7.010000e+02 : f32
        %mul3A_690 = vector.broadcast %mul3A_689 : f32 to vector<16xf32>
        %mul3A_691 = arith.mulf %get3A_305, %mul3A_690 : vector<16xf32>
        %convert_element_type3A_692 = arith.fptosi %mul3A_691 : vector<16xf32> to vector<16xi32>
        %mul3A_693 = arith.constant 7.010000e+02 : f32
        %mul3A_694 = vector.broadcast %mul3A_693 : f32 to vector<16xf32>
        %mul3A_695 = arith.mulf %get3A_307, %mul3A_694 : vector<16xf32>
        %convert_element_type3A_696 = arith.fptosi %mul3A_695 : vector<16xf32> to vector<16xi32>
        %mul3A_697 = arith.constant -1640531535 : i32
        %mul3A_698 = vector.broadcast %mul3A_697 : i32 to vector<16xi32>
        %mul3A_699 = arith.muli %convert_element_type3A_692, %mul3A_698 : vector<16xi32>
        %xor3A_700 = arith.xori %convert_element_type3A_688, %mul3A_699 : vector<16xi32>
        %mul3A_701 = arith.constant 805459861 : i32
        %mul3A_702 = vector.broadcast %mul3A_701 : i32 to vector<16xi32>
        %mul3A_703 = arith.muli %convert_element_type3A_696, %mul3A_702 : vector<16xi32>
        %xor3A_704 = arith.xori %xor3A_700, %mul3A_703 : vector<16xi32>
        %and3A_705 = arith.constant 524287 : i32
        %and3A_706 = vector.broadcast %and3A_705 : i32 to vector<16xi32>
        %and3A_707 = arith.andi %xor3A_704, %and3A_706 : vector<16xi32>
        %shift_right_arithmetic3A_708 = arith.constant 2 : i32
        %shift_right_arithmetic3A_709 = vector.broadcast %shift_right_arithmetic3A_708 : i32 to vector<16xi32>
        %shift_right_arithmetic3A_710 = arith.shrsi %and3A_707, %shift_right_arithmetic3A_709 : vector<16xi32>
        %or3A_711 = arith.constant 1310720 : i32
        %or3A_712 = vector.broadcast %or3A_711 : i32 to vector<16xi32>
        %or3A_713 = arith.ori %shift_right_arithmetic3A_710, %or3A_712 : vector<16xi32>
        %and3A_714 = arith.constant 3 : i32
        %and3A_715 = vector.broadcast %and3A_714 : i32 to vector<16xi32>
        %and3A_716 = arith.andi %and3A_707, %and3A_715 : vector<16xi32>
        %shift_left3A_717 = arith.constant 1 : i32
        %shift_left3A_718 = vector.broadcast %shift_left3A_717 : i32 to vector<16xi32>
        %shift_left3A_719 = arith.shli %and3A_716, %shift_left3A_718 : vector<16xi32>
        %add3A_720 = arith.constant 2560 : i32
        %add3A_721 = vector.broadcast %add3A_720 : i32 to vector<16xi32>
        %add3A_722 = arith.addi %add3A_309, %add3A_721 : vector<16xi32>
        tpu.vector_store_idx %arg13[%add3A_722], %or3A_713 : memref<3072xi32, #tpu.memory_space<vmem>>[vector<16xi32>], vector<16xi32>,
        tpu.vector_store_idx %arg15[%add3A_722], %shift_left3A_719 : memref<3072xi32, #tpu.memory_space<vmem>>[vector<16xi32>], vector<16xi32>,
        %mul3A_723 = arith.constant 1.024000e+03 : f32
        %mul3A_724 = vector.broadcast %mul3A_723 : f32 to vector<16xf32>
        %mul3A_725 = arith.mulf %get3A_303, %mul3A_724 : vector<16xf32>
        %convert_element_type3A_726 = arith.fptosi %mul3A_725 : vector<16xf32> to vector<16xi32>
        %mul3A_727 = arith.constant 1.024000e+03 : f32
        %mul3A_728 = vector.broadcast %mul3A_727 : f32 to vector<16xf32>
        %mul3A_729 = arith.mulf %get3A_305, %mul3A_728 : vector<16xf32>
        %convert_element_type3A_730 = arith.fptosi %mul3A_729 : vector<16xf32> to vector<16xi32>
        %mul3A_731 = arith.constant 1.024000e+03 : f32
        %mul3A_732 = vector.broadcast %mul3A_731 : f32 to vector<16xf32>
        %mul3A_733 = arith.mulf %get3A_307, %mul3A_732 : vector<16xf32>
        %convert_element_type3A_734 = arith.fptosi %mul3A_733 : vector<16xf32> to vector<16xi32>
        %mul3A_735 = arith.constant -1640531535 : i32
        %mul3A_736 = vector.broadcast %mul3A_735 : i32 to vector<16xi32>
        %mul3A_737 = arith.muli %convert_element_type3A_730, %mul3A_736 : vector<16xi32>
        %xor3A_738 = arith.xori %convert_element_type3A_726, %mul3A_737 : vector<16xi32>
        %mul3A_739 = arith.constant 805459861 : i32
        %mul3A_740 = vector.broadcast %mul3A_739 : i32 to vector<16xi32>
        %mul3A_741 = arith.muli %convert_element_type3A_734, %mul3A_740 : vector<16xi32>
        %xor3A_742 = arith.xori %xor3A_738, %mul3A_741 : vector<16xi32>
        %and3A_743 = arith.constant 524287 : i32
        %and3A_744 = vector.broadcast %and3A_743 : i32 to vector<16xi32>
        %and3A_745 = arith.andi %xor3A_742, %and3A_744 : vector<16xi32>
        %shift_right_arithmetic3A_746 = arith.constant 2 : i32
        %shift_right_arithmetic3A_747 = vector.broadcast %shift_right_arithmetic3A_746 : i32 to vector<16xi32>
        %shift_right_arithmetic3A_748 = arith.shrsi %and3A_745, %shift_right_arithmetic3A_747 : vector<16xi32>
        %or3A_749 = arith.constant 1441792 : i32
        %or3A_750 = vector.broadcast %or3A_749 : i32 to vector<16xi32>
        %or3A_751 = arith.ori %shift_right_arithmetic3A_748, %or3A_750 : vector<16xi32>
        %and3A_752 = arith.constant 3 : i32
        %and3A_753 = vector.broadcast %and3A_752 : i32 to vector<16xi32>
        %and3A_754 = arith.andi %and3A_745, %and3A_753 : vector<16xi32>
        %shift_left3A_755 = arith.constant 1 : i32
        %shift_left3A_756 = vector.broadcast %shift_left3A_755 : i32 to vector<16xi32>
        %shift_left3A_757 = arith.shli %and3A_754, %shift_left3A_756 : vector<16xi32>
        %add3A_758 = arith.constant 2816 : i32
        %add3A_759 = vector.broadcast %add3A_758 : i32 to vector<16xi32>
        %add3A_760 = arith.addi %add3A_309, %add3A_759 : vector<16xi32>
        tpu.vector_store_idx %arg13[%add3A_760], %or3A_751 : memref<3072xi32, #tpu.memory_space<vmem>>[vector<16xi32>], vector<16xi32>,
        tpu.vector_store_idx %arg15[%add3A_760], %shift_left3A_757 : memref<3072xi32, #tpu.memory_space<vmem>>[vector<16xi32>], vector<16xi32>,
      }
      %while3A_245 = arith.constant 1 : i32
      scf.for %while3A_300 = %while3A_243 to %while3A_239 step %while3A_245  : i32 {
        %mul3A_301 = arith.muli %while3A_300, %while3A_236 : i32
        %add3A_302 = arith.addi %mul3A_4, %mul3A_301 : i32
        %get3A = arith.index_cast %add3A_302 : i32 to index
        %get3A_303 = tpu.vector_load %arg7[%get3A] {strides = array<i32>} : memref<256xf32, #tpu.memory_space<vmem>>, vector<16xf32>,
        %get3A_304 = arith.index_cast %add3A_302 : i32 to index
        %get3A_305 = tpu.vector_load %arg8[%get3A_304] {strides = array<i32>} : memref<256xf32, #tpu.memory_space<vmem>>, vector<16xf32>,
        %get3A_306 = arith.index_cast %add3A_302 : i32 to index
        %get3A_307 = tpu.vector_load %arg9[%get3A_306] {strides = array<i32>} : memref<256xf32, #tpu.memory_space<vmem>>, vector<16xf32>,
        %add3A_308 = vector.broadcast %add3A_302 : i32 to vector<16xi32>
        %add3A_309 = arith.addi %iota3A, %add3A_308 : vector<16xi32>
        %mul3A_310 = arith.constant 1.600000e+01 : f32
        %mul3A_311 = vector.broadcast %mul3A_310 : f32 to vector<16xf32>
        %mul3A_312 = arith.mulf %get3A_303, %mul3A_311 : vector<16xf32>
        %convert_element_type3A_313 = arith.fptosi %mul3A_312 : vector<16xf32> to vector<16xi32>
        %mul3A_314 = arith.constant 1.600000e+01 : f32
        %mul3A_315 = vector.broadcast %mul3A_314 : f32 to vector<16xf32>
        %mul3A_316 = arith.mulf %get3A_305, %mul3A_315 : vector<16xf32>
        %convert_element_type3A_317 = arith.fptosi %mul3A_316 : vector<16xf32> to vector<16xi32>
        %mul3A_318 = arith.constant 1.600000e+01 : f32
        %mul3A_319 = vector.broadcast %mul3A_318 : f32 to vector<16xf32>
        %mul3A_320 = arith.mulf %get3A_307, %mul3A_319 : vector<16xf32>
        %convert_element_type3A_321 = arith.fptosi %mul3A_320 : vector<16xf32> to vector<16xi32>
        %mul3A_322 = arith.constant -1640531535 : i32
        %mul3A_323 = vector.broadcast %mul3A_322 : i32 to vector<16xi32>
        %mul3A_324 = arith.muli %convert_element_type3A_317, %mul3A_323 : vector<16xi32>
        %xor3A = arith.xori %convert_element_type3A_313, %mul3A_324 : vector<16xi32>
        %mul3A_325 = arith.constant 805459861 : i32
        %mul3A_326 = vector.broadcast %mul3A_325 : i32 to vector<16xi32>
        %mul3A_327 = arith.muli %convert_element_type3A_321, %mul3A_326 : vector<16xi32>
        %xor3A_328 = arith.xori %xor3A, %mul3A_327 : vector<16xi32>
        %and3A = arith.constant 524287 : i32
        %and3A_329 = vector.broadcast %and3A : i32 to vector<16xi32>
        %and3A_330 = arith.andi %xor3A_328, %and3A_329 : vector<16xi32>
        %shift_right_arithmetic3A = arith.constant 2 : i32
        %shift_right_arithmetic3A_331 = vector.broadcast %shift_right_arithmetic3A : i32 to vector<16xi32>
        %shift_right_arithmetic3A_332 = arith.shrsi %and3A_330, %shift_right_arithmetic3A_331 : vector<16xi32>
        %or3A = arith.constant 0 : i32
        %or3A_333 = vector.broadcast %or3A : i32 to vector<16xi32>
        %or3A_334 = arith.ori %shift_right_arithmetic3A_332, %or3A_333 : vector<16xi32>
        %and3A_335 = arith.constant 3 : i32
        %and3A_336 = vector.broadcast %and3A_335 : i32 to vector<16xi32>
        %and3A_337 = arith.andi %and3A_330, %and3A_336 : vector<16xi32>
        %shift_left3A = arith.constant 1 : i32
        %shift_left3A_338 = vector.broadcast %shift_left3A : i32 to vector<16xi32>
        %shift_left3A_339 = arith.shli %and3A_337, %shift_left3A_338 : vector<16xi32>
        %add3A_340 = arith.constant 0 : i32
        %add3A_341 = vector.broadcast %add3A_340 : i32 to vector<16xi32>
        %add3A_342 = arith.addi %add3A_309, %add3A_341 : vector<16xi32>
        tpu.vector_store_idx %arg13[%add3A_342], %or3A_334 : memref<3072xi32, #tpu.memory_space<vmem>>[vector<16xi32>], vector<16xi32>,
        tpu.vector_store_idx %arg15[%add3A_342], %shift_left3A_339 : memref<3072xi32, #tpu.memory_space<vmem>>[vector<16xi32>], vector<16xi32>,
        %mul3A_343 = arith.constant 2.300000e+01 : f32
        %mul3A_344 = vector.broadcast %mul3A_343 : f32 to vector<16xf32>
        %mul3A_345 = arith.mulf %get3A_303, %mul3A_344 : vector<16xf32>
        %convert_element_type3A_346 = arith.fptosi %mul3A_345 : vector<16xf32> to vector<16xi32>
        %mul3A_347 = arith.constant 2.300000e+01 : f32
        %mul3A_348 = vector.broadcast %mul3A_347 : f32 to vector<16xf32>
        %mul3A_349 = arith.mulf %get3A_305, %mul3A_348 : vector<16xf32>
        %convert_element_type3A_350 = arith.fptosi %mul3A_349 : vector<16xf32> to vector<16xi32>
        %mul3A_351 = arith.constant 2.300000e+01 : f32
        %mul3A_352 = vector.broadcast %mul3A_351 : f32 to vector<16xf32>
        %mul3A_353 = arith.mulf %get3A_307, %mul3A_352 : vector<16xf32>
        %convert_element_type3A_354 = arith.fptosi %mul3A_353 : vector<16xf32> to vector<16xi32>
        %mul3A_355 = arith.constant -1640531535 : i32
        %mul3A_356 = vector.broadcast %mul3A_355 : i32 to vector<16xi32>
        %mul3A_357 = arith.muli %convert_element_type3A_350, %mul3A_356 : vector<16xi32>
        %xor3A_358 = arith.xori %convert_element_type3A_346, %mul3A_357 : vector<16xi32>
        %mul3A_359 = arith.constant 805459861 : i32
        %mul3A_360 = vector.broadcast %mul3A_359 : i32 to vector<16xi32>
        %mul3A_361 = arith.muli %convert_element_type3A_354, %mul3A_360 : vector<16xi32>
        %xor3A_362 = arith.xori %xor3A_358, %mul3A_361 : vector<16xi32>
        %and3A_363 = arith.constant 524287 : i32
        %and3A_364 = vector.broadcast %and3A_363 : i32 to vector<16xi32>
        %and3A_365 = arith.andi %xor3A_362, %and3A_364 : vector<16xi32>
        %shift_right_arithmetic3A_366 = arith.constant 2 : i32
        %shift_right_arithmetic3A_367 = vector.broadcast %shift_right_arithmetic3A_366 : i32 to vector<16xi32>
        %shift_right_arithmetic3A_368 = arith.shrsi %and3A_365, %shift_right_arithmetic3A_367 : vector<16xi32>
        %or3A_369 = arith.constant 131072 : i32
        %or3A_370 = vector.broadcast %or3A_369 : i32 to vector<16xi32>
        %or3A_371 = arith.ori %shift_right_arithmetic3A_368, %or3A_370 : vector<16xi32>
        %and3A_372 = arith.constant 3 : i32
        %and3A_373 = vector.broadcast %and3A_372 : i32 to vector<16xi32>
        %and3A_374 = arith.andi %and3A_365, %and3A_373 : vector<16xi32>
        %shift_left3A_375 = arith.constant 1 : i32
        %shift_left3A_376 = vector.broadcast %shift_left3A_375 : i32 to vector<16xi32>
        %shift_left3A_377 = arith.shli %and3A_374, %shift_left3A_376 : vector<16xi32>
        %add3A_378 = arith.constant 256 : i32
        %add3A_379 = vector.broadcast %add3A_378 : i32 to vector<16xi32>
        %add3A_380 = arith.addi %add3A_309, %add3A_379 : vector<16xi32>
        tpu.vector_store_idx %arg13[%add3A_380], %or3A_371 : memref<3072xi32, #tpu.memory_space<vmem>>[vector<16xi32>], vector<16xi32>,
        tpu.vector_store_idx %arg15[%add3A_380], %shift_left3A_377 : memref<3072xi32, #tpu.memory_space<vmem>>[vector<16xi32>], vector<16xi32>,
        %mul3A_381 = arith.constant 3.400000e+01 : f32
        %mul3A_382 = vector.broadcast %mul3A_381 : f32 to vector<16xf32>
        %mul3A_383 = arith.mulf %get3A_303, %mul3A_382 : vector<16xf32>
        %convert_element_type3A_384 = arith.fptosi %mul3A_383 : vector<16xf32> to vector<16xi32>
        %mul3A_385 = arith.constant 3.400000e+01 : f32
        %mul3A_386 = vector.broadcast %mul3A_385 : f32 to vector<16xf32>
        %mul3A_387 = arith.mulf %get3A_305, %mul3A_386 : vector<16xf32>
        %convert_element_type3A_388 = arith.fptosi %mul3A_387 : vector<16xf32> to vector<16xi32>
        %mul3A_389 = arith.constant 3.400000e+01 : f32
        %mul3A_390 = vector.broadcast %mul3A_389 : f32 to vector<16xf32>
        %mul3A_391 = arith.mulf %get3A_307, %mul3A_390 : vector<16xf32>
        %convert_element_type3A_392 = arith.fptosi %mul3A_391 : vector<16xf32> to vector<16xi32>
        %mul3A_393 = arith.constant -1640531535 : i32
        %mul3A_394 = vector.broadcast %mul3A_393 : i32 to vector<16xi32>
        %mul3A_395 = arith.muli %convert_element_type3A_388, %mul3A_394 : vector<16xi32>
        %xor3A_396 = arith.xori %convert_element_type3A_384, %mul3A_395 : vector<16xi32>
        %mul3A_397 = arith.constant 805459861 : i32
        %mul3A_398 = vector.broadcast %mul3A_397 : i32 to vector<16xi32>
        %mul3A_399 = arith.muli %convert_element_type3A_392, %mul3A_398 : vector<16xi32>
        %xor3A_400 = arith.xori %xor3A_396, %mul3A_399 : vector<16xi32>
        %and3A_401 = arith.constant 524287 : i32
        %and3A_402 = vector.broadcast %and3A_401 : i32 to vector<16xi32>
        %and3A_403 = arith.andi %xor3A_400, %and3A_402 : vector<16xi32>
        %shift_right_arithmetic3A_404 = arith.constant 2 : i32
        %shift_right_arithmetic3A_405 = vector.broadcast %shift_right_arithmetic3A_404 : i32 to vector<16xi32>
        %shift_right_arithmetic3A_406 = arith.shrsi %and3A_403, %shift_right_arithmetic3A_405 : vector<16xi32>
        %or3A_407 = arith.constant 262144 : i32
        %or3A_408 = vector.broadcast %or3A_407 : i32 to vector<16xi32>
        %or3A_409 = arith.ori %shift_right_arithmetic3A_406, %or3A_408 : vector<16xi32>
        %and3A_410 = arith.constant 3 : i32
        %and3A_411 = vector.broadcast %and3A_410 : i32 to vector<16xi32>
        %and3A_412 = arith.andi %and3A_403, %and3A_411 : vector<16xi32>
        %shift_left3A_413 = arith.constant 1 : i32
        %shift_left3A_414 = vector.broadcast %shift_left3A_413 : i32 to vector<16xi32>
        %shift_left3A_415 = arith.shli %and3A_412, %shift_left3A_414 : vector<16xi32>
        %add3A_416 = arith.constant 512 : i32
        %add3A_417 = vector.broadcast %add3A_416 : i32 to vector<16xi32>
        %add3A_418 = arith.addi %add3A_309, %add3A_417 : vector<16xi32>
        tpu.vector_store_idx %arg13[%add3A_418], %or3A_409 : memref<3072xi32, #tpu.memory_space<vmem>>[vector<16xi32>], vector<16xi32>,
        tpu.vector_store_idx %arg15[%add3A_418], %shift_left3A_415 : memref<3072xi32, #tpu.memory_space<vmem>>[vector<16xi32>], vector<16xi32>,
        %mul3A_419 = arith.constant 4.900000e+01 : f32
        %mul3A_420 = vector.broadcast %mul3A_419 : f32 to vector<16xf32>
        %mul3A_421 = arith.mulf %get3A_303, %mul3A_420 : vector<16xf32>
        %convert_element_type3A_422 = arith.fptosi %mul3A_421 : vector<16xf32> to vector<16xi32>
        %mul3A_423 = arith.constant 4.900000e+01 : f32
        %mul3A_424 = vector.broadcast %mul3A_423 : f32 to vector<16xf32>
        %mul3A_425 = arith.mulf %get3A_305, %mul3A_424 : vector<16xf32>
        %convert_element_type3A_426 = arith.fptosi %mul3A_425 : vector<16xf32> to vector<16xi32>
        %mul3A_427 = arith.constant 4.900000e+01 : f32
        %mul3A_428 = vector.broadcast %mul3A_427 : f32 to vector<16xf32>
        %mul3A_429 = arith.mulf %get3A_307, %mul3A_428 : vector<16xf32>
        %convert_element_type3A_430 = arith.fptosi %mul3A_429 : vector<16xf32> to vector<16xi32>
        %mul3A_431 = arith.constant -1640531535 : i32
        %mul3A_432 = vector.broadcast %mul3A_431 : i32 to vector<16xi32>
        %mul3A_433 = arith.muli %convert_element_type3A_426, %mul3A_432 : vector<16xi32>
        %xor3A_434 = arith.xori %convert_element_type3A_422, %mul3A_433 : vector<16xi32>
        %mul3A_435 = arith.constant 805459861 : i32
        %mul3A_436 = vector.broadcast %mul3A_435 : i32 to vector<16xi32>
        %mul3A_437 = arith.muli %convert_element_type3A_430, %mul3A_436 : vector<16xi32>
        %xor3A_438 = arith.xori %xor3A_434, %mul3A_437 : vector<16xi32>
        %and3A_439 = arith.constant 524287 : i32
        %and3A_440 = vector.broadcast %and3A_439 : i32 to vector<16xi32>
        %and3A_441 = arith.andi %xor3A_438, %and3A_440 : vector<16xi32>
        %shift_right_arithmetic3A_442 = arith.constant 2 : i32
        %shift_right_arithmetic3A_443 = vector.broadcast %shift_right_arithmetic3A_442 : i32 to vector<16xi32>
        %shift_right_arithmetic3A_444 = arith.shrsi %and3A_441, %shift_right_arithmetic3A_443 : vector<16xi32>
        %or3A_445 = arith.constant 393216 : i32
        %or3A_446 = vector.broadcast %or3A_445 : i32 to vector<16xi32>
        %or3A_447 = arith.ori %shift_right_arithmetic3A_444, %or3A_446 : vector<16xi32>
        %and3A_448 = arith.constant 3 : i32
        %and3A_449 = vector.broadcast %and3A_448 : i32 to vector<16xi32>
        %and3A_450 = arith.andi %and3A_441, %and3A_449 : vector<16xi32>
        %shift_left3A_451 = arith.constant 1 : i32
        %shift_left3A_452 = vector.broadcast %shift_left3A_451 : i32 to vector<16xi32>
        %shift_left3A_453 = arith.shli %and3A_450, %shift_left3A_452 : vector<16xi32>
        %add3A_454 = arith.constant 768 : i32
        %add3A_455 = vector.broadcast %add3A_454 : i32 to vector<16xi32>
        %add3A_456 = arith.addi %add3A_309, %add3A_455 : vector<16xi32>
        tpu.vector_store_idx %arg13[%add3A_456], %or3A_447 : memref<3072xi32, #tpu.memory_space<vmem>>[vector<16xi32>], vector<16xi32>,
        tpu.vector_store_idx %arg15[%add3A_456], %shift_left3A_453 : memref<3072xi32, #tpu.memory_space<vmem>>[vector<16xi32>], vector<16xi32>,
        %mul3A_457 = arith.constant 7.200000e+01 : f32
        %mul3A_458 = vector.broadcast %mul3A_457 : f32 to vector<16xf32>
        %mul3A_459 = arith.mulf %get3A_303, %mul3A_458 : vector<16xf32>
        %convert_element_type3A_460 = arith.fptosi %mul3A_459 : vector<16xf32> to vector<16xi32>
        %mul3A_461 = arith.constant 7.200000e+01 : f32
        %mul3A_462 = vector.broadcast %mul3A_461 : f32 to vector<16xf32>
        %mul3A_463 = arith.mulf %get3A_305, %mul3A_462 : vector<16xf32>
        %convert_element_type3A_464 = arith.fptosi %mul3A_463 : vector<16xf32> to vector<16xi32>
        %mul3A_465 = arith.constant 7.200000e+01 : f32
        %mul3A_466 = vector.broadcast %mul3A_465 : f32 to vector<16xf32>
        %mul3A_467 = arith.mulf %get3A_307, %mul3A_466 : vector<16xf32>
        %convert_element_type3A_468 = arith.fptosi %mul3A_467 : vector<16xf32> to vector<16xi32>
        %mul3A_469 = arith.constant -1640531535 : i32
        %mul3A_470 = vector.broadcast %mul3A_469 : i32 to vector<16xi32>
        %mul3A_471 = arith.muli %convert_element_type3A_464, %mul3A_470 : vector<16xi32>
        %xor3A_472 = arith.xori %convert_element_type3A_460, %mul3A_471 : vector<16xi32>
        %mul3A_473 = arith.constant 805459861 : i32
        %mul3A_474 = vector.broadcast %mul3A_473 : i32 to vector<16xi32>
        %mul3A_475 = arith.muli %convert_element_type3A_468, %mul3A_474 : vector<16xi32>
        %xor3A_476 = arith.xori %xor3A_472, %mul3A_475 : vector<16xi32>
        %and3A_477 = arith.constant 524287 : i32
        %and3A_478 = vector.broadcast %and3A_477 : i32 to vector<16xi32>
        %and3A_479 = arith.andi %xor3A_476, %and3A_478 : vector<16xi32>
        %shift_right_arithmetic3A_480 = arith.constant 2 : i32
        %shift_right_arithmetic3A_481 = vector.broadcast %shift_right_arithmetic3A_480 : i32 to vector<16xi32>
        %shift_right_arithmetic3A_482 = arith.shrsi %and3A_479, %shift_right_arithmetic3A_481 : vector<16xi32>
        %or3A_483 = arith.constant 524288 : i32
        %or3A_484 = vector.broadcast %or3A_483 : i32 to vector<16xi32>
        %or3A_485 = arith.ori %shift_right_arithmetic3A_482, %or3A_484 : vector<16xi32>
        %and3A_486 = arith.constant 3 : i32
        %and3A_487 = vector.broadcast %and3A_486 : i32 to vector<16xi32>
        %and3A_488 = arith.andi %and3A_479, %and3A_487 : vector<16xi32>
        %shift_left3A_489 = arith.constant 1 : i32
        %shift_left3A_490 = vector.broadcast %shift_left3A_489 : i32 to vector<16xi32>
        %shift_left3A_491 = arith.shli %and3A_488, %shift_left3A_490 : vector<16xi32>
        %add3A_492 = arith.constant 1024 : i32
        %add3A_493 = vector.broadcast %add3A_492 : i32 to vector<16xi32>
        %add3A_494 = arith.addi %add3A_309, %add3A_493 : vector<16xi32>
        tpu.vector_store_idx %arg13[%add3A_494], %or3A_485 : memref<3072xi32, #tpu.memory_space<vmem>>[vector<16xi32>], vector<16xi32>,
        tpu.vector_store_idx %arg15[%add3A_494], %shift_left3A_491 : memref<3072xi32, #tpu.memory_space<vmem>>[vector<16xi32>], vector<16xi32>,
        %mul3A_495 = arith.constant 1.050000e+02 : f32
        %mul3A_496 = vector.broadcast %mul3A_495 : f32 to vector<16xf32>
        %mul3A_497 = arith.mulf %get3A_303, %mul3A_496 : vector<16xf32>
        %convert_element_type3A_498 = arith.fptosi %mul3A_497 : vector<16xf32> to vector<16xi32>
        %mul3A_499 = arith.constant 1.050000e+02 : f32
        %mul3A_500 = vector.broadcast %mul3A_499 : f32 to vector<16xf32>
        %mul3A_501 = arith.mulf %get3A_305, %mul3A_500 : vector<16xf32>
        %convert_element_type3A_502 = arith.fptosi %mul3A_501 : vector<16xf32> to vector<16xi32>
        %mul3A_503 = arith.constant 1.050000e+02 : f32
        %mul3A_504 = vector.broadcast %mul3A_503 : f32 to vector<16xf32>
        %mul3A_505 = arith.mulf %get3A_307, %mul3A_504 : vector<16xf32>
        %convert_element_type3A_506 = arith.fptosi %mul3A_505 : vector<16xf32> to vector<16xi32>
        %mul3A_507 = arith.constant -1640531535 : i32
        %mul3A_508 = vector.broadcast %mul3A_507 : i32 to vector<16xi32>
        %mul3A_509 = arith.muli %convert_element_type3A_502, %mul3A_508 : vector<16xi32>
        %xor3A_510 = arith.xori %convert_element_type3A_498, %mul3A_509 : vector<16xi32>
        %mul3A_511 = arith.constant 805459861 : i32
        %mul3A_512 = vector.broadcast %mul3A_511 : i32 to vector<16xi32>
        %mul3A_513 = arith.muli %convert_element_type3A_506, %mul3A_512 : vector<16xi32>
        %xor3A_514 = arith.xori %xor3A_510, %mul3A_513 : vector<16xi32>
        %and3A_515 = arith.constant 524287 : i32
        %and3A_516 = vector.broadcast %and3A_515 : i32 to vector<16xi32>
        %and3A_517 = arith.andi %xor3A_514, %and3A_516 : vector<16xi32>
        %shift_right_arithmetic3A_518 = arith.constant 2 : i32
        %shift_right_arithmetic3A_519 = vector.broadcast %shift_right_arithmetic3A_518 : i32 to vector<16xi32>
        %shift_right_arithmetic3A_520 = arith.shrsi %and3A_517, %shift_right_arithmetic3A_519 : vector<16xi32>
        %or3A_521 = arith.constant 655360 : i32
        %or3A_522 = vector.broadcast %or3A_521 : i32 to vector<16xi32>
        %or3A_523 = arith.ori %shift_right_arithmetic3A_520, %or3A_522 : vector<16xi32>
        %and3A_524 = arith.constant 3 : i32
        %and3A_525 = vector.broadcast %and3A_524 : i32 to vector<16xi32>
        %and3A_526 = arith.andi %and3A_517, %and3A_525 : vector<16xi32>
        %shift_left3A_527 = arith.constant 1 : i32
        %shift_left3A_528 = vector.broadcast %shift_left3A_527 : i32 to vector<16xi32>
        %shift_left3A_529 = arith.shli %and3A_526, %shift_left3A_528 : vector<16xi32>
        %add3A_530 = arith.constant 1280 : i32
        %add3A_531 = vector.broadcast %add3A_530 : i32 to vector<16xi32>
        %add3A_532 = arith.addi %add3A_309, %add3A_531 : vector<16xi32>
        tpu.vector_store_idx %arg13[%add3A_532], %or3A_523 : memref<3072xi32, #tpu.memory_space<vmem>>[vector<16xi32>], vector<16xi32>,
        tpu.vector_store_idx %arg15[%add3A_532], %shift_left3A_529 : memref<3072xi32, #tpu.memory_space<vmem>>[vector<16xi32>], vector<16xi32>,
        %mul3A_533 = arith.constant 1.540000e+02 : f32
        %mul3A_534 = vector.broadcast %mul3A_533 : f32 to vector<16xf32>
        %mul3A_535 = arith.mulf %get3A_303, %mul3A_534 : vector<16xf32>
        %convert_element_type3A_536 = arith.fptosi %mul3A_535 : vector<16xf32> to vector<16xi32>
        %mul3A_537 = arith.constant 1.540000e+02 : f32
        %mul3A_538 = vector.broadcast %mul3A_537 : f32 to vector<16xf32>
        %mul3A_539 = arith.mulf %get3A_305, %mul3A_538 : vector<16xf32>
        %convert_element_type3A_540 = arith.fptosi %mul3A_539 : vector<16xf32> to vector<16xi32>
        %mul3A_541 = arith.constant 1.540000e+02 : f32
        %mul3A_542 = vector.broadcast %mul3A_541 : f32 to vector<16xf32>
        %mul3A_543 = arith.mulf %get3A_307, %mul3A_542 : vector<16xf32>
        %convert_element_type3A_544 = arith.fptosi %mul3A_543 : vector<16xf32> to vector<16xi32>
        %mul3A_545 = arith.constant -1640531535 : i32
        %mul3A_546 = vector.broadcast %mul3A_545 : i32 to vector<16xi32>
        %mul3A_547 = arith.muli %convert_element_type3A_540, %mul3A_546 : vector<16xi32>
        %xor3A_548 = arith.xori %convert_element_type3A_536, %mul3A_547 : vector<16xi32>
        %mul3A_549 = arith.constant 805459861 : i32
        %mul3A_550 = vector.broadcast %mul3A_549 : i32 to vector<16xi32>
        %mul3A_551 = arith.muli %convert_element_type3A_544, %mul3A_550 : vector<16xi32>
        %xor3A_552 = arith.xori %xor3A_548, %mul3A_551 : vector<16xi32>
        %and3A_553 = arith.constant 524287 : i32
        %and3A_554 = vector.broadcast %and3A_553 : i32 to vector<16xi32>
        %and3A_555 = arith.andi %xor3A_552, %and3A_554 : vector<16xi32>
        %shift_right_arithmetic3A_556 = arith.constant 2 : i32
        %shift_right_arithmetic3A_557 = vector.broadcast %shift_right_arithmetic3A_556 : i32 to vector<16xi32>
        %shift_right_arithmetic3A_558 = arith.shrsi %and3A_555, %shift_right_arithmetic3A_557 : vector<16xi32>
        %or3A_559 = arith.constant 786432 : i32
        %or3A_560 = vector.broadcast %or3A_559 : i32 to vector<16xi32>
        %or3A_561 = arith.ori %shift_right_arithmetic3A_558, %or3A_560 : vector<16xi32>
        %and3A_562 = arith.constant 3 : i32
        %and3A_563 = vector.broadcast %and3A_562 : i32 to vector<16xi32>
        %and3A_564 = arith.andi %and3A_555, %and3A_563 : vector<16xi32>
        %shift_left3A_565 = arith.constant 1 : i32
        %shift_left3A_566 = vector.broadcast %shift_left3A_565 : i32 to vector<16xi32>
        %shift_left3A_567 = arith.shli %and3A_564, %shift_left3A_566 : vector<16xi32>
        %add3A_568 = arith.constant 1536 : i32
        %add3A_569 = vector.broadcast %add3A_568 : i32 to vector<16xi32>
        %add3A_570 = arith.addi %add3A_309, %add3A_569 : vector<16xi32>
        tpu.vector_store_idx %arg13[%add3A_570], %or3A_561 : memref<3072xi32, #tpu.memory_space<vmem>>[vector<16xi32>], vector<16xi32>,
        tpu.vector_store_idx %arg15[%add3A_570], %shift_left3A_567 : memref<3072xi32, #tpu.memory_space<vmem>>[vector<16xi32>], vector<16xi32>,
        %mul3A_571 = arith.constant 2.250000e+02 : f32
        %mul3A_572 = vector.broadcast %mul3A_571 : f32 to vector<16xf32>
        %mul3A_573 = arith.mulf %get3A_303, %mul3A_572 : vector<16xf32>
        %convert_element_type3A_574 = arith.fptosi %mul3A_573 : vector<16xf32> to vector<16xi32>
        %mul3A_575 = arith.constant 2.250000e+02 : f32
        %mul3A_576 = vector.broadcast %mul3A_575 : f32 to vector<16xf32>
        %mul3A_577 = arith.mulf %get3A_305, %mul3A_576 : vector<16xf32>
        %convert_element_type3A_578 = arith.fptosi %mul3A_577 : vector<16xf32> to vector<16xi32>
        %mul3A_579 = arith.constant 2.250000e+02 : f32
        %mul3A_580 = vector.broadcast %mul3A_579 : f32 to vector<16xf32>
        %mul3A_581 = arith.mulf %get3A_307, %mul3A_580 : vector<16xf32>
        %convert_element_type3A_582 = arith.fptosi %mul3A_581 : vector<16xf32> to vector<16xi32>
        %mul3A_583 = arith.constant -1640531535 : i32
        %mul3A_584 = vector.broadcast %mul3A_583 : i32 to vector<16xi32>
        %mul3A_585 = arith.muli %convert_element_type3A_578, %mul3A_584 : vector<16xi32>
        %xor3A_586 = arith.xori %convert_element_type3A_574, %mul3A_585 : vector<16xi32>
        %mul3A_587 = arith.constant 805459861 : i32
        %mul3A_588 = vector.broadcast %mul3A_587 : i32 to vector<16xi32>
        %mul3A_589 = arith.muli %convert_element_type3A_582, %mul3A_588 : vector<16xi32>
        %xor3A_590 = arith.xori %xor3A_586, %mul3A_589 : vector<16xi32>
        %and3A_591 = arith.constant 524287 : i32
        %and3A_592 = vector.broadcast %and3A_591 : i32 to vector<16xi32>
        %and3A_593 = arith.andi %xor3A_590, %and3A_592 : vector<16xi32>
        %shift_right_arithmetic3A_594 = arith.constant 2 : i32
        %shift_right_arithmetic3A_595 = vector.broadcast %shift_right_arithmetic3A_594 : i32 to vector<16xi32>
        %shift_right_arithmetic3A_596 = arith.shrsi %and3A_593, %shift_right_arithmetic3A_595 : vector<16xi32>
        %or3A_597 = arith.constant 917504 : i32
        %or3A_598 = vector.broadcast %or3A_597 : i32 to vector<16xi32>
        %or3A_599 = arith.ori %shift_right_arithmetic3A_596, %or3A_598 : vector<16xi32>
        %and3A_600 = arith.constant 3 : i32
        %and3A_601 = vector.broadcast %and3A_600 : i32 to vector<16xi32>
        %and3A_602 = arith.andi %and3A_593, %and3A_601 : vector<16xi32>
        %shift_left3A_603 = arith.constant 1 : i32
        %shift_left3A_604 = vector.broadcast %shift_left3A_603 : i32 to vector<16xi32>
        %shift_left3A_605 = arith.shli %and3A_602, %shift_left3A_604 : vector<16xi32>
        %add3A_606 = arith.constant 1792 : i32
        %add3A_607 = vector.broadcast %add3A_606 : i32 to vector<16xi32>
        %add3A_608 = arith.addi %add3A_309, %add3A_607 : vector<16xi32>
        tpu.vector_store_idx %arg13[%add3A_608], %or3A_599 : memref<3072xi32, #tpu.memory_space<vmem>>[vector<16xi32>], vector<16xi32>,
        tpu.vector_store_idx %arg15[%add3A_608], %shift_left3A_605 : memref<3072xi32, #tpu.memory_space<vmem>>[vector<16xi32>], vector<16xi32>,
        %mul3A_609 = arith.constant 3.290000e+02 : f32
        %mul3A_610 = vector.broadcast %mul3A_609 : f32 to vector<16xf32>
        %mul3A_611 = arith.mulf %get3A_303, %mul3A_610 : vector<16xf32>
        %convert_element_type3A_612 = arith.fptosi %mul3A_611 : vector<16xf32> to vector<16xi32>
        %mul3A_613 = arith.constant 3.290000e+02 : f32
        %mul3A_614 = vector.broadcast %mul3A_613 : f32 to vector<16xf32>
        %mul3A_615 = arith.mulf %get3A_305, %mul3A_614 : vector<16xf32>
        %convert_element_type3A_616 = arith.fptosi %mul3A_615 : vector<16xf32> to vector<16xi32>
        %mul3A_617 = arith.constant 3.290000e+02 : f32
        %mul3A_618 = vector.broadcast %mul3A_617 : f32 to vector<16xf32>
        %mul3A_619 = arith.mulf %get3A_307, %mul3A_618 : vector<16xf32>
        %convert_element_type3A_620 = arith.fptosi %mul3A_619 : vector<16xf32> to vector<16xi32>
        %mul3A_621 = arith.constant -1640531535 : i32
        %mul3A_622 = vector.broadcast %mul3A_621 : i32 to vector<16xi32>
        %mul3A_623 = arith.muli %convert_element_type3A_616, %mul3A_622 : vector<16xi32>
        %xor3A_624 = arith.xori %convert_element_type3A_612, %mul3A_623 : vector<16xi32>
        %mul3A_625 = arith.constant 805459861 : i32
        %mul3A_626 = vector.broadcast %mul3A_625 : i32 to vector<16xi32>
        %mul3A_627 = arith.muli %convert_element_type3A_620, %mul3A_626 : vector<16xi32>
        %xor3A_628 = arith.xori %xor3A_624, %mul3A_627 : vector<16xi32>
        %and3A_629 = arith.constant 524287 : i32
        %and3A_630 = vector.broadcast %and3A_629 : i32 to vector<16xi32>
        %and3A_631 = arith.andi %xor3A_628, %and3A_630 : vector<16xi32>
        %shift_right_arithmetic3A_632 = arith.constant 2 : i32
        %shift_right_arithmetic3A_633 = vector.broadcast %shift_right_arithmetic3A_632 : i32 to vector<16xi32>
        %shift_right_arithmetic3A_634 = arith.shrsi %and3A_631, %shift_right_arithmetic3A_633 : vector<16xi32>
        %or3A_635 = arith.constant 1048576 : i32
        %or3A_636 = vector.broadcast %or3A_635 : i32 to vector<16xi32>
        %or3A_637 = arith.ori %shift_right_arithmetic3A_634, %or3A_636 : vector<16xi32>
        %and3A_638 = arith.constant 3 : i32
        %and3A_639 = vector.broadcast %and3A_638 : i32 to vector<16xi32>
        %and3A_640 = arith.andi %and3A_631, %and3A_639 : vector<16xi32>
        %shift_left3A_641 = arith.constant 1 : i32
        %shift_left3A_642 = vector.broadcast %shift_left3A_641 : i32 to vector<16xi32>
        %shift_left3A_643 = arith.shli %and3A_640, %shift_left3A_642 : vector<16xi32>
        %add3A_644 = arith.constant 2048 : i32
        %add3A_645 = vector.broadcast %add3A_644 : i32 to vector<16xi32>
        %add3A_646 = arith.addi %add3A_309, %add3A_645 : vector<16xi32>
        tpu.vector_store_idx %arg13[%add3A_646], %or3A_637 : memref<3072xi32, #tpu.memory_space<vmem>>[vector<16xi32>], vector<16xi32>,
        tpu.vector_store_idx %arg15[%add3A_646], %shift_left3A_643 : memref<3072xi32, #tpu.memory_space<vmem>>[vector<16xi32>], vector<16xi32>,
        %mul3A_647 = arith.constant 4.800000e+02 : f32
        %mul3A_648 = vector.broadcast %mul3A_647 : f32 to vector<16xf32>
        %mul3A_649 = arith.mulf %get3A_303, %mul3A_648 : vector<16xf32>
        %convert_element_type3A_650 = arith.fptosi %mul3A_649 : vector<16xf32> to vector<16xi32>
        %mul3A_651 = arith.constant 4.800000e+02 : f32
        %mul3A_652 = vector.broadcast %mul3A_651 : f32 to vector<16xf32>
        %mul3A_653 = arith.mulf %get3A_305, %mul3A_652 : vector<16xf32>
        %convert_element_type3A_654 = arith.fptosi %mul3A_653 : vector<16xf32> to vector<16xi32>
        %mul3A_655 = arith.constant 4.800000e+02 : f32
        %mul3A_656 = vector.broadcast %mul3A_655 : f32 to vector<16xf32>
        %mul3A_657 = arith.mulf %get3A_307, %mul3A_656 : vector<16xf32>
        %convert_element_type3A_658 = arith.fptosi %mul3A_657 : vector<16xf32> to vector<16xi32>
        %mul3A_659 = arith.constant -1640531535 : i32
        %mul3A_660 = vector.broadcast %mul3A_659 : i32 to vector<16xi32>
        %mul3A_661 = arith.muli %convert_element_type3A_654, %mul3A_660 : vector<16xi32>
        %xor3A_662 = arith.xori %convert_element_type3A_650, %mul3A_661 : vector<16xi32>
        %mul3A_663 = arith.constant 805459861 : i32
        %mul3A_664 = vector.broadcast %mul3A_663 : i32 to vector<16xi32>
        %mul3A_665 = arith.muli %convert_element_type3A_658, %mul3A_664 : vector<16xi32>
        %xor3A_666 = arith.xori %xor3A_662, %mul3A_665 : vector<16xi32>
        %and3A_667 = arith.constant 524287 : i32
        %and3A_668 = vector.broadcast %and3A_667 : i32 to vector<16xi32>
        %and3A_669 = arith.andi %xor3A_666, %and3A_668 : vector<16xi32>
        %shift_right_arithmetic3A_670 = arith.constant 2 : i32
        %shift_right_arithmetic3A_671 = vector.broadcast %shift_right_arithmetic3A_670 : i32 to vector<16xi32>
        %shift_right_arithmetic3A_672 = arith.shrsi %and3A_669, %shift_right_arithmetic3A_671 : vector<16xi32>
        %or3A_673 = arith.constant 1179648 : i32
        %or3A_674 = vector.broadcast %or3A_673 : i32 to vector<16xi32>
        %or3A_675 = arith.ori %shift_right_arithmetic3A_672, %or3A_674 : vector<16xi32>
        %and3A_676 = arith.constant 3 : i32
        %and3A_677 = vector.broadcast %and3A_676 : i32 to vector<16xi32>
        %and3A_678 = arith.andi %and3A_669, %and3A_677 : vector<16xi32>
        %shift_left3A_679 = arith.constant 1 : i32
        %shift_left3A_680 = vector.broadcast %shift_left3A_679 : i32 to vector<16xi32>
        %shift_left3A_681 = arith.shli %and3A_678, %shift_left3A_680 : vector<16xi32>
        %add3A_682 = arith.constant 2304 : i32
        %add3A_683 = vector.broadcast %add3A_682 : i32 to vector<16xi32>
        %add3A_684 = arith.addi %add3A_309, %add3A_683 : vector<16xi32>
        tpu.vector_store_idx %arg13[%add3A_684], %or3A_675 : memref<3072xi32, #tpu.memory_space<vmem>>[vector<16xi32>], vector<16xi32>,
        tpu.vector_store_idx %arg15[%add3A_684], %shift_left3A_681 : memref<3072xi32, #tpu.memory_space<vmem>>[vector<16xi32>], vector<16xi32>,
        %mul3A_685 = arith.constant 7.010000e+02 : f32
        %mul3A_686 = vector.broadcast %mul3A_685 : f32 to vector<16xf32>
        %mul3A_687 = arith.mulf %get3A_303, %mul3A_686 : vector<16xf32>
        %convert_element_type3A_688 = arith.fptosi %mul3A_687 : vector<16xf32> to vector<16xi32>
        %mul3A_689 = arith.constant 7.010000e+02 : f32
        %mul3A_690 = vector.broadcast %mul3A_689 : f32 to vector<16xf32>
        %mul3A_691 = arith.mulf %get3A_305, %mul3A_690 : vector<16xf32>
        %convert_element_type3A_692 = arith.fptosi %mul3A_691 : vector<16xf32> to vector<16xi32>
        %mul3A_693 = arith.constant 7.010000e+02 : f32
        %mul3A_694 = vector.broadcast %mul3A_693 : f32 to vector<16xf32>
        %mul3A_695 = arith.mulf %get3A_307, %mul3A_694 : vector<16xf32>
        %convert_element_type3A_696 = arith.fptosi %mul3A_695 : vector<16xf32> to vector<16xi32>
        %mul3A_697 = arith.constant -1640531535 : i32
        %mul3A_698 = vector.broadcast %mul3A_697 : i32 to vector<16xi32>
        %mul3A_699 = arith.muli %convert_element_type3A_692, %mul3A_698 : vector<16xi32>
        %xor3A_700 = arith.xori %convert_element_type3A_688, %mul3A_699 : vector<16xi32>
        %mul3A_701 = arith.constant 805459861 : i32
        %mul3A_702 = vector.broadcast %mul3A_701 : i32 to vector<16xi32>
        %mul3A_703 = arith.muli %convert_element_type3A_696, %mul3A_702 : vector<16xi32>
        %xor3A_704 = arith.xori %xor3A_700, %mul3A_703 : vector<16xi32>
        %and3A_705 = arith.constant 524287 : i32
        %and3A_706 = vector.broadcast %and3A_705 : i32 to vector<16xi32>
        %and3A_707 = arith.andi %xor3A_704, %and3A_706 : vector<16xi32>
        %shift_right_arithmetic3A_708 = arith.constant 2 : i32
        %shift_right_arithmetic3A_709 = vector.broadcast %shift_right_arithmetic3A_708 : i32 to vector<16xi32>
        %shift_right_arithmetic3A_710 = arith.shrsi %and3A_707, %shift_right_arithmetic3A_709 : vector<16xi32>
        %or3A_711 = arith.constant 1310720 : i32
        %or3A_712 = vector.broadcast %or3A_711 : i32 to vector<16xi32>
        %or3A_713 = arith.ori %shift_right_arithmetic3A_710, %or3A_712 : vector<16xi32>
        %and3A_714 = arith.constant 3 : i32
        %and3A_715 = vector.broadcast %and3A_714 : i32 to vector<16xi32>
        %and3A_716 = arith.andi %and3A_707, %and3A_715 : vector<16xi32>
        %shift_left3A_717 = arith.constant 1 : i32
        %shift_left3A_718 = vector.broadcast %shift_left3A_717 : i32 to vector<16xi32>
        %shift_left3A_719 = arith.shli %and3A_716, %shift_left3A_718 : vector<16xi32>
        %add3A_720 = arith.constant 2560 : i32
        %add3A_721 = vector.broadcast %add3A_720 : i32 to vector<16xi32>
        %add3A_722 = arith.addi %add3A_309, %add3A_721 : vector<16xi32>
        tpu.vector_store_idx %arg13[%add3A_722], %or3A_713 : memref<3072xi32, #tpu.memory_space<vmem>>[vector<16xi32>], vector<16xi32>,
        tpu.vector_store_idx %arg15[%add3A_722], %shift_left3A_719 : memref<3072xi32, #tpu.memory_space<vmem>>[vector<16xi32>], vector<16xi32>,
        %mul3A_723 = arith.constant 1.024000e+03 : f32
        %mul3A_724 = vector.broadcast %mul3A_723 : f32 to vector<16xf32>
        %mul3A_725 = arith.mulf %get3A_303, %mul3A_724 : vector<16xf32>
        %convert_element_type3A_726 = arith.fptosi %mul3A_725 : vector<16xf32> to vector<16xi32>
        %mul3A_727 = arith.constant 1.024000e+03 : f32
        %mul3A_728 = vector.broadcast %mul3A_727 : f32 to vector<16xf32>
        %mul3A_729 = arith.mulf %get3A_305, %mul3A_728 : vector<16xf32>
        %convert_element_type3A_730 = arith.fptosi %mul3A_729 : vector<16xf32> to vector<16xi32>
        %mul3A_731 = arith.constant 1.024000e+03 : f32
        %mul3A_732 = vector.broadcast %mul3A_731 : f32 to vector<16xf32>
        %mul3A_733 = arith.mulf %get3A_307, %mul3A_732 : vector<16xf32>
        %convert_element_type3A_734 = arith.fptosi %mul3A_733 : vector<16xf32> to vector<16xi32>
        %mul3A_735 = arith.constant -1640531535 : i32
        %mul3A_736 = vector.broadcast %mul3A_735 : i32 to vector<16xi32>
        %mul3A_737 = arith.muli %convert_element_type3A_730, %mul3A_736 : vector<16xi32>
        %xor3A_738 = arith.xori %convert_element_type3A_726, %mul3A_737 : vector<16xi32>
        %mul3A_739 = arith.constant 805459861 : i32
        %mul3A_740 = vector.broadcast %mul3A_739 : i32 to vector<16xi32>
        %mul3A_741 = arith.muli %convert_element_type3A_734, %mul3A_740 : vector<16xi32>
        %xor3A_742 = arith.xori %xor3A_738, %mul3A_741 : vector<16xi32>
        %and3A_743 = arith.constant 524287 : i32
        %and3A_744 = vector.broadcast %and3A_743 : i32 to vector<16xi32>
        %and3A_745 = arith.andi %xor3A_742, %and3A_744 : vector<16xi32>
        %shift_right_arithmetic3A_746 = arith.constant 2 : i32
        %shift_right_arithmetic3A_747 = vector.broadcast %shift_right_arithmetic3A_746 : i32 to vector<16xi32>
        %shift_right_arithmetic3A_748 = arith.shrsi %and3A_745, %shift_right_arithmetic3A_747 : vector<16xi32>
        %or3A_749 = arith.constant 1441792 : i32
        %or3A_750 = vector.broadcast %or3A_749 : i32 to vector<16xi32>
        %or3A_751 = arith.ori %shift_right_arithmetic3A_748, %or3A_750 : vector<16xi32>
        %and3A_752 = arith.constant 3 : i32
        %and3A_753 = vector.broadcast %and3A_752 : i32 to vector<16xi32>
        %and3A_754 = arith.andi %and3A_745, %and3A_753 : vector<16xi32>
        %shift_left3A_755 = arith.constant 1 : i32
        %shift_left3A_756 = vector.broadcast %shift_left3A_755 : i32 to vector<16xi32>
        %shift_left3A_757 = arith.shli %and3A_754, %shift_left3A_756 : vector<16xi32>
        %add3A_758 = arith.constant 2816 : i32
        %add3A_759 = vector.broadcast %add3A_758 : i32 to vector<16xi32>
        %add3A_760 = arith.addi %add3A_309, %add3A_759 : vector<16xi32>
        tpu.vector_store_idx %arg13[%add3A_760], %or3A_751 : memref<3072xi32, #tpu.memory_space<vmem>>[vector<16xi32>], vector<16xi32>,
        tpu.vector_store_idx %arg15[%add3A_760], %shift_left3A_757 : memref<3072xi32, #tpu.memory_space<vmem>>[vector<16xi32>], vector<16xi32>,
      }
      %dma_start3A_246 = arith.constant 0 : i32
      %dma_start3A_247 = arith.constant 0 : i32
      %dma_start3A_248 = tpu.memref_slice %arg5[%dma_start3A_246, %dma_start3A_247] : memref<1572864x8xf32, #tpu.memory_space<hbm>> -> memref<1572864x8xf32, #tpu.memory_space<hbm>>
      tpu.enqueue_indirect_dma source(%dma_start3A_248 : memref<1572864x8xf32, #tpu.memory_space<hbm>>) target(%arg17 : memref<3072x8xf32, #tpu.memory_space<vmem>>) offsets(%arg13 : memref<3072xi32, #tpu.memory_space<vmem>>) semaphore(%arg21 : memref<!tpu.dma_semaphore, #tpu.memory_space<semaphore_mem>>)
      %dma_wait3A_249 = arith.constant 0 : i32
      %dma_wait3A_250 = arith.constant 0 : i32
      %dma_wait3A_251 = tpu.memref_slice %arg5[%dma_wait3A_249, %dma_wait3A_250] : memref<1572864x8xf32, #tpu.memory_space<hbm>> -> memref<1572864x8xf32, #tpu.memory_space<hbm>>
      tpu.wait_indirect_dma semaphore(%arg22 : memref<!tpu.dma_semaphore, #tpu.memory_space<semaphore_mem>>) src(%dma_wait3A_251 : memref<1572864x8xf32, #tpu.memory_space<hbm>>) dst(%arg18 : memref<3072x8xf32, #tpu.memory_space<vmem>>)
      %sub3A_252 = arith.constant 3072 : i32
      %sub3A_253 = arith.subi %sub3A_252, %mul3A_4 : i32
      %sub3A_254 = arith.constant 16 : i32
      %sub3A_255 = arith.constant 1 : i32
      %sub3A_256 = arith.subi %sub3A_254, %sub3A_255 : i32
      %add3A_257 = arith.addi %sub3A_253, %sub3A_256 : i32
      %div3A_258 = arith.constant 16 : i32
      %div3A_259 = arith.divsi %add3A_257, %div3A_258 : i32
      %while3A_260 = arith.constant 16 : i32
      %while3A_261 = arith.constant 0 : i32
      %while3A_262 = arith.subi %div3A_259, %while3A_261 : i32
      %while3A_263 = arith.addi %while3A_261, %while3A_262 : i32
      %while3A_264 = arith.constant 1 : i32
      %while3A_265 = arith.divsi %while3A_262, %while3A_264 : i32
      %while3A_266 = arith.muli %while3A_265, %while3A_264 : i32
      %while3A_267 = arith.addi %while3A_261, %while3A_266 : i32
      %while3A_268 = arith.constant 1 : i32
      scf.for %while3A_300 = %while3A_261 to %while3A_267 step %while3A_268  : i32 {
        %mul3A_301 = arith.muli %while3A_300, %while3A_260 : i32
        %add3A_302 = arith.addi %mul3A_4, %mul3A_301 : i32
        %get3A = arith.index_cast %add3A_302 : i32 to index
        %get3A_303 = tpu.vector_load %arg16[%get3A] {strides = array<i32>} : memref<3072xi32, #tpu.memory_space<vmem>>, vector<16xi32>,
        %add3A_304 = vector.broadcast %add3A_302 : i32 to vector<16xi32>
        %add3A_305 = arith.addi %iota3A, %add3A_304 : vector<16xi32>
        %gather3A = tpu.vector_load_idx %arg18[%add3A_305, %get3A_303] : memref<3072x8xf32, #tpu.memory_space<vmem>>[vector<16xi32>, vector<16xi32>], vector<16xf32>,
        %add3A_306 = arith.constant 1 : i32
        %add3A_307 = vector.broadcast %add3A_306 : i32 to vector<16xi32>
        %add3A_308 = arith.addi %get3A_303, %add3A_307 : vector<16xi32>
        %gather3A_309 = tpu.vector_load_idx %arg18[%add3A_305, %add3A_308] : memref<3072x8xf32, #tpu.memory_space<vmem>>[vector<16xi32>, vector<16xi32>], vector<16xf32>,
        %shift_right_arithmetic3A = arith.constant 10 : i32
        %shift_right_arithmetic3A_310 = arith.shrsi %add3A_302, %shift_right_arithmetic3A : i32
        %shift_left3A = arith.constant 11 : i32
        %shift_left3A_311 = arith.shli %shift_right_arithmetic3A_310, %shift_left3A : i32
        %shift_right_arithmetic3A_312 = arith.constant 7 : i32
        %shift_right_arithmetic3A_313 = arith.shrsi %add3A_302, %shift_right_arithmetic3A_312 : i32
        %and3A = arith.constant 1 : i32
        %and3A_314 = arith.andi %shift_right_arithmetic3A_313, %and3A : i32
        %shift_left3A_315 = arith.constant 10 : i32
        %shift_left3A_316 = arith.shli %and3A_314, %shift_left3A_315 : i32
        %or3A = arith.ori %shift_left3A_311, %shift_left3A_316 : i32
        %shift_right_arithmetic3A_317 = arith.constant 8 : i32
        %shift_right_arithmetic3A_318 = arith.shrsi %add3A_302, %shift_right_arithmetic3A_317 : i32
        %and3A_319 = arith.constant 3 : i32
        %and3A_320 = arith.andi %shift_right_arithmetic3A_318, %and3A_319 : i32
        %shift_left3A_321 = arith.constant 8 : i32
        %shift_left3A_322 = arith.shli %and3A_320, %shift_left3A_321 : i32
        %or3A_323 = arith.ori %or3A, %shift_left3A_322 : i32
        %and3A_324 = arith.constant 127 : i32
        %and3A_325 = arith.andi %add3A_302, %and3A_324 : i32
        %or3A_326 = arith.ori %or3A_323, %and3A_325 : i32
        %add3A_327 = vector.broadcast %or3A_326 : i32 to vector<16xi32>
        %add3A_328 = arith.addi %iota3A, %add3A_327 : vector<16xi32>
        tpu.vector_store_idx %arg20[%add3A_328], %gather3A : memref<6144xf32, #tpu.memory_space<vmem>>[vector<16xi32>], vector<16xf32>,
        %add3A_329 = arith.constant 128 : i32
        %add3A_330 = vector.broadcast %add3A_329 : i32 to vector<16xi32>
        %add3A_331 = arith.addi %add3A_328, %add3A_330 : vector<16xi32>
        tpu.vector_store_idx %arg20[%add3A_331], %gather3A_309 : memref<6144xf32, #tpu.memory_space<vmem>>[vector<16xi32>], vector<16xf32>,
      }
      %while3A_269 = arith.constant 1 : i32
      scf.for %while3A_300 = %while3A_267 to %while3A_263 step %while3A_269  : i32 {
        %mul3A_301 = arith.muli %while3A_300, %while3A_260 : i32
        %add3A_302 = arith.addi %mul3A_4, %mul3A_301 : i32
        %get3A = arith.index_cast %add3A_302 : i32 to index
        %get3A_303 = tpu.vector_load %arg16[%get3A] {strides = array<i32>} : memref<3072xi32, #tpu.memory_space<vmem>>, vector<16xi32>,
        %add3A_304 = vector.broadcast %add3A_302 : i32 to vector<16xi32>
        %add3A_305 = arith.addi %iota3A, %add3A_304 : vector<16xi32>
        %gather3A = tpu.vector_load_idx %arg18[%add3A_305, %get3A_303] : memref<3072x8xf32, #tpu.memory_space<vmem>>[vector<16xi32>, vector<16xi32>], vector<16xf32>,
        %add3A_306 = arith.constant 1 : i32
        %add3A_307 = vector.broadcast %add3A_306 : i32 to vector<16xi32>
        %add3A_308 = arith.addi %get3A_303, %add3A_307 : vector<16xi32>
        %gather3A_309 = tpu.vector_load_idx %arg18[%add3A_305, %add3A_308] : memref<3072x8xf32, #tpu.memory_space<vmem>>[vector<16xi32>, vector<16xi32>], vector<16xf32>,
        %shift_right_arithmetic3A = arith.constant 10 : i32
        %shift_right_arithmetic3A_310 = arith.shrsi %add3A_302, %shift_right_arithmetic3A : i32
        %shift_left3A = arith.constant 11 : i32
        %shift_left3A_311 = arith.shli %shift_right_arithmetic3A_310, %shift_left3A : i32
        %shift_right_arithmetic3A_312 = arith.constant 7 : i32
        %shift_right_arithmetic3A_313 = arith.shrsi %add3A_302, %shift_right_arithmetic3A_312 : i32
        %and3A = arith.constant 1 : i32
        %and3A_314 = arith.andi %shift_right_arithmetic3A_313, %and3A : i32
        %shift_left3A_315 = arith.constant 10 : i32
        %shift_left3A_316 = arith.shli %and3A_314, %shift_left3A_315 : i32
        %or3A = arith.ori %shift_left3A_311, %shift_left3A_316 : i32
        %shift_right_arithmetic3A_317 = arith.constant 8 : i32
        %shift_right_arithmetic3A_318 = arith.shrsi %add3A_302, %shift_right_arithmetic3A_317 : i32
        %and3A_319 = arith.constant 3 : i32
        %and3A_320 = arith.andi %shift_right_arithmetic3A_318, %and3A_319 : i32
        %shift_left3A_321 = arith.constant 8 : i32
        %shift_left3A_322 = arith.shli %and3A_320, %shift_left3A_321 : i32
        %or3A_323 = arith.ori %or3A, %shift_left3A_322 : i32
        %and3A_324 = arith.constant 127 : i32
        %and3A_325 = arith.andi %add3A_302, %and3A_324 : i32
        %or3A_326 = arith.ori %or3A_323, %and3A_325 : i32
        %add3A_327 = vector.broadcast %or3A_326 : i32 to vector<16xi32>
        %add3A_328 = arith.addi %iota3A, %add3A_327 : vector<16xi32>
        tpu.vector_store_idx %arg20[%add3A_328], %gather3A : memref<6144xf32, #tpu.memory_space<vmem>>[vector<16xi32>], vector<16xf32>,
        %add3A_329 = arith.constant 128 : i32
        %add3A_330 = vector.broadcast %add3A_329 : i32 to vector<16xi32>
        %add3A_331 = arith.addi %add3A_328, %add3A_330 : vector<16xi32>
        tpu.vector_store_idx %arg20[%add3A_331], %gather3A_309 : memref<6144xf32, #tpu.memory_space<vmem>>[vector<16xi32>], vector<16xf32>,
      }
      %mul3A_270 = arith.constant 8 : i32
      %mul3A_271 = arith.muli %add3A_126, %mul3A_270 : i32
      %add3A_272 = arith.constant 0 : i32
      %add3A_273 = arith.addi %mul3A_271, %add3A_272 : i32
      %mul3A_274 = arith.constant 8 : i32
      %mul3A_275 = arith.muli %add3A_126, %mul3A_274 : i32
      %add3A_276 = arith.constant 8388608 : i32
      %add3A_277 = arith.addi %mul3A_275, %add3A_276 : i32
      %mul3A_278 = arith.constant 8 : i32
      %mul3A_279 = arith.muli %add3A_126, %mul3A_278 : i32
      %add3A_280 = arith.constant 16777216 : i32
      %add3A_281 = arith.addi %mul3A_279, %add3A_280 : i32
      %dma_start3A_282 = arith.constant 0 : i32
      %dma_start3A_283 = tpu.memref_slice %arg20[%dma_start3A_282] : memref<6144xf32, #tpu.memory_space<vmem>> -> memref<2048xf32, #tpu.memory_space<vmem>>
      %dma_start3A_284 = tpu.memref_slice %arg6[%add3A_273] : memref<25165824xf32, #tpu.memory_space<hbm>> -> memref<2048xf32, #tpu.memory_space<hbm>>
      %dma_start3A_285 = tpu.memref_slice %arg6[%add3A_273] : memref<25165824xf32, #tpu.memory_space<hbm>> -> memref<2048xf32, #tpu.memory_space<hbm>>
      %dma_start3A_286 = arith.constant 0 : i32
      %dma_start3A_287 = tpu.memref_slice %arg20[%dma_start3A_286] : memref<6144xf32, #tpu.memory_space<vmem>> -> memref<2048xf32, #tpu.memory_space<vmem>>
      tpu.enqueue_dma source(%dma_start3A_287 : memref<2048xf32, #tpu.memory_space<vmem>>) target(%dma_start3A_285 : memref<2048xf32, #tpu.memory_space<hbm>>) target_semaphore(%arg24 : memref<!tpu.dma_semaphore, #tpu.memory_space<semaphore_mem>>)
      %dma_start3A_288 = arith.constant 2048 : i32
      %dma_start3A_289 = tpu.memref_slice %arg20[%dma_start3A_288] : memref<6144xf32, #tpu.memory_space<vmem>> -> memref<2048xf32, #tpu.memory_space<vmem>>
      %dma_start3A_290 = tpu.memref_slice %arg6[%add3A_277] : memref<25165824xf32, #tpu.memory_space<hbm>> -> memref<2048xf32, #tpu.memory_space<hbm>>
      %dma_start3A_291 = tpu.memref_slice %arg6[%add3A_277] : memref<25165824xf32, #tpu.memory_space<hbm>> -> memref<2048xf32, #tpu.memory_space<hbm>>
      %dma_start3A_292 = arith.constant 2048 : i32
      %dma_start3A_293 = tpu.memref_slice %arg20[%dma_start3A_292] : memref<6144xf32, #tpu.memory_space<vmem>> -> memref<2048xf32, #tpu.memory_space<vmem>>
      tpu.enqueue_dma source(%dma_start3A_293 : memref<2048xf32, #tpu.memory_space<vmem>>) target(%dma_start3A_291 : memref<2048xf32, #tpu.memory_space<hbm>>) target_semaphore(%arg24 : memref<!tpu.dma_semaphore, #tpu.memory_space<semaphore_mem>>)
      %dma_start3A_294 = arith.constant 4096 : i32
      %dma_start3A_295 = tpu.memref_slice %arg20[%dma_start3A_294] : memref<6144xf32, #tpu.memory_space<vmem>> -> memref<2048xf32, #tpu.memory_space<vmem>>
      %dma_start3A_296 = tpu.memref_slice %arg6[%add3A_281] : memref<25165824xf32, #tpu.memory_space<hbm>> -> memref<2048xf32, #tpu.memory_space<hbm>>
      %dma_start3A_297 = tpu.memref_slice %arg6[%add3A_281] : memref<25165824xf32, #tpu.memory_space<hbm>> -> memref<2048xf32, #tpu.memory_space<hbm>>
      %dma_start3A_298 = arith.constant 4096 : i32
      %dma_start3A_299 = tpu.memref_slice %arg20[%dma_start3A_298] : memref<6144xf32, #tpu.memory_space<vmem>> -> memref<2048xf32, #tpu.memory_space<vmem>>
      tpu.enqueue_dma source(%dma_start3A_299 : memref<2048xf32, #tpu.memory_space<vmem>>) target(%dma_start3A_297 : memref<2048xf32, #tpu.memory_space<hbm>>) target_semaphore(%arg24 : memref<!tpu.dma_semaphore, #tpu.memory_space<semaphore_mem>>)
    }
    %dma_wait3A_54 = arith.constant 0 : i32
    %dma_wait3A_55 = arith.constant 0 : i32
    %dma_wait3A_56 = tpu.memref_slice %arg5[%dma_wait3A_54, %dma_wait3A_55] : memref<1572864x8xf32, #tpu.memory_space<hbm>> -> memref<1572864x8xf32, #tpu.memory_space<hbm>>
    tpu.wait_indirect_dma semaphore(%arg21 : memref<!tpu.dma_semaphore, #tpu.memory_space<semaphore_mem>>) src(%dma_wait3A_56 : memref<1572864x8xf32, #tpu.memory_space<hbm>>) dst(%arg17 : memref<3072x8xf32, #tpu.memory_space<vmem>>)
    %sub3A_57 = arith.constant 512 : i32
    %sub3A_58 = arith.subi %add3A_6, %sub3A_57 : i32
    %mul3A_59 = arith.constant 8 : i32
    %mul3A_60 = arith.muli %sub3A_58, %mul3A_59 : i32
    %add3A_61 = arith.constant 0 : i32
    %add3A_62 = arith.addi %mul3A_60, %add3A_61 : i32
    %mul3A_63 = arith.constant 8 : i32
    %mul3A_64 = arith.muli %sub3A_58, %mul3A_63 : i32
    %add3A_65 = arith.constant 8388608 : i32
    %add3A_66 = arith.addi %mul3A_64, %add3A_65 : i32
    %mul3A_67 = arith.constant 8 : i32
    %mul3A_68 = arith.muli %sub3A_58, %mul3A_67 : i32
    %add3A_69 = arith.constant 16777216 : i32
    %add3A_70 = arith.addi %mul3A_68, %add3A_69 : i32
    %dma_wait3A_71 = arith.constant 0 : i32
    %dma_wait3A_72 = tpu.memref_slice %arg19[%dma_wait3A_71] : memref<6144xf32, #tpu.memory_space<vmem>> -> memref<2048xf32, #tpu.memory_space<vmem>>
    %dma_wait3A_73 = tpu.memref_slice %arg6[%add3A_62] : memref<25165824xf32, #tpu.memory_space<hbm>> -> memref<2048xf32, #tpu.memory_space<hbm>>
    %dma_wait3A_74 = tpu.memref_slice %arg6[%add3A_62] : memref<25165824xf32, #tpu.memory_space<hbm>> -> memref<2048xf32, #tpu.memory_space<hbm>>
    %dma_wait3A_75 = arith.constant 0 : i32
    %dma_wait3A_76 = tpu.memref_slice %arg19[%dma_wait3A_75] : memref<6144xf32, #tpu.memory_space<vmem>> -> memref<2048xf32, #tpu.memory_space<vmem>>
    tpu.wait_dma2 semaphore(%arg24 : memref<!tpu.dma_semaphore, #tpu.memory_space<semaphore_mem>>) src(%dma_wait3A_76 : memref<2048xf32, #tpu.memory_space<vmem>>) dst(%dma_wait3A_74 : memref<2048xf32, #tpu.memory_space<hbm>>)
    %dma_wait3A_77 = arith.constant 2048 : i32
    %dma_wait3A_78 = tpu.memref_slice %arg19[%dma_wait3A_77] : memref<6144xf32, #tpu.memory_space<vmem>> -> memref<2048xf32, #tpu.memory_space<vmem>>
    %dma_wait3A_79 = tpu.memref_slice %arg6[%add3A_66] : memref<25165824xf32, #tpu.memory_space<hbm>> -> memref<2048xf32, #tpu.memory_space<hbm>>
    %dma_wait3A_80 = tpu.memref_slice %arg6[%add3A_66] : memref<25165824xf32, #tpu.memory_space<hbm>> -> memref<2048xf32, #tpu.memory_space<hbm>>
    %dma_wait3A_81 = arith.constant 2048 : i32
    %dma_wait3A_82 = tpu.memref_slice %arg19[%dma_wait3A_81] : memref<6144xf32, #tpu.memory_space<vmem>> -> memref<2048xf32, #tpu.memory_space<vmem>>
    tpu.wait_dma2 semaphore(%arg24 : memref<!tpu.dma_semaphore, #tpu.memory_space<semaphore_mem>>) src(%dma_wait3A_82 : memref<2048xf32, #tpu.memory_space<vmem>>) dst(%dma_wait3A_80 : memref<2048xf32, #tpu.memory_space<hbm>>)
    %dma_wait3A_83 = arith.constant 4096 : i32
    %dma_wait3A_84 = tpu.memref_slice %arg19[%dma_wait3A_83] : memref<6144xf32, #tpu.memory_space<vmem>> -> memref<2048xf32, #tpu.memory_space<vmem>>
    %dma_wait3A_85 = tpu.memref_slice %arg6[%add3A_70] : memref<25165824xf32, #tpu.memory_space<hbm>> -> memref<2048xf32, #tpu.memory_space<hbm>>
    %dma_wait3A_86 = tpu.memref_slice %arg6[%add3A_70] : memref<25165824xf32, #tpu.memory_space<hbm>> -> memref<2048xf32, #tpu.memory_space<hbm>>
    %dma_wait3A_87 = arith.constant 4096 : i32
    %dma_wait3A_88 = tpu.memref_slice %arg19[%dma_wait3A_87] : memref<6144xf32, #tpu.memory_space<vmem>> -> memref<2048xf32, #tpu.memory_space<vmem>>
    tpu.wait_dma2 semaphore(%arg24 : memref<!tpu.dma_semaphore, #tpu.memory_space<semaphore_mem>>) src(%dma_wait3A_88 : memref<2048xf32, #tpu.memory_space<vmem>>) dst(%dma_wait3A_86 : memref<2048xf32, #tpu.memory_space<hbm>>)
    %sub3A_89 = arith.constant 256 : i32
    %sub3A_90 = arith.subi %add3A_6, %sub3A_89 : i32
    %mul3A_91 = arith.constant 8 : i32
    %mul3A_92 = arith.muli %sub3A_90, %mul3A_91 : i32
    %add3A_93 = arith.constant 0 : i32
    %add3A_94 = arith.addi %mul3A_92, %add3A_93 : i32
    %mul3A_95 = arith.constant 8 : i32
    %mul3A_96 = arith.muli %sub3A_90, %mul3A_95 : i32
    %add3A_97 = arith.constant 8388608 : i32
    %add3A_98 = arith.addi %mul3A_96, %add3A_97 : i32
    %mul3A_99 = arith.constant 8 : i32
    %mul3A_100 = arith.muli %sub3A_90, %mul3A_99 : i32
    %add3A_101 = arith.constant 16777216 : i32
    %add3A_102 = arith.addi %mul3A_100, %add3A_101 : i32
    %dma_wait3A_103 = arith.constant 0 : i32
    %dma_wait3A_104 = tpu.memref_slice %arg20[%dma_wait3A_103] : memref<6144xf32, #tpu.memory_space<vmem>> -> memref<2048xf32, #tpu.memory_space<vmem>>
    %dma_wait3A_105 = tpu.memref_slice %arg6[%add3A_94] : memref<25165824xf32, #tpu.memory_space<hbm>> -> memref<2048xf32, #tpu.memory_space<hbm>>
    %dma_wait3A_106 = tpu.memref_slice %arg6[%add3A_94] : memref<25165824xf32, #tpu.memory_space<hbm>> -> memref<2048xf32, #tpu.memory_space<hbm>>
    %dma_wait3A_107 = arith.constant 0 : i32
    %dma_wait3A_108 = tpu.memref_slice %arg20[%dma_wait3A_107] : memref<6144xf32, #tpu.memory_space<vmem>> -> memref<2048xf32, #tpu.memory_space<vmem>>
    tpu.wait_dma2 semaphore(%arg24 : memref<!tpu.dma_semaphore, #tpu.memory_space<semaphore_mem>>) src(%dma_wait3A_108 : memref<2048xf32, #tpu.memory_space<vmem>>) dst(%dma_wait3A_106 : memref<2048xf32, #tpu.memory_space<hbm>>)
    %dma_wait3A_109 = arith.constant 2048 : i32
    %dma_wait3A_110 = tpu.memref_slice %arg20[%dma_wait3A_109] : memref<6144xf32, #tpu.memory_space<vmem>> -> memref<2048xf32, #tpu.memory_space<vmem>>
    %dma_wait3A_111 = tpu.memref_slice %arg6[%add3A_98] : memref<25165824xf32, #tpu.memory_space<hbm>> -> memref<2048xf32, #tpu.memory_space<hbm>>
    %dma_wait3A_112 = tpu.memref_slice %arg6[%add3A_98] : memref<25165824xf32, #tpu.memory_space<hbm>> -> memref<2048xf32, #tpu.memory_space<hbm>>
    %dma_wait3A_113 = arith.constant 2048 : i32
    %dma_wait3A_114 = tpu.memref_slice %arg20[%dma_wait3A_113] : memref<6144xf32, #tpu.memory_space<vmem>> -> memref<2048xf32, #tpu.memory_space<vmem>>
    tpu.wait_dma2 semaphore(%arg24 : memref<!tpu.dma_semaphore, #tpu.memory_space<semaphore_mem>>) src(%dma_wait3A_114 : memref<2048xf32, #tpu.memory_space<vmem>>) dst(%dma_wait3A_112 : memref<2048xf32, #tpu.memory_space<hbm>>)
    %dma_wait3A_115 = arith.constant 4096 : i32
    %dma_wait3A_116 = tpu.memref_slice %arg20[%dma_wait3A_115] : memref<6144xf32, #tpu.memory_space<vmem>> -> memref<2048xf32, #tpu.memory_space<vmem>>
    %dma_wait3A_117 = tpu.memref_slice %arg6[%add3A_102] : memref<25165824xf32, #tpu.memory_space<hbm>> -> memref<2048xf32, #tpu.memory_space<hbm>>
    %dma_wait3A_118 = tpu.memref_slice %arg6[%add3A_102] : memref<25165824xf32, #tpu.memory_space<hbm>> -> memref<2048xf32, #tpu.memory_space<hbm>>
    %dma_wait3A_119 = arith.constant 4096 : i32
    %dma_wait3A_120 = tpu.memref_slice %arg20[%dma_wait3A_119] : memref<6144xf32, #tpu.memory_space<vmem>> -> memref<2048xf32, #tpu.memory_space<vmem>>
    tpu.wait_dma2 semaphore(%arg24 : memref<!tpu.dma_semaphore, #tpu.memory_space<semaphore_mem>>) src(%dma_wait3A_120 : memref<2048xf32, #tpu.memory_space<vmem>>) dst(%dma_wait3A_118 : memref<2048xf32, #tpu.memory_space<hbm>>)
    return
  }
}

</mosaic_0001>

<sc_bundles>
// kernel: kernel.4.cloned.1.call-start
scs
__scs_entry_jumppad:
0x0: {  	(pc) =	sbr.rel $0x88, $3  }
0x1: {  	(tag) =	ssettag $0x0;
	lr =	simm.s32 $0x1  }
0x2: {  	[smem:$0x3F9F] =	sst lr;
	_ =	strace $0xD0000000  }
0x3: {  	_ = 	snop  }
0x4: {  	_ = 	snop  }
0x5: {  	_ = 	snop  }
0x6: {  	_ = 	snop  }
0x7: {  	_ = 	snop  }
__scs_overlays_trampoline_lowered:
0x8: {  	[smem:$0x3FAE] =	sst s0  }
0x9: {  	[smem:$0x3FAF] =	sst s1  }
0xa: {  	[smem:$0x3FB0] =	sst s2  }
0xb: {  	[smem:$0x3FB1] =	sst s3  }
0xc: {  	[smem:$0x3FB2] =	sst s4  }
0xd: {  	[smem:$0x3FB3] =	sst s5  }
0xe: {  	[smem:$0x3FB4] =	sst s6  }
0xf: {  	[smem:$0x3FB5] =	sst s7  }
0x10: {  	[smem:$0x3FB6] =	sst s8  }
0x11: {  	[smem:$0x3FB7] =	sst s9;
	s0 =	simm.s32 @!p0 $0x0  }
0x12: {  	s1 =	sld [smem:$0x3F9D];
	s0 =	simm.s32 @p0 $0x1  }
0x13: {  	[smem:$0x3FB8] =	sst s0;
	s0 =	simm.s32 @!p1 $0x0  }
0x14: {  	s2 =	sld [smem:$0x3F9C];
	s0 =	simm.s32 @p1 $0x1  }
0x15: {  	[smem:$0x3FB9] =	sst s0;
	s0 =	simm.s32 @!p2 $0x0  }
0x16: {  	s3 =	sld [smem:$0x3FDB];
	s0 =	simm.s32 @p2 $0x1  }
0x17: {  	s4 =	simm.s32 $0x1BF5;
	[smem:$0x3FBB] =	sst s0  }
0x18: {  	s0 =	sld [smem:$0x3F9E];
	_ =	swait.ge [sflag:s4], $0x0  }
0x19: {  	s7 =	sld [smem:$0x3F9F]  }
0x1a: {  	s8 =	sadd.s32 $0xFFFFE003, lr  }
0x1b: {  	s9 =	sadd.s32 $0xFFFFFEF7, lr;
	s5 =	simm.s32 $0xFFFFFFFF;
	p2 =	slt.u32 s8, $0xFFFFF086  }
0x1c: {  	p1 =	slt.u32 s9, $0xF7A;
	s5 =	simm.s32 @!p2 $0x0  }
0x1d: {  	s5 =	simm.s32 @p1 $0x1;
	p0 =	seq.s32 s7, s2  }
0x1e: {  	s7 =	smul.u32 @!p0 $0xF7A, s2;
	p2 =	seq.s32 @!p0 s5, $0x0  }
0x1f: {  	s9 =	smul.u32 $0xF7A, s1;
	s8 =	simm.s32 @!p0 $0x1BF5;
	p2 =	por !p2, p0  }
0x20: {  	[sflag:s8] =	ssyncset.s32 @!p0 $0xFFFFF086;
	s6 =	sadd.s32 @!p0 s3, s7;
	s7 =	simm.s32 @!p0 $0x108  }
0x21: {  	s3 =	sadd.s32 s3, s9;
	s6 =	sadd.s32 @!p0 $0x88, s6;
	s7 =	simm.s32 @p2 $0x1082  }
0x22: {  	[simem:s7], [sflag:s8] =	dma.local @!p0 [hbm:s6], $0xF7A  }
0x23: {  	s9 =	sor.u32 $0xD0000000, s2;
	s6 =	simm.s32 $0x108;
	_ =	swait.ge @!p0 [sflag:s8], $0x0  }
0x24: {  	s3 =	sadd.s32 $0x88, s3;
	s6 =	simm.s32 @!p1 $0x1082;
	[sflag:s4] =	ssyncset.s32 $0xFFFFF086  }
0x25: {  	[simem:s6], [sflag:s4] =	dma.local [hbm:s3], $0xF7A  }
0x26: {  	[smem:$0x3F9F] =	sst s1;
	(tag) =	ssettag s2;
	_ =	strace s9  }
0x27: {  	s1 =	sld [smem:$0x3FAF]  }
0x28: {  	s2 =	sld [smem:$0x3FB0]  }
0x29: {  	s4 =	sld [smem:$0x3FB2]  }
0x2a: {  	p0 =	seq.s32 s5, $0x0;
	s5 =	sld [smem:$0x3FB3]  }
0x2b: {  	s6 =	sld [smem:$0x3FB4]  }
0x2c: {  	s7 =	sld [smem:$0x3FB5]  }
0x2d: {  	s3 =	simm.s32 $0x108;
	s8 =	sld [smem:$0x3FB6]  }
0x2e: {  	s3 =	simm.s32 @!p0 $0x1082;
	s9 =	sld [smem:$0x3FB7]  }
0x2f: {  	lr =	sadd.s32 s0, s3;
	s0 =	sld [smem:$0x3FAE]  }
0x30: {  	s3 =	sld [smem:$0x3FB1]  }
0x31: {  	[smem:$0x3FBA] =	sst s10  }
0x32: {  	s10 =	sld [smem:$0x3FB8];
	_ =	sdelay $0x3  }
0x33: {  	p0 =	seq.s32 s10, $0x1;
	s10 =	sld [smem:$0x3FBA];
	_ =	sdelay $0x3  }
0x34: {  	[smem:$0x3FBA] =	sst s10  }
0x35: {  	s10 =	sld [smem:$0x3FB9];
	_ =	sdelay $0x3  }
0x36: {  	p1 =	seq.s32 s10, $0x1;
	s10 =	sld [smem:$0x3FBA];
	_ =	sdelay $0x3  }
0x37: {  	[smem:$0x3FBA] =	sst s10  }
0x38: {  	s10 =	sld [smem:$0x3FBB]  }
0x39: {  	_ = 	snop;
	(pc) =	sbr.ind lr, $3  }
0x3a: {  	_ = 	snop  }
0x3b: {  	_ = 	snop  }
0x3c: {  	p2 =	seq.s32 s10, $0x1;
	s10 =	sld [smem:$0x3FBA]  }
0x3d: {  	_ =	shalt  }
0x3e: {  	_ =	shalt  }
0x3f: {  	_ =	shalt  }
0x40: {  	_ =	shalt  }
0x41: {  	_ =	shalt  }
0x42: {  	_ =	shalt  }
0x43: {  	_ =	shalt  }
0x44: {  	_ =	shalt  }
0x45: {  	_ =	shalt  }
0x46: {  	_ =	shalt  }
0x47: {  	_ =	shalt  }
0x48: {  	_ =	shalt  }
0x49: {  	_ =	shalt  }
0x4a: {  	_ =	shalt  }
0x4b: {  	_ =	shalt  }
0x4c: {  	_ =	shalt  }
0x4d: {  	_ =	shalt  }
0x4e: {  	_ =	shalt  }
0x4f: {  	_ =	shalt  }
0x50: {  	_ =	shalt  }
0x51: {  	_ =	shalt  }
0x52: {  	_ =	shalt  }
0x53: {  	_ =	shalt  }
0x54: {  	_ =	shalt  }
0x55: {  	_ =	shalt  }
0x56: {  	_ =	shalt  }
0x57: {  	_ =	shalt  }
0x58: {  	_ =	shalt  }
0x59: {  	_ =	shalt  }
0x5a: {  	_ =	shalt  }
0x5b: {  	_ =	shalt  }
0x5c: {  	_ =	shalt  }
0x5d: {  	_ =	shalt  }
0x5e: {  	_ =	shalt  }
0x5f: {  	_ =	shalt  }
0x60: {  	_ =	shalt  }
0x61: {  	_ =	shalt  }
0x62: {  	_ =	shalt  }
0x63: {  	_ =	shalt  }
0x64: {  	_ =	shalt  }
0x65: {  	_ =	shalt  }
0x66: {  	_ =	shalt  }
0x67: {  	_ =	shalt  }
0x68: {  	_ =	shalt  }
0x69: {  	_ =	shalt  }
0x6a: {  	_ =	shalt  }
0x6b: {  	_ =	shalt  }
0x6c: {  	_ =	shalt  }
0x6d: {  	_ =	shalt  }
0x6e: {  	_ =	shalt  }
0x6f: {  	_ =	shalt  }
0x70: {  	_ =	shalt  }
0x71: {  	_ =	shalt  }
0x72: {  	_ =	shalt  }
0x73: {  	_ =	shalt  }
0x74: {  	_ =	shalt  }
0x75: {  	_ =	shalt  }
0x76: {  	_ =	shalt  }
0x77: {  	_ =	shalt  }
0x78: {  	_ =	shalt  }
0x79: {  	_ =	shalt  }
0x7a: {  	_ =	shalt  }
0x7b: {  	_ =	shalt  }
0x7c: {  	_ =	shalt  }
0x7d: {  	_ =	shalt  }
0x7e: {  	_ =	shalt  }
0x7f: {  	_ =	shalt  }
0x80: {  	_ =	shalt  }
0x81: {  	_ =	shalt  }
0x82: {  	_ =	shalt  }
0x83: {  	_ =	shalt  }
0x84: {  	_ =	shalt  }
0x85: {  	_ =	shalt  }
0x86: {  	_ =	shalt  }
0x87: {  	_ =	shalt  }
.Lfunc_end0:
.L_simem_size_0:
called_computation_lowered:
.L_overlay_start_0:
0x88: {  	s2 =	sld [smem:$0x3FD9]  }
0x89: {  	s3 =	sld [smem:$0x3FFE];
	_ =	sdelay $0x1  }
0x8a: {  	s1 =	srdreg.scid  }
0x8b: {  	s0 =	sand.u32 $0x1, s1  }
0x8c: {  	s17 =	sshll.u32 s0, $0xA;
	s2 =	sadd.s32 s3, s2  }
0x8d: {  	s2 =	sadd.s32 s2, s17  }
0x8e: {  	[smem:$0x3FC6] =	sst s2  }
0x8f: {  	_ = 	snop  }
0x90: {  	s2 =	sld [smem:$0x3FC8];
	(tm) =	ssettm $0x1  }
0x91: {  	s18 =	sld [smem:$0x3FFB];
	_ =	sdelay $0x3  }
0x92: {  	_ =	strace s18  }
0x93: {  	s3 =	sld [smem:$0x3FFC];
	_ =	sdelay $0x3  }
0x94: {  	_ =	strace s3  }
0x95: {  	s3 =	sld [smem:$0x3FFD];
	_ =	sdelay $0x3  }
0x96: {  	_ =	strace s3  }
0x97: {  	_ =	strace $0x8FFFFFFF  }
0x98: {  	s19 =	sld [smem:$0x3FDB];
	_ =	sdelay $0x1  }
0x99: {  	s4 =	simm.s32 $_scs_section_size  }
0x9a: {  	s5 =	simm.s32 $_size__tile_overlayer_lowered;
	s6 =	simm.s32 $_tile_overlayer_lowered  }
0x9b: {  	s22 =	simm.s32 $0x1BFF;
	s21 =	sshll.u32 s6, $0x1;
	s3 =	sadd.s32 s4, s19  }
0x9c: {  	s7 =	simm.s32 $0x0;
	s20 =	sshll.u32 s5, $0x1;
	s5 =	sadd.s32 s21, s3  }
0x9d: {  	[timem:s7], [sflag:s22] =	dma.local [hbm:s5], s20  }
0x9e: {  	_ =	swait.ge [sflag:s22], s20  }
0x9f: {  	s4 =	ssub.s32 $0x0, s20;
	[sflag:s22] =	ssyncset.done $0x0  }
0xa0: {  	[sflag:s22] =	ssyncadd.s32 s4;
	_ =	sdelay $0x1  }
0xa1: {  	s23 =	simm.s32 $0x1B8B  }
0xa2: {  	_ =	swait.ge [sflag:s23], $0x1  }
0xa3: {  	[sflag:s23] =	ssyncset.done $0x0  }
0xa4: {  	s25 =	simm.s32 $0x1B8E;
	s24 =	sld [smem:$0x3FFE];
	[sflag:s23] =	ssyncadd.s32 $0xFFFFFFFF  }
0xa5: {  	s26 =	simm.s32 $execute0_lowered;
	[smem:$0x3FD2] =	sst s25  }
0xa6: {  	s5 =	sshll.u32 s26, $0x1;
	_ =	strace $0x80000046;
	[dreg:$0x1] =	wrdreg $0xFFFFFFFF  }
0xa7: {  	s28 =	simm.s32 $_size_execute0_lowered;
	s3 =	sadd.s32 s3, s5;
	[dreg:$0x0] =	wrdreg $0x0  }
0xa8: {  	s5 =	sshll.u32 s28, $0x1;
	[dreg:$0x2] =	wrdreg s3  }
0xa9: {  	[dreg:$0x3] =	wrdreg s5  }
0xaa: {  	[dreg:$0x4] =	wrdreg $0xC0  }
0xab: {  	_ =	task [dreg:s7], $0x5FFFF  }
0xac: {  	[dreg:$0x1] =	wrdreg $0xFFFFFFFF  }
0xad: {  	[dreg:$0x0] =	wrdreg $0x60  }
0xae: {  	[dreg:$0x2] =	wrdreg s2  }
0xaf: {  	[dreg:$0x3] =	wrdreg s24  }
0xb0: {  	[dreg:$0x4] =	wrdreg $0x9  }
0xb1: {  	_ =	task.clear_ibuf [dreg:s7], $0x5FFFF;
	_ =	strace $0x90000046  }
0xb2: {  	s29 =	simm.s32 $0x9;
	_ =	strace $0x80000048  }
0xb3: {  	_ =	swait.ge [sflag:s29], $0x1  }
0xb4: {  	[sflag:s29] =	ssyncadd.s32 $0xFFFFFFFF  }
0xb5: {  	_ =	strace $0x90000048  }
0xb6: {  	_ =	sfence  }
0xb7: {  	s30 =	sld [smem:$0x0];
	_ =	sdelay $0x2  }
0xb8: {  	s31 =	sshll.u32 s1, $0xD;
	s1 =	sshrl.u32 s1, $0x2  }
0xb9: {  	s3 =	sand.u32 $0x4000, s31;
	s1 =	sadd.s32 s1, s30  }
0xba: {  	s0 =	sor.u32 s3, s0;
	s1 =	sshll.u32 s1, $0x11  }
0xbb: {  	s0 =	sor.u32 s1, s0  }
0xbc: {  	s0 =	sadd.s32 $0x8F2B, s0  }
0xbd: {  	[sflag:s0] =	ssyncadd.remote.s32 $0x1  }
0xbe: {  	_ =	sfence.sel $0xFFFF  }
0xbf: {  	[dreg:$0x0] =	wrdreg $0xFFFFFFFF;
	(pc) =	sbr.abs _section_cstart, $3  }
0xc0: {  	[dreg:$0x1] =	wrdreg $0xFFFFFFFF  }
0xc1: {  	_ =	task.clear_ibuf [dreg:s7], $0x2FFFF;
	_ =	strace $0x9FFFFFFF  }
0xc2: {  	(tm) =	ssettm $0x7FFFFFFF  }
0xc3: {  	_ =	shalt  }
tec
execute0_lowered:
.L_overlay_start_1:
0x0: {  	(tag) =	ssettag $0x1  }
0x1: {  	s1 =	rddreg [dreg:$0x0]  }
0x2: {  	s4 =	rddreg [dreg:$0x1]  }
0x3: {  	s2 =	srdreg.scid;
	s0 =	rddreg [dreg:$0x2];
	s3 =	simm.s32 $0x0  }
0x4: {  	s9 =	simm.s32 $0x0;
	s5 =	sand.u32 $0x1, s2;
	s2 =	stileid.u32  }
0x5: {  	v0 =	vlaneseq.u32;
	[smem:$0x7FF] =	sst s3;
	s4 =	sadd.s32 $0xC00, s4;
	s6 =	ssub.s32 $0x2, s5  }
0x6: {  	v0 =	vmul.u32 $0x2, v0;
	s8 =	sshll.u32 s2, $0x1;
	_ =	strace $0x80000047;
	s7 =	sshrl.u32 s6, $0x1  }
0x7: {  	s5 =	sor.u32 s5, s8;
	s8 =	simm.s32 $0x4000;
	s6 =	ssub.s32 s6, s7  }
0x8: {  	v1 =	vor.u32 $0x1, v0;
	s5 =	smul.u32 $0x60000, s5;
	s7 =	simm.s32 $0x1;
	s6 =	smax.u32 s6, $0x1  }
.LBB2_1:
0x9: {  	s10 =	simm.s32 $0x0  }
.LBB2_2:
0xa: {  	s11 =	sshll.u32 s10, $0xE  }
0xb: {  	s11 =	sadd.s32 s5, s11  }
0xc: {  	s11 =	sshrl.u32 s11, $0x3  }
0xd: {  	s13 =	simm.s32 $0x0;
	s12 =	sadd.s32 s1, s11  }
0xe: {  	[tilespmem:s13], [sflag:$0x1] =	stream.linear.gather [hbm4b:s12+s13], $0x4000, $0x38;
	[tilespmem:$0x8000] =	vst v63  }
0xf: {  	s30 =	sand.u32 $0x70, s13;
	_ =	swait.ge [sflag:s7], $0x4000  }
0x10: {  	s14 =	sshll.u32 s30, $0x1;
	s13 =	sand.u32 $0x3F00, s13;
	[sflag:s7] =	ssyncset.done $0x0  }
0x11: {  	s12 =	sor.u32 s30, s13;
	s13 =	sor.u32 s13, s14;
	[sflag:s7] =	ssyncadd.s32 $0xFFFFC000  }
0x12: {  	v5 =	vor.u32 s13, v0;
	v4 =	vld [tilespmem:s12+$0x0]  }
0x13: {  	v3 =	vor.u32 s13, v1;
	v2 =	vld [tilespmem:s12+$0x80];
	_ =	sdelay $0x1  }
0x14: {  	s31 =	simm.s32 $0x10  }
0x15: {  	s14 =	sand.u32 $0x70, s31;
	s12 =	simm.s32 $0x20  }
0x16: {  	s16 =	sshll.u32 s14, $0x1;
	s13 =	simm.s32 $0x20;
	s15 =	sand.u32 $0x3F00, s12;
	[tilespmem:v5+s8+$0x0] =	vst.idx.msk $0xffff, v4  }
.LBB2_3:
0x17: {  	p0 =	sne.s32 s13, $0x1FF0;
	s14 =	sor.u32 s14, s15;
	s15 =	sor.u32 s15, s16;
	[tilespmem:v3+s8+$0x0] =	vst.idx.msk $0xffff, v2  }
0x18: {  	v4 =	vld [tilespmem:s14+$0x0];
	v5 =	vor.u32 s15, v0  }
.Ltmp0:
0x19: {  	v3 =	vor.u32 s15, v1;
	v2 =	vld [tilespmem:s14+$0x80];
	(pc) =	sbr.rel @p0 .LBB2_3-.Ltmp0, $3  }
0x1a: {  	_ =	sdelay $0x1  }
0x1b: {  	s12 =	sadd.s32 $0x20, s12;
	s14 =	sand.u32 $0x70, s13  }
0x1c: {  	s15 =	sand.u32 $0x3F00, s12;
	s13 =	sadd.s32 $0x10, s13;
	s16 =	sshll.u32 s14, $0x1;
	[tilespmem:v5+s8+$0x0] =	vst.idx.msk $0xffff, v4  }
0x1d: {  	_ =	sdelay $0x3  }
0x1e: {  	s12 =	sor.u32 s14, s15;
	s13 =	sor.u32 s15, s16;
	[tilespmem:v3+s8+$0x0] =	vst.idx.msk $0xffff, v2  }
0x1f: {  	v2 =	vld [tilespmem:s12+$0x0];
	v3 =	vor.u32 s13, v0  }
0x20: {  	v4 =	vld [tilespmem:s12+$0x80];
	v5 =	vor.u32 s13, v1;
	_ =	sdelay $0x2  }
0x21: {  	s10 =	sadd.s32 $0x1, s10  }
0x22: {  	p0 =	sne.s32 s10, $0x18;
	[tilespmem:v3+s8+$0x0] =	vst.idx.msk $0xffff, v2  }
.Ltmp1:
0x23: {  	s11 =	sadd.s32 s4, s11;
	[tilespmem:v5+s8+$0x0] =	vst.idx.msk $0xffff, v4;
	(pc) =	sbr.rel @p0 .LBB2_2-.Ltmp1, $4  }
0x24: {  	[hbm4b:s11+s3] =	stream.linear.scatter [tilespmem:s8], [sflag:$0x1], $0x4000, $0x38;
	[tilespmem:$0x8000] =	vst v63  }
0x25: {  	_ =	swait.ge [sflag:s7], $0x4000  }
0x26: {  	[sflag:s7] =	ssyncset.done $0x0  }
0x27: {  	[sflag:s7] =	ssyncadd.s32 $0xFFFFC000  }
0x28: {  	s9 =	sadd.s32 $0x1, s9  }
0x29: {  	p0 =	sne.s32 s9, s6  }
.Ltmp2:
0x2a: {  	_ = 	snop;
	(pc) =	sbr.rel @p0 .LBB2_1-.Ltmp2, $1  }
0x2b: {  	_ =	sdelay $0x3  }
0x2c: {  	_ =	sfence.sel $0x180000  }
0x2d: {  	[bflag:$0x0] =	sbarrier.arrive $0xFFFF  }
0x2e: {  	p0 =	sne.s32 s2, $0x0;
	_ =	strace $0x90000047  }
0x2f: {  	s0 =	sadd.s32 @!p0 $0x100000, s0;
	[bflag:$0x2] =	sbarrier.arrive $0xFFFF  }
0x30: {  	[sflag:s0] =	ssyncadd.tile.s32 @!p0 $0x1;
	_ =	shalt  }
.Lfunc_end2:
_tile_overlayer_lowered:
.L_overlay_start_2:
0x31: {  	(tag) =	ssettag $0x2  }
0x32: {  	s0 =	rddreg [dreg:$0x0];
	s2 =	stileid.u32  }
0x33: {  	s1 =	rddreg [dreg:$0x1];
	p0 =	sne.s32 s2, $0x0  }
0x34: {  	s3 =	rddreg [dreg:$0x2];
	[bflag:$0x3] =	sbarrier.arrive $0xFFFF;
	s2 =	simm.s32 @!p0 $0x1C01  }
0x35: {  	[timem:s3], [sflag:s2] =	dma.local @!p0 [hbm:s0], s1  }
0x36: {  	s0 =	simm.s32 @!p0 $0x1  }
0x37: {  	_ =	swait.ge @!p0 [sflag:s0], s1  }
0x38: {  	s1 =	ssub.s32 @!p0 $0x0, s1;
	[sflag:s0] =	ssyncset.done @!p0 $0x0  }
0x39: {  	[sflag:s0] =	ssyncadd.s32 @!p0 s1  }
0x3a: {  	[bflag:$0x3] =	sbarrier.arrive $0xFFFF  }
0x3b: {  	_ =	shalt  }

// kernel: kernel.7.cloned.1.call-start
scs
__scs_entry_jumppad:
0x0: {  	(pc) =	sbr.rel $0x88, $3  }
0x1: {  	(tag) =	ssettag $0x0;
	lr =	simm.s32 $0x1  }
0x2: {  	[smem:$0x3F9F] =	sst lr;
	_ =	strace $0xD0000000  }
0x3: {  	_ = 	snop  }
0x4: {  	_ = 	snop  }
0x5: {  	_ = 	snop  }
0x6: {  	_ = 	snop  }
0x7: {  	_ = 	snop  }
__scs_overlays_trampoline_lowered:
0x8: {  	[smem:$0x3FAE] =	sst s0  }
0x9: {  	[smem:$0x3FAF] =	sst s1  }
0xa: {  	[smem:$0x3FB0] =	sst s2  }
0xb: {  	[smem:$0x3FB1] =	sst s3  }
0xc: {  	[smem:$0x3FB2] =	sst s4  }
0xd: {  	[smem:$0x3FB3] =	sst s5  }
0xe: {  	[smem:$0x3FB4] =	sst s6  }
0xf: {  	[smem:$0x3FB5] =	sst s7  }
0x10: {  	[smem:$0x3FB6] =	sst s8  }
0x11: {  	[smem:$0x3FB7] =	sst s9;
	s0 =	simm.s32 @!p0 $0x0  }
0x12: {  	s1 =	sld [smem:$0x3F9D];
	s0 =	simm.s32 @p0 $0x1  }
0x13: {  	[smem:$0x3FB8] =	sst s0;
	s0 =	simm.s32 @!p1 $0x0  }
0x14: {  	s2 =	sld [smem:$0x3F9C];
	s0 =	simm.s32 @p1 $0x1  }
0x15: {  	[smem:$0x3FB9] =	sst s0;
	s0 =	simm.s32 @!p2 $0x0  }
0x16: {  	s3 =	sld [smem:$0x3FDB];
	s0 =	simm.s32 @p2 $0x1  }
0x17: {  	s4 =	simm.s32 $0x1BF5;
	[smem:$0x3FBB] =	sst s0  }
0x18: {  	s0 =	sld [smem:$0x3F9E];
	_ =	swait.ge [sflag:s4], $0x0  }
0x19: {  	s7 =	sld [smem:$0x3F9F]  }
0x1a: {  	s8 =	sadd.s32 $0xFFFFE003, lr  }
0x1b: {  	s9 =	sadd.s32 $0xFFFFFEF7, lr;
	s5 =	simm.s32 $0xFFFFFFFF;
	p2 =	slt.u32 s8, $0xFFFFF086  }
0x1c: {  	p1 =	slt.u32 s9, $0xF7A;
	s5 =	simm.s32 @!p2 $0x0  }
0x1d: {  	s5 =	simm.s32 @p1 $0x1;
	p0 =	seq.s32 s7, s2  }
0x1e: {  	s7 =	smul.u32 @!p0 $0xF7A, s2;
	p2 =	seq.s32 @!p0 s5, $0x0  }
0x1f: {  	s9 =	smul.u32 $0xF7A, s1;
	s8 =	simm.s32 @!p0 $0x1BF5;
	p2 =	por !p2, p0  }
0x20: {  	[sflag:s8] =	ssyncset.s32 @!p0 $0xFFFFF086;
	s6 =	sadd.s32 @!p0 s3, s7;
	s7 =	simm.s32 @!p0 $0x108  }
0x21: {  	s3 =	sadd.s32 s3, s9;
	s6 =	sadd.s32 @!p0 $0x88, s6;
	s7 =	simm.s32 @p2 $0x1082  }
0x22: {  	[simem:s7], [sflag:s8] =	dma.local @!p0 [hbm:s6], $0xF7A  }
0x23: {  	s9 =	sor.u32 $0xD0000000, s2;
	s6 =	simm.s32 $0x108;
	_ =	swait.ge @!p0 [sflag:s8], $0x0  }
0x24: {  	s3 =	sadd.s32 $0x88, s3;
	s6 =	simm.s32 @!p1 $0x1082;
	[sflag:s4] =	ssyncset.s32 $0xFFFFF086  }
0x25: {  	[simem:s6], [sflag:s4] =	dma.local [hbm:s3], $0xF7A  }
0x26: {  	[smem:$0x3F9F] =	sst s1;
	(tag) =	ssettag s2;
	_ =	strace s9  }
0x27: {  	s1 =	sld [smem:$0x3FAF]  }
0x28: {  	s2 =	sld [smem:$0x3FB0]  }
0x29: {  	s4 =	sld [smem:$0x3FB2]  }
0x2a: {  	p0 =	seq.s32 s5, $0x0;
	s5 =	sld [smem:$0x3FB3]  }
0x2b: {  	s6 =	sld [smem:$0x3FB4]  }
0x2c: {  	s7 =	sld [smem:$0x3FB5]  }
0x2d: {  	s3 =	simm.s32 $0x108;
	s8 =	sld [smem:$0x3FB6]  }
0x2e: {  	s3 =	simm.s32 @!p0 $0x1082;
	s9 =	sld [smem:$0x3FB7]  }
0x2f: {  	lr =	sadd.s32 s0, s3;
	s0 =	sld [smem:$0x3FAE]  }
0x30: {  	s3 =	sld [smem:$0x3FB1]  }
0x31: {  	[smem:$0x3FBA] =	sst s10  }
0x32: {  	s10 =	sld [smem:$0x3FB8];
	_ =	sdelay $0x3  }
0x33: {  	p0 =	seq.s32 s10, $0x1;
	s10 =	sld [smem:$0x3FBA];
	_ =	sdelay $0x3  }
0x34: {  	[smem:$0x3FBA] =	sst s10  }
0x35: {  	s10 =	sld [smem:$0x3FB9];
	_ =	sdelay $0x3  }
0x36: {  	p1 =	seq.s32 s10, $0x1;
	s10 =	sld [smem:$0x3FBA];
	_ =	sdelay $0x3  }
0x37: {  	[smem:$0x3FBA] =	sst s10  }
0x38: {  	s10 =	sld [smem:$0x3FBB]  }
0x39: {  	_ = 	snop;
	(pc) =	sbr.ind lr, $3  }
0x3a: {  	_ = 	snop  }
0x3b: {  	_ = 	snop  }
0x3c: {  	p2 =	seq.s32 s10, $0x1;
	s10 =	sld [smem:$0x3FBA]  }
0x3d: {  	_ =	shalt  }
0x3e: {  	_ =	shalt  }
0x3f: {  	_ =	shalt  }
0x40: {  	_ =	shalt  }
0x41: {  	_ =	shalt  }
0x42: {  	_ =	shalt  }
0x43: {  	_ =	shalt  }
0x44: {  	_ =	shalt  }
0x45: {  	_ =	shalt  }
0x46: {  	_ =	shalt  }
0x47: {  	_ =	shalt  }
0x48: {  	_ =	shalt  }
0x49: {  	_ =	shalt  }
0x4a: {  	_ =	shalt  }
0x4b: {  	_ =	shalt  }
0x4c: {  	_ =	shalt  }
0x4d: {  	_ =	shalt  }
0x4e: {  	_ =	shalt  }
0x4f: {  	_ =	shalt  }
0x50: {  	_ =	shalt  }
0x51: {  	_ =	shalt  }
0x52: {  	_ =	shalt  }
0x53: {  	_ =	shalt  }
0x54: {  	_ =	shalt  }
0x55: {  	_ =	shalt  }
0x56: {  	_ =	shalt  }
0x57: {  	_ =	shalt  }
0x58: {  	_ =	shalt  }
0x59: {  	_ =	shalt  }
0x5a: {  	_ =	shalt  }
0x5b: {  	_ =	shalt  }
0x5c: {  	_ =	shalt  }
0x5d: {  	_ =	shalt  }
0x5e: {  	_ =	shalt  }
0x5f: {  	_ =	shalt  }
0x60: {  	_ =	shalt  }
0x61: {  	_ =	shalt  }
0x62: {  	_ =	shalt  }
0x63: {  	_ =	shalt  }
0x64: {  	_ =	shalt  }
0x65: {  	_ =	shalt  }
0x66: {  	_ =	shalt  }
0x67: {  	_ =	shalt  }
0x68: {  	_ =	shalt  }
0x69: {  	_ =	shalt  }
0x6a: {  	_ =	shalt  }
0x6b: {  	_ =	shalt  }
0x6c: {  	_ =	shalt  }
0x6d: {  	_ =	shalt  }
0x6e: {  	_ =	shalt  }
0x6f: {  	_ =	shalt  }
0x70: {  	_ =	shalt  }
0x71: {  	_ =	shalt  }
0x72: {  	_ =	shalt  }
0x73: {  	_ =	shalt  }
0x74: {  	_ =	shalt  }
0x75: {  	_ =	shalt  }
0x76: {  	_ =	shalt  }
0x77: {  	_ =	shalt  }
0x78: {  	_ =	shalt  }
0x79: {  	_ =	shalt  }
0x7a: {  	_ =	shalt  }
0x7b: {  	_ =	shalt  }
0x7c: {  	_ =	shalt  }
0x7d: {  	_ =	shalt  }
0x7e: {  	_ =	shalt  }
0x7f: {  	_ =	shalt  }
0x80: {  	_ =	shalt  }
0x81: {  	_ =	shalt  }
0x82: {  	_ =	shalt  }
0x83: {  	_ =	shalt  }
0x84: {  	_ =	shalt  }
0x85: {  	_ =	shalt  }
0x86: {  	_ =	shalt  }
0x87: {  	_ =	shalt  }
.Lfunc_end0:
.L_simem_size_0:
called_computation.1_lowered:
.L_overlay_start_0:
0x88: {  	s2 =	sld [smem:$0x3FD9]  }
0x89: {  	s3 =	sld [smem:$0x3FFE];
	_ =	sdelay $0x1  }
0x8a: {  	s1 =	srdreg.scid  }
0x8b: {  	s0 =	sand.u32 $0x1, s1  }
0x8c: {  	s17 =	sshll.u32 s0, $0xA;
	s2 =	sadd.s32 s3, s2  }
0x8d: {  	s2 =	sadd.s32 s2, s17  }
0x8e: {  	[smem:$0x3FC6] =	sst s2  }
0x8f: {  	_ = 	snop  }
0x90: {  	s2 =	sld [smem:$0x3FD0];
	(tm) =	ssettm $0x1  }
0x91: {  	s18 =	sld [smem:$0x3FFB];
	_ =	sdelay $0x3  }
0x92: {  	_ =	strace s18  }
0x93: {  	s3 =	sld [smem:$0x3FFC];
	_ =	sdelay $0x3  }
0x94: {  	_ =	strace s3  }
0x95: {  	s3 =	sld [smem:$0x3FFD];
	_ =	sdelay $0x3  }
0x96: {  	_ =	strace s3  }
0x97: {  	_ =	strace $0x8FFFFFFF  }
0x98: {  	s19 =	sld [smem:$0x3FDB];
	_ =	sdelay $0x1  }
0x99: {  	s4 =	simm.s32 $_scs_section_size  }
0x9a: {  	s5 =	simm.s32 $_size__tile_overlayer_lowered;
	s6 =	simm.s32 $_tile_overlayer_lowered  }
0x9b: {  	s22 =	simm.s32 $0x1BFF;
	s21 =	sshll.u32 s6, $0x1;
	s3 =	sadd.s32 s4, s19  }
0x9c: {  	s7 =	simm.s32 $0x0;
	s20 =	sshll.u32 s5, $0x1;
	s5 =	sadd.s32 s21, s3  }
0x9d: {  	[timem:s7], [sflag:s22] =	dma.local [hbm:s5], s20  }
0x9e: {  	_ =	swait.ge [sflag:s22], s20  }
0x9f: {  	s4 =	ssub.s32 $0x0, s20;
	[sflag:s22] =	ssyncset.done $0x0  }
0xa0: {  	[sflag:s22] =	ssyncadd.s32 s4;
	_ =	sdelay $0x1  }
0xa1: {  	s23 =	simm.s32 $0x1B8B  }
0xa2: {  	_ =	swait.ge [sflag:s23], $0x1  }
0xa3: {  	[sflag:s23] =	ssyncset.done $0x0  }
0xa4: {  	s25 =	simm.s32 $0x1B8E;
	s24 =	sld [smem:$0x3FFE];
	[sflag:s23] =	ssyncadd.s32 $0xFFFFFFFF  }
0xa5: {  	s26 =	simm.s32 $execute0_lowered;
	[smem:$0x3FD2] =	sst s25  }
0xa6: {  	s5 =	sshll.u32 s26, $0x1;
	_ =	strace $0x80000049;
	[dreg:$0x1] =	wrdreg $0xFFFFFFFF  }
0xa7: {  	s28 =	simm.s32 $_size_execute0_lowered;
	s3 =	sadd.s32 s3, s5;
	[dreg:$0x0] =	wrdreg $0x0  }
0xa8: {  	s5 =	sshll.u32 s28, $0x1;
	[dreg:$0x2] =	wrdreg s3  }
0xa9: {  	[dreg:$0x3] =	wrdreg s5  }
0xaa: {  	[dreg:$0x4] =	wrdreg $0xC0  }
0xab: {  	_ =	task [dreg:s7], $0x5FFFF  }
0xac: {  	[dreg:$0x1] =	wrdreg $0xFFFFFFFF  }
0xad: {  	[dreg:$0x0] =	wrdreg $0x60  }
0xae: {  	[dreg:$0x2] =	wrdreg s24  }
0xaf: {  	[dreg:$0x3] =	wrdreg s2  }
0xb0: {  	[dreg:$0x4] =	wrdreg $0x9  }
0xb1: {  	_ =	task.clear_ibuf [dreg:s7], $0x5FFFF;
	_ =	strace $0x90000049  }
0xb2: {  	s29 =	simm.s32 $0x9;
	_ =	strace $0x8000004B  }
0xb3: {  	_ =	swait.ge [sflag:s29], $0x1  }
0xb4: {  	[sflag:s29] =	ssyncadd.s32 $0xFFFFFFFF  }
0xb5: {  	_ =	strace $0x9000004B  }
0xb6: {  	_ =	sfence  }
0xb7: {  	s30 =	sld [smem:$0x0];
	_ =	sdelay $0x2  }
0xb8: {  	s31 =	sshll.u32 s1, $0xD;
	s1 =	sshrl.u32 s1, $0x2  }
0xb9: {  	s3 =	sand.u32 $0x4000, s31;
	s1 =	sadd.s32 s1, s30  }
0xba: {  	s0 =	sor.u32 s3, s0;
	s1 =	sshll.u32 s1, $0x11  }
0xbb: {  	s0 =	sor.u32 s1, s0  }
0xbc: {  	s0 =	sadd.s32 $0x8F2B, s0  }
0xbd: {  	[sflag:s0] =	ssyncadd.remote.s32 $0x1  }
0xbe: {  	_ =	sfence.sel $0xFFFF  }
0xbf: {  	[dreg:$0x0] =	wrdreg $0xFFFFFFFF;
	(pc) =	sbr.abs _section_cstart, $3  }
0xc0: {  	[dreg:$0x1] =	wrdreg $0xFFFFFFFF  }
0xc1: {  	_ =	task.clear_ibuf [dreg:s7], $0x2FFFF;
	_ =	strace $0x9FFFFFFF  }
0xc2: {  	(tm) =	ssettm $0x7FFFFFFF  }
0xc3: {  	_ =	shalt  }
tec
execute0_lowered:
.L_overlay_start_1:
0x0: {  	(tag) =	ssettag $0x1  }
0x1: {  	s0 =	rddreg [dreg:$0x0]  }
0x2: {  	s10 =	rddreg [dreg:$0x1];
	s2 =	simm.s32 $0x0;
	s1 =	srdreg.scid  }
0x3: {  	s6 =	stileid.u32;
	s18 =	simm.s32 $0x3;
	s19 =	simm.s32 $0x600  }
0x4: {  	s20 =	simm.s32 $0x1E00;
	s21 =	simm.s32 $0xC00;
	s28 =	simm.s32 $0xF600  }
0x5: {  	s31 =	simm.s32 $0x2;
	s17 =	simm.s32 $0x0;
	[smem:$0x7FF] =	sst s2  }
0x6: {  	s4 =	sadd.s32 $0x1C0C00, s0;
	s5 =	sadd.s32 $0x1A0C00, s0;
	s1 =	sand.u32 $0x1, s1  }
0x7: {  	s7 =	sshll.u32 s6, $0x10;
	s6 =	sadd.s32 $0x180C00, s0;
	s8 =	sadd.s32 $0xC00, s0  }
0x8: {  	s26 =	sadd.s32 $0x100000, s10;
	s29 =	sadd.s32 $0x200000, s10;
	s30 =	sadd.s32 $0x100100, s10  }
0x9: {  	s14 =	smov.u32 s10;
	_ =	strace $0x8000004A;
	[dreg:$0x7] =	wrdreg s26  }
0xa: {  	s3 =	ssub.s32 $0x2, s1;
	s1 =	sshll.u32 s1, $0xF;
	[dreg:$0x8] =	wrdreg s29  }
0xb: {  	s16 =	sadd.s32 $0x200100, s10;
	[dreg:$0x9] =	wrdreg s30;
	s7 =	sor.u32 s1, s7  }
0xc: {  	s26 =	simm.s32 $0x9600;
	s1 =	sshrl.u32 s7, $0x3;
	s23 =	sor.u32 $0x7F00, s7  }
0xd: {  	v0 =	vlaneseq.u32;
	s9 =	sshrl.u32 s3, $0x1;
	[dreg:$0x3] =	wrdreg s23;
	s24 =	sadd.s32 s4, s1  }
0xe: {  	v1 =	vor.u32 $0xFFFFFFF8, v0;
	v2 =	vor.u32 $0x100, v0;
	v3 =	vor.u32 $0x200, v0;
	s22 =	ssub.s32 s3, s9;
	s25 =	sadd.s32 s5, s1;
	[dreg:$0x4] =	wrdreg s24  }
0xf: {  	v4 =	vor.u32 $0x300, v0;
	v5 =	vor.u32 $0x400, v0;
	v6 =	vor.u32 $0x500, v0;
	s15 =	smov.u32 s7;
	s1 =	sadd.s32 s6, s1;
	[dreg:$0x5] =	wrdreg s25  }
0x10: {  	v7 =	vor.u32 $0x600, v0;
	v8 =	vor.u32 $0x700, v0;
	v9 =	vor.u32 $0x800, v0;
	s7 =	simm.s32 $0x0;
	s0 =	smax.u32 s22, $0x1;
	[dreg:$0x6] =	wrdreg s1  }
0x11: {  	v10 =	vor.u32 $0x900, v0;
	v11 =	vor.u32 $0xA00, v0;
	v12 =	vor.u32 $0xB00, v0;
	s22 =	simm.s32 $0x3600;
	s23 =	simm.s32 $0x1200;
	[dreg:$0xa] =	wrdreg s0  }
0x12: {  	v13 =	vmul.u32 $0x8, v0;
	v14 =	vor.u32 $0xFFFFFF78, v0;
	v15 =	vor.u32 $0x80, v0;
	s24 =	simm.s32 $0x2A00;
	s25 =	simm.s32 $0x1;
	s0 =	simm.s32 $0x10E00  }
.LBB2_1:
0x13: {  	[dreg:$0xb] =	wrdreg s7  }
0x14: {  	s1 =	rddreg [dreg:$0x4]  }
0x15: {  	[tilespmem:s2], [sflag:$0x3] =	stream.linear.gather [hbm4b:s1+s2], $0x100, $0x38;
	[tilespmem:$0x12600] =	vst v63  }
0x16: {  	s11 =	simm.s32 $0x100;
	s29 =	rddreg [dreg:$0x5]  }
0x17: {  	[tilespmem:s11], [sflag:$0x3] =	stream.linear.gather [hbm4b:s29+s2], $0x100, $0x38;
	[tilespmem:$0x12600] =	vst v63  }
0x18: {  	s3 =	simm.s32 $0x200;
	s30 =	rddreg [dreg:$0x6]  }
0x19: {  	[tilespmem:s3], [sflag:$0x3] =	stream.linear.gather [hbm4b:s30+s2], $0x100, $0x38;
	[tilespmem:$0x12600] =	vst v63  }
0x1a: {  	_ =	swait.ge [sflag:s18], $0x100  }
0x1b: {  	[sflag:s18] =	ssyncset.done $0x0  }
0x1c: {  	[sflag:s18] =	ssyncadd.s32 $0xFFFFFF00  }
0x1d: {  	_ =	swait.ge [sflag:s18], $0x100  }
0x1e: {  	[sflag:s18] =	ssyncset.done $0x0  }
0x1f: {  	[sflag:s18] =	ssyncadd.s32 $0xFFFFFF00  }
0x20: {  	_ =	swait.ge [sflag:s18], $0x100  }
0x21: {  	[sflag:s18] =	ssyncset.done $0x0  }
0x22: {  	s10 =	simm.s32 $0x0;
	s12 =	simm.s32 $0x0;
	[sflag:s18] =	ssyncadd.s32 $0xFFFFFF00  }
.LBB2_2:
0x23: {  	v18 =	vld [tilespmem:s11+$0x0]  }
0x24: {  	v17 =	vld [tilespmem:s3+$0x0]  }
0x25: {  	v16 =	vld [tilespmem:s10+$0x0];
	_ =	sdelay $0x3  }
0x26: {  	v19 =	vmul.f32 $1.600000000e+01, v18;
	v20 =	vmul.f32 $1.600000000e+01, v17  }
0x27: {  	v21 =	vmul.f32 $1.600000000e+01, v16;
	v22 =	vmul.f32 $2.300000000e+01, v16  }
0x28: {  	v23 =	vmul.f32 $2.300000000e+01, v18;
	v61 =	vmul.f32 $2.300000000e+01, v17  }
0x29: {  	v39 =	vmul.f32 $3.400000000e+01, v18;
	v26 =	vmul.f32 $3.400000000e+01, v17  }
0x2a: {  	v27 =	vmul.f32 $3.400000000e+01, v16;
	v44 =	vmul.f32 $4.900000000e+01, v18  }
0x2b: {  	v28 =	vmul.f32 $4.900000000e+01, v17;
	v29 =	vmul.f32 $4.900000000e+01, v16  }
0x2c: {  	v30 =	vmul.f32 $7.200000000e+01, v18;
	v32 =	vmul.f32 $7.200000000e+01, v17  }
0x2d: {  	v45 =	vmul.f32 $7.200000000e+01, v16;
	v49 =	vmul.f32 $1.050000000e+02, v18  }
0x2e: {  	v50 =	vmul.f32 $1.050000000e+02, v17;
	v35 =	vmul.f32 $1.050000000e+02, v16  }
0x2f: {  	v36 =	vmul.f32 $1.540000000e+02, v18;
	v51 =	vmul.f32 $1.540000000e+02, v17  }
0x30: {  	v52 =	vmul.f32 $1.540000000e+02, v16;
	v53 =	vmul.f32 $2.250000000e+02, v16  }
0x31: {  	v54 =	vmul.f32 $2.250000000e+02, v17;
	v57 =	vmul.f32 $4.800000000e+02, v18  }
0x32: {  	v19 =	vtrunc.f32 v19;
	v20 =	vtrunc.f32 v20  }
0x33: {  	v21 =	vtrunc.f32 v21;
	v59 =	vtrunc.f32 v22  }
0x34: {  	v60 =	vtrunc.f32 v23;
	v22 =	vtrunc.f32 v61  }
0x35: {  	v23 =	vtrunc.f32 v39;
	v26 =	vtrunc.f32 v26  }
0x36: {  	v40 =	vtrunc.f32 v27;
	v28 =	vtrunc.f32 v28  }
0x37: {  	v29 =	vtrunc.f32 v29;
	v30 =	vtrunc.f32 v30  }
0x38: {  	v47 =	vtrunc.f32 v32;
	v35 =	vtrunc.f32 v35  }
0x39: {  	v36 =	vtrunc.f32 v36;
	v39 =	vmul.f32 $2.250000000e+02, v18  }
0x3a: {  	v24 =	vor.u32 s12, v0;
	v19 =	vcvt.f32.s32 v19;
	v20 =	vcvt.f32.s32 v20  }
0x3b: {  	v31 =	vor.u32 s12, v3;
	v21 =	vcvt.f32.s32 v21;
	v25 =	vcvt.f32.s32 v60  }
0x3c: {  	v33 =	vor.u32 s12, v4;
	v22 =	vcvt.f32.s32 v22;
	v23 =	vcvt.f32.s32 v23  }
0x3d: {  	v37 =	vor.u32 s12, v5;
	v26 =	vcvt.f32.s32 v26;
	v41 =	vcvt.f32.s32 v40  }
0x3e: {  	v24 =	vand.u32 v1, v24;
	v28 =	vcvt.f32.s32 v28;
	v29 =	vcvt.f32.s32 v29  }
0x3f: {  	v27 =	vor.u32 s12, v2;
	v46 =	vcvt.f32.s32 v30;
	v30 =	vcvt.f32.s32 v47  }
0x40: {  	v35 =	vcvt.f32.s32 v35;
	v36 =	vcvt.f32.s32 v36;
	v40 =	vor.u32 s12, v6  }
0x41: {  	v60 =	vmul.f32 $4.800000000e+02, v16;
	v39 =	vtrunc.f32 v39;
	v19 =	vmul.u32 $0x779B1, v19  }
0x42: {  	v20 =	vmul.u32 $0x25795, v20;
	v25 =	vmul.u32 $0x779B1, v25;
	v22 =	vmul.u32 $0x25795, v22  }
0x43: {  	v23 =	vmul.u32 $0x779B1, v23;
	v26 =	vmul.u32 $0x25795, v26;
	v28 =	vmul.u32 $0x25795, v28  }
0x44: {  	v30 =	vmul.u32 $0x25795, v30;
	v39 =	vcvt.f32.s32 v39;
	v19 =	vxor.u32 v21, v19  }
0x45: {  	v36 =	vmul.u32 $0x779B1, v36;
	v21 =	vcvt.f32.s32 v59;
	v20 =	vxor.u32 v20, v19  }
0x46: {  	v39 =	vmul.u32 $0x779B1, v39;
	v59 =	vmul.f32 $4.800000000e+02, v17;
	v62 =	vshrl.u32 v20, $0x2  }
0x47: {  	v20 =	vshll.u32 v20, $0x1;
	v21 =	vxor.u32 v21, v25;
	v63 =	vand.u32 $0x1FFFF, v62  }
0x48: {  	v21 =	vxor.u32 v22, v21;
	v20 =	vand.u32 $0x6, v20;
	v22 =	vxor.u32 v41, v23  }
0x49: {  	v62 =	vtrunc.f32 v60;
	v42 =	vshrl.u32 v21, $0x2;
	v21 =	vshll.u32 v21, $0x1  }
0x4a: {  	v22 =	vxor.u32 v26, v22;
	v26 =	vtrunc.f32 v44;
	v44 =	vmul.f32 $3.290000000e+02, v17  }
0x4b: {  	[tilespmem:v24+s19+$0x0] =	vst.idx.msk $0xffff, v63;
	v63 =	vcvt.f32.s32 v62;
	v25 =	vand.u32 $0x1FFFF, v42;
	v21 =	vand.u32 $0x6, v21  }
0x4c: {  	v43 =	vshrl.u32 v22, $0x2;
	v22 =	vshll.u32 v22, $0x1;
	v26 =	vcvt.f32.s32 v26  }
0x4d: {  	v42 =	vmul.f32 $3.290000000e+02, v16;
	v23 =	vor.u32 $0x20000, v25;
	v25 =	vand.u32 $0x1FFFF, v43  }
0x4e: {  	v22 =	vand.u32 $0x6, v22;
	v43 =	vmul.f32 $3.290000000e+02, v18;
	v56 =	vtrunc.f32 v44  }
0x4f: {  	v44 =	vtrunc.f32 v57;
	v57 =	vor.u32 s12, v10;
	v42 =	vtrunc.f32 v42  }
0x50: {  	v26 =	vmul.u32 $0x779B1, v26;
	v58 =	vcvt.f32.s32 v56;
	v44 =	vcvt.f32.s32 v44  }
0x51: {  	v25 =	vor.u32 $0x40000, v25;
	v43 =	vtrunc.f32 v43;
	v55 =	vcvt.f32.s32 v42  }
0x52: {  	v42 =	vtrunc.f32 v59;
	v59 =	vor.u32 s12, v11;
	v26 =	vxor.u32 v29, v26  }
0x53: {  	v29 =	vtrunc.f32 v45;
	v43 =	vcvt.f32.s32 v43;
	v45 =	vor.u32 s12, v7  }
0x54: {  	v61 =	vmul.u32 $0x25795, v58;
	v42 =	vcvt.f32.s32 v42;
	v26 =	vxor.u32 v28, v26  }
0x55: {  	v29 =	vcvt.f32.s32 v29;
	v28 =	vmul.u32 $0x779B1, v46;
	v48 =	vshrl.u32 v26, $0x2  }
0x56: {  	v26 =	vshll.u32 v26, $0x1;
	v43 =	vmul.u32 $0x779B1, v43;
	v47 =	vmul.u32 $0x25795, v42  }
0x57: {  	v32 =	vand.u32 $0x1FFFF, v48;
	v28 =	vxor.u32 v29, v28;
	v29 =	vtrunc.f32 v49  }
0x58: {  	v26 =	vand.u32 $0x6, v26;
	v48 =	vmul.f32 $7.010000000e+02, v16;
	v16 =	vmul.f32 $1.024000000e+03, v16  }
0x59: {  	v28 =	vxor.u32 v30, v28;
	v29 =	vcvt.f32.s32 v29;
	v30 =	vtrunc.f32 v50  }
0x5a: {  	[tilespmem:v24+s20+$0x0] =	vst.idx.msk $0xffff, v20;
	v32 =	vor.u32 $0x60000, v32;
	v50 =	vmul.f32 $7.010000000e+02, v17;
	v17 =	vmul.f32 $1.024000000e+03, v17  }
0x5b: {  	[tilespmem:v27+s19+$0x0] =	vst.idx.msk $0xffff, v23;
	v34 =	vshrl.u32 v28, $0x2;
	v30 =	vcvt.f32.s32 v30;
	v28 =	vshll.u32 v28, $0x1  }
0x5c: {  	[tilespmem:v27+s20+$0x0] =	vst.idx.msk $0xffff, v21;
	v21 =	vtrunc.f32 v48;
	v16 =	vtrunc.f32 v16;
	v34 =	vand.u32 $0x1FFFF, v34  }
0x5d: {  	[tilespmem:v31+s19+$0x0] =	vst.idx.msk $0xffff, v25;
	v29 =	vmul.u32 $0x779B1, v29;
	v21 =	vcvt.f32.s32 v21;
	v25 =	vtrunc.f32 v50  }
0x5e: {  	v28 =	vand.u32 $0x6, v28;
	v17 =	vtrunc.f32 v17;
	v16 =	vcvt.f32.s32 v16  }
0x5f: {  	v34 =	vor.u32 $0x80000, v34;
	v30 =	vmul.u32 $0x25795, v30;
	v25 =	vcvt.f32.s32 v25  }
0x60: {  	v17 =	vcvt.f32.s32 v17;
	v29 =	vxor.u32 v35, v29;
	v35 =	vtrunc.f32 v51  }
0x61: {  	v29 =	vxor.u32 v30, v29;
	v30 =	vtrunc.f32 v52;
	v35 =	vcvt.f32.s32 v35  }
0x62: {  	v25 =	vmul.u32 $0x25795, v25;
	v17 =	vmul.u32 $0x25795, v17;
	v38 =	vshrl.u32 v29, $0x2  }
0x63: {  	v29 =	vshll.u32 v29, $0x1;
	v30 =	vcvt.f32.s32 v30;
	v38 =	vand.u32 $0x1FFFF, v38  }
0x64: {  	v29 =	vand.u32 $0x6, v29;
	v35 =	vmul.u32 $0x25795, v35;
	v38 =	vor.u32 $0xA0000, v38  }
0x65: {  	v30 =	vxor.u32 v30, v36;
	v36 =	vtrunc.f32 v53;
	v53 =	vor.u32 s12, v8  }
0x66: {  	v30 =	vxor.u32 v35, v30;
	v35 =	vtrunc.f32 v54;
	v36 =	vcvt.f32.s32 v36  }
0x67: {  	v41 =	vshrl.u32 v30, $0x2;
	v30 =	vshll.u32 v30, $0x1;
	v35 =	vcvt.f32.s32 v35  }
0x68: {  	[tilespmem:v31+s20+$0x0] =	vst.idx.msk $0xffff, v22;
	v41 =	vand.u32 $0x1FFFF, v41;
	v30 =	vand.u32 $0x6, v30;
	v36 =	vxor.u32 v36, v39  }
0x69: {  	[tilespmem:v33+s19+$0x0] =	vst.idx.msk $0xffff, v32;
	v39 =	vxor.u32 v55, v43;
	v43 =	vmul.u32 $0x779B1, v44;
	v44 =	vmul.f32 $7.010000000e+02, v18  }
0x6a: {  	[tilespmem:v33+s20+$0x0] =	vst.idx.msk $0xffff, v26;
	v18 =	vmul.f32 $1.024000000e+03, v18;
	v55 =	vor.u32 s12, v9;
	v41 =	vor.u32 $0xC0000, v41  }
0x6b: {  	[tilespmem:v37+s19+$0x0] =	vst.idx.msk $0xffff, v34;
	v35 =	vmul.u32 $0x25795, v35;
	v19 =	vxor.u32 v61, v39;
	v61 =	vor.u32 s12, v12  }
0x6c: {  	[tilespmem:v37+s20+$0x0] =	vst.idx.msk $0xffff, v28;
	v20 =	vxor.u32 v63, v43;
	v49 =	vtrunc.f32 v44;
	v54 =	vshrl.u32 v19, $0x2  }
0x6d: {  	[tilespmem:v40+s19+$0x0] =	vst.idx.msk $0xffff, v38;
	v19 =	vshll.u32 v19, $0x1;
	v35 =	vxor.u32 v35, v36;
	v24 =	vcvt.f32.s32 v49  }
0x6e: {  	[tilespmem:v40+s20+$0x0] =	vst.idx.msk $0xffff, v29;
	v18 =	vtrunc.f32 v18;
	v20 =	vxor.u32 v47, v20;
	v46 =	vshrl.u32 v35, $0x2  }
0x6f: {  	[tilespmem:v45+s19+$0x0] =	vst.idx.msk $0xffff, v41;
	v19 =	vand.u32 $0x6, v19;
	v51 =	vand.u32 $0x1FFFF, v46;
	v24 =	vmul.u32 $0x779B1, v24  }
0x70: {  	[tilespmem:v45+s20+$0x0] =	vst.idx.msk $0xffff, v30;
	v18 =	vcvt.f32.s32 v18;
	v52 =	vshll.u32 v35, $0x1;
	v22 =	vor.u32 $0xE0000, v51  }
0x71: {  	v23 =	vand.u32 $0x6, v52;
	v21 =	vxor.u32 v21, v24;
	v24 =	vand.u32 $0x1FFFF, v54;
	[tilespmem:v53+s19+$0x0] =	vst.idx.msk $0xffff, v22  }
0x72: {  	v56 =	vshrl.u32 v20, $0x2;
	v18 =	vmul.u32 $0x779B1, v18;
	v24 =	vor.u32 $0x100000, v24;
	[tilespmem:v53+s20+$0x0] =	vst.idx.msk $0xffff, v23  }
0x73: {  	v20 =	vshll.u32 v20, $0x1;
	v58 =	vand.u32 $0x1FFFF, v56;
	v21 =	vxor.u32 v25, v21;
	[tilespmem:v55+s19+$0x0] =	vst.idx.msk $0xffff, v24  }
0x74: {  	v22 =	vor.u32 $0x120000, v58;
	v16 =	vxor.u32 v16, v18;
	v60 =	vshrl.u32 v21, $0x2;
	[tilespmem:v55+s20+$0x0] =	vst.idx.msk $0xffff, v19  }
0x75: {  	p0 =	sne.s32 s12, $0xF0;
	v16 =	vxor.u32 v17, v16;
	v17 =	vand.u32 $0x6, v20;
	v19 =	vand.u32 $0x1FFFF, v60;
	[tilespmem:v57+s19+$0x0] =	vst.idx.msk $0xffff, v22  }
.Ltmp0:
0x76: {  	v62 =	vshll.u32 v21, $0x1;
	v63 =	vshrl.u32 v16, $0x2;
	[tilespmem:v57+s20+$0x0] =	vst.idx.msk $0xffff, v17;
	v17 =	vor.u32 $0x140000, v19;
	(pc) =	sbr.rel @p0 .LBB2_2-.Ltmp0, $4  }
0x77: {  	v19 =	vand.u32 $0x6, v62;
	[tilespmem:v59+s19+$0x0] =	vst.idx.msk $0xffff, v17;
	v17 =	vand.u32 $0x1FFFF, v63  }
0x78: {  	v16 =	vshll.u32 v16, $0x1;
	[tilespmem:v59+s20+$0x0] =	vst.idx.msk $0xffff, v19;
	v17 =	vor.u32 $0x160000, v17  }
0x79: {  	s10 =	sadd.s32 $0x10, s10;
	v16 =	vand.u32 $0x6, v16;
	[tilespmem:v61+s19+$0x0] =	vst.idx.msk $0xffff, v17  }
0x7a: {  	s11 =	sadd.s32 $0x10, s11;
	s3 =	sadd.s32 $0x10, s3;
	s12 =	sadd.s32 $0x10, s12;
	[tilespmem:v61+s20+$0x0] =	vst.idx.msk $0xffff, v16  }
0x7b: {  	[tilespmem:s22], [sflag:$0x1] =	stream.indirect.gather [hbm4b:s8+s21], $0x8, s19, s21, $0xb8;
	[tilespmem:$0x12600] =	vst v63  }
0x7c: {  	s12 =	simm.s32 $0x0  }
.LBB2_4:
0x7d: {  	p0 =	seq.s32 s12, $0x0  }
0x7e: {  	s1 =	simm.s32 @!p0 $0x4  }
0x7f: {  	_ =	swait.ge @!p0 [sflag:s1], $0x800  }
0x80: {  	[sflag:s1] =	ssyncset.done @!p0 $0x0  }
0x81: {  	[sflag:s1] =	ssyncadd.s32 @!p0 $0xFFFFF800  }
0x82: {  	_ =	swait.ge @!p0 [sflag:s1], $0x800  }
0x83: {  	s3 =	sshll.u32 s12, $0x9;
	[sflag:s1] =	ssyncset.done @!p0 $0x0  }
0x84: {  	s11 =	sadd.s32 s15, s3;
	[sflag:s1] =	ssyncadd.s32 @!p0 $0xFFFFF800  }
0x85: {  	s29 =	sor.u32 $0x100, s11;
	_ =	swait.ge @!p0 [sflag:s1], $0x800  }
0x86: {  	s7 =	sshrl.u32 s29, $0x3;
	[sflag:s1] =	ssyncset.done @!p0 $0x0  }
0x87: {  	s30 =	simm.s32 $0x300;
	s9 =	sadd.s32 s4, s7;
	[sflag:s1] =	ssyncadd.s32 @!p0 $0xFFFFF800  }
0x88: {  	[tilespmem:s30], [sflag:$0x3] =	stream.linear.gather [hbm4b:s9+s17], $0x100, $0x38;
	[tilespmem:$0x12600] =	vst v63  }
0x89: {  	s3 =	simm.s32 $0x400;
	s10 =	sadd.s32 s5, s7  }
0x8a: {  	[tilespmem:s3], [sflag:$0x3] =	stream.linear.gather [hbm4b:s10+s17], $0x100, $0x38;
	[tilespmem:$0x12600] =	vst v63  }
0x8b: {  	s13 =	sadd.s32 s6, s7;
	s10 =	simm.s32 $0x500  }
0x8c: {  	[tilespmem:s10], [sflag:$0x3] =	stream.linear.gather [hbm4b:s13+s17], $0x100, $0x38;
	[tilespmem:$0x12600] =	vst v63  }
0x8d: {  	_ =	swait.ge [sflag:s18], $0x100  }
0x8e: {  	[sflag:s18] =	ssyncset.done $0x0  }
0x8f: {  	[sflag:s18] =	ssyncadd.s32 $0xFFFFFF00  }
0x90: {  	_ =	swait.ge [sflag:s18], $0x100  }
0x91: {  	[sflag:s18] =	ssyncset.done $0x0  }
0x92: {  	[sflag:s18] =	ssyncadd.s32 $0xFFFFFF00  }
0x93: {  	_ =	swait.ge [sflag:s18], $0x100  }
0x94: {  	[sflag:s18] =	ssyncset.done $0x0  }
0x95: {  	s1 =	simm.s32 $0x0;
	[sflag:s18] =	ssyncadd.s32 $0xFFFFFF00  }
.LBB2_5:
0x96: {  	v18 =	vld [tilespmem:s3+$0x0]  }
0x97: {  	v17 =	vld [tilespmem:s10+$0x0]  }
0x98: {  	v16 =	vld [tilespmem:s30+$0x0];
	_ =	sdelay $0x3  }
0x99: {  	v19 =	vmul.f32 $1.600000000e+01, v18;
	v20 =	vmul.f32 $1.600000000e+01, v17  }
0x9a: {  	v21 =	vmul.f32 $1.600000000e+01, v16;
	v22 =	vmul.f32 $2.300000000e+01, v16  }
0x9b: {  	v23 =	vmul.f32 $2.300000000e+01, v18;
	v61 =	vmul.f32 $2.300000000e+01, v17  }
0x9c: {  	v39 =	vmul.f32 $3.400000000e+01, v18;
	v26 =	vmul.f32 $3.400000000e+01, v17  }
0x9d: {  	v27 =	vmul.f32 $3.400000000e+01, v16;
	v44 =	vmul.f32 $4.900000000e+01, v18  }
0x9e: {  	v28 =	vmul.f32 $4.900000000e+01, v17;
	v29 =	vmul.f32 $4.900000000e+01, v16  }
0x9f: {  	v30 =	vmul.f32 $7.200000000e+01, v18;
	v32 =	vmul.f32 $7.200000000e+01, v17  }
0xa0: {  	v45 =	vmul.f32 $7.200000000e+01, v16;
	v49 =	vmul.f32 $1.050000000e+02, v18  }
0xa1: {  	v50 =	vmul.f32 $1.050000000e+02, v17;
	v35 =	vmul.f32 $1.050000000e+02, v16  }
0xa2: {  	v36 =	vmul.f32 $1.540000000e+02, v18;
	v51 =	vmul.f32 $1.540000000e+02, v17  }
0xa3: {  	v52 =	vmul.f32 $1.540000000e+02, v16;
	v53 =	vmul.f32 $2.250000000e+02, v16  }
0xa4: {  	v54 =	vmul.f32 $2.250000000e+02, v17;
	v57 =	vmul.f32 $4.800000000e+02, v18  }
0xa5: {  	v19 =	vtrunc.f32 v19;
	v20 =	vtrunc.f32 v20  }
0xa6: {  	v21 =	vtrunc.f32 v21;
	v59 =	vtrunc.f32 v22  }
0xa7: {  	v60 =	vtrunc.f32 v23;
	v22 =	vtrunc.f32 v61  }
0xa8: {  	v23 =	vtrunc.f32 v39;
	v26 =	vtrunc.f32 v26  }
0xa9: {  	v40 =	vtrunc.f32 v27;
	v28 =	vtrunc.f32 v28  }
0xaa: {  	v29 =	vtrunc.f32 v29;
	v30 =	vtrunc.f32 v30  }
0xab: {  	v47 =	vtrunc.f32 v32;
	v35 =	vtrunc.f32 v35  }
0xac: {  	v36 =	vtrunc.f32 v36;
	v39 =	vmul.f32 $2.250000000e+02, v18  }
0xad: {  	v24 =	vor.u32 s1, v0;
	v19 =	vcvt.f32.s32 v19;
	v20 =	vcvt.f32.s32 v20  }
0xae: {  	v31 =	vor.u32 s1, v3;
	v21 =	vcvt.f32.s32 v21;
	v25 =	vcvt.f32.s32 v60  }
0xaf: {  	v33 =	vor.u32 s1, v4;
	v22 =	vcvt.f32.s32 v22;
	v23 =	vcvt.f32.s32 v23  }
0xb0: {  	v37 =	vor.u32 s1, v5;
	v26 =	vcvt.f32.s32 v26;
	v41 =	vcvt.f32.s32 v40  }
0xb1: {  	v24 =	vand.u32 v1, v24;
	v28 =	vcvt.f32.s32 v28;
	v29 =	vcvt.f32.s32 v29  }
0xb2: {  	v27 =	vor.u32 s1, v2;
	v46 =	vcvt.f32.s32 v30;
	v30 =	vcvt.f32.s32 v47  }
0xb3: {  	v35 =	vcvt.f32.s32 v35;
	v36 =	vcvt.f32.s32 v36;
	v40 =	vor.u32 s1, v6  }
0xb4: {  	v60 =	vmul.f32 $4.800000000e+02, v16;
	v39 =	vtrunc.f32 v39;
	v19 =	vmul.u32 $0x779B1, v19  }
0xb5: {  	v20 =	vmul.u32 $0x25795, v20;
	v25 =	vmul.u32 $0x779B1, v25;
	v22 =	vmul.u32 $0x25795, v22  }
0xb6: {  	v23 =	vmul.u32 $0x779B1, v23;
	v26 =	vmul.u32 $0x25795, v26;
	v28 =	vmul.u32 $0x25795, v28  }
0xb7: {  	v30 =	vmul.u32 $0x25795, v30;
	v39 =	vcvt.f32.s32 v39;
	v19 =	vxor.u32 v21, v19  }
0xb8: {  	v36 =	vmul.u32 $0x779B1, v36;
	v21 =	vcvt.f32.s32 v59;
	v20 =	vxor.u32 v20, v19  }
0xb9: {  	v39 =	vmul.u32 $0x779B1, v39;
	v59 =	vmul.f32 $4.800000000e+02, v17;
	v62 =	vshrl.u32 v20, $0x2  }
0xba: {  	v20 =	vshll.u32 v20, $0x1;
	v21 =	vxor.u32 v21, v25;
	v63 =	vand.u32 $0x1FFFF, v62  }
0xbb: {  	v21 =	vxor.u32 v22, v21;
	v20 =	vand.u32 $0x6, v20;
	v22 =	vxor.u32 v41, v23  }
0xbc: {  	v62 =	vtrunc.f32 v60;
	v42 =	vshrl.u32 v21, $0x2;
	v21 =	vshll.u32 v21, $0x1  }
0xbd: {  	v22 =	vxor.u32 v26, v22;
	v26 =	vtrunc.f32 v44;
	v44 =	vmul.f32 $3.290000000e+02, v17  }
0xbe: {  	[tilespmem:v24+s23+$0x0] =	vst.idx.msk $0xffff, v63;
	v63 =	vcvt.f32.s32 v62;
	v25 =	vand.u32 $0x1FFFF, v42;
	v21 =	vand.u32 $0x6, v21  }
0xbf: {  	v43 =	vshrl.u32 v22, $0x2;
	v22 =	vshll.u32 v22, $0x1;
	v26 =	vcvt.f32.s32 v26  }
0xc0: {  	v42 =	vmul.f32 $3.290000000e+02, v16;
	v23 =	vor.u32 $0x20000, v25;
	v25 =	vand.u32 $0x1FFFF, v43  }
0xc1: {  	v22 =	vand.u32 $0x6, v22;
	v43 =	vmul.f32 $3.290000000e+02, v18;
	v56 =	vtrunc.f32 v44  }
0xc2: {  	v44 =	vtrunc.f32 v57;
	v57 =	vor.u32 s1, v10;
	v42 =	vtrunc.f32 v42  }
0xc3: {  	v26 =	vmul.u32 $0x779B1, v26;
	v58 =	vcvt.f32.s32 v56;
	v44 =	vcvt.f32.s32 v44  }
0xc4: {  	v25 =	vor.u32 $0x40000, v25;
	v43 =	vtrunc.f32 v43;
	v55 =	vcvt.f32.s32 v42  }
0xc5: {  	v42 =	vtrunc.f32 v59;
	v59 =	vor.u32 s1, v11;
	v26 =	vxor.u32 v29, v26  }
0xc6: {  	v29 =	vtrunc.f32 v45;
	v43 =	vcvt.f32.s32 v43;
	v45 =	vor.u32 s1, v7  }
0xc7: {  	v61 =	vmul.u32 $0x25795, v58;
	v42 =	vcvt.f32.s32 v42;
	v26 =	vxor.u32 v28, v26  }
0xc8: {  	v29 =	vcvt.f32.s32 v29;
	v28 =	vmul.u32 $0x779B1, v46;
	v48 =	vshrl.u32 v26, $0x2  }
0xc9: {  	v26 =	vshll.u32 v26, $0x1;
	v43 =	vmul.u32 $0x779B1, v43;
	v47 =	vmul.u32 $0x25795, v42  }
0xca: {  	v32 =	vand.u32 $0x1FFFF, v48;
	v28 =	vxor.u32 v29, v28;
	v29 =	vtrunc.f32 v49  }
0xcb: {  	v26 =	vand.u32 $0x6, v26;
	v48 =	vmul.f32 $7.010000000e+02, v16;
	v16 =	vmul.f32 $1.024000000e+03, v16  }
0xcc: {  	v28 =	vxor.u32 v30, v28;
	v29 =	vcvt.f32.s32 v29;
	v30 =	vtrunc.f32 v50  }
0xcd: {  	[tilespmem:v24+s24+$0x0] =	vst.idx.msk $0xffff, v20;
	v32 =	vor.u32 $0x60000, v32;
	v50 =	vmul.f32 $7.010000000e+02, v17;
	v17 =	vmul.f32 $1.024000000e+03, v17  }
0xce: {  	[tilespmem:v27+s23+$0x0] =	vst.idx.msk $0xffff, v23;
	v34 =	vshrl.u32 v28, $0x2;
	v30 =	vcvt.f32.s32 v30;
	v28 =	vshll.u32 v28, $0x1  }
0xcf: {  	[tilespmem:v27+s24+$0x0] =	vst.idx.msk $0xffff, v21;
	v21 =	vtrunc.f32 v48;
	v16 =	vtrunc.f32 v16;
	v34 =	vand.u32 $0x1FFFF, v34  }
0xd0: {  	[tilespmem:v31+s23+$0x0] =	vst.idx.msk $0xffff, v25;
	v29 =	vmul.u32 $0x779B1, v29;
	v21 =	vcvt.f32.s32 v21;
	v25 =	vtrunc.f32 v50  }
0xd1: {  	v28 =	vand.u32 $0x6, v28;
	v17 =	vtrunc.f32 v17;
	v16 =	vcvt.f32.s32 v16  }
0xd2: {  	v34 =	vor.u32 $0x80000, v34;
	v30 =	vmul.u32 $0x25795, v30;
	v25 =	vcvt.f32.s32 v25  }
0xd3: {  	v17 =	vcvt.f32.s32 v17;
	v29 =	vxor.u32 v35, v29;
	v35 =	vtrunc.f32 v51  }
0xd4: {  	v29 =	vxor.u32 v30, v29;
	v30 =	vtrunc.f32 v52;
	v35 =	vcvt.f32.s32 v35  }
0xd5: {  	v25 =	vmul.u32 $0x25795, v25;
	v17 =	vmul.u32 $0x25795, v17;
	v38 =	vshrl.u32 v29, $0x2  }
0xd6: {  	v29 =	vshll.u32 v29, $0x1;
	v30 =	vcvt.f32.s32 v30;
	v38 =	vand.u32 $0x1FFFF, v38  }
0xd7: {  	v29 =	vand.u32 $0x6, v29;
	v35 =	vmul.u32 $0x25795, v35;
	v38 =	vor.u32 $0xA0000, v38  }
0xd8: {  	v30 =	vxor.u32 v30, v36;
	v36 =	vtrunc.f32 v53;
	v53 =	vor.u32 s1, v8  }
0xd9: {  	v30 =	vxor.u32 v35, v30;
	v35 =	vtrunc.f32 v54;
	v36 =	vcvt.f32.s32 v36  }
0xda: {  	v41 =	vshrl.u32 v30, $0x2;
	v30 =	vshll.u32 v30, $0x1;
	v35 =	vcvt.f32.s32 v35  }
0xdb: {  	[tilespmem:v31+s24+$0x0] =	vst.idx.msk $0xffff, v22;
	v41 =	vand.u32 $0x1FFFF, v41;
	v30 =	vand.u32 $0x6, v30;
	v36 =	vxor.u32 v36, v39  }
0xdc: {  	[tilespmem:v33+s23+$0x0] =	vst.idx.msk $0xffff, v32;
	v39 =	vxor.u32 v55, v43;
	v43 =	vmul.u32 $0x779B1, v44;
	v44 =	vmul.f32 $7.010000000e+02, v18  }
0xdd: {  	[tilespmem:v33+s24+$0x0] =	vst.idx.msk $0xffff, v26;
	v18 =	vmul.f32 $1.024000000e+03, v18;
	v55 =	vor.u32 s1, v9;
	v41 =	vor.u32 $0xC0000, v41  }
0xde: {  	[tilespmem:v37+s23+$0x0] =	vst.idx.msk $0xffff, v34;
	v35 =	vmul.u32 $0x25795, v35;
	v19 =	vxor.u32 v61, v39;
	v61 =	vor.u32 s1, v12  }
0xdf: {  	[tilespmem:v37+s24+$0x0] =	vst.idx.msk $0xffff, v28;
	v20 =	vxor.u32 v63, v43;
	v49 =	vtrunc.f32 v44;
	v54 =	vshrl.u32 v19, $0x2  }
0xe0: {  	[tilespmem:v40+s23+$0x0] =	vst.idx.msk $0xffff, v38;
	v19 =	vshll.u32 v19, $0x1;
	v35 =	vxor.u32 v35, v36;
	v24 =	vcvt.f32.s32 v49  }
0xe1: {  	[tilespmem:v40+s24+$0x0] =	vst.idx.msk $0xffff, v29;
	v18 =	vtrunc.f32 v18;
	v20 =	vxor.u32 v47, v20;
	v46 =	vshrl.u32 v35, $0x2  }
0xe2: {  	[tilespmem:v45+s23+$0x0] =	vst.idx.msk $0xffff, v41;
	v19 =	vand.u32 $0x6, v19;
	v51 =	vand.u32 $0x1FFFF, v46;
	v24 =	vmul.u32 $0x779B1, v24  }
0xe3: {  	[tilespmem:v45+s24+$0x0] =	vst.idx.msk $0xffff, v30;
	v18 =	vcvt.f32.s32 v18;
	v52 =	vshll.u32 v35, $0x1;
	v22 =	vor.u32 $0xE0000, v51  }
0xe4: {  	v23 =	vand.u32 $0x6, v52;
	v21 =	vxor.u32 v21, v24;
	v24 =	vand.u32 $0x1FFFF, v54;
	[tilespmem:v53+s23+$0x0] =	vst.idx.msk $0xffff, v22  }
0xe5: {  	v56 =	vshrl.u32 v20, $0x2;
	v18 =	vmul.u32 $0x779B1, v18;
	v24 =	vor.u32 $0x100000, v24;
	[tilespmem:v53+s24+$0x0] =	vst.idx.msk $0xffff, v23  }
0xe6: {  	v20 =	vshll.u32 v20, $0x1;
	v58 =	vand.u32 $0x1FFFF, v56;
	v21 =	vxor.u32 v25, v21;
	[tilespmem:v55+s23+$0x0] =	vst.idx.msk $0xffff, v24  }
0xe7: {  	v22 =	vor.u32 $0x120000, v58;
	v16 =	vxor.u32 v16, v18;
	v60 =	vshrl.u32 v21, $0x2;
	[tilespmem:v55+s24+$0x0] =	vst.idx.msk $0xffff, v19  }
0xe8: {  	p1 =	sne.s32 s1, $0xF0;
	v16 =	vxor.u32 v17, v16;
	v17 =	vand.u32 $0x6, v20;
	v19 =	vand.u32 $0x1FFFF, v60;
	[tilespmem:v57+s23+$0x0] =	vst.idx.msk $0xffff, v22  }
.Ltmp1:
0xe9: {  	v62 =	vshll.u32 v21, $0x1;
	v63 =	vshrl.u32 v16, $0x2;
	[tilespmem:v57+s24+$0x0] =	vst.idx.msk $0xffff, v17;
	v17 =	vor.u32 $0x140000, v19;
	(pc) =	sbr.rel @p1 .LBB2_5-.Ltmp1, $4  }
0xea: {  	v19 =	vand.u32 $0x6, v62;
	[tilespmem:v59+s23+$0x0] =	vst.idx.msk $0xffff, v17;
	v17 =	vand.u32 $0x1FFFF, v63  }
0xeb: {  	v16 =	vshll.u32 v16, $0x1;
	[tilespmem:v59+s24+$0x0] =	vst.idx.msk $0xffff, v19;
	v17 =	vor.u32 $0x160000, v17  }
0xec: {  	s30 =	sadd.s32 $0x10, s30;
	v16 =	vand.u32 $0x6, v16;
	[tilespmem:v61+s23+$0x0] =	vst.idx.msk $0xffff, v17  }
0xed: {  	s3 =	sadd.s32 $0x10, s3;
	s10 =	sadd.s32 $0x10, s10;
	s1 =	sadd.s32 $0x10, s1;
	[tilespmem:v61+s24+$0x0] =	vst.idx.msk $0xffff, v16  }
0xee: {  	_ =	swait.ge [sflag:s25], $0x6000  }
0xef: {  	[sflag:s25] =	ssyncset.done $0x0  }
0xf0: {  	s1 =	simm.s32 @!p0 $0x4;
	[sflag:s25] =	ssyncadd.s32 $0xFFFFA000  }
0xf1: {  	_ =	swait.ge @!p0 [sflag:s1], $0x800  }
0xf2: {  	[sflag:s1] =	ssyncset.done @!p0 $0x0  }
0xf3: {  	[sflag:s1] =	ssyncadd.s32 @!p0 $0xFFFFF800  }
0xf4: {  	_ =	swait.ge @!p0 [sflag:s1], $0x800  }
0xf5: {  	[sflag:s1] =	ssyncset.done @!p0 $0x0  }
0xf6: {  	[sflag:s1] =	ssyncadd.s32 @!p0 $0xFFFFF800  }
0xf7: {  	_ =	swait.ge @!p0 [sflag:s1], $0x800  }
0xf8: {  	[sflag:s1] =	ssyncset.done @!p0 $0x0  }
0xf9: {  	s10 =	simm.s32 $0x1E00;
	[sflag:s1] =	ssyncadd.s32 @!p0 $0xFFFFF800  }
0xfa: {  	[tilespmem:s26], [sflag:$0x2] =	stream.indirect.gather [hbm4b:s8+s21], $0x8, s23, s21, $0xb8;
	[tilespmem:$0x12600] =	vst v63  }
0xfb: {  	v16 =	vld [tilespmem:s10+$0x0];
	_ =	sdelay $0x1  }
0xfc: {  	s1 =	simm.s32 $0x0  }
0xfd: {  	v17 =	vmov s1  }
0xfe: {  	v17 =	vshll.u32 v17, $0x3  }
0xff: {  	v17 =	vor.u32 v13, v17;
	v18 =	vand.u32 $0xFFFFFFF8, v16;
	v19 =	vadd.s32 $0x1, v16  }
0x100: {  	v16 =	vand.u32 $0x7, v16;
	v18 =	vadd.s32 v17, v18;
	v20 =	vand.u32 $0xFFFFFFF8, v19  }
0x101: {  	v16 =	vor.u32 v16, v18;
	v18 =	vand.u32 $0x7, v19;
	v17 =	vadd.s32 v17, v20  }
0x102: {  	s3 =	sand.u32 $0x1800, s1;
	s7 =	sand.u32 $0x400, s1;
	v17 =	vor.u32 v18, v17  }
0x103: {  	s13 =	sand.u32 $0x370, s1;
	s3 =	sor.u32 s7, s3  }
0x104: {  	s3 =	sor.u32 s13, s3  }
0x105: {  	v18 =	vor.u32 s3, v0  }
0x106: {  	v18 =	vand.u32 v14, v18;
	v16 =	vld.idx.msk [tilespmem:v16+s22+$0x0], $0xffff  }
0x107: {  	v19 =	vor.u32 s3, v15;
	v17 =	vld.idx.msk [tilespmem:v17+s22+$0x0], $0xffff;
	_ =	sdelay $0x3  }
0x108: {  	[tilespmem:v18+s28+$0x0] =	vst.idx.msk $0xffff, v16  }
0x109: {  	s30 =	simm.s32 $0x1E10;
	[tilespmem:v19+s28+$0x0] =	vst.idx.msk $0xffff, v17  }
0x10a: {  	s7 =	simm.s32 $0x20;
	s10 =	simm.s32 $0x0;
	s3 =	simm.s32 $0x10;
	v16 =	vld [tilespmem:s30+$0x0]  }
.LBB2_7:
0x10b: {  	p0 =	sne.s32 s7, $0xBF0;
	_ =	sdelay $0x1  }
0x10c: {  	v17 =	vmov s3  }
0x10d: {  	v17 =	vshll.u32 v17, $0x3  }
0x10e: {  	v17 =	vor.u32 v13, v17;
	v18 =	vand.u32 $0xFFFFFFF8, v16;
	v19 =	vadd.s32 $0x1, v16  }
0x10f: {  	v16 =	vand.u32 $0x7, v16;
	v18 =	vadd.s32 v17, v18;
	v20 =	vand.u32 $0xFFFFFFF8, v19  }
0x110: {  	v16 =	vor.u32 v16, v18;
	v18 =	vand.u32 $0x7, v19;
	v17 =	vadd.s32 v17, v20  }
0x111: {  	s1 =	sadd.s32 $0x80, s1;
	s10 =	sadd.s32 $0x20, s10;
	v17 =	vor.u32 v18, v17  }
0x112: {  	s9 =	sand.u32 $0x1800, s10;
	s13 =	sand.u32 $0x400, s1  }
0x113: {  	s9 =	sor.u32 s13, s9;
	s13 =	sand.u32 $0x370, s3;
	s3 =	smov.u32 s7  }
0x114: {  	s9 =	sor.u32 s13, s9  }
0x115: {  	v18 =	vor.u32 s9, v0;
	v16 =	vld.idx.msk [tilespmem:v16+s22+$0x0], $0xffff  }
0x116: {  	v18 =	vand.u32 v14, v18;
	v17 =	vld.idx.msk [tilespmem:v17+s22+$0x0], $0xffff  }
0x117: {  	v19 =	vor.u32 s9, v15;
	_ =	sdelay $0x1  }
.Ltmp2:
0x118: {  	(pc) =	sbr.rel @p0 .LBB2_7-.Ltmp2, $4  }
0x119: {  	_ = 	snop  }
0x11a: {  	[tilespmem:v18+s28+$0x0] =	vst.idx.msk $0xffff, v16  }
0x11b: {  	s30 =	sadd.s32 $0x10, s30;
	[tilespmem:v19+s28+$0x0] =	vst.idx.msk $0xffff, v17  }
0x11c: {  	s7 =	sadd.s32 $0x10, s7;
	v16 =	vld [tilespmem:s30+$0x0]  }
0x11d: {  	_ =	sdelay $0x1  }
0x11e: {  	v17 =	vmov s3  }
0x11f: {  	v17 =	vshll.u32 v17, $0x3  }
0x120: {  	v17 =	vor.u32 v13, v17;
	v18 =	vand.u32 $0xFFFFFFF8, v16;
	v19 =	vadd.s32 $0x1, v16  }
0x121: {  	v16 =	vand.u32 $0x7, v16;
	v18 =	vadd.s32 v17, v18;
	v20 =	vand.u32 $0xFFFFFFF8, v19  }
0x122: {  	s1 =	sadd.s32 $0x80, s1;
	s7 =	sadd.s32 $0x20, s10;
	v61 =	vand.u32 $0x7, v19;
	v16 =	vor.u32 v16, v18;
	v17 =	vadd.s32 v17, v20  }
0x123: {  	s7 =	sand.u32 $0x1800, s7;
	s1 =	sand.u32 $0x400, s1;
	v17 =	vor.u32 v61, v17  }
0x124: {  	s13 =	sand.u32 $0x370, s3;
	s1 =	sor.u32 s1, s7  }
0x125: {  	s1 =	sor.u32 s13, s1  }
0x126: {  	v62 =	vor.u32 s1, v0  }
0x127: {  	v18 =	vand.u32 v14, v62;
	v16 =	vld.idx.msk [tilespmem:v16+s22+$0x0], $0xffff  }
0x128: {  	v63 =	vor.u32 s1, v15;
	v17 =	vld.idx.msk [tilespmem:v17+s22+$0x0], $0xffff;
	_ =	sdelay $0x3  }
0x129: {  	s3 =	sadd.s32 s14, s11;
	[tilespmem:v18+s28+$0x0] =	vst.idx.msk $0xffff, v16  }
0x12a: {  	s30 =	simm.s32 $0x0;
	s9 =	simm.s32 $0xFE00;
	s7 =	rddreg [dreg:$0x7];
	[tilespmem:v63+s28+$0x0] =	vst.idx.msk $0xffff, v17  }
0x12b: {  	[hbm4b:s3+s30] =	stream.linear.scatter [tilespmem:s28], [sflag:$0x4], $0x800, $0x38;
	[tilespmem:$0x12600] =	vst v63  }
0x12c: {  	s10 =	rddreg [dreg:$0x8];
	s13 =	simm.s32 $0x10600;
	s1 =	sadd.s32 s11, s7  }
0x12d: {  	[hbm4b:s1+s30] =	stream.linear.scatter [tilespmem:s9], [sflag:$0x4], $0x800, $0x38;
	[tilespmem:$0x12600] =	vst v63  }
0x12e: {  	s7 =	sadd.s32 $0x200, s11;
	s1 =	sadd.s32 s11, s10;
	s9 =	rddreg [dreg:$0x3]  }
0x12f: {  	[hbm4b:s1+s30] =	stream.linear.scatter [tilespmem:s13], [sflag:$0x4], $0x800, $0x38;
	[tilespmem:$0x12600] =	vst v63  }
0x130: {  	s1 =	smin.u32 s7, s9  }
0x131: {  	s1 =	sshrl.u32 s1, $0x3  }
0x132: {  	s10 =	sadd.s32 s4, s1  }
0x133: {  	[tilespmem:s30], [sflag:$0x3] =	stream.linear.gather [hbm4b:s10+s30], $0x100, $0x38;
	[tilespmem:$0x12600] =	vst v63  }
0x134: {  	s3 =	simm.s32 $0x100;
	s13 =	sadd.s32 s5, s1  }
0x135: {  	[tilespmem:s3], [sflag:$0x3] =	stream.linear.gather [hbm4b:s13+s30], $0x100, $0x38;
	[tilespmem:$0x12600] =	vst v63  }
0x136: {  	s1 =	sadd.s32 s6, s1;
	s10 =	simm.s32 $0x200  }
0x137: {  	[tilespmem:s10], [sflag:$0x3] =	stream.linear.gather [hbm4b:s1+s30], $0x100, $0x38;
	[tilespmem:$0x12600] =	vst v63  }
0x138: {  	_ =	swait.ge [sflag:s18], $0x100  }
0x139: {  	[sflag:s18] =	ssyncset.done $0x0  }
0x13a: {  	[sflag:s18] =	ssyncadd.s32 $0xFFFFFF00  }
0x13b: {  	_ =	swait.ge [sflag:s18], $0x100  }
0x13c: {  	[sflag:s18] =	ssyncset.done $0x0  }
0x13d: {  	[sflag:s18] =	ssyncadd.s32 $0xFFFFFF00  }
0x13e: {  	_ =	swait.ge [sflag:s18], $0x100  }
0x13f: {  	[sflag:s18] =	ssyncset.done $0x0  }
0x140: {  	s1 =	simm.s32 $0x0;
	[sflag:s18] =	ssyncadd.s32 $0xFFFFFF00  }
.LBB2_9:
0x141: {  	v18 =	vld [tilespmem:s3+$0x0]  }
0x142: {  	v17 =	vld [tilespmem:s10+$0x0]  }
0x143: {  	v16 =	vld [tilespmem:s30+$0x0];
	_ =	sdelay $0x3  }
0x144: {  	v19 =	vmul.f32 $1.600000000e+01, v18;
	v20 =	vmul.f32 $1.600000000e+01, v17  }
0x145: {  	v21 =	vmul.f32 $1.600000000e+01, v16;
	v22 =	vmul.f32 $2.300000000e+01, v16  }
0x146: {  	v23 =	vmul.f32 $2.300000000e+01, v18;
	v61 =	vmul.f32 $2.300000000e+01, v17  }
0x147: {  	v39 =	vmul.f32 $3.400000000e+01, v18;
	v26 =	vmul.f32 $3.400000000e+01, v17  }
0x148: {  	v27 =	vmul.f32 $3.400000000e+01, v16;
	v44 =	vmul.f32 $4.900000000e+01, v18  }
0x149: {  	v28 =	vmul.f32 $4.900000000e+01, v17;
	v29 =	vmul.f32 $4.900000000e+01, v16  }
0x14a: {  	v30 =	vmul.f32 $7.200000000e+01, v18;
	v32 =	vmul.f32 $7.200000000e+01, v17  }
0x14b: {  	v45 =	vmul.f32 $7.200000000e+01, v16;
	v49 =	vmul.f32 $1.050000000e+02, v18  }
0x14c: {  	v50 =	vmul.f32 $1.050000000e+02, v17;
	v35 =	vmul.f32 $1.050000000e+02, v16  }
0x14d: {  	v36 =	vmul.f32 $1.540000000e+02, v18;
	v51 =	vmul.f32 $1.540000000e+02, v17  }
0x14e: {  	v52 =	vmul.f32 $1.540000000e+02, v16;
	v53 =	vmul.f32 $2.250000000e+02, v16  }
0x14f: {  	v54 =	vmul.f32 $2.250000000e+02, v17;
	v57 =	vmul.f32 $4.800000000e+02, v18  }
0x150: {  	v19 =	vtrunc.f32 v19;
	v20 =	vtrunc.f32 v20  }
0x151: {  	v21 =	vtrunc.f32 v21;
	v59 =	vtrunc.f32 v22  }
0x152: {  	v60 =	vtrunc.f32 v23;
	v22 =	vtrunc.f32 v61  }
0x153: {  	v23 =	vtrunc.f32 v39;
	v26 =	vtrunc.f32 v26  }
0x154: {  	v40 =	vtrunc.f32 v27;
	v28 =	vtrunc.f32 v28  }
0x155: {  	v29 =	vtrunc.f32 v29;
	v30 =	vtrunc.f32 v30  }
0x156: {  	v47 =	vtrunc.f32 v32;
	v35 =	vtrunc.f32 v35  }
0x157: {  	v36 =	vtrunc.f32 v36;
	v39 =	vmul.f32 $2.250000000e+02, v18  }
0x158: {  	v24 =	vor.u32 s1, v0;
	v19 =	vcvt.f32.s32 v19;
	v20 =	vcvt.f32.s32 v20  }
0x159: {  	v31 =	vor.u32 s1, v3;
	v21 =	vcvt.f32.s32 v21;
	v25 =	vcvt.f32.s32 v60  }
0x15a: {  	v33 =	vor.u32 s1, v4;
	v22 =	vcvt.f32.s32 v22;
	v23 =	vcvt.f32.s32 v23  }
0x15b: {  	v37 =	vor.u32 s1, v5;
	v26 =	vcvt.f32.s32 v26;
	v41 =	vcvt.f32.s32 v40  }
0x15c: {  	v24 =	vand.u32 v1, v24;
	v28 =	vcvt.f32.s32 v28;
	v29 =	vcvt.f32.s32 v29  }
0x15d: {  	v27 =	vor.u32 s1, v2;
	v46 =	vcvt.f32.s32 v30;
	v30 =	vcvt.f32.s32 v47  }
0x15e: {  	v35 =	vcvt.f32.s32 v35;
	v36 =	vcvt.f32.s32 v36;
	v40 =	vor.u32 s1, v6  }
0x15f: {  	v60 =	vmul.f32 $4.800000000e+02, v16;
	v39 =	vtrunc.f32 v39;
	v19 =	vmul.u32 $0x779B1, v19  }
0x160: {  	v20 =	vmul.u32 $0x25795, v20;
	v25 =	vmul.u32 $0x779B1, v25;
	v22 =	vmul.u32 $0x25795, v22  }
0x161: {  	v23 =	vmul.u32 $0x779B1, v23;
	v26 =	vmul.u32 $0x25795, v26;
	v28 =	vmul.u32 $0x25795, v28  }
0x162: {  	v30 =	vmul.u32 $0x25795, v30;
	v39 =	vcvt.f32.s32 v39;
	v19 =	vxor.u32 v21, v19  }
0x163: {  	v36 =	vmul.u32 $0x779B1, v36;
	v21 =	vcvt.f32.s32 v59;
	v20 =	vxor.u32 v20, v19  }
0x164: {  	v39 =	vmul.u32 $0x779B1, v39;
	v59 =	vmul.f32 $4.800000000e+02, v17;
	v62 =	vshrl.u32 v20, $0x2  }
0x165: {  	v20 =	vshll.u32 v20, $0x1;
	v21 =	vxor.u32 v21, v25;
	v63 =	vand.u32 $0x1FFFF, v62  }
0x166: {  	v21 =	vxor.u32 v22, v21;
	v20 =	vand.u32 $0x6, v20;
	v22 =	vxor.u32 v41, v23  }
0x167: {  	v62 =	vtrunc.f32 v60;
	v42 =	vshrl.u32 v21, $0x2;
	v21 =	vshll.u32 v21, $0x1  }
0x168: {  	v22 =	vxor.u32 v26, v22;
	v26 =	vtrunc.f32 v44;
	v44 =	vmul.f32 $3.290000000e+02, v17  }
0x169: {  	[tilespmem:v24+s19+$0x0] =	vst.idx.msk $0xffff, v63;
	v63 =	vcvt.f32.s32 v62;
	v25 =	vand.u32 $0x1FFFF, v42;
	v21 =	vand.u32 $0x6, v21  }
0x16a: {  	v43 =	vshrl.u32 v22, $0x2;
	v22 =	vshll.u32 v22, $0x1;
	v26 =	vcvt.f32.s32 v26  }
0x16b: {  	v42 =	vmul.f32 $3.290000000e+02, v16;
	v23 =	vor.u32 $0x20000, v25;
	v25 =	vand.u32 $0x1FFFF, v43  }
0x16c: {  	v22 =	vand.u32 $0x6, v22;
	v43 =	vmul.f32 $3.290000000e+02, v18;
	v56 =	vtrunc.f32 v44  }
0x16d: {  	v44 =	vtrunc.f32 v57;
	v57 =	vor.u32 s1, v10;
	v42 =	vtrunc.f32 v42  }
0x16e: {  	v26 =	vmul.u32 $0x779B1, v26;
	v58 =	vcvt.f32.s32 v56;
	v44 =	vcvt.f32.s32 v44  }
0x16f: {  	v25 =	vor.u32 $0x40000, v25;
	v43 =	vtrunc.f32 v43;
	v55 =	vcvt.f32.s32 v42  }
0x170: {  	v42 =	vtrunc.f32 v59;
	v59 =	vor.u32 s1, v11;
	v26 =	vxor.u32 v29, v26  }
0x171: {  	v29 =	vtrunc.f32 v45;
	v43 =	vcvt.f32.s32 v43;
	v45 =	vor.u32 s1, v7  }
0x172: {  	v61 =	vmul.u32 $0x25795, v58;
	v42 =	vcvt.f32.s32 v42;
	v26 =	vxor.u32 v28, v26  }
0x173: {  	v29 =	vcvt.f32.s32 v29;
	v28 =	vmul.u32 $0x779B1, v46;
	v48 =	vshrl.u32 v26, $0x2  }
0x174: {  	v26 =	vshll.u32 v26, $0x1;
	v43 =	vmul.u32 $0x779B1, v43;
	v47 =	vmul.u32 $0x25795, v42  }
0x175: {  	v32 =	vand.u32 $0x1FFFF, v48;
	v28 =	vxor.u32 v29, v28;
	v29 =	vtrunc.f32 v49  }
0x176: {  	v26 =	vand.u32 $0x6, v26;
	v48 =	vmul.f32 $7.010000000e+02, v16;
	v16 =	vmul.f32 $1.024000000e+03, v16  }
0x177: {  	v28 =	vxor.u32 v30, v28;
	v29 =	vcvt.f32.s32 v29;
	v30 =	vtrunc.f32 v50  }
0x178: {  	[tilespmem:v24+s20+$0x0] =	vst.idx.msk $0xffff, v20;
	v32 =	vor.u32 $0x60000, v32;
	v50 =	vmul.f32 $7.010000000e+02, v17;
	v17 =	vmul.f32 $1.024000000e+03, v17  }
0x179: {  	[tilespmem:v27+s19+$0x0] =	vst.idx.msk $0xffff, v23;
	v34 =	vshrl.u32 v28, $0x2;
	v30 =	vcvt.f32.s32 v30;
	v28 =	vshll.u32 v28, $0x1  }
0x17a: {  	[tilespmem:v27+s20+$0x0] =	vst.idx.msk $0xffff, v21;
	v21 =	vtrunc.f32 v48;
	v16 =	vtrunc.f32 v16;
	v34 =	vand.u32 $0x1FFFF, v34  }
0x17b: {  	[tilespmem:v31+s19+$0x0] =	vst.idx.msk $0xffff, v25;
	v29 =	vmul.u32 $0x779B1, v29;
	v21 =	vcvt.f32.s32 v21;
	v25 =	vtrunc.f32 v50  }
0x17c: {  	v28 =	vand.u32 $0x6, v28;
	v17 =	vtrunc.f32 v17;
	v16 =	vcvt.f32.s32 v16  }
0x17d: {  	v34 =	vor.u32 $0x80000, v34;
	v30 =	vmul.u32 $0x25795, v30;
	v25 =	vcvt.f32.s32 v25  }
0x17e: {  	v17 =	vcvt.f32.s32 v17;
	v29 =	vxor.u32 v35, v29;
	v35 =	vtrunc.f32 v51  }
0x17f: {  	v29 =	vxor.u32 v30, v29;
	v30 =	vtrunc.f32 v52;
	v35 =	vcvt.f32.s32 v35  }
0x180: {  	v25 =	vmul.u32 $0x25795, v25;
	v17 =	vmul.u32 $0x25795, v17;
	v38 =	vshrl.u32 v29, $0x2  }
0x181: {  	v29 =	vshll.u32 v29, $0x1;
	v30 =	vcvt.f32.s32 v30;
	v38 =	vand.u32 $0x1FFFF, v38  }
0x182: {  	v29 =	vand.u32 $0x6, v29;
	v35 =	vmul.u32 $0x25795, v35;
	v38 =	vor.u32 $0xA0000, v38  }
0x183: {  	v30 =	vxor.u32 v30, v36;
	v36 =	vtrunc.f32 v53;
	v53 =	vor.u32 s1, v8  }
0x184: {  	v30 =	vxor.u32 v35, v30;
	v35 =	vtrunc.f32 v54;
	v36 =	vcvt.f32.s32 v36  }
0x185: {  	v41 =	vshrl.u32 v30, $0x2;
	v30 =	vshll.u32 v30, $0x1;
	v35 =	vcvt.f32.s32 v35  }
0x186: {  	[tilespmem:v31+s20+$0x0] =	vst.idx.msk $0xffff, v22;
	v41 =	vand.u32 $0x1FFFF, v41;
	v30 =	vand.u32 $0x6, v30;
	v36 =	vxor.u32 v36, v39  }
0x187: {  	[tilespmem:v33+s19+$0x0] =	vst.idx.msk $0xffff, v32;
	v39 =	vxor.u32 v55, v43;
	v43 =	vmul.u32 $0x779B1, v44;
	v44 =	vmul.f32 $7.010000000e+02, v18  }
0x188: {  	[tilespmem:v33+s20+$0x0] =	vst.idx.msk $0xffff, v26;
	v18 =	vmul.f32 $1.024000000e+03, v18;
	v55 =	vor.u32 s1, v9;
	v41 =	vor.u32 $0xC0000, v41  }
0x189: {  	[tilespmem:v37+s19+$0x0] =	vst.idx.msk $0xffff, v34;
	v35 =	vmul.u32 $0x25795, v35;
	v19 =	vxor.u32 v61, v39;
	v61 =	vor.u32 s1, v12  }
0x18a: {  	[tilespmem:v37+s20+$0x0] =	vst.idx.msk $0xffff, v28;
	v20 =	vxor.u32 v63, v43;
	v49 =	vtrunc.f32 v44;
	v54 =	vshrl.u32 v19, $0x2  }
0x18b: {  	[tilespmem:v40+s19+$0x0] =	vst.idx.msk $0xffff, v38;
	v19 =	vshll.u32 v19, $0x1;
	v35 =	vxor.u32 v35, v36;
	v24 =	vcvt.f32.s32 v49  }
0x18c: {  	[tilespmem:v40+s20+$0x0] =	vst.idx.msk $0xffff, v29;
	v18 =	vtrunc.f32 v18;
	v20 =	vxor.u32 v47, v20;
	v46 =	vshrl.u32 v35, $0x2  }
0x18d: {  	[tilespmem:v45+s19+$0x0] =	vst.idx.msk $0xffff, v41;
	v19 =	vand.u32 $0x6, v19;
	v51 =	vand.u32 $0x1FFFF, v46;
	v24 =	vmul.u32 $0x779B1, v24  }
0x18e: {  	[tilespmem:v45+s20+$0x0] =	vst.idx.msk $0xffff, v30;
	v18 =	vcvt.f32.s32 v18;
	v52 =	vshll.u32 v35, $0x1;
	v22 =	vor.u32 $0xE0000, v51  }
0x18f: {  	v23 =	vand.u32 $0x6, v52;
	v21 =	vxor.u32 v21, v24;
	v24 =	vand.u32 $0x1FFFF, v54;
	[tilespmem:v53+s19+$0x0] =	vst.idx.msk $0xffff, v22  }
0x190: {  	v56 =	vshrl.u32 v20, $0x2;
	v18 =	vmul.u32 $0x779B1, v18;
	v24 =	vor.u32 $0x100000, v24;
	[tilespmem:v53+s20+$0x0] =	vst.idx.msk $0xffff, v23  }
0x191: {  	v20 =	vshll.u32 v20, $0x1;
	v58 =	vand.u32 $0x1FFFF, v56;
	v21 =	vxor.u32 v25, v21;
	[tilespmem:v55+s19+$0x0] =	vst.idx.msk $0xffff, v24  }
0x192: {  	v22 =	vor.u32 $0x120000, v58;
	v16 =	vxor.u32 v16, v18;
	v60 =	vshrl.u32 v21, $0x2;
	[tilespmem:v55+s20+$0x0] =	vst.idx.msk $0xffff, v19  }
0x193: {  	p0 =	sne.s32 s1, $0xF0;
	v16 =	vxor.u32 v17, v16;
	v17 =	vand.u32 $0x6, v20;
	v19 =	vand.u32 $0x1FFFF, v60;
	[tilespmem:v57+s19+$0x0] =	vst.idx.msk $0xffff, v22  }
.Ltmp3:
0x194: {  	v62 =	vshll.u32 v21, $0x1;
	v63 =	vshrl.u32 v16, $0x2;
	[tilespmem:v57+s20+$0x0] =	vst.idx.msk $0xffff, v17;
	v17 =	vor.u32 $0x140000, v19;
	(pc) =	sbr.rel @p0 .LBB2_9-.Ltmp3, $4  }
0x195: {  	v19 =	vand.u32 $0x6, v62;
	[tilespmem:v59+s19+$0x0] =	vst.idx.msk $0xffff, v17;
	v17 =	vand.u32 $0x1FFFF, v63  }
0x196: {  	v16 =	vshll.u32 v16, $0x1;
	[tilespmem:v59+s20+$0x0] =	vst.idx.msk $0xffff, v19;
	v17 =	vor.u32 $0x160000, v17  }
0x197: {  	s30 =	sadd.s32 $0x10, s30;
	v16 =	vand.u32 $0x6, v16;
	[tilespmem:v61+s19+$0x0] =	vst.idx.msk $0xffff, v17  }
0x198: {  	s3 =	sadd.s32 $0x10, s3;
	s10 =	sadd.s32 $0x10, s10;
	s1 =	sadd.s32 $0x10, s1;
	[tilespmem:v61+s20+$0x0] =	vst.idx.msk $0xffff, v16  }
0x199: {  	[tilespmem:s22], [sflag:$0x1] =	stream.indirect.gather [hbm4b:s8+s21], $0x8, s19, s21, $0xb8;
	[tilespmem:$0x12600] =	vst v63  }
0x19a: {  	_ =	swait.ge [sflag:s31], $0x6000  }
0x19b: {  	[sflag:s31] =	ssyncset.done $0x0  }
0x19c: {  	s1 =	simm.s32 $0x2A00;
	[sflag:s31] =	ssyncadd.s32 $0xFFFFA000  }
0x19d: {  	v16 =	vld [tilespmem:s1+$0x0];
	_ =	sdelay $0x1  }
0x19e: {  	s1 =	simm.s32 $0x0  }
0x19f: {  	v17 =	vmov s1  }
0x1a0: {  	v17 =	vshll.u32 v17, $0x3  }
0x1a1: {  	v17 =	vor.u32 v13, v17;
	v18 =	vand.u32 $0xFFFFFFF8, v16;
	v19 =	vadd.s32 $0x1, v16  }
0x1a2: {  	v16 =	vand.u32 $0x7, v16;
	v18 =	vadd.s32 v17, v18;
	v20 =	vand.u32 $0xFFFFFFF8, v19  }
0x1a3: {  	v16 =	vor.u32 v16, v18;
	v18 =	vand.u32 $0x7, v19;
	v17 =	vadd.s32 v17, v20  }
0x1a4: {  	s3 =	sand.u32 $0x1800, s1;
	s7 =	sand.u32 $0x400, s1;
	v17 =	vor.u32 v18, v17  }
0x1a5: {  	s13 =	sand.u32 $0x370, s1;
	s3 =	sor.u32 s7, s3  }
0x1a6: {  	s3 =	sor.u32 s13, s3  }
0x1a7: {  	v18 =	vor.u32 s3, v0  }
0x1a8: {  	v18 =	vand.u32 v14, v18;
	v16 =	vld.idx.msk [tilespmem:v16+s26+$0x0], $0xffff  }
0x1a9: {  	v19 =	vor.u32 s3, v15;
	v17 =	vld.idx.msk [tilespmem:v17+s26+$0x0], $0xffff;
	_ =	sdelay $0x3  }
0x1aa: {  	[tilespmem:v18+s0+$0x0] =	vst.idx.msk $0xffff, v16  }
0x1ab: {  	s30 =	simm.s32 $0x2A10;
	[tilespmem:v19+s0+$0x0] =	vst.idx.msk $0xffff, v17  }
0x1ac: {  	s10 =	simm.s32 $0x0;
	s7 =	simm.s32 $0x20;
	s3 =	simm.s32 $0x10;
	v16 =	vld [tilespmem:s30+$0x0]  }
.LBB2_11:
0x1ad: {  	p0 =	sne.s32 s7, $0xBF0;
	_ =	sdelay $0x1  }
0x1ae: {  	v17 =	vmov s3  }
0x1af: {  	v17 =	vshll.u32 v17, $0x3  }
0x1b0: {  	v17 =	vor.u32 v13, v17;
	v18 =	vand.u32 $0xFFFFFFF8, v16;
	v19 =	vadd.s32 $0x1, v16  }
0x1b1: {  	v16 =	vand.u32 $0x7, v16;
	v18 =	vadd.s32 v17, v18;
	v20 =	vand.u32 $0xFFFFFFF8, v19  }
0x1b2: {  	v16 =	vor.u32 v16, v18;
	v18 =	vand.u32 $0x7, v19;
	v17 =	vadd.s32 v17, v20  }
0x1b3: {  	s1 =	sadd.s32 $0x80, s1;
	s10 =	sadd.s32 $0x20, s10;
	v17 =	vor.u32 v18, v17  }
0x1b4: {  	s9 =	sand.u32 $0x1800, s10;
	s13 =	sand.u32 $0x400, s1  }
0x1b5: {  	s9 =	sor.u32 s13, s9;
	s13 =	sand.u32 $0x370, s3;
	s3 =	smov.u32 s7  }
0x1b6: {  	s9 =	sor.u32 s13, s9  }
0x1b7: {  	v18 =	vor.u32 s9, v0;
	v16 =	vld.idx.msk [tilespmem:v16+s26+$0x0], $0xffff  }
0x1b8: {  	v18 =	vand.u32 v14, v18;
	v17 =	vld.idx.msk [tilespmem:v17+s26+$0x0], $0xffff  }
0x1b9: {  	v19 =	vor.u32 s9, v15;
	_ =	sdelay $0x1  }
.Ltmp4:
0x1ba: {  	(pc) =	sbr.rel @p0 .LBB2_11-.Ltmp4, $4  }
0x1bb: {  	_ = 	snop  }
0x1bc: {  	[tilespmem:v18+s0+$0x0] =	vst.idx.msk $0xffff, v16  }
0x1bd: {  	s30 =	sadd.s32 $0x10, s30;
	[tilespmem:v19+s0+$0x0] =	vst.idx.msk $0xffff, v17  }
0x1be: {  	s7 =	sadd.s32 $0x10, s7;
	v16 =	vld [tilespmem:s30+$0x0]  }
0x1bf: {  	_ =	sdelay $0x1  }
0x1c0: {  	v17 =	vmov s3  }
0x1c1: {  	v17 =	vshll.u32 v17, $0x3  }
0x1c2: {  	v17 =	vor.u32 v13, v17;
	v18 =	vand.u32 $0xFFFFFFF8, v16;
	v19 =	vadd.s32 $0x1, v16  }
0x1c3: {  	v16 =	vand.u32 $0x7, v16;
	v18 =	vadd.s32 v17, v18;
	v20 =	vand.u32 $0xFFFFFFF8, v19  }
0x1c4: {  	s1 =	sadd.s32 $0x80, s1;
	s7 =	sadd.s32 $0x20, s10;
	v61 =	vand.u32 $0x7, v19;
	v16 =	vor.u32 v16, v18;
	v17 =	vadd.s32 v17, v20  }
0x1c5: {  	s7 =	sand.u32 $0x1800, s7;
	s1 =	sand.u32 $0x400, s1;
	v17 =	vor.u32 v61, v17  }
0x1c6: {  	s1 =	sor.u32 s1, s7;
	s7 =	sand.u32 $0x370, s3  }
0x1c7: {  	s1 =	sor.u32 s7, s1  }
0x1c8: {  	v62 =	vor.u32 s1, v0  }
0x1c9: {  	v18 =	vand.u32 v14, v62;
	v16 =	vld.idx.msk [tilespmem:v16+s26+$0x0], $0xffff  }
0x1ca: {  	v63 =	vor.u32 s1, v15;
	v17 =	vld.idx.msk [tilespmem:v17+s26+$0x0], $0xffff;
	_ =	sdelay $0x3  }
0x1cb: {  	s12 =	sadd.s32 $0x1, s12;
	[tilespmem:v18+s0+$0x0] =	vst.idx.msk $0xffff, v16  }
0x1cc: {  	s9 =	sadd.s32 s14, s29;
	p0 =	sne.s32 s12, $0x40;
	[tilespmem:v63+s0+$0x0] =	vst.idx.msk $0xffff, v17  }
0x1cd: {  	[hbm4b:s9+s2] =	stream.linear.scatter [tilespmem:s0], [sflag:$0x4], $0x800, $0x38;
	[tilespmem:$0x12600] =	vst v63  }
.Ltmp5:
0x1ce: {  	s10 =	rddreg [dreg:$0x9];
	(pc) =	sbr.rel @p0 .LBB2_4-.Ltmp5, $4  }
0x1cf: {  	s13 =	simm.s32 $0x11600;
	s1 =	sadd.s32 s11, s10  }
0x1d0: {  	[hbm4b:s1+s2] =	stream.linear.scatter [tilespmem:s13], [sflag:$0x4], $0x800, $0x38;
	[tilespmem:$0x12600] =	vst v63  }
0x1d1: {  	s29 =	sadd.s32 s11, s16;
	s30 =	simm.s32 $0x11E00  }
0x1d2: {  	[hbm4b:s29+s2] =	stream.linear.scatter [tilespmem:s30], [sflag:$0x4], $0x800, $0x38;
	[tilespmem:$0x12600] =	vst v63  }
0x1d3: {  	_ =	swait.ge [sflag:s25], $0x6000  }
0x1d4: {  	[sflag:s25] =	ssyncset.done $0x0  }
0x1d5: {  	s3 =	simm.s32 $0x4;
	[sflag:s25] =	ssyncadd.s32 $0xFFFFA000  }
0x1d6: {  	_ =	swait.ge [sflag:s3], $0x800  }
0x1d7: {  	[sflag:s3] =	ssyncset.done $0x0  }
0x1d8: {  	[sflag:s3] =	ssyncadd.s32 $0xFFFFF800  }
0x1d9: {  	_ =	swait.ge [sflag:s3], $0x800  }
0x1da: {  	[sflag:s3] =	ssyncset.done $0x0  }
0x1db: {  	[sflag:s3] =	ssyncadd.s32 $0xFFFFF800  }
0x1dc: {  	_ =	swait.ge [sflag:s3], $0x800  }
0x1dd: {  	[sflag:s3] =	ssyncset.done $0x0  }
0x1de: {  	[sflag:s3] =	ssyncadd.s32 $0xFFFFF800  }
0x1df: {  	_ =	swait.ge [sflag:s3], $0x800  }
0x1e0: {  	[sflag:s3] =	ssyncset.done $0x0  }
0x1e1: {  	[sflag:s3] =	ssyncadd.s32 $0xFFFFF800  }
0x1e2: {  	_ =	swait.ge [sflag:s3], $0x800  }
0x1e3: {  	[sflag:s3] =	ssyncset.done $0x0  }
0x1e4: {  	[sflag:s3] =	ssyncadd.s32 $0xFFFFF800  }
0x1e5: {  	_ =	swait.ge [sflag:s3], $0x800  }
0x1e6: {  	s7 =	rddreg [dreg:$0xb]  }
0x1e7: {  	s1 =	rddreg [dreg:$0xa];
	s7 =	sadd.s32 $0x1, s7  }
0x1e8: {  	p0 =	sne.s32 s7, s1  }
.Ltmp6:
0x1e9: {  	_ = 	snop;
	(pc) =	sbr.rel @p0 .LBB2_1-.Ltmp6, $3  }
0x1ea: {  	_ =	sdelay $0x1  }
0x1eb: {  	[sflag:s3] =	ssyncset.done $0x0  }
0x1ec: {  	[sflag:s3] =	ssyncadd.s32 $0xFFFFF800  }
0x1ed: {  	_ =	sfence.sel $0x180000  }
0x1ee: {  	[bflag:$0x0] =	sbarrier.arrive $0xFFFF  }
0x1ef: {  	_ =	strace $0x9000004A  }
0x1f0: {  	s0 =	stileid.u32;
	[bflag:$0x2] =	sbarrier.arrive $0xFFFF  }
0x1f1: {  	p0 =	sne.s32 s0, $0x0;
	s0 =	rddreg [dreg:$0x2]  }
0x1f2: {  	s0 =	sadd.s32 @!p0 $0x100000, s0  }
0x1f3: {  	[sflag:s0] =	ssyncadd.tile.s32 @!p0 $0x1;
	_ =	shalt  }
.Lfunc_end2:
_tile_overlayer_lowered:
.L_overlay_start_2:
0x1f4: {  	(tag) =	ssettag $0x2  }
0x1f5: {  	s0 =	rddreg [dreg:$0x0];
	s2 =	stileid.u32  }
0x1f6: {  	s1 =	rddreg [dreg:$0x1];
	p0 =	sne.s32 s2, $0x0  }
0x1f7: {  	s3 =	rddreg [dreg:$0x2];
	[bflag:$0x3] =	sbarrier.arrive $0xFFFF;
	s2 =	simm.s32 @!p0 $0x1C05  }
0x1f8: {  	[timem:s3], [sflag:s2] =	dma.local @!p0 [hbm:s0], s1  }
0x1f9: {  	s0 =	simm.s32 @!p0 $0x5  }
0x1fa: {  	_ =	swait.ge @!p0 [sflag:s0], s1  }
0x1fb: {  	s1 =	ssub.s32 @!p0 $0x0, s1;
	[sflag:s0] =	ssyncset.done @!p0 $0x0  }
0x1fc: {  	[sflag:s0] =	ssyncadd.s32 @!p0 s1  }
0x1fd: {  	[bflag:$0x3] =	sbarrier.arrive $0xFFFF  }
0x1fe: {  	_ =	shalt  }

</sc_bundles>
